<compile_context>
chip_gen: v7x
topology: tpu7x:2x2x1
jax: 0.10.2.dev20260603
libtpu: 0.0.44.dev20260713+nightly
codegen_flags: <defaults>
</compile_context>

<pallas_src>
import functools

import jax
import jax.numpy as jnp
from jax import lax
from jax.experimental import pallas as pl
from jax.experimental.pallas import tpu as pltpu
from jax.experimental.pallas import tpu_sc as plsc

NC = 2
NS = 16
NW = NC * NS
L = 16
K = 64
SB = 8


def _tc_body(x_ref, w_ref, att2_ref, h_ref, asd_ref):
    hb = jnp.dot(x_ref[...], w_ref[...], preferred_element_type=jnp.float32)
    h_ref[...] = hb
    asd_ref[...] = jnp.dot(hb, att2_ref[...], preferred_element_type=jnp.float32)


def _edge_ex(as_v, ad_v, src_b, dst_b, sci, g, base_gid, e_tot):
    lanes = lax.iota(jnp.int32, L)
    sl = pl.ds(g * L, L)
    s16 = src_b[sci, sl]
    d16 = dst_b[sci, sl]
    e16 = plsc.load_gather(as_v, [s16]) + plsc.load_gather(ad_v, [d16])
    e16 = jnp.where(e16 > 0.0, e16, e16 * jnp.float32(0.2))
    ex16 = jnp.exp(e16)
    gid = base_gid + g * L + lanes
    return d16, jnp.where(gid < e_tot, ex16, jnp.float32(0.0))


def _make_edge_kernel(n, n_pad, d, chunks, e_tot):
    ept = chunks * K
    rpt = n_pad // NS

    mesh = plsc.VectorSubcoreMesh(core_axis_name="c", subcore_axis_name="s")

    @functools.partial(
        pl.kernel,
        mesh=mesh,
        out_type=[
            jax.ShapeDtypeStruct((NC, n_pad, d), jnp.float32),
            jax.ShapeDtypeStruct((NW, n), jnp.float32),
        ],
        scratch_types=[
            pltpu.VMEM((n,), jnp.float32),
            pltpu.VMEM((n,), jnp.float32),
            pltpu.VMEM((n,), jnp.float32),
            pltpu.VMEM((SB, K), jnp.int32),
            pltpu.VMEM((SB, K), jnp.int32),
            pltpu.VMEM((K,), jnp.float32),
            pltpu.VMEM((K, d), jnp.float32),
            pltpu.VMEM((K, d), jnp.float32),
            pltpu.VMEM_SHARED((n_pad, d), jnp.float32),
            pltpu.SemaphoreType.DMA,
            pltpu.SemaphoreType.DMA,
        ],
        compiler_params=pltpu.CompilerParams(needs_layout_passes=False),
    )
    def edge_kernel(h_hbm, as_hbm, ad_hbm, src_hbm, dst_hbm,
                    acc_hbm, den_hbm,
                    as_v, ad_v, den_v, src_b, dst_b, exc,
                    rows0, rows1, acc, sem0, sem1):
        c = lax.axis_index("c")
        s = lax.axis_index("s")
        w = c * NS + s

        pltpu.sync_copy(as_hbm, as_v)
        pltpu.sync_copy(ad_hbm, ad_v)

        zv = jnp.zeros((L,), jnp.float32)

        def zden(i, carry):
            den_v[pl.ds(i * L, L)] = zv
            return carry
        lax.fori_loop(0, n // L, zden, None)

        def zrow(j, carry):
            for g in range(d // L):
                rows0[j, pl.ds(g * L, L)] = zv
            return carry
        lax.fori_loop(0, K, zrow, None)

        base_row = s * rpt

        def zacc(i, carry):
            pltpu.sync_copy(rows0, acc.at[pl.ds(base_row + i * K, K)])
            return carry
        lax.fori_loop(0, rpt // K, zacc, None)
        if rpt % K:
            pltpu.sync_copy(rows0.at[pl.ds(0, rpt % K)],
                            acc.at[pl.ds(base_row + (rpt // K) * K, rpt % K)])
        plsc.subcore_barrier()

        rows = (rows0, rows1)
        sems = (sem0, sem1)

        def compute_ex_den(sci, ci):
            def grp(g, carry2):
                d16, ex16 = _edge_ex(as_v, ad_v, src_b, dst_b, sci, g,
                                     w * ept + ci * K, e_tot)
                exc[pl.ds(g * L, L)] = ex16
                skey, sval = plsc.sort_key_val(d16, ex16)
                lanes = lax.iota(jnp.int32, L)
                for k in (1, 2, 4, 8):
                    idx = jnp.maximum(lanes - k, 0)
                    same = (jnp.take(skey, idx) == skey) & (lanes >= k)
                    sval = sval + jnp.where(same, jnp.take(sval, idx), 0.0)
                nxt = jnp.take(skey, jnp.minimum(lanes + 1, L - 1))
                last = (nxt != skey) | (lanes == L - 1)
                plsc.addupdate_scatter(den_v, [skey], sval, mask=last)
                return carry2
            lax.fori_loop(0, K // L, grp, None)

        def scale_scatter(sci, buf):
            def srow(g, carry2):
                exv = exc[pl.ds(g * L, L)]
                for jj in range(L):
                    a = exv[jj]
                    j = g * L + jj
                    for gg in range(d // L):
                        sl = pl.ds(gg * L, L)
                        rows[buf][j, sl] = rows[buf][j, sl] * a
                return carry2
            lax.fori_loop(0, K // L, srow, None)
            pltpu.sync_copy(rows[buf], acc.at[dst_b.at[sci]], add=True)

        nblk = chunks // SB

        def block(cb, carry):
            pltpu.sync_copy(src_hbm.at[w, pl.ds(cb * SB, SB)], src_b)
            pltpu.sync_copy(dst_hbm.at[w, pl.ds(cb * SB, SB)], dst_b)

            def pair(pi, carry1):
                sci0 = pi * 2
                sci1 = sci0 + 1
                g0 = pltpu.async_copy(h_hbm.at[src_b.at[sci0]], rows0, sem0)
                g1 = pltpu.async_copy(h_hbm.at[src_b.at[sci1]], rows1, sem1)
                compute_ex_den(sci0, cb * SB + sci0)
                g0.wait()
                scale_scatter(sci0, 0)
                compute_ex_den(sci1, cb * SB + sci1)
                g1.wait()
                scale_scatter(sci1, 1)
                return carry1
            lax.fori_loop(0, SB // 2, pair, None)
            return carry
        lax.fori_loop(0, nblk, block, None)

        pltpu.sync_copy(den_v, den_hbm.at[w])
        plsc.subcore_barrier()
        pltpu.sync_copy(acc.at[pl.ds(base_row, rpt)],
                        acc_hbm.at[c, pl.ds(base_row, rpt)])

    return edge_kernel


def _make_alpha_kernel(n, chunks, e_tot):
    ept = chunks * K
    mesh = plsc.VectorSubcoreMesh(core_axis_name="c", subcore_axis_name="s")

    @functools.partial(
        pl.kernel,
        mesh=mesh,
        out_type=jax.ShapeDtypeStruct((NW, chunks, K), jnp.float32),
        scratch_types=[
            pltpu.VMEM((n,), jnp.float32),
            pltpu.VMEM((n,), jnp.float32),
            pltpu.VMEM((n,), jnp.float32),
            pltpu.VMEM((chunks, K), jnp.int32),
            pltpu.VMEM((chunks, K), jnp.int32),
            pltpu.VMEM((chunks, K), jnp.float32),
        ],
        compiler_params=pltpu.CompilerParams(needs_layout_passes=False),
    )
    def alpha_kernel(src_hbm, dst_hbm, as_hbm, ad_hbm, den_hbm, alpha_hbm,
                     as_v, ad_v, den_v, src_v, dst_v, al_v):
        c = lax.axis_index("c")
        s = lax.axis_index("s")
        w = c * NS + s

        pltpu.sync_copy(as_hbm, as_v)
        pltpu.sync_copy(ad_hbm, ad_v)
        pltpu.sync_copy(den_hbm, den_v)
        pltpu.sync_copy(src_hbm.at[w], src_v)
        pltpu.sync_copy(dst_hbm.at[w], dst_v)

        def grp(i, carry):
            ci = i // (K // L)
            g = i % (K // L)
            d16, ex16 = _edge_ex(as_v, ad_v, src_v, dst_v, ci, g,
                                 w * ept + ci * K, e_tot)
            den16 = plsc.load_gather(den_v, [d16])
            al_v[ci, pl.ds(g * L, L)] = ex16 / (den16 + jnp.float32(1e-16))
            return carry
        lax.fori_loop(0, chunks * (K // L), grp, None)

        pltpu.sync_copy(al_v, alpha_hbm.at[w])

    return alpha_kernel


def kernel(x, edge_index, W, att_src, att_dst, bias):
    n, d = x.shape
    e = edge_index.shape[1]
    e_tot = e + n
    c0 = -(-e_tot // (NW * K))
    chunks = -(-c0 // SB) * SB
    e_pad = chunks * K * NW
    n_pad = -(-n // (NS * 8)) * NS * 8

    bn = 1000
    assert n % bn == 0 and bn % 8 == 0
    att2 = jnp.zeros((d, 8), jnp.float32)
    att2 = att2.at[:, 0].set(att_src).at[:, 1].set(att_dst)
    h, asd = pl.pallas_call(
        _tc_body,
        grid=(n // bn,),
        in_specs=[
            pl.BlockSpec((bn, d), lambda i: (i, 0)),
            pl.BlockSpec((d, d), lambda i: (0, 0)),
            pl.BlockSpec((d, 8), lambda i: (0, 0)),
        ],
        out_specs=[
            pl.BlockSpec((bn, d), lambda i: (i, 0)),
            pl.BlockSpec((bn, 8), lambda i: (i, 0)),
        ],
        out_shape=[
            jax.ShapeDtypeStruct((n, d), jnp.float32),
            jax.ShapeDtypeStruct((n, 8), jnp.float32),
        ],
    )(x, W, att2)
    a_s = asd[:, 0]
    a_d = asd[:, 1]

    loops = jnp.arange(n, dtype=edge_index.dtype)
    pad = jnp.arange(e_pad - e_tot, dtype=edge_index.dtype) % n
    src3 = jnp.concatenate([edge_index[0], loops, pad]).reshape(NW, chunks, K)
    dst3 = jnp.concatenate([edge_index[1], loops, pad]).reshape(NW, chunks, K)

    edge_kernel = _make_edge_kernel(n, n_pad, d, chunks, e_tot)
    acc_parts, den_parts = edge_kernel(h, a_s, a_d, src3, dst3)
    acc = acc_parts[0] + acc_parts[1]
    denom = den_parts.sum(axis=0)

    alpha_kernel = _make_alpha_kernel(n, chunks, e_tot)
    alpha3 = alpha_kernel(src3, dst3, a_s, a_d, denom)
    alpha = alpha3.reshape(-1)[:e_tot][:, None]

    out = acc[:n] / (denom + 1e-16)[:, None] + bias[None, :]
    return out, alpha

# --- scband reference (transcript-rebuilt; emitter-appended) ---
"""Pipeline reference for scband-gatranker-54073638257074 (READ-ONLY COPY).

The authoritative reference and input builder live on the scoring server;
editing this copy changes nothing except your own understanding.
"""

import jax, jax.numpy as jnp
import numpy as np

N = 10000
E = 320000
D_IN = 128
D_HID = 128


def setup_inputs(seed: int = 0) -> dict:
    key = jax.random.key(seed)
    ks = jax.random.split(key, 6)
    x = jax.random.normal(ks[0], (N, D_IN), dtype=jnp.float32)
    edge_index = jax.random.randint(ks[1], (2, E), 0, N, dtype=jnp.int32)
    # GATConv params (heads=1): shared linear for src/dst, att vectors, bias
    W = jax.random.normal(ks[2], (D_IN, D_HID), dtype=jnp.float32) * (1.0 / np.sqrt(D_IN))
    att_src = jax.random.normal(ks[3], (D_HID,), dtype=jnp.float32) * 0.1
    att_dst = jax.random.normal(ks[4], (D_HID,), dtype=jnp.float32) * 0.1
    bias = jnp.zeros((D_HID,), dtype=jnp.float32)
    return {"x": x, "edge_index": edge_index, "W": W, "att_src": att_src, "att_dst": att_dst, "bias": bias}


def reference(x, edge_index, W, att_src, att_dst, bias):
    n = x.shape[0]
    # PyG GATConv default: add_self_loops=True
    loops = jnp.arange(n, dtype=edge_index.dtype)
    ei = jnp.concatenate([edge_index, jnp.stack([loops, loops], axis=0)], axis=1)
    src, dst = ei[0], ei[1]
    h = x @ W  # [N, D_HID]
    a_s = (h * att_src).sum(axis=-1)  # [N]
    a_d = (h * att_dst).sum(axis=-1)  # [N]
    e = a_s[src] + a_d[dst]  # gather per-edge
    e = jax.nn.leaky_relu(e, negative_slope=0.2)
    # softmax over edges grouped by dst node
    m = jax.ops.segment_max(e, dst, num_segments=n)
    m = jnp.where(jnp.isfinite(m), m, 0.0)
    ex = jnp.exp(e - m[dst])
    denom = jax.ops.segment_sum(ex, dst, num_segments=n)
    alpha = ex / (denom[dst] + 1e-16)
    out = jax.ops.segment_sum(alpha[:, None] * h[src], dst, num_segments=n) + bias
    # return_attention_weights=True -> (h, alpha[E_with_loops, heads=1])
    return out, alpha[:, None]

if __name__ == "__main__":
    import jax
    _d = setup_inputs()
    print(jax.jit(kernel)(*tuple(_d.values())))

</pallas_src>

<mosaic_0001>
#map = affine_map<(d0, d1) -> (0, 0, 0)>
#map1 = affine_map<(d0, d1) -> (0)>
module attributes {stable_mosaic.version = 14 : i64} {
  func.func @alpha_kernel(%arg0: i32, %arg1: i32, %arg2: memref<32x168x64xi32, #tpu.memory_space<hbm>>, %arg3: memref<32x168x64xi32, #tpu.memory_space<hbm>>, %arg4: memref<10000xf32, #tpu.memory_space<hbm>>, %arg5: memref<10000xf32, #tpu.memory_space<hbm>>, %arg6: memref<10000xf32, #tpu.memory_space<hbm>>, %arg7: memref<32x168x64xf32, #tpu.memory_space<hbm>>, %arg8: memref<10000xf32, #tpu.memory_space<vmem>>, %arg9: memref<10000xf32, #tpu.memory_space<vmem>>, %arg10: memref<10000xf32, #tpu.memory_space<vmem>>, %arg11: memref<168x64xi32, #tpu.memory_space<vmem>>, %arg12: memref<168x64xi32, #tpu.memory_space<vmem>>, %arg13: memref<168x64xf32, #tpu.memory_space<vmem>>) attributes {dimension_semantics = [#tpu.dimension_semantics<core_parallel>, #tpu.dimension_semantics<subcore_parallel>], iteration_bounds = array<i64: 2, 16>, scalar_prefetch = 0 : i64, scratch_operands = 6 : i64, tpu.core_type = #tpu.core_type<sc_vector_subcore>, window_params = [{transform_indices = #map}, {transform_indices = #map}, {transform_indices = #map1}, {transform_indices = #map1}, {transform_indices = #map1}, {transform_indices = #map}]} {
    %mul3A = arith.constant 16 : i32
    %mul3A_0 = arith.muli %arg0, %mul3A : i32
    %add3A = arith.addi %mul3A_0, %arg1 : i32
    "tpu.region"() ({
      %run_scoped3A = tpu.sem_alloc : memref<!tpu.dma_semaphore, #tpu.memory_space<semaphore_mem>>
      tpu.enqueue_dma source(%arg4 : memref<10000xf32, #tpu.memory_space<hbm>>) target(%arg8 : memref<10000xf32, #tpu.memory_space<vmem>>) target_semaphore(%run_scoped3A : memref<!tpu.dma_semaphore, #tpu.memory_space<semaphore_mem>>)
      tpu.wait_dma2 semaphore(%run_scoped3A : memref<!tpu.dma_semaphore, #tpu.memory_space<semaphore_mem>>) src(%arg4 : memref<10000xf32, #tpu.memory_space<hbm>>) dst(%arg8 : memref<10000xf32, #tpu.memory_space<vmem>>)
      tpu.yield
    }) : () -> ()
    "tpu.region"() ({
      %run_scoped3A = tpu.sem_alloc : memref<!tpu.dma_semaphore, #tpu.memory_space<semaphore_mem>>
      tpu.enqueue_dma source(%arg5 : memref<10000xf32, #tpu.memory_space<hbm>>) target(%arg9 : memref<10000xf32, #tpu.memory_space<vmem>>) target_semaphore(%run_scoped3A : memref<!tpu.dma_semaphore, #tpu.memory_space<semaphore_mem>>)
      tpu.wait_dma2 semaphore(%run_scoped3A : memref<!tpu.dma_semaphore, #tpu.memory_space<semaphore_mem>>) src(%arg5 : memref<10000xf32, #tpu.memory_space<hbm>>) dst(%arg9 : memref<10000xf32, #tpu.memory_space<vmem>>)
      tpu.yield
    }) : () -> ()
    "tpu.region"() ({
      %run_scoped3A = tpu.sem_alloc : memref<!tpu.dma_semaphore, #tpu.memory_space<semaphore_mem>>
      tpu.enqueue_dma source(%arg6 : memref<10000xf32, #tpu.memory_space<hbm>>) target(%arg10 : memref<10000xf32, #tpu.memory_space<vmem>>) target_semaphore(%run_scoped3A : memref<!tpu.dma_semaphore, #tpu.memory_space<semaphore_mem>>)
      tpu.wait_dma2 semaphore(%run_scoped3A : memref<!tpu.dma_semaphore, #tpu.memory_space<semaphore_mem>>) src(%arg6 : memref<10000xf32, #tpu.memory_space<hbm>>) dst(%arg10 : memref<10000xf32, #tpu.memory_space<vmem>>)
      tpu.yield
    }) : () -> ()
    "tpu.region"() ({
      %run_scoped3A = tpu.sem_alloc : memref<!tpu.dma_semaphore, #tpu.memory_space<semaphore_mem>>
      %dma_start3A = arith.constant 0 : i32
      %dma_start3A_5 = arith.constant 0 : i32
      %dma_start3A_6 = tpu.memref_slice %arg2[%add3A, %dma_start3A, %dma_start3A_5] : memref<32x168x64xi32, #tpu.memory_space<hbm>> -> memref<1x168x64xi32, #tpu.memory_space<hbm>>
      %dma_start3A_7 = tpu.memref_squeeze %dma_start3A_6 : memref<1x168x64xi32, #tpu.memory_space<hbm>> -> memref<168x64xi32, #tpu.memory_space<hbm>>
      %dma_start3A_8 = arith.constant 0 : i32
      %dma_start3A_9 = arith.constant 0 : i32
      %dma_start3A_10 = tpu.memref_slice %arg2[%add3A, %dma_start3A_8, %dma_start3A_9] : memref<32x168x64xi32, #tpu.memory_space<hbm>> -> memref<1x168x64xi32, #tpu.memory_space<hbm>>
      %dma_start3A_11 = tpu.memref_squeeze %dma_start3A_10 : memref<1x168x64xi32, #tpu.memory_space<hbm>> -> memref<168x64xi32, #tpu.memory_space<hbm>>
      tpu.enqueue_dma source(%dma_start3A_11 : memref<168x64xi32, #tpu.memory_space<hbm>>) target(%arg11 : memref<168x64xi32, #tpu.memory_space<vmem>>) target_semaphore(%run_scoped3A : memref<!tpu.dma_semaphore, #tpu.memory_space<semaphore_mem>>)
      %dma_wait3A = arith.constant 0 : i32
      %dma_wait3A_12 = arith.constant 0 : i32
      %dma_wait3A_13 = tpu.memref_slice %arg2[%add3A, %dma_wait3A, %dma_wait3A_12] : memref<32x168x64xi32, #tpu.memory_space<hbm>> -> memref<1x168x64xi32, #tpu.memory_space<hbm>>
      %dma_wait3A_14 = tpu.memref_squeeze %dma_wait3A_13 : memref<1x168x64xi32, #tpu.memory_space<hbm>> -> memref<168x64xi32, #tpu.memory_space<hbm>>
      %dma_wait3A_15 = arith.constant 0 : i32
      %dma_wait3A_16 = arith.constant 0 : i32
      %dma_wait3A_17 = tpu.memref_slice %arg2[%add3A, %dma_wait3A_15, %dma_wait3A_16] : memref<32x168x64xi32, #tpu.memory_space<hbm>> -> memref<1x168x64xi32, #tpu.memory_space<hbm>>
      %dma_wait3A_18 = tpu.memref_squeeze %dma_wait3A_17 : memref<1x168x64xi32, #tpu.memory_space<hbm>> -> memref<168x64xi32, #tpu.memory_space<hbm>>
      tpu.wait_dma2 semaphore(%run_scoped3A : memref<!tpu.dma_semaphore, #tpu.memory_space<semaphore_mem>>) src(%dma_wait3A_18 : memref<168x64xi32, #tpu.memory_space<hbm>>) dst(%arg11 : memref<168x64xi32, #tpu.memory_space<vmem>>)
      tpu.yield
    }) : () -> ()
    "tpu.region"() ({
      %run_scoped3A = tpu.sem_alloc : memref<!tpu.dma_semaphore, #tpu.memory_space<semaphore_mem>>
      %dma_start3A = arith.constant 0 : i32
      %dma_start3A_5 = arith.constant 0 : i32
      %dma_start3A_6 = tpu.memref_slice %arg3[%add3A, %dma_start3A, %dma_start3A_5] : memref<32x168x64xi32, #tpu.memory_space<hbm>> -> memref<1x168x64xi32, #tpu.memory_space<hbm>>
      %dma_start3A_7 = tpu.memref_squeeze %dma_start3A_6 : memref<1x168x64xi32, #tpu.memory_space<hbm>> -> memref<168x64xi32, #tpu.memory_space<hbm>>
      %dma_start3A_8 = arith.constant 0 : i32
      %dma_start3A_9 = arith.constant 0 : i32
      %dma_start3A_10 = tpu.memref_slice %arg3[%add3A, %dma_start3A_8, %dma_start3A_9] : memref<32x168x64xi32, #tpu.memory_space<hbm>> -> memref<1x168x64xi32, #tpu.memory_space<hbm>>
      %dma_start3A_11 = tpu.memref_squeeze %dma_start3A_10 : memref<1x168x64xi32, #tpu.memory_space<hbm>> -> memref<168x64xi32, #tpu.memory_space<hbm>>
      tpu.enqueue_dma source(%dma_start3A_11 : memref<168x64xi32, #tpu.memory_space<hbm>>) target(%arg12 : memref<168x64xi32, #tpu.memory_space<vmem>>) target_semaphore(%run_scoped3A : memref<!tpu.dma_semaphore, #tpu.memory_space<semaphore_mem>>)
      %dma_wait3A = arith.constant 0 : i32
      %dma_wait3A_12 = arith.constant 0 : i32
      %dma_wait3A_13 = tpu.memref_slice %arg3[%add3A, %dma_wait3A, %dma_wait3A_12] : memref<32x168x64xi32, #tpu.memory_space<hbm>> -> memref<1x168x64xi32, #tpu.memory_space<hbm>>
      %dma_wait3A_14 = tpu.memref_squeeze %dma_wait3A_13 : memref<1x168x64xi32, #tpu.memory_space<hbm>> -> memref<168x64xi32, #tpu.memory_space<hbm>>
      %dma_wait3A_15 = arith.constant 0 : i32
      %dma_wait3A_16 = arith.constant 0 : i32
      %dma_wait3A_17 = tpu.memref_slice %arg3[%add3A, %dma_wait3A_15, %dma_wait3A_16] : memref<32x168x64xi32, #tpu.memory_space<hbm>> -> memref<1x168x64xi32, #tpu.memory_space<hbm>>
      %dma_wait3A_18 = tpu.memref_squeeze %dma_wait3A_17 : memref<1x168x64xi32, #tpu.memory_space<hbm>> -> memref<168x64xi32, #tpu.memory_space<hbm>>
      tpu.wait_dma2 semaphore(%run_scoped3A : memref<!tpu.dma_semaphore, #tpu.memory_space<semaphore_mem>>) src(%dma_wait3A_18 : memref<168x64xi32, #tpu.memory_space<hbm>>) dst(%arg12 : memref<168x64xi32, #tpu.memory_space<vmem>>)
      tpu.yield
    }) : () -> ()
    %scan3A = arith.constant 0 : i32
    %scan3A_1 = arith.constant 672 : i32
    %scan3A_2 = arith.addi %scan3A, %scan3A_1 : i32
    %scan3A_3 = arith.constant 1 : i32
    scf.for %scan3A_5 = %scan3A to %scan3A_2 step %scan3A_3  : i32 {
      %jit3A = arith.constant 4 : i32
      %div3A = arith.divsi %scan3A_5, %jit3A : i32
      %sign3A = arith.constant 0 : i32
      %sign3A_6 = arith.cmpi sgt, %scan3A_5, %sign3A : i32
      %sign3A_7 = arith.extui %sign3A_6 : i1 to i32
      %sign3A_8 = arith.constant 0 : i32
      %sign3A_9 = arith.cmpi slt, %scan3A_5, %sign3A_8 : i32
      %sign3A_10 = arith.extui %sign3A_9 : i1 to i32
      %sign3A_11 = arith.subi %sign3A_7, %sign3A_10 : i32
      %sign3A_12 = arith.constant 0 : i32
      %sign3A_13 = arith.cmpi sgt, %jit3A, %sign3A_12 : i32
      %sign3A_14 = arith.extui %sign3A_13 : i1 to i32
      %sign3A_15 = arith.constant 0 : i32
      %sign3A_16 = arith.cmpi slt, %jit3A, %sign3A_15 : i32
      %sign3A_17 = arith.extui %sign3A_16 : i1 to i32
      %sign3A_18 = arith.subi %sign3A_14, %sign3A_17 : i32
      %ne3A = arith.cmpi ne, %sign3A_11, %sign3A_18 : i32
      %rem3A = arith.remsi %scan3A_5, %jit3A : i32
      %ne3A_19 = arith.constant 0 : i32
      %ne3A_20 = arith.cmpi ne, %rem3A, %ne3A_19 : i32
      %and3A = arith.andi %ne3A, %ne3A_20 : i1
      %sub3A = arith.constant 1 : i32
      %sub3A_21 = arith.subi %div3A, %sub3A : i32
      %select_n3A = arith.select %and3A, %sub3A_21, %div3A : i32
      %jit3A_22 = arith.constant 4 : i32
      %eq3A = arith.constant 0 : i32
      %eq3A_23 = arith.cmpi eq, %jit3A_22, %eq3A : i32
      %jit3A_24 = arith.constant 1 : i32
      %select_n3A_25 = arith.select %eq3A_23, %jit3A_24, %jit3A_22 : i32
      %rem3A_26 = arith.remsi %scan3A_5, %select_n3A_25 : i32
      %ne3A_27 = arith.constant 0 : i32
      %ne3A_28 = arith.cmpi ne, %rem3A_26, %ne3A_27 : i32
      %lt3A = arith.constant 0 : i32
      %lt3A_29 = arith.cmpi slt, %rem3A_26, %lt3A : i32
      %lt3A_30 = arith.constant 0 : i32
      %lt3A_31 = arith.cmpi slt, %select_n3A_25, %lt3A_30 : i32
      %ne3A_32 = arith.xori %lt3A_29, %lt3A_31 : i1
      %and3A_33 = arith.andi %ne3A_32, %ne3A_28 : i1
      %add3A_34 = arith.addi %rem3A_26, %select_n3A_25 : i32
      %select_n3A_35 = arith.select %and3A_33, %add3A_34, %rem3A_26 : i32
      %mul3A_36 = arith.constant 10752 : i32
      %mul3A_37 = arith.muli %add3A, %mul3A_36 : i32
      %mul3A_38 = arith.constant 64 : i32
      %mul3A_39 = arith.muli %select_n3A, %mul3A_38 : i32
      %add3A_40 = arith.addi %mul3A_37, %mul3A_39 : i32
      %iota3A = tpu.iota {dimensions = array<i32: 0>} : vector<16xi32>
      %mul3A_41 = arith.constant 16 : i32
      %mul3A_42 = arith.muli %select_n3A_35, %mul3A_41 : i32
      %get3A = arith.index_cast %select_n3A : i32 to index
      %get3A_43 = arith.index_cast %mul3A_42 : i32 to index
      %get3A_44 = tpu.vector_load %arg11[%get3A, %get3A_43] {strides = array<i32>} : memref<168x64xi32, #tpu.memory_space<vmem>>, vector<16xi32>,
      %get3A_45 = arith.index_cast %select_n3A : i32 to index
      %get3A_46 = arith.index_cast %mul3A_42 : i32 to index
      %get3A_47 = tpu.vector_load %arg12[%get3A_45, %get3A_46] {strides = array<i32>} : memref<168x64xi32, #tpu.memory_space<vmem>>, vector<16xi32>,
      %gather3A = tpu.vector_load_idx %arg8[%get3A_44] : memref<10000xf32, #tpu.memory_space<vmem>>[vector<16xi32>], vector<16xf32>,
      %gather3A_48 = tpu.vector_load_idx %arg9[%get3A_47] : memref<10000xf32, #tpu.memory_space<vmem>>[vector<16xi32>], vector<16xf32>,
      %add3A_49 = arith.addf %gather3A, %gather3A_48 : vector<16xf32>
      %gt3A = arith.constant 0.000000e+00 : f32
      %gt3A_50 = vector.broadcast %gt3A : f32 to vector<16xf32>
      %gt3A_51 = arith.cmpf ogt, %add3A_49, %gt3A_50 : vector<16xf32>
      %mul3A_52 = arith.constant 2.000000e-01 : f32
      %mul3A_53 = vector.broadcast %mul3A_52 : f32 to vector<16xf32>
      %mul3A_54 = arith.mulf %add3A_49, %mul3A_53 : vector<16xf32>
      %select_n3A_55 = arith.select %gt3A_51, %add3A_49, %mul3A_54 : vector<16xi1>, vector<16xf32>
      %exp3A = math.exp %select_n3A_55 : vector<16xf32>
      %mul3A_56 = arith.constant 16 : i32
      %mul3A_57 = arith.muli %select_n3A_35, %mul3A_56 : i32
      %add3A_58 = arith.addi %add3A_40, %mul3A_57 : i32
      %add3A_59 = vector.broadcast %add3A_58 : i32 to vector<16xi32>
      %add3A_60 = arith.addi %add3A_59, %iota3A : vector<16xi32>
      %lt3A_61 = arith.constant 330000 : i32
      %lt3A_62 = vector.broadcast %lt3A_61 : i32 to vector<16xi32>
      %lt3A_63 = arith.cmpi slt, %add3A_60, %lt3A_62 : vector<16xi32>
      %jit3A_64 = arith.constant 0.000000e+00 : f32
      %broadcast_in_dim3A = vector.broadcast %jit3A_64 : f32 to vector<16xf32>
      %select_n3A_65 = arith.select %lt3A_63, %exp3A, %broadcast_in_dim3A : vector<16xi1>, vector<16xf32>
      %gather3A_66 = tpu.vector_load_idx %arg10[%get3A_47] : memref<10000xf32, #tpu.memory_space<vmem>>[vector<16xi32>], vector<16xf32>,
      %add3A_67 = arith.constant 1.000000e-16 : f32
      %add3A_68 = vector.broadcast %add3A_67 : f32 to vector<16xf32>
      %add3A_69 = arith.addf %gather3A_66, %add3A_68 : vector<16xf32>
      %div3A_70 = arith.divf %select_n3A_65, %add3A_69 : vector<16xf32>
      %mul3A_71 = arith.constant 16 : i32
      %mul3A_72 = arith.muli %select_n3A_35, %mul3A_71 : i32
      %swap3A = arith.index_cast %select_n3A : i32 to index
      %swap3A_73 = arith.index_cast %mul3A_72 : i32 to index
      %swap3A_74 = tpu.vector_load %arg13[%swap3A, %swap3A_73] {strides = array<i32>} : memref<168x64xf32, #tpu.memory_space<vmem>>, vector<16xf32>,
      tpu.vector_store %arg13[%swap3A, %swap3A_73], %div3A_70 {strides = array<i32>} : memref<168x64xf32, #tpu.memory_space<vmem>>, vector<16xf32>,
    }
    %scan3A_4 = arith.constant 672 : i32
    "tpu.region"() ({
      %run_scoped3A = tpu.sem_alloc : memref<!tpu.dma_semaphore, #tpu.memory_space<semaphore_mem>>
      %dma_start3A = arith.constant 0 : i32
      %dma_start3A_5 = arith.constant 0 : i32
      %dma_start3A_6 = tpu.memref_slice %arg7[%add3A, %dma_start3A, %dma_start3A_5] : memref<32x168x64xf32, #tpu.memory_space<hbm>> -> memref<1x168x64xf32, #tpu.memory_space<hbm>>
      %dma_start3A_7 = tpu.memref_squeeze %dma_start3A_6 : memref<1x168x64xf32, #tpu.memory_space<hbm>> -> memref<168x64xf32, #tpu.memory_space<hbm>>
      %dma_start3A_8 = arith.constant 0 : i32
      %dma_start3A_9 = arith.constant 0 : i32
      %dma_start3A_10 = tpu.memref_slice %arg7[%add3A, %dma_start3A_8, %dma_start3A_9] : memref<32x168x64xf32, #tpu.memory_space<hbm>> -> memref<1x168x64xf32, #tpu.memory_space<hbm>>
      %dma_start3A_11 = tpu.memref_squeeze %dma_start3A_10 : memref<1x168x64xf32, #tpu.memory_space<hbm>> -> memref<168x64xf32, #tpu.memory_space<hbm>>
      tpu.enqueue_dma source(%arg13 : memref<168x64xf32, #tpu.memory_space<vmem>>) target(%dma_start3A_11 : memref<168x64xf32, #tpu.memory_space<hbm>>) target_semaphore(%run_scoped3A : memref<!tpu.dma_semaphore, #tpu.memory_space<semaphore_mem>>)
      %dma_wait3A = arith.constant 0 : i32
      %dma_wait3A_12 = arith.constant 0 : i32
      %dma_wait3A_13 = tpu.memref_slice %arg7[%add3A, %dma_wait3A, %dma_wait3A_12] : memref<32x168x64xf32, #tpu.memory_space<hbm>> -> memref<1x168x64xf32, #tpu.memory_space<hbm>>
      %dma_wait3A_14 = tpu.memref_squeeze %dma_wait3A_13 : memref<1x168x64xf32, #tpu.memory_space<hbm>> -> memref<168x64xf32, #tpu.memory_space<hbm>>
      %dma_wait3A_15 = arith.constant 0 : i32
      %dma_wait3A_16 = arith.constant 0 : i32
      %dma_wait3A_17 = tpu.memref_slice %arg7[%add3A, %dma_wait3A_15, %dma_wait3A_16] : memref<32x168x64xf32, #tpu.memory_space<hbm>> -> memref<1x168x64xf32, #tpu.memory_space<hbm>>
      %dma_wait3A_18 = tpu.memref_squeeze %dma_wait3A_17 : memref<1x168x64xf32, #tpu.memory_space<hbm>> -> memref<168x64xf32, #tpu.memory_space<hbm>>
      tpu.wait_dma2 semaphore(%run_scoped3A : memref<!tpu.dma_semaphore, #tpu.memory_space<semaphore_mem>>) src(%arg13 : memref<168x64xf32, #tpu.memory_space<vmem>>) dst(%dma_wait3A_18 : memref<168x64xf32, #tpu.memory_space<hbm>>)
      tpu.yield
    }) : () -> ()
    return
  }
}

#map = affine_map<(d0, d1) -> (0, 0)>
#map1 = affine_map<(d0, d1) -> (0)>
#map2 = affine_map<(d0, d1) -> (0, 0, 0)>
module attributes {stable_mosaic.version = 14 : i64} {
  func.func @edge_kernel(%arg0: i32, %arg1: i32, %arg2: memref<10000x128xf32, #tpu.memory_space<hbm>>, %arg3: memref<10000xf32, #tpu.memory_space<hbm>>, %arg4: memref<10000xf32, #tpu.memory_space<hbm>>, %arg5: memref<32x168x64xi32, #tpu.memory_space<hbm>>, %arg6: memref<32x168x64xi32, #tpu.memory_space<hbm>>, %arg7: memref<2x10112x128xf32, #tpu.memory_space<hbm>>, %arg8: memref<32x10000xf32, #tpu.memory_space<hbm>>, %arg9: memref<10000xf32, #tpu.memory_space<vmem>>, %arg10: memref<10000xf32, #tpu.memory_space<vmem>>, %arg11: memref<10000xf32, #tpu.memory_space<vmem>>, %arg12: memref<8x64xi32, #tpu.memory_space<vmem>>, %arg13: memref<8x64xi32, #tpu.memory_space<vmem>>, %arg14: memref<64xf32, #tpu.memory_space<vmem>>, %arg15: memref<64x128xf32, #tpu.memory_space<vmem>>, %arg16: memref<64x128xf32, #tpu.memory_space<vmem>>, %arg17: memref<10112x128xf32, #tpu.memory_space<vmem_shared>>, %arg18: memref<!tpu.dma_semaphore, #tpu.memory_space<semaphore_mem>>, %arg19: memref<!tpu.dma_semaphore, #tpu.memory_space<semaphore_mem>>) attributes {dimension_semantics = [#tpu.dimension_semantics<core_parallel>, #tpu.dimension_semantics<subcore_parallel>], iteration_bounds = array<i64: 2, 16>, scalar_prefetch = 0 : i64, scratch_operands = 11 : i64, tpu.core_type = #tpu.core_type<sc_vector_subcore>, window_params = [{transform_indices = #map}, {transform_indices = #map1}, {transform_indices = #map1}, {transform_indices = #map2}, {transform_indices = #map2}, {transform_indices = #map2}, {transform_indices = #map}]} {
    %mul3A = arith.constant 16 : i32
    %mul3A_0 = arith.muli %arg0, %mul3A : i32
    %add3A = arith.addi %mul3A_0, %arg1 : i32
    "tpu.region"() ({
      %run_scoped3A = tpu.sem_alloc : memref<!tpu.dma_semaphore, #tpu.memory_space<semaphore_mem>>
      tpu.enqueue_dma source(%arg3 : memref<10000xf32, #tpu.memory_space<hbm>>) target(%arg9 : memref<10000xf32, #tpu.memory_space<vmem>>) target_semaphore(%run_scoped3A : memref<!tpu.dma_semaphore, #tpu.memory_space<semaphore_mem>>)
      tpu.wait_dma2 semaphore(%run_scoped3A : memref<!tpu.dma_semaphore, #tpu.memory_space<semaphore_mem>>) src(%arg3 : memref<10000xf32, #tpu.memory_space<hbm>>) dst(%arg9 : memref<10000xf32, #tpu.memory_space<vmem>>)
      tpu.yield
    }) : () -> ()
    "tpu.region"() ({
      %run_scoped3A = tpu.sem_alloc : memref<!tpu.dma_semaphore, #tpu.memory_space<semaphore_mem>>
      tpu.enqueue_dma source(%arg4 : memref<10000xf32, #tpu.memory_space<hbm>>) target(%arg10 : memref<10000xf32, #tpu.memory_space<vmem>>) target_semaphore(%run_scoped3A : memref<!tpu.dma_semaphore, #tpu.memory_space<semaphore_mem>>)
      tpu.wait_dma2 semaphore(%run_scoped3A : memref<!tpu.dma_semaphore, #tpu.memory_space<semaphore_mem>>) src(%arg4 : memref<10000xf32, #tpu.memory_space<hbm>>) dst(%arg10 : memref<10000xf32, #tpu.memory_space<vmem>>)
      tpu.yield
    }) : () -> ()
    %broadcast_in_dim3A = arith.constant 0.000000e+00 : f32
    %broadcast_in_dim3A_1 = vector.broadcast %broadcast_in_dim3A : f32 to vector<16xf32>
    %scan3A = arith.constant 0 : i32
    %scan3A_2 = arith.constant 625 : i32
    %scan3A_3 = arith.addi %scan3A, %scan3A_2 : i32
    %scan3A_4 = arith.constant 1 : i32
    scf.for %scan3A_26 = %scan3A to %scan3A_3 step %scan3A_4  : i32 {
      %mul3A_27 = arith.constant 16 : i32
      %mul3A_28 = arith.muli %scan3A_26, %mul3A_27 : i32
      %swap3A = arith.index_cast %mul3A_28 : i32 to index
      %swap3A_29 = tpu.vector_load %arg11[%swap3A] {strides = array<i32>} : memref<10000xf32, #tpu.memory_space<vmem>>, vector<16xf32>,
      tpu.vector_store %arg11[%swap3A], %broadcast_in_dim3A_1 {strides = array<i32>} : memref<10000xf32, #tpu.memory_space<vmem>>, vector<16xf32>,
    }
    %scan3A_5 = arith.constant 625 : i32
    %scan3A_6 = arith.constant 0 : i32
    %scan3A_7 = arith.constant 64 : i32
    %scan3A_8 = arith.addi %scan3A_6, %scan3A_7 : i32
    %scan3A_9 = arith.constant 1 : i32
    scf.for %scan3A_26 = %scan3A_6 to %scan3A_8 step %scan3A_9  : i32 {
      %swap3A = arith.index_cast %scan3A_26 : i32 to index
      %swap3A_27 = arith.constant 0 : index
      %swap3A_28 = tpu.vector_load %arg15[%swap3A, %swap3A_27] {strides = array<i32>} : memref<64x128xf32, #tpu.memory_space<vmem>>, vector<16xf32>,
      tpu.vector_store %arg15[%swap3A, %swap3A_27], %broadcast_in_dim3A_1 {strides = array<i32>} : memref<64x128xf32, #tpu.memory_space<vmem>>, vector<16xf32>,
      %swap3A_29 = arith.index_cast %scan3A_26 : i32 to index
      %swap3A_30 = arith.constant 16 : index
      %swap3A_31 = tpu.vector_load %arg15[%swap3A_29, %swap3A_30] {strides = array<i32>} : memref<64x128xf32, #tpu.memory_space<vmem>>, vector<16xf32>,
      tpu.vector_store %arg15[%swap3A_29, %swap3A_30], %broadcast_in_dim3A_1 {strides = array<i32>} : memref<64x128xf32, #tpu.memory_space<vmem>>, vector<16xf32>,
      %swap3A_32 = arith.index_cast %scan3A_26 : i32 to index
      %swap3A_33 = arith.constant 32 : index
      %swap3A_34 = tpu.vector_load %arg15[%swap3A_32, %swap3A_33] {strides = array<i32>} : memref<64x128xf32, #tpu.memory_space<vmem>>, vector<16xf32>,
      tpu.vector_store %arg15[%swap3A_32, %swap3A_33], %broadcast_in_dim3A_1 {strides = array<i32>} : memref<64x128xf32, #tpu.memory_space<vmem>>, vector<16xf32>,
      %swap3A_35 = arith.index_cast %scan3A_26 : i32 to index
      %swap3A_36 = arith.constant 48 : index
      %swap3A_37 = tpu.vector_load %arg15[%swap3A_35, %swap3A_36] {strides = array<i32>} : memref<64x128xf32, #tpu.memory_space<vmem>>, vector<16xf32>,
      tpu.vector_store %arg15[%swap3A_35, %swap3A_36], %broadcast_in_dim3A_1 {strides = array<i32>} : memref<64x128xf32, #tpu.memory_space<vmem>>, vector<16xf32>,
      %swap3A_38 = arith.index_cast %scan3A_26 : i32 to index
      %swap3A_39 = arith.constant 64 : index
      %swap3A_40 = tpu.vector_load %arg15[%swap3A_38, %swap3A_39] {strides = array<i32>} : memref<64x128xf32, #tpu.memory_space<vmem>>, vector<16xf32>,
      tpu.vector_store %arg15[%swap3A_38, %swap3A_39], %broadcast_in_dim3A_1 {strides = array<i32>} : memref<64x128xf32, #tpu.memory_space<vmem>>, vector<16xf32>,
      %swap3A_41 = arith.index_cast %scan3A_26 : i32 to index
      %swap3A_42 = arith.constant 80 : index
      %swap3A_43 = tpu.vector_load %arg15[%swap3A_41, %swap3A_42] {strides = array<i32>} : memref<64x128xf32, #tpu.memory_space<vmem>>, vector<16xf32>,
      tpu.vector_store %arg15[%swap3A_41, %swap3A_42], %broadcast_in_dim3A_1 {strides = array<i32>} : memref<64x128xf32, #tpu.memory_space<vmem>>, vector<16xf32>,
      %swap3A_44 = arith.index_cast %scan3A_26 : i32 to index
      %swap3A_45 = arith.constant 96 : index
      %swap3A_46 = tpu.vector_load %arg15[%swap3A_44, %swap3A_45] {strides = array<i32>} : memref<64x128xf32, #tpu.memory_space<vmem>>, vector<16xf32>,
      tpu.vector_store %arg15[%swap3A_44, %swap3A_45], %broadcast_in_dim3A_1 {strides = array<i32>} : memref<64x128xf32, #tpu.memory_space<vmem>>, vector<16xf32>,
      %swap3A_47 = arith.index_cast %scan3A_26 : i32 to index
      %swap3A_48 = arith.constant 112 : index
      %swap3A_49 = tpu.vector_load %arg15[%swap3A_47, %swap3A_48] {strides = array<i32>} : memref<64x128xf32, #tpu.memory_space<vmem>>, vector<16xf32>,
      tpu.vector_store %arg15[%swap3A_47, %swap3A_48], %broadcast_in_dim3A_1 {strides = array<i32>} : memref<64x128xf32, #tpu.memory_space<vmem>>, vector<16xf32>,
    }
    %scan3A_10 = arith.constant 64 : i32
    %mul3A_11 = arith.constant 632 : i32
    %mul3A_12 = arith.muli %arg1, %mul3A_11 : i32
    %scan3A_13 = arith.constant 0 : i32
    %scan3A_14 = arith.constant 9 : i32
    %scan3A_15 = arith.addi %scan3A_13, %scan3A_14 : i32
    %scan3A_16 = arith.constant 1 : i32
    scf.for %scan3A_26 = %scan3A_13 to %scan3A_15 step %scan3A_16  : i32 {
      %mul3A_27 = arith.constant 64 : i32
      %mul3A_28 = arith.muli %scan3A_26, %mul3A_27 : i32
      %add3A_29 = arith.addi %mul3A_12, %mul3A_28 : i32
      "tpu.region"() ({
        %run_scoped3A = tpu.sem_alloc : memref<!tpu.dma_semaphore, #tpu.memory_space<semaphore_mem>>
        %dma_start3A = arith.constant 0 : i32
        %dma_start3A_30 = tpu.memref_slice %arg17[%add3A_29, %dma_start3A] : memref<10112x128xf32, #tpu.memory_space<vmem_shared>> -> memref<64x128xf32, #tpu.memory_space<vmem_shared>>
        %dma_start3A_31 = arith.constant 0 : i32
        %dma_start3A_32 = tpu.memref_slice %arg17[%add3A_29, %dma_start3A_31] : memref<10112x128xf32, #tpu.memory_space<vmem_shared>> -> memref<64x128xf32, #tpu.memory_space<vmem_shared>>
        tpu.enqueue_dma source(%arg15 : memref<64x128xf32, #tpu.memory_space<vmem>>) target(%dma_start3A_32 : memref<64x128xf32, #tpu.memory_space<vmem_shared>>) target_semaphore(%run_scoped3A : memref<!tpu.dma_semaphore, #tpu.memory_space<semaphore_mem>>)
        %dma_wait3A = arith.constant 0 : i32
        %dma_wait3A_33 = tpu.memref_slice %arg17[%add3A_29, %dma_wait3A] : memref<10112x128xf32, #tpu.memory_space<vmem_shared>> -> memref<64x128xf32, #tpu.memory_space<vmem_shared>>
        %dma_wait3A_34 = arith.constant 0 : i32
        %dma_wait3A_35 = tpu.memref_slice %arg17[%add3A_29, %dma_wait3A_34] : memref<10112x128xf32, #tpu.memory_space<vmem_shared>> -> memref<64x128xf32, #tpu.memory_space<vmem_shared>>
        tpu.wait_dma2 semaphore(%run_scoped3A : memref<!tpu.dma_semaphore, #tpu.memory_space<semaphore_mem>>) src(%arg15 : memref<64x128xf32, #tpu.memory_space<vmem>>) dst(%dma_wait3A_35 : memref<64x128xf32, #tpu.memory_space<vmem_shared>>)
        tpu.yield
      }) : () -> ()
    }
    %scan3A_17 = arith.constant 9 : i32
    %add3A_18 = arith.constant 576 : i32
    %add3A_19 = arith.addi %mul3A_12, %add3A_18 : i32
    "tpu.region"() ({
      %run_scoped3A = tpu.sem_alloc : memref<!tpu.dma_semaphore, #tpu.memory_space<semaphore_mem>>
      %dma_start3A = arith.constant 0 : i32
      %dma_start3A_26 = arith.constant 0 : i32
      %dma_start3A_27 = tpu.memref_slice %arg15[%dma_start3A, %dma_start3A_26] : memref<64x128xf32, #tpu.memory_space<vmem>> -> memref<56x128xf32, #tpu.memory_space<vmem>>
      %dma_start3A_28 = arith.constant 0 : i32
      %dma_start3A_29 = tpu.memref_slice %arg17[%add3A_19, %dma_start3A_28] : memref<10112x128xf32, #tpu.memory_space<vmem_shared>> -> memref<56x128xf32, #tpu.memory_space<vmem_shared>>
      %dma_start3A_30 = arith.constant 0 : i32
      %dma_start3A_31 = tpu.memref_slice %arg17[%add3A_19, %dma_start3A_30] : memref<10112x128xf32, #tpu.memory_space<vmem_shared>> -> memref<56x128xf32, #tpu.memory_space<vmem_shared>>
      %dma_start3A_32 = arith.constant 0 : i32
      %dma_start3A_33 = arith.constant 0 : i32
      %dma_start3A_34 = tpu.memref_slice %arg15[%dma_start3A_32, %dma_start3A_33] : memref<64x128xf32, #tpu.memory_space<vmem>> -> memref<56x128xf32, #tpu.memory_space<vmem>>
      tpu.enqueue_dma source(%dma_start3A_34 : memref<56x128xf32, #tpu.memory_space<vmem>>) target(%dma_start3A_31 : memref<56x128xf32, #tpu.memory_space<vmem_shared>>) target_semaphore(%run_scoped3A : memref<!tpu.dma_semaphore, #tpu.memory_space<semaphore_mem>>)
      %dma_wait3A = arith.constant 0 : i32
      %dma_wait3A_35 = arith.constant 0 : i32
      %dma_wait3A_36 = tpu.memref_slice %arg15[%dma_wait3A, %dma_wait3A_35] : memref<64x128xf32, #tpu.memory_space<vmem>> -> memref<56x128xf32, #tpu.memory_space<vmem>>
      %dma_wait3A_37 = arith.constant 0 : i32
      %dma_wait3A_38 = tpu.memref_slice %arg17[%add3A_19, %dma_wait3A_37] : memref<10112x128xf32, #tpu.memory_space<vmem_shared>> -> memref<56x128xf32, #tpu.memory_space<vmem_shared>>
      %dma_wait3A_39 = arith.constant 0 : i32
      %dma_wait3A_40 = tpu.memref_slice %arg17[%add3A_19, %dma_wait3A_39] : memref<10112x128xf32, #tpu.memory_space<vmem_shared>> -> memref<56x128xf32, #tpu.memory_space<vmem_shared>>
      %dma_wait3A_41 = arith.constant 0 : i32
      %dma_wait3A_42 = arith.constant 0 : i32
      %dma_wait3A_43 = tpu.memref_slice %arg15[%dma_wait3A_41, %dma_wait3A_42] : memref<64x128xf32, #tpu.memory_space<vmem>> -> memref<56x128xf32, #tpu.memory_space<vmem>>
      tpu.wait_dma2 semaphore(%run_scoped3A : memref<!tpu.dma_semaphore, #tpu.memory_space<semaphore_mem>>) src(%dma_wait3A_43 : memref<56x128xf32, #tpu.memory_space<vmem>>) dst(%dma_wait3A_40 : memref<56x128xf32, #tpu.memory_space<vmem_shared>>)
      tpu.yield
    }) : () -> ()
    %barrier3A = arith.constant 0 : index
    tpu.barrier barrier_id(%barrier3A)
    %scan3A_20 = arith.constant 0 : i32
    %scan3A_21 = arith.constant 21 : i32
    %scan3A_22 = arith.addi %scan3A_20, %scan3A_21 : i32
    %scan3A_23 = arith.constant 1 : i32
    scf.for %scan3A_26 = %scan3A_20 to %scan3A_22 step %scan3A_23  : i32 {
      %mul3A_27 = arith.constant 8 : i32
      %mul3A_28 = arith.muli %scan3A_26, %mul3A_27 : i32
      "tpu.region"() ({
        %run_scoped3A = tpu.sem_alloc : memref<!tpu.dma_semaphore, #tpu.memory_space<semaphore_mem>>
        %dma_start3A = arith.constant 0 : i32
        %dma_start3A_36 = tpu.memref_slice %arg5[%add3A, %mul3A_28, %dma_start3A] : memref<32x168x64xi32, #tpu.memory_space<hbm>> -> memref<1x8x64xi32, #tpu.memory_space<hbm>>
        %dma_start3A_37 = tpu.memref_squeeze %dma_start3A_36 : memref<1x8x64xi32, #tpu.memory_space<hbm>> -> memref<8x64xi32, #tpu.memory_space<hbm>>
        %dma_start3A_38 = arith.constant 0 : i32
        %dma_start3A_39 = tpu.memref_slice %arg5[%add3A, %mul3A_28, %dma_start3A_38] : memref<32x168x64xi32, #tpu.memory_space<hbm>> -> memref<1x8x64xi32, #tpu.memory_space<hbm>>
        %dma_start3A_40 = tpu.memref_squeeze %dma_start3A_39 : memref<1x8x64xi32, #tpu.memory_space<hbm>> -> memref<8x64xi32, #tpu.memory_space<hbm>>
        tpu.enqueue_dma source(%dma_start3A_40 : memref<8x64xi32, #tpu.memory_space<hbm>>) target(%arg12 : memref<8x64xi32, #tpu.memory_space<vmem>>) target_semaphore(%run_scoped3A : memref<!tpu.dma_semaphore, #tpu.memory_space<semaphore_mem>>)
        %dma_wait3A = arith.constant 0 : i32
        %dma_wait3A_41 = tpu.memref_slice %arg5[%add3A, %mul3A_28, %dma_wait3A] : memref<32x168x64xi32, #tpu.memory_space<hbm>> -> memref<1x8x64xi32, #tpu.memory_space<hbm>>
        %dma_wait3A_42 = tpu.memref_squeeze %dma_wait3A_41 : memref<1x8x64xi32, #tpu.memory_space<hbm>> -> memref<8x64xi32, #tpu.memory_space<hbm>>
        %dma_wait3A_43 = arith.constant 0 : i32
        %dma_wait3A_44 = tpu.memref_slice %arg5[%add3A, %mul3A_28, %dma_wait3A_43] : memref<32x168x64xi32, #tpu.memory_space<hbm>> -> memref<1x8x64xi32, #tpu.memory_space<hbm>>
        %dma_wait3A_45 = tpu.memref_squeeze %dma_wait3A_44 : memref<1x8x64xi32, #tpu.memory_space<hbm>> -> memref<8x64xi32, #tpu.memory_space<hbm>>
        tpu.wait_dma2 semaphore(%run_scoped3A : memref<!tpu.dma_semaphore, #tpu.memory_space<semaphore_mem>>) src(%dma_wait3A_45 : memref<8x64xi32, #tpu.memory_space<hbm>>) dst(%arg12 : memref<8x64xi32, #tpu.memory_space<vmem>>)
        tpu.yield
      }) : () -> ()
      %mul3A_29 = arith.constant 8 : i32
      %mul3A_30 = arith.muli %scan3A_26, %mul3A_29 : i32
      "tpu.region"() ({
        %run_scoped3A = tpu.sem_alloc : memref<!tpu.dma_semaphore, #tpu.memory_space<semaphore_mem>>
        %dma_start3A = arith.constant 0 : i32
        %dma_start3A_36 = tpu.memref_slice %arg6[%add3A, %mul3A_30, %dma_start3A] : memref<32x168x64xi32, #tpu.memory_space<hbm>> -> memref<1x8x64xi32, #tpu.memory_space<hbm>>
        %dma_start3A_37 = tpu.memref_squeeze %dma_start3A_36 : memref<1x8x64xi32, #tpu.memory_space<hbm>> -> memref<8x64xi32, #tpu.memory_space<hbm>>
        %dma_start3A_38 = arith.constant 0 : i32
        %dma_start3A_39 = tpu.memref_slice %arg6[%add3A, %mul3A_30, %dma_start3A_38] : memref<32x168x64xi32, #tpu.memory_space<hbm>> -> memref<1x8x64xi32, #tpu.memory_space<hbm>>
        %dma_start3A_40 = tpu.memref_squeeze %dma_start3A_39 : memref<1x8x64xi32, #tpu.memory_space<hbm>> -> memref<8x64xi32, #tpu.memory_space<hbm>>
        tpu.enqueue_dma source(%dma_start3A_40 : memref<8x64xi32, #tpu.memory_space<hbm>>) target(%arg13 : memref<8x64xi32, #tpu.memory_space<vmem>>) target_semaphore(%run_scoped3A : memref<!tpu.dma_semaphore, #tpu.memory_space<semaphore_mem>>)
        %dma_wait3A = arith.constant 0 : i32
        %dma_wait3A_41 = tpu.memref_slice %arg6[%add3A, %mul3A_30, %dma_wait3A] : memref<32x168x64xi32, #tpu.memory_space<hbm>> -> memref<1x8x64xi32, #tpu.memory_space<hbm>>
        %dma_wait3A_42 = tpu.memref_squeeze %dma_wait3A_41 : memref<1x8x64xi32, #tpu.memory_space<hbm>> -> memref<8x64xi32, #tpu.memory_space<hbm>>
        %dma_wait3A_43 = arith.constant 0 : i32
        %dma_wait3A_44 = tpu.memref_slice %arg6[%add3A, %mul3A_30, %dma_wait3A_43] : memref<32x168x64xi32, #tpu.memory_space<hbm>> -> memref<1x8x64xi32, #tpu.memory_space<hbm>>
        %dma_wait3A_45 = tpu.memref_squeeze %dma_wait3A_44 : memref<1x8x64xi32, #tpu.memory_space<hbm>> -> memref<8x64xi32, #tpu.memory_space<hbm>>
        tpu.wait_dma2 semaphore(%run_scoped3A : memref<!tpu.dma_semaphore, #tpu.memory_space<semaphore_mem>>) src(%dma_wait3A_45 : memref<8x64xi32, #tpu.memory_space<hbm>>) dst(%arg13 : memref<8x64xi32, #tpu.memory_space<vmem>>)
        tpu.yield
      }) : () -> ()
      %scan3A_31 = arith.constant 0 : i32
      %scan3A_32 = arith.constant 4 : i32
      %scan3A_33 = arith.addi %scan3A_31, %scan3A_32 : i32
      %scan3A_34 = arith.constant 1 : i32
      scf.for %scan3A_36 = %scan3A_31 to %scan3A_33 step %scan3A_34  : i32 {
        %mul3A_37 = arith.constant 2 : i32
        %mul3A_38 = arith.muli %scan3A_36, %mul3A_37 : i32
        %add3A_39 = arith.constant 1 : i32
        %add3A_40 = arith.addi %mul3A_38, %add3A_39 : i32
        %dma_start3A = arith.constant 0 : i32
        %dma_start3A_41 = tpu.memref_slice %arg12[%mul3A_38, %dma_start3A] : memref<8x64xi32, #tpu.memory_space<vmem>> -> memref<1x64xi32, #tpu.memory_space<vmem>>
        %dma_start3A_42 = tpu.memref_squeeze %dma_start3A_41 : memref<1x64xi32, #tpu.memory_space<vmem>> -> memref<64xi32, #tpu.memory_space<vmem>>
        %dma_start3A_43 = arith.constant 0 : i32
        %dma_start3A_44 = arith.constant 0 : i32
        %dma_start3A_45 = tpu.memref_slice %arg2[%dma_start3A_43, %dma_start3A_44] : memref<10000x128xf32, #tpu.memory_space<hbm>> -> memref<10000x128xf32, #tpu.memory_space<hbm>>
        tpu.enqueue_indirect_dma source(%dma_start3A_45 : memref<10000x128xf32, #tpu.memory_space<hbm>>) target(%arg15 : memref<64x128xf32, #tpu.memory_space<vmem>>) offsets(%dma_start3A_42 : memref<64xi32, #tpu.memory_space<vmem>>) semaphore(%arg18 : memref<!tpu.dma_semaphore, #tpu.memory_space<semaphore_mem>>)
        %dma_start3A_46 = arith.constant 0 : i32
        %dma_start3A_47 = tpu.memref_slice %arg12[%add3A_40, %dma_start3A_46] : memref<8x64xi32, #tpu.memory_space<vmem>> -> memref<1x64xi32, #tpu.memory_space<vmem>>
        %dma_start3A_48 = tpu.memref_squeeze %dma_start3A_47 : memref<1x64xi32, #tpu.memory_space<vmem>> -> memref<64xi32, #tpu.memory_space<vmem>>
        %dma_start3A_49 = arith.constant 0 : i32
        %dma_start3A_50 = arith.constant 0 : i32
        %dma_start3A_51 = tpu.memref_slice %arg2[%dma_start3A_49, %dma_start3A_50] : memref<10000x128xf32, #tpu.memory_space<hbm>> -> memref<10000x128xf32, #tpu.memory_space<hbm>>
        tpu.enqueue_indirect_dma source(%dma_start3A_51 : memref<10000x128xf32, #tpu.memory_space<hbm>>) target(%arg16 : memref<64x128xf32, #tpu.memory_space<vmem>>) offsets(%dma_start3A_48 : memref<64xi32, #tpu.memory_space<vmem>>) semaphore(%arg19 : memref<!tpu.dma_semaphore, #tpu.memory_space<semaphore_mem>>)
        %mul3A_52 = arith.constant 8 : i32
        %mul3A_53 = arith.muli %scan3A_26, %mul3A_52 : i32
        %add3A_54 = arith.addi %mul3A_53, %mul3A_38 : i32
        %scan3A_55 = arith.constant 0 : i32
        %scan3A_56 = arith.constant 4 : i32
        %scan3A_57 = arith.addi %scan3A_55, %scan3A_56 : i32
        %scan3A_58 = arith.constant 1 : i32
        scf.for %scan3A_89 = %scan3A_55 to %scan3A_57 step %scan3A_58  : i32 {
          %mul3A_90 = arith.constant 10752 : i32
          %mul3A_91 = arith.muli %add3A, %mul3A_90 : i32
          %mul3A_92 = arith.constant 64 : i32
          %mul3A_93 = arith.muli %add3A_54, %mul3A_92 : i32
          %add3A_94 = arith.addi %mul3A_91, %mul3A_93 : i32
          %iota3A = tpu.iota {dimensions = array<i32: 0>} : vector<16xi32>
          %mul3A_95 = arith.constant 16 : i32
          %mul3A_96 = arith.muli %scan3A_89, %mul3A_95 : i32
          %get3A = arith.index_cast %mul3A_38 : i32 to index
          %get3A_97 = arith.index_cast %mul3A_96 : i32 to index
          %get3A_98 = tpu.vector_load %arg12[%get3A, %get3A_97] {strides = array<i32>} : memref<8x64xi32, #tpu.memory_space<vmem>>, vector<16xi32>,
          %get3A_99 = arith.index_cast %mul3A_38 : i32 to index
          %get3A_100 = arith.index_cast %mul3A_96 : i32 to index
          %get3A_101 = tpu.vector_load %arg13[%get3A_99, %get3A_100] {strides = array<i32>} : memref<8x64xi32, #tpu.memory_space<vmem>>, vector<16xi32>,
          %gather3A = tpu.vector_load_idx %arg9[%get3A_98] : memref<10000xf32, #tpu.memory_space<vmem>>[vector<16xi32>], vector<16xf32>,
          %gather3A_102 = tpu.vector_load_idx %arg10[%get3A_101] : memref<10000xf32, #tpu.memory_space<vmem>>[vector<16xi32>], vector<16xf32>,
          %add3A_103 = arith.addf %gather3A, %gather3A_102 : vector<16xf32>
          %gt3A = arith.constant 0.000000e+00 : f32
          %gt3A_104 = vector.broadcast %gt3A : f32 to vector<16xf32>
          %gt3A_105 = arith.cmpf ogt, %add3A_103, %gt3A_104 : vector<16xf32>
          %mul3A_106 = arith.constant 2.000000e-01 : f32
          %mul3A_107 = vector.broadcast %mul3A_106 : f32 to vector<16xf32>
          %mul3A_108 = arith.mulf %add3A_103, %mul3A_107 : vector<16xf32>
          %select_n3A = arith.select %gt3A_105, %add3A_103, %mul3A_108 : vector<16xi1>, vector<16xf32>
          %exp3A = math.exp %select_n3A : vector<16xf32>
          %mul3A_109 = arith.constant 16 : i32
          %mul3A_110 = arith.muli %scan3A_89, %mul3A_109 : i32
          %add3A_111 = arith.addi %add3A_94, %mul3A_110 : i32
          %add3A_112 = vector.broadcast %add3A_111 : i32 to vector<16xi32>
          %add3A_113 = arith.addi %add3A_112, %iota3A : vector<16xi32>
          %lt3A = arith.constant 330000 : i32
          %lt3A_114 = vector.broadcast %lt3A : i32 to vector<16xi32>
          %lt3A_115 = arith.cmpi slt, %add3A_113, %lt3A_114 : vector<16xi32>
          %jit3A = arith.constant 0.000000e+00 : f32
          %broadcast_in_dim3A_116 = vector.broadcast %jit3A : f32 to vector<16xf32>
          %select_n3A_117 = arith.select %lt3A_115, %exp3A, %broadcast_in_dim3A_116 : vector<16xi1>, vector<16xf32>
          %mul3A_118 = arith.constant 16 : i32
          %mul3A_119 = arith.muli %scan3A_89, %mul3A_118 : i32
          %swap3A = arith.index_cast %mul3A_119 : i32 to index
          %swap3A_120 = tpu.vector_load %arg14[%swap3A] {strides = array<i32>} : memref<64xf32, #tpu.memory_space<vmem>>, vector<16xf32>,
          tpu.vector_store %arg14[%swap3A], %select_n3A_117 {strides = array<i32>} : memref<64xf32, #tpu.memory_space<vmem>>, vector<16xf32>,
          %masked_sort3A = arith.constant dense<true> : vector<16xi1>
          %masked_sort3A_121 = arith.constant -2147483648 : i32
          %masked_sort3A_122 = vector.broadcast %masked_sort3A_121 : i32 to vector<16xi32>
          %masked_sort3A_123 = arith.xori %get3A_101, %masked_sort3A_122 : vector<16xi32>
          %masked_sort3A_124, %masked_sort3A_125, %masked_sort3A_126 = tpu.sort %masked_sort3A_123, %select_n3A_117 masked %masked_sort3A : (vector<16xi32>, vector<16xf32>, vector<16xi1>) -> (vector<16xi1>, vector<16xi32>, vector<16xf32>)
          %masked_sort3A_127 = arith.xori %masked_sort3A_125, %masked_sort3A_122 : vector<16xi32>
          %iota3A_128 = tpu.iota {dimensions = array<i32: 0>} : vector<16xi32>
          %sub3A = arith.constant 1 : i32
          %sub3A_129 = vector.broadcast %sub3A : i32 to vector<16xi32>
          %sub3A_130 = arith.subi %iota3A_128, %sub3A_129 : vector<16xi32>
          %max3A = arith.constant 0 : i32
          %max3A_131 = vector.broadcast %max3A : i32 to vector<16xi32>
          %max3A_132 = arith.maxsi %sub3A_130, %max3A_131 : vector<16xi32>
          %lt3A_133 = arith.constant 0 : i32
          %lt3A_134 = vector.broadcast %lt3A_133 : i32 to vector<16xi32>
          %lt3A_135 = arith.cmpi slt, %max3A_132, %lt3A_134 : vector<16xi32>
          %add3A_136 = arith.constant 16 : i32
          %add3A_137 = vector.broadcast %add3A_136 : i32 to vector<16xi32>
          %add3A_138 = arith.addi %max3A_132, %add3A_137 : vector<16xi32>
          %select_n3A_139 = arith.select %lt3A_135, %add3A_138, %max3A_132 : vector<16xi1>, vector<16xi32>
          %broadcast_in_dim3A_140 = vector.shape_cast %select_n3A_139 : vector<16xi32> to vector<16x1xi32>
          %gather3A_141 = vector.shape_cast %broadcast_in_dim3A_140 : vector<16x1xi32> to vector<16xi32>
          %gather3A_142 = tpu.dynamic_gather %masked_sort3A_127[%gather3A_141] in [0] : vector<16xi32>, vector<16xi32> -> vector<16xi32>
          %eq3A = arith.cmpi eq, %gather3A_142, %masked_sort3A_127 : vector<16xi32>
          %ge3A = arith.constant 1 : i32
          %ge3A_143 = vector.broadcast %ge3A : i32 to vector<16xi32>
          %ge3A_144 = arith.cmpi sge, %iota3A_128, %ge3A_143 : vector<16xi32>
          %and3A = arith.andi %eq3A, %ge3A_144 : vector<16xi1>
          %lt3A_145 = arith.constant 0 : i32
          %lt3A_146 = vector.broadcast %lt3A_145 : i32 to vector<16xi32>
          %lt3A_147 = arith.cmpi slt, %max3A_132, %lt3A_146 : vector<16xi32>
          %add3A_148 = arith.constant 16 : i32
          %add3A_149 = vector.broadcast %add3A_148 : i32 to vector<16xi32>
          %add3A_150 = arith.addi %max3A_132, %add3A_149 : vector<16xi32>
          %select_n3A_151 = arith.select %lt3A_147, %add3A_150, %max3A_132 : vector<16xi1>, vector<16xi32>
          %broadcast_in_dim3A_152 = vector.shape_cast %select_n3A_151 : vector<16xi32> to vector<16x1xi32>
          %gather3A_153 = vector.shape_cast %broadcast_in_dim3A_152 : vector<16x1xi32> to vector<16xi32>
          %gather3A_154 = tpu.dynamic_gather %masked_sort3A_126[%gather3A_153] in [0] : vector<16xf32>, vector<16xi32> -> vector<16xf32>
          %jit3A_155 = arith.constant 0.000000e+00 : f32
          %broadcast_in_dim3A_156 = vector.broadcast %jit3A_155 : f32 to vector<16xf32>
          %select_n3A_157 = arith.select %and3A, %gather3A_154, %broadcast_in_dim3A_156 : vector<16xi1>, vector<16xf32>
          %add3A_158 = arith.addf %masked_sort3A_126, %select_n3A_157 : vector<16xf32>
          %sub3A_159 = arith.constant 2 : i32
          %sub3A_160 = vector.broadcast %sub3A_159 : i32 to vector<16xi32>
          %sub3A_161 = arith.subi %iota3A_128, %sub3A_160 : vector<16xi32>
          %max3A_162 = arith.constant 0 : i32
          %max3A_163 = vector.broadcast %max3A_162 : i32 to vector<16xi32>
          %max3A_164 = arith.maxsi %sub3A_161, %max3A_163 : vector<16xi32>
          %lt3A_165 = arith.constant 0 : i32
          %lt3A_166 = vector.broadcast %lt3A_165 : i32 to vector<16xi32>
          %lt3A_167 = arith.cmpi slt, %max3A_164, %lt3A_166 : vector<16xi32>
          %add3A_168 = arith.constant 16 : i32
          %add3A_169 = vector.broadcast %add3A_168 : i32 to vector<16xi32>
          %add3A_170 = arith.addi %max3A_164, %add3A_169 : vector<16xi32>
          %select_n3A_171 = arith.select %lt3A_167, %add3A_170, %max3A_164 : vector<16xi1>, vector<16xi32>
          %broadcast_in_dim3A_172 = vector.shape_cast %select_n3A_171 : vector<16xi32> to vector<16x1xi32>
          %gather3A_173 = vector.shape_cast %broadcast_in_dim3A_172 : vector<16x1xi32> to vector<16xi32>
          %gather3A_174 = tpu.dynamic_gather %masked_sort3A_127[%gather3A_173] in [0] : vector<16xi32>, vector<16xi32> -> vector<16xi32>
          %eq3A_175 = arith.cmpi eq, %gather3A_174, %masked_sort3A_127 : vector<16xi32>
          %ge3A_176 = arith.constant 2 : i32
          %ge3A_177 = vector.broadcast %ge3A_176 : i32 to vector<16xi32>
          %ge3A_178 = arith.cmpi sge, %iota3A_128, %ge3A_177 : vector<16xi32>
          %and3A_179 = arith.andi %eq3A_175, %ge3A_178 : vector<16xi1>
          %lt3A_180 = arith.constant 0 : i32
          %lt3A_181 = vector.broadcast %lt3A_180 : i32 to vector<16xi32>
          %lt3A_182 = arith.cmpi slt, %max3A_164, %lt3A_181 : vector<16xi32>
          %add3A_183 = arith.constant 16 : i32
          %add3A_184 = vector.broadcast %add3A_183 : i32 to vector<16xi32>
          %add3A_185 = arith.addi %max3A_164, %add3A_184 : vector<16xi32>
          %select_n3A_186 = arith.select %lt3A_182, %add3A_185, %max3A_164 : vector<16xi1>, vector<16xi32>
          %broadcast_in_dim3A_187 = vector.shape_cast %select_n3A_186 : vector<16xi32> to vector<16x1xi32>
          %gather3A_188 = vector.shape_cast %broadcast_in_dim3A_187 : vector<16x1xi32> to vector<16xi32>
          %gather3A_189 = tpu.dynamic_gather %add3A_158[%gather3A_188] in [0] : vector<16xf32>, vector<16xi32> -> vector<16xf32>
          %jit3A_190 = arith.constant 0.000000e+00 : f32
          %broadcast_in_dim3A_191 = vector.broadcast %jit3A_190 : f32 to vector<16xf32>
          %select_n3A_192 = arith.select %and3A_179, %gather3A_189, %broadcast_in_dim3A_191 : vector<16xi1>, vector<16xf32>
          %add3A_193 = arith.addf %add3A_158, %select_n3A_192 : vector<16xf32>
          %sub3A_194 = arith.constant 4 : i32
          %sub3A_195 = vector.broadcast %sub3A_194 : i32 to vector<16xi32>
          %sub3A_196 = arith.subi %iota3A_128, %sub3A_195 : vector<16xi32>
          %max3A_197 = arith.constant 0 : i32
          %max3A_198 = vector.broadcast %max3A_197 : i32 to vector<16xi32>
          %max3A_199 = arith.maxsi %sub3A_196, %max3A_198 : vector<16xi32>
          %lt3A_200 = arith.constant 0 : i32
          %lt3A_201 = vector.broadcast %lt3A_200 : i32 to vector<16xi32>
          %lt3A_202 = arith.cmpi slt, %max3A_199, %lt3A_201 : vector<16xi32>
          %add3A_203 = arith.constant 16 : i32
          %add3A_204 = vector.broadcast %add3A_203 : i32 to vector<16xi32>
          %add3A_205 = arith.addi %max3A_199, %add3A_204 : vector<16xi32>
          %select_n3A_206 = arith.select %lt3A_202, %add3A_205, %max3A_199 : vector<16xi1>, vector<16xi32>
          %broadcast_in_dim3A_207 = vector.shape_cast %select_n3A_206 : vector<16xi32> to vector<16x1xi32>
          %gather3A_208 = vector.shape_cast %broadcast_in_dim3A_207 : vector<16x1xi32> to vector<16xi32>
          %gather3A_209 = tpu.dynamic_gather %masked_sort3A_127[%gather3A_208] in [0] : vector<16xi32>, vector<16xi32> -> vector<16xi32>
          %eq3A_210 = arith.cmpi eq, %gather3A_209, %masked_sort3A_127 : vector<16xi32>
          %ge3A_211 = arith.constant 4 : i32
          %ge3A_212 = vector.broadcast %ge3A_211 : i32 to vector<16xi32>
          %ge3A_213 = arith.cmpi sge, %iota3A_128, %ge3A_212 : vector<16xi32>
          %and3A_214 = arith.andi %eq3A_210, %ge3A_213 : vector<16xi1>
          %lt3A_215 = arith.constant 0 : i32
          %lt3A_216 = vector.broadcast %lt3A_215 : i32 to vector<16xi32>
          %lt3A_217 = arith.cmpi slt, %max3A_199, %lt3A_216 : vector<16xi32>
          %add3A_218 = arith.constant 16 : i32
          %add3A_219 = vector.broadcast %add3A_218 : i32 to vector<16xi32>
          %add3A_220 = arith.addi %max3A_199, %add3A_219 : vector<16xi32>
          %select_n3A_221 = arith.select %lt3A_217, %add3A_220, %max3A_199 : vector<16xi1>, vector<16xi32>
          %broadcast_in_dim3A_222 = vector.shape_cast %select_n3A_221 : vector<16xi32> to vector<16x1xi32>
          %gather3A_223 = vector.shape_cast %broadcast_in_dim3A_222 : vector<16x1xi32> to vector<16xi32>
          %gather3A_224 = tpu.dynamic_gather %add3A_193[%gather3A_223] in [0] : vector<16xf32>, vector<16xi32> -> vector<16xf32>
          %jit3A_225 = arith.constant 0.000000e+00 : f32
          %broadcast_in_dim3A_226 = vector.broadcast %jit3A_225 : f32 to vector<16xf32>
          %select_n3A_227 = arith.select %and3A_214, %gather3A_224, %broadcast_in_dim3A_226 : vector<16xi1>, vector<16xf32>
          %add3A_228 = arith.addf %add3A_193, %select_n3A_227 : vector<16xf32>
          %sub3A_229 = arith.constant 8 : i32
          %sub3A_230 = vector.broadcast %sub3A_229 : i32 to vector<16xi32>
          %sub3A_231 = arith.subi %iota3A_128, %sub3A_230 : vector<16xi32>
          %max3A_232 = arith.constant 0 : i32
          %max3A_233 = vector.broadcast %max3A_232 : i32 to vector<16xi32>
          %max3A_234 = arith.maxsi %sub3A_231, %max3A_233 : vector<16xi32>
          %lt3A_235 = arith.constant 0 : i32
          %lt3A_236 = vector.broadcast %lt3A_235 : i32 to vector<16xi32>
          %lt3A_237 = arith.cmpi slt, %max3A_234, %lt3A_236 : vector<16xi32>
          %add3A_238 = arith.constant 16 : i32
          %add3A_239 = vector.broadcast %add3A_238 : i32 to vector<16xi32>
          %add3A_240 = arith.addi %max3A_234, %add3A_239 : vector<16xi32>
          %select_n3A_241 = arith.select %lt3A_237, %add3A_240, %max3A_234 : vector<16xi1>, vector<16xi32>
          %broadcast_in_dim3A_242 = vector.shape_cast %select_n3A_241 : vector<16xi32> to vector<16x1xi32>
          %gather3A_243 = vector.shape_cast %broadcast_in_dim3A_242 : vector<16x1xi32> to vector<16xi32>
          %gather3A_244 = tpu.dynamic_gather %masked_sort3A_127[%gather3A_243] in [0] : vector<16xi32>, vector<16xi32> -> vector<16xi32>
          %eq3A_245 = arith.cmpi eq, %gather3A_244, %masked_sort3A_127 : vector<16xi32>
          %ge3A_246 = arith.constant 8 : i32
          %ge3A_247 = vector.broadcast %ge3A_246 : i32 to vector<16xi32>
          %ge3A_248 = arith.cmpi sge, %iota3A_128, %ge3A_247 : vector<16xi32>
          %and3A_249 = arith.andi %eq3A_245, %ge3A_248 : vector<16xi1>
          %lt3A_250 = arith.constant 0 : i32
          %lt3A_251 = vector.broadcast %lt3A_250 : i32 to vector<16xi32>
          %lt3A_252 = arith.cmpi slt, %max3A_234, %lt3A_251 : vector<16xi32>
          %add3A_253 = arith.constant 16 : i32
          %add3A_254 = vector.broadcast %add3A_253 : i32 to vector<16xi32>
          %add3A_255 = arith.addi %max3A_234, %add3A_254 : vector<16xi32>
          %select_n3A_256 = arith.select %lt3A_252, %add3A_255, %max3A_234 : vector<16xi1>, vector<16xi32>
          %broadcast_in_dim3A_257 = vector.shape_cast %select_n3A_256 : vector<16xi32> to vector<16x1xi32>
          %gather3A_258 = vector.shape_cast %broadcast_in_dim3A_257 : vector<16x1xi32> to vector<16xi32>
          %gather3A_259 = tpu.dynamic_gather %add3A_228[%gather3A_258] in [0] : vector<16xf32>, vector<16xi32> -> vector<16xf32>
          %jit3A_260 = arith.constant 0.000000e+00 : f32
          %broadcast_in_dim3A_261 = vector.broadcast %jit3A_260 : f32 to vector<16xf32>
          %select_n3A_262 = arith.select %and3A_249, %gather3A_259, %broadcast_in_dim3A_261 : vector<16xi1>, vector<16xf32>
          %add3A_263 = arith.addf %add3A_228, %select_n3A_262 : vector<16xf32>
          %add3A_264 = arith.constant 1 : i32
          %add3A_265 = vector.broadcast %add3A_264 : i32 to vector<16xi32>
          %add3A_266 = arith.addi %iota3A_128, %add3A_265 : vector<16xi32>
          %min3A = arith.constant 15 : i32
          %min3A_267 = vector.broadcast %min3A : i32 to vector<16xi32>
          %min3A_268 = arith.minsi %add3A_266, %min3A_267 : vector<16xi32>
          %lt3A_269 = arith.constant 0 : i32
          %lt3A_270 = vector.broadcast %lt3A_269 : i32 to vector<16xi32>
          %lt3A_271 = arith.cmpi slt, %min3A_268, %lt3A_270 : vector<16xi32>
          %add3A_272 = arith.constant 16 : i32
          %add3A_273 = vector.broadcast %add3A_272 : i32 to vector<16xi32>
          %add3A_274 = arith.addi %min3A_268, %add3A_273 : vector<16xi32>
          %select_n3A_275 = arith.select %lt3A_271, %add3A_274, %min3A_268 : vector<16xi1>, vector<16xi32>
          %broadcast_in_dim3A_276 = vector.shape_cast %select_n3A_275 : vector<16xi32> to vector<16x1xi32>
          %gather3A_277 = vector.shape_cast %broadcast_in_dim3A_276 : vector<16x1xi32> to vector<16xi32>
          %gather3A_278 = tpu.dynamic_gather %masked_sort3A_127[%gather3A_277] in [0] : vector<16xi32>, vector<16xi32> -> vector<16xi32>
          %ne3A = arith.cmpi ne, %gather3A_278, %masked_sort3A_127 : vector<16xi32>
          %eq3A_279 = arith.constant 15 : i32
          %eq3A_280 = vector.broadcast %eq3A_279 : i32 to vector<16xi32>
          %eq3A_281 = arith.cmpi eq, %iota3A_128, %eq3A_280 : vector<16xi32>
          %or3A = arith.ori %ne3A, %eq3A_281 : vector<16xi1>
          tpu.vector_store_idx %arg11[%masked_sort3A_127], %add3A_263 masked %or3A {add = true} : memref<10000xf32, #tpu.memory_space<vmem>>[vector<16xi32>], vector<16xf32>, vector<16xi1>
        }
        %scan3A_59 = arith.constant 4 : i32
        %dma_wait3A = arith.constant 0 : i32
        %dma_wait3A_60 = tpu.memref_slice %arg12[%mul3A_38, %dma_wait3A] : memref<8x64xi32, #tpu.memory_space<vmem>> -> memref<1x64xi32, #tpu.memory_space<vmem>>
        %dma_wait3A_61 = tpu.memref_squeeze %dma_wait3A_60 : memref<1x64xi32, #tpu.memory_space<vmem>> -> memref<64xi32, #tpu.memory_space<vmem>>
        %dma_wait3A_62 = arith.constant 0 : i32
        %dma_wait3A_63 = arith.constant 0 : i32
        %dma_wait3A_64 = tpu.memref_slice %arg2[%dma_wait3A_62, %dma_wait3A_63] : memref<10000x128xf32, #tpu.memory_space<hbm>> -> memref<10000x128xf32, #tpu.memory_space<hbm>>
        tpu.wait_indirect_dma semaphore(%arg18 : memref<!tpu.dma_semaphore, #tpu.memory_space<semaphore_mem>>) src(%dma_wait3A_64 : memref<10000x128xf32, #tpu.memory_space<hbm>>) dst(%arg15 : memref<64x128xf32, #tpu.memory_space<vmem>>)
        %scan3A_65 = arith.constant 0 : i32
        %scan3A_66 = arith.constant 4 : i32
        %scan3A_67 = arith.addi %scan3A_65, %scan3A_66 : i32
        %scan3A_68 = arith.constant 1 : i32
        scf.for %scan3A_89 = %scan3A_65 to %scan3A_67 step %scan3A_68  : i32 {
          %mul3A_90 = arith.constant 16 : i32
          %mul3A_91 = arith.muli %scan3A_89, %mul3A_90 : i32
          %get3A = arith.index_cast %mul3A_91 : i32 to index
          %get3A_92 = tpu.vector_load %arg14[%get3A] {strides = array<i32>} : memref<64xf32, #tpu.memory_space<vmem>>, vector<16xf32>,
          %slice3A = vector.extract_strided_slice %get3A_92 {offsets = [0], sizes = [1], strides = [1]} : vector<16xf32> to vector<1xf32>
          %squeeze3A = vector.extract %slice3A[0] : f32 from vector<1xf32>
          %mul3A_93 = arith.constant 16 : i32
          %mul3A_94 = arith.muli %scan3A_89, %mul3A_93 : i32
          %add3A_95 = arith.constant 0 : i32
          %add3A_96 = arith.addi %mul3A_94, %add3A_95 : i32
          %get3A_97 = arith.index_cast %add3A_96 : i32 to index
          %get3A_98 = arith.constant 0 : index
          %get3A_99 = tpu.vector_load %arg15[%get3A_97, %get3A_98] {strides = array<i32>} : memref<64x128xf32, #tpu.memory_space<vmem>>, vector<16xf32>,
          %mul3A_100 = vector.broadcast %squeeze3A : f32 to vector<16xf32>
          %mul3A_101 = arith.mulf %get3A_99, %mul3A_100 : vector<16xf32>
          %swap3A = arith.index_cast %add3A_96 : i32 to index
          %swap3A_102 = arith.constant 0 : index
          %swap3A_103 = tpu.vector_load %arg15[%swap3A, %swap3A_102] {strides = array<i32>} : memref<64x128xf32, #tpu.memory_space<vmem>>, vector<16xf32>,
          tpu.vector_store %arg15[%swap3A, %swap3A_102], %mul3A_101 {strides = array<i32>} : memref<64x128xf32, #tpu.memory_space<vmem>>, vector<16xf32>,
          %get3A_104 = arith.index_cast %add3A_96 : i32 to index
          %get3A_105 = arith.constant 16 : index
          %get3A_106 = tpu.vector_load %arg15[%get3A_104, %get3A_105] {strides = array<i32>} : memref<64x128xf32, #tpu.memory_space<vmem>>, vector<16xf32>,
          %mul3A_107 = vector.broadcast %squeeze3A : f32 to vector<16xf32>
          %mul3A_108 = arith.mulf %get3A_106, %mul3A_107 : vector<16xf32>
          %swap3A_109 = arith.index_cast %add3A_96 : i32 to index
          %swap3A_110 = arith.constant 16 : index
          %swap3A_111 = tpu.vector_load %arg15[%swap3A_109, %swap3A_110] {strides = array<i32>} : memref<64x128xf32, #tpu.memory_space<vmem>>, vector<16xf32>,
          tpu.vector_store %arg15[%swap3A_109, %swap3A_110], %mul3A_108 {strides = array<i32>} : memref<64x128xf32, #tpu.memory_space<vmem>>, vector<16xf32>,
          %get3A_112 = arith.index_cast %add3A_96 : i32 to index
          %get3A_113 = arith.constant 32 : index
          %get3A_114 = tpu.vector_load %arg15[%get3A_112, %get3A_113] {strides = array<i32>} : memref<64x128xf32, #tpu.memory_space<vmem>>, vector<16xf32>,
          %mul3A_115 = vector.broadcast %squeeze3A : f32 to vector<16xf32>
          %mul3A_116 = arith.mulf %get3A_114, %mul3A_115 : vector<16xf32>
          %swap3A_117 = arith.index_cast %add3A_96 : i32 to index
          %swap3A_118 = arith.constant 32 : index
          %swap3A_119 = tpu.vector_load %arg15[%swap3A_117, %swap3A_118] {strides = array<i32>} : memref<64x128xf32, #tpu.memory_space<vmem>>, vector<16xf32>,
          tpu.vector_store %arg15[%swap3A_117, %swap3A_118], %mul3A_116 {strides = array<i32>} : memref<64x128xf32, #tpu.memory_space<vmem>>, vector<16xf32>,
          %get3A_120 = arith.index_cast %add3A_96 : i32 to index
          %get3A_121 = arith.constant 48 : index
          %get3A_122 = tpu.vector_load %arg15[%get3A_120, %get3A_121] {strides = array<i32>} : memref<64x128xf32, #tpu.memory_space<vmem>>, vector<16xf32>,
          %mul3A_123 = vector.broadcast %squeeze3A : f32 to vector<16xf32>
          %mul3A_124 = arith.mulf %get3A_122, %mul3A_123 : vector<16xf32>
          %swap3A_125 = arith.index_cast %add3A_96 : i32 to index
          %swap3A_126 = arith.constant 48 : index
          %swap3A_127 = tpu.vector_load %arg15[%swap3A_125, %swap3A_126] {strides = array<i32>} : memref<64x128xf32, #tpu.memory_space<vmem>>, vector<16xf32>,
          tpu.vector_store %arg15[%swap3A_125, %swap3A_126], %mul3A_124 {strides = array<i32>} : memref<64x128xf32, #tpu.memory_space<vmem>>, vector<16xf32>,
          %get3A_128 = arith.index_cast %add3A_96 : i32 to index
          %get3A_129 = arith.constant 64 : index
          %get3A_130 = tpu.vector_load %arg15[%get3A_128, %get3A_129] {strides = array<i32>} : memref<64x128xf32, #tpu.memory_space<vmem>>, vector<16xf32>,
          %mul3A_131 = vector.broadcast %squeeze3A : f32 to vector<16xf32>
          %mul3A_132 = arith.mulf %get3A_130, %mul3A_131 : vector<16xf32>
          %swap3A_133 = arith.index_cast %add3A_96 : i32 to index
          %swap3A_134 = arith.constant 64 : index
          %swap3A_135 = tpu.vector_load %arg15[%swap3A_133, %swap3A_134] {strides = array<i32>} : memref<64x128xf32, #tpu.memory_space<vmem>>, vector<16xf32>,
          tpu.vector_store %arg15[%swap3A_133, %swap3A_134], %mul3A_132 {strides = array<i32>} : memref<64x128xf32, #tpu.memory_space<vmem>>, vector<16xf32>,
          %get3A_136 = arith.index_cast %add3A_96 : i32 to index
          %get3A_137 = arith.constant 80 : index
          %get3A_138 = tpu.vector_load %arg15[%get3A_136, %get3A_137] {strides = array<i32>} : memref<64x128xf32, #tpu.memory_space<vmem>>, vector<16xf32>,
          %mul3A_139 = vector.broadcast %squeeze3A : f32 to vector<16xf32>
          %mul3A_140 = arith.mulf %get3A_138, %mul3A_139 : vector<16xf32>
          %swap3A_141 = arith.index_cast %add3A_96 : i32 to index
          %swap3A_142 = arith.constant 80 : index
          %swap3A_143 = tpu.vector_load %arg15[%swap3A_141, %swap3A_142] {strides = array<i32>} : memref<64x128xf32, #tpu.memory_space<vmem>>, vector<16xf32>,
          tpu.vector_store %arg15[%swap3A_141, %swap3A_142], %mul3A_140 {strides = array<i32>} : memref<64x128xf32, #tpu.memory_space<vmem>>, vector<16xf32>,
          %get3A_144 = arith.index_cast %add3A_96 : i32 to index
          %get3A_145 = arith.constant 96 : index
          %get3A_146 = tpu.vector_load %arg15[%get3A_144, %get3A_145] {strides = array<i32>} : memref<64x128xf32, #tpu.memory_space<vmem>>, vector<16xf32>,
          %mul3A_147 = vector.broadcast %squeeze3A : f32 to vector<16xf32>
          %mul3A_148 = arith.mulf %get3A_146, %mul3A_147 : vector<16xf32>
          %swap3A_149 = arith.index_cast %add3A_96 : i32 to index
          %swap3A_150 = arith.constant 96 : index
          %swap3A_151 = tpu.vector_load %arg15[%swap3A_149, %swap3A_150] {strides = array<i32>} : memref<64x128xf32, #tpu.memory_space<vmem>>, vector<16xf32>,
          tpu.vector_store %arg15[%swap3A_149, %swap3A_150], %mul3A_148 {strides = array<i32>} : memref<64x128xf32, #tpu.memory_space<vmem>>, vector<16xf32>,
          %get3A_152 = arith.index_cast %add3A_96 : i32 to index
          %get3A_153 = arith.constant 112 : index
          %get3A_154 = tpu.vector_load %arg15[%get3A_152, %get3A_153] {strides = array<i32>} : memref<64x128xf32, #tpu.memory_space<vmem>>, vector<16xf32>,
          %mul3A_155 = vector.broadcast %squeeze3A : f32 to vector<16xf32>
          %mul3A_156 = arith.mulf %get3A_154, %mul3A_155 : vector<16xf32>
          %swap3A_157 = arith.index_cast %add3A_96 : i32 to index
          %swap3A_158 = arith.constant 112 : index
          %swap3A_159 = tpu.vector_load %arg15[%swap3A_157, %swap3A_158] {strides = array<i32>} : memref<64x128xf32, #tpu.memory_space<vmem>>, vector<16xf32>,
          tpu.vector_store %arg15[%swap3A_157, %swap3A_158], %mul3A_156 {strides = array<i32>} : memref<64x128xf32, #tpu.memory_space<vmem>>, vector<16xf32>,
          %slice3A_160 = vector.extract_strided_slice %get3A_92 {offsets = [1], sizes = [1], strides = [1]} : vector<16xf32> to vector<1xf32>
          %squeeze3A_161 = vector.extract %slice3A_160[0] : f32 from vector<1xf32>
          %mul3A_162 = arith.constant 16 : i32
          %mul3A_163 = arith.muli %scan3A_89, %mul3A_162 : i32
          %add3A_164 = arith.constant 1 : i32
          %add3A_165 = arith.addi %mul3A_163, %add3A_164 : i32
          %get3A_166 = arith.index_cast %add3A_165 : i32 to index
          %get3A_167 = arith.constant 0 : index
          %get3A_168 = tpu.vector_load %arg15[%get3A_166, %get3A_167] {strides = array<i32>} : memref<64x128xf32, #tpu.memory_space<vmem>>, vector<16xf32>,
          %mul3A_169 = vector.broadcast %squeeze3A_161 : f32 to vector<16xf32>
          %mul3A_170 = arith.mulf %get3A_168, %mul3A_169 : vector<16xf32>
          %swap3A_171 = arith.index_cast %add3A_165 : i32 to index
          %swap3A_172 = arith.constant 0 : index
          %swap3A_173 = tpu.vector_load %arg15[%swap3A_171, %swap3A_172] {strides = array<i32>} : memref<64x128xf32, #tpu.memory_space<vmem>>, vector<16xf32>,
          tpu.vector_store %arg15[%swap3A_171, %swap3A_172], %mul3A_170 {strides = array<i32>} : memref<64x128xf32, #tpu.memory_space<vmem>>, vector<16xf32>,
          %get3A_174 = arith.index_cast %add3A_165 : i32 to index
          %get3A_175 = arith.constant 16 : index
          %get3A_176 = tpu.vector_load %arg15[%get3A_174, %get3A_175] {strides = array<i32>} : memref<64x128xf32, #tpu.memory_space<vmem>>, vector<16xf32>,
          %mul3A_177 = vector.broadcast %squeeze3A_161 : f32 to vector<16xf32>
          %mul3A_178 = arith.mulf %get3A_176, %mul3A_177 : vector<16xf32>
          %swap3A_179 = arith.index_cast %add3A_165 : i32 to index
          %swap3A_180 = arith.constant 16 : index
          %swap3A_181 = tpu.vector_load %arg15[%swap3A_179, %swap3A_180] {strides = array<i32>} : memref<64x128xf32, #tpu.memory_space<vmem>>, vector<16xf32>,
          tpu.vector_store %arg15[%swap3A_179, %swap3A_180], %mul3A_178 {strides = array<i32>} : memref<64x128xf32, #tpu.memory_space<vmem>>, vector<16xf32>,
          %get3A_182 = arith.index_cast %add3A_165 : i32 to index
          %get3A_183 = arith.constant 32 : index
          %get3A_184 = tpu.vector_load %arg15[%get3A_182, %get3A_183] {strides = array<i32>} : memref<64x128xf32, #tpu.memory_space<vmem>>, vector<16xf32>,
          %mul3A_185 = vector.broadcast %squeeze3A_161 : f32 to vector<16xf32>
          %mul3A_186 = arith.mulf %get3A_184, %mul3A_185 : vector<16xf32>
          %swap3A_187 = arith.index_cast %add3A_165 : i32 to index
          %swap3A_188 = arith.constant 32 : index
          %swap3A_189 = tpu.vector_load %arg15[%swap3A_187, %swap3A_188] {strides = array<i32>} : memref<64x128xf32, #tpu.memory_space<vmem>>, vector<16xf32>,
          tpu.vector_store %arg15[%swap3A_187, %swap3A_188], %mul3A_186 {strides = array<i32>} : memref<64x128xf32, #tpu.memory_space<vmem>>, vector<16xf32>,
          %get3A_190 = arith.index_cast %add3A_165 : i32 to index
          %get3A_191 = arith.constant 48 : index
          %get3A_192 = tpu.vector_load %arg15[%get3A_190, %get3A_191] {strides = array<i32>} : memref<64x128xf32, #tpu.memory_space<vmem>>, vector<16xf32>,
          %mul3A_193 = vector.broadcast %squeeze3A_161 : f32 to vector<16xf32>
          %mul3A_194 = arith.mulf %get3A_192, %mul3A_193 : vector<16xf32>
          %swap3A_195 = arith.index_cast %add3A_165 : i32 to index
          %swap3A_196 = arith.constant 48 : index
          %swap3A_197 = tpu.vector_load %arg15[%swap3A_195, %swap3A_196] {strides = array<i32>} : memref<64x128xf32, #tpu.memory_space<vmem>>, vector<16xf32>,
          tpu.vector_store %arg15[%swap3A_195, %swap3A_196], %mul3A_194 {strides = array<i32>} : memref<64x128xf32, #tpu.memory_space<vmem>>, vector<16xf32>,
          %get3A_198 = arith.index_cast %add3A_165 : i32 to index
          %get3A_199 = arith.constant 64 : index
          %get3A_200 = tpu.vector_load %arg15[%get3A_198, %get3A_199] {strides = array<i32>} : memref<64x128xf32, #tpu.memory_space<vmem>>, vector<16xf32>,
          %mul3A_201 = vector.broadcast %squeeze3A_161 : f32 to vector<16xf32>
          %mul3A_202 = arith.mulf %get3A_200, %mul3A_201 : vector<16xf32>
          %swap3A_203 = arith.index_cast %add3A_165 : i32 to index
          %swap3A_204 = arith.constant 64 : index
          %swap3A_205 = tpu.vector_load %arg15[%swap3A_203, %swap3A_204] {strides = array<i32>} : memref<64x128xf32, #tpu.memory_space<vmem>>, vector<16xf32>,
          tpu.vector_store %arg15[%swap3A_203, %swap3A_204], %mul3A_202 {strides = array<i32>} : memref<64x128xf32, #tpu.memory_space<vmem>>, vector<16xf32>,
          %get3A_206 = arith.index_cast %add3A_165 : i32 to index
          %get3A_207 = arith.constant 80 : index
          %get3A_208 = tpu.vector_load %arg15[%get3A_206, %get3A_207] {strides = array<i32>} : memref<64x128xf32, #tpu.memory_space<vmem>>, vector<16xf32>,
          %mul3A_209 = vector.broadcast %squeeze3A_161 : f32 to vector<16xf32>
          %mul3A_210 = arith.mulf %get3A_208, %mul3A_209 : vector<16xf32>
          %swap3A_211 = arith.index_cast %add3A_165 : i32 to index
          %swap3A_212 = arith.constant 80 : index
          %swap3A_213 = tpu.vector_load %arg15[%swap3A_211, %swap3A_212] {strides = array<i32>} : memref<64x128xf32, #tpu.memory_space<vmem>>, vector<16xf32>,
          tpu.vector_store %arg15[%swap3A_211, %swap3A_212], %mul3A_210 {strides = array<i32>} : memref<64x128xf32, #tpu.memory_space<vmem>>, vector<16xf32>,
          %get3A_214 = arith.index_cast %add3A_165 : i32 to index
          %get3A_215 = arith.constant 96 : index
          %get3A_216 = tpu.vector_load %arg15[%get3A_214, %get3A_215] {strides = array<i32>} : memref<64x128xf32, #tpu.memory_space<vmem>>, vector<16xf32>,
          %mul3A_217 = vector.broadcast %squeeze3A_161 : f32 to vector<16xf32>
          %mul3A_218 = arith.mulf %get3A_216, %mul3A_217 : vector<16xf32>
          %swap3A_219 = arith.index_cast %add3A_165 : i32 to index
          %swap3A_220 = arith.constant 96 : index
          %swap3A_221 = tpu.vector_load %arg15[%swap3A_219, %swap3A_220] {strides = array<i32>} : memref<64x128xf32, #tpu.memory_space<vmem>>, vector<16xf32>,
          tpu.vector_store %arg15[%swap3A_219, %swap3A_220], %mul3A_218 {strides = array<i32>} : memref<64x128xf32, #tpu.memory_space<vmem>>, vector<16xf32>,
          %get3A_222 = arith.index_cast %add3A_165 : i32 to index
          %get3A_223 = arith.constant 112 : index
          %get3A_224 = tpu.vector_load %arg15[%get3A_222, %get3A_223] {strides = array<i32>} : memref<64x128xf32, #tpu.memory_space<vmem>>, vector<16xf32>,
          %mul3A_225 = vector.broadcast %squeeze3A_161 : f32 to vector<16xf32>
          %mul3A_226 = arith.mulf %get3A_224, %mul3A_225 : vector<16xf32>
          %swap3A_227 = arith.index_cast %add3A_165 : i32 to index
          %swap3A_228 = arith.constant 112 : index
          %swap3A_229 = tpu.vector_load %arg15[%swap3A_227, %swap3A_228] {strides = array<i32>} : memref<64x128xf32, #tpu.memory_space<vmem>>, vector<16xf32>,
          tpu.vector_store %arg15[%swap3A_227, %swap3A_228], %mul3A_226 {strides = array<i32>} : memref<64x128xf32, #tpu.memory_space<vmem>>, vector<16xf32>,
          %slice3A_230 = vector.extract_strided_slice %get3A_92 {offsets = [2], sizes = [1], strides = [1]} : vector<16xf32> to vector<1xf32>
          %squeeze3A_231 = vector.extract %slice3A_230[0] : f32 from vector<1xf32>
          %mul3A_232 = arith.constant 16 : i32
          %mul3A_233 = arith.muli %scan3A_89, %mul3A_232 : i32
          %add3A_234 = arith.constant 2 : i32
          %add3A_235 = arith.addi %mul3A_233, %add3A_234 : i32
          %get3A_236 = arith.index_cast %add3A_235 : i32 to index
          %get3A_237 = arith.constant 0 : index
          %get3A_238 = tpu.vector_load %arg15[%get3A_236, %get3A_237] {strides = array<i32>} : memref<64x128xf32, #tpu.memory_space<vmem>>, vector<16xf32>,
          %mul3A_239 = vector.broadcast %squeeze3A_231 : f32 to vector<16xf32>
          %mul3A_240 = arith.mulf %get3A_238, %mul3A_239 : vector<16xf32>
          %swap3A_241 = arith.index_cast %add3A_235 : i32 to index
          %swap3A_242 = arith.constant 0 : index
          %swap3A_243 = tpu.vector_load %arg15[%swap3A_241, %swap3A_242] {strides = array<i32>} : memref<64x128xf32, #tpu.memory_space<vmem>>, vector<16xf32>,
          tpu.vector_store %arg15[%swap3A_241, %swap3A_242], %mul3A_240 {strides = array<i32>} : memref<64x128xf32, #tpu.memory_space<vmem>>, vector<16xf32>,
          %get3A_244 = arith.index_cast %add3A_235 : i32 to index
          %get3A_245 = arith.constant 16 : index
          %get3A_246 = tpu.vector_load %arg15[%get3A_244, %get3A_245] {strides = array<i32>} : memref<64x128xf32, #tpu.memory_space<vmem>>, vector<16xf32>,
          %mul3A_247 = vector.broadcast %squeeze3A_231 : f32 to vector<16xf32>
          %mul3A_248 = arith.mulf %get3A_246, %mul3A_247 : vector<16xf32>
          %swap3A_249 = arith.index_cast %add3A_235 : i32 to index
          %swap3A_250 = arith.constant 16 : index
          %swap3A_251 = tpu.vector_load %arg15[%swap3A_249, %swap3A_250] {strides = array<i32>} : memref<64x128xf32, #tpu.memory_space<vmem>>, vector<16xf32>,
          tpu.vector_store %arg15[%swap3A_249, %swap3A_250], %mul3A_248 {strides = array<i32>} : memref<64x128xf32, #tpu.memory_space<vmem>>, vector<16xf32>,
          %get3A_252 = arith.index_cast %add3A_235 : i32 to index
          %get3A_253 = arith.constant 32 : index
          %get3A_254 = tpu.vector_load %arg15[%get3A_252, %get3A_253] {strides = array<i32>} : memref<64x128xf32, #tpu.memory_space<vmem>>, vector<16xf32>,
          %mul3A_255 = vector.broadcast %squeeze3A_231 : f32 to vector<16xf32>
          %mul3A_256 = arith.mulf %get3A_254, %mul3A_255 : vector<16xf32>
          %swap3A_257 = arith.index_cast %add3A_235 : i32 to index
          %swap3A_258 = arith.constant 32 : index
          %swap3A_259 = tpu.vector_load %arg15[%swap3A_257, %swap3A_258] {strides = array<i32>} : memref<64x128xf32, #tpu.memory_space<vmem>>, vector<16xf32>,
          tpu.vector_store %arg15[%swap3A_257, %swap3A_258], %mul3A_256 {strides = array<i32>} : memref<64x128xf32, #tpu.memory_space<vmem>>, vector<16xf32>,
          %get3A_260 = arith.index_cast %add3A_235 : i32 to index
          %get3A_261 = arith.constant 48 : index
          %get3A_262 = tpu.vector_load %arg15[%get3A_260, %get3A_261] {strides = array<i32>} : memref<64x128xf32, #tpu.memory_space<vmem>>, vector<16xf32>,
          %mul3A_263 = vector.broadcast %squeeze3A_231 : f32 to vector<16xf32>
          %mul3A_264 = arith.mulf %get3A_262, %mul3A_263 : vector<16xf32>
          %swap3A_265 = arith.index_cast %add3A_235 : i32 to index
          %swap3A_266 = arith.constant 48 : index
          %swap3A_267 = tpu.vector_load %arg15[%swap3A_265, %swap3A_266] {strides = array<i32>} : memref<64x128xf32, #tpu.memory_space<vmem>>, vector<16xf32>,
          tpu.vector_store %arg15[%swap3A_265, %swap3A_266], %mul3A_264 {strides = array<i32>} : memref<64x128xf32, #tpu.memory_space<vmem>>, vector<16xf32>,
          %get3A_268 = arith.index_cast %add3A_235 : i32 to index
          %get3A_269 = arith.constant 64 : index
          %get3A_270 = tpu.vector_load %arg15[%get3A_268, %get3A_269] {strides = array<i32>} : memref<64x128xf32, #tpu.memory_space<vmem>>, vector<16xf32>,
          %mul3A_271 = vector.broadcast %squeeze3A_231 : f32 to vector<16xf32>
          %mul3A_272 = arith.mulf %get3A_270, %mul3A_271 : vector<16xf32>
          %swap3A_273 = arith.index_cast %add3A_235 : i32 to index
          %swap3A_274 = arith.constant 64 : index
          %swap3A_275 = tpu.vector_load %arg15[%swap3A_273, %swap3A_274] {strides = array<i32>} : memref<64x128xf32, #tpu.memory_space<vmem>>, vector<16xf32>,
          tpu.vector_store %arg15[%swap3A_273, %swap3A_274], %mul3A_272 {strides = array<i32>} : memref<64x128xf32, #tpu.memory_space<vmem>>, vector<16xf32>,
          %get3A_276 = arith.index_cast %add3A_235 : i32 to index
          %get3A_277 = arith.constant 80 : index
          %get3A_278 = tpu.vector_load %arg15[%get3A_276, %get3A_277] {strides = array<i32>} : memref<64x128xf32, #tpu.memory_space<vmem>>, vector<16xf32>,
          %mul3A_279 = vector.broadcast %squeeze3A_231 : f32 to vector<16xf32>
          %mul3A_280 = arith.mulf %get3A_278, %mul3A_279 : vector<16xf32>
          %swap3A_281 = arith.index_cast %add3A_235 : i32 to index
          %swap3A_282 = arith.constant 80 : index
          %swap3A_283 = tpu.vector_load %arg15[%swap3A_281, %swap3A_282] {strides = array<i32>} : memref<64x128xf32, #tpu.memory_space<vmem>>, vector<16xf32>,
          tpu.vector_store %arg15[%swap3A_281, %swap3A_282], %mul3A_280 {strides = array<i32>} : memref<64x128xf32, #tpu.memory_space<vmem>>, vector<16xf32>,
          %get3A_284 = arith.index_cast %add3A_235 : i32 to index
          %get3A_285 = arith.constant 96 : index
          %get3A_286 = tpu.vector_load %arg15[%get3A_284, %get3A_285] {strides = array<i32>} : memref<64x128xf32, #tpu.memory_space<vmem>>, vector<16xf32>,
          %mul3A_287 = vector.broadcast %squeeze3A_231 : f32 to vector<16xf32>
          %mul3A_288 = arith.mulf %get3A_286, %mul3A_287 : vector<16xf32>
          %swap3A_289 = arith.index_cast %add3A_235 : i32 to index
          %swap3A_290 = arith.constant 96 : index
          %swap3A_291 = tpu.vector_load %arg15[%swap3A_289, %swap3A_290] {strides = array<i32>} : memref<64x128xf32, #tpu.memory_space<vmem>>, vector<16xf32>,
          tpu.vector_store %arg15[%swap3A_289, %swap3A_290], %mul3A_288 {strides = array<i32>} : memref<64x128xf32, #tpu.memory_space<vmem>>, vector<16xf32>,
          %get3A_292 = arith.index_cast %add3A_235 : i32 to index
          %get3A_293 = arith.constant 112 : index
          %get3A_294 = tpu.vector_load %arg15[%get3A_292, %get3A_293] {strides = array<i32>} : memref<64x128xf32, #tpu.memory_space<vmem>>, vector<16xf32>,
          %mul3A_295 = vector.broadcast %squeeze3A_231 : f32 to vector<16xf32>
          %mul3A_296 = arith.mulf %get3A_294, %mul3A_295 : vector<16xf32>
          %swap3A_297 = arith.index_cast %add3A_235 : i32 to index
          %swap3A_298 = arith.constant 112 : index
          %swap3A_299 = tpu.vector_load %arg15[%swap3A_297, %swap3A_298] {strides = array<i32>} : memref<64x128xf32, #tpu.memory_space<vmem>>, vector<16xf32>,
          tpu.vector_store %arg15[%swap3A_297, %swap3A_298], %mul3A_296 {strides = array<i32>} : memref<64x128xf32, #tpu.memory_space<vmem>>, vector<16xf32>,
          %slice3A_300 = vector.extract_strided_slice %get3A_92 {offsets = [3], sizes = [1], strides = [1]} : vector<16xf32> to vector<1xf32>
          %squeeze3A_301 = vector.extract %slice3A_300[0] : f32 from vector<1xf32>
          %mul3A_302 = arith.constant 16 : i32
          %mul3A_303 = arith.muli %scan3A_89, %mul3A_302 : i32
          %add3A_304 = arith.constant 3 : i32
          %add3A_305 = arith.addi %mul3A_303, %add3A_304 : i32
          %get3A_306 = arith.index_cast %add3A_305 : i32 to index
          %get3A_307 = arith.constant 0 : index
          %get3A_308 = tpu.vector_load %arg15[%get3A_306, %get3A_307] {strides = array<i32>} : memref<64x128xf32, #tpu.memory_space<vmem>>, vector<16xf32>,
          %mul3A_309 = vector.broadcast %squeeze3A_301 : f32 to vector<16xf32>
          %mul3A_310 = arith.mulf %get3A_308, %mul3A_309 : vector<16xf32>
          %swap3A_311 = arith.index_cast %add3A_305 : i32 to index
          %swap3A_312 = arith.constant 0 : index
          %swap3A_313 = tpu.vector_load %arg15[%swap3A_311, %swap3A_312] {strides = array<i32>} : memref<64x128xf32, #tpu.memory_space<vmem>>, vector<16xf32>,
          tpu.vector_store %arg15[%swap3A_311, %swap3A_312], %mul3A_310 {strides = array<i32>} : memref<64x128xf32, #tpu.memory_space<vmem>>, vector<16xf32>,
          %get3A_314 = arith.index_cast %add3A_305 : i32 to index
          %get3A_315 = arith.constant 16 : index
          %get3A_316 = tpu.vector_load %arg15[%get3A_314, %get3A_315] {strides = array<i32>} : memref<64x128xf32, #tpu.memory_space<vmem>>, vector<16xf32>,
          %mul3A_317 = vector.broadcast %squeeze3A_301 : f32 to vector<16xf32>
          %mul3A_318 = arith.mulf %get3A_316, %mul3A_317 : vector<16xf32>
          %swap3A_319 = arith.index_cast %add3A_305 : i32 to index
          %swap3A_320 = arith.constant 16 : index
          %swap3A_321 = tpu.vector_load %arg15[%swap3A_319, %swap3A_320] {strides = array<i32>} : memref<64x128xf32, #tpu.memory_space<vmem>>, vector<16xf32>,
          tpu.vector_store %arg15[%swap3A_319, %swap3A_320], %mul3A_318 {strides = array<i32>} : memref<64x128xf32, #tpu.memory_space<vmem>>, vector<16xf32>,
          %get3A_322 = arith.index_cast %add3A_305 : i32 to index
          %get3A_323 = arith.constant 32 : index
          %get3A_324 = tpu.vector_load %arg15[%get3A_322, %get3A_323] {strides = array<i32>} : memref<64x128xf32, #tpu.memory_space<vmem>>, vector<16xf32>,
          %mul3A_325 = vector.broadcast %squeeze3A_301 : f32 to vector<16xf32>
          %mul3A_326 = arith.mulf %get3A_324, %mul3A_325 : vector<16xf32>
          %swap3A_327 = arith.index_cast %add3A_305 : i32 to index
          %swap3A_328 = arith.constant 32 : index
          %swap3A_329 = tpu.vector_load %arg15[%swap3A_327, %swap3A_328] {strides = array<i32>} : memref<64x128xf32, #tpu.memory_space<vmem>>, vector<16xf32>,
          tpu.vector_store %arg15[%swap3A_327, %swap3A_328], %mul3A_326 {strides = array<i32>} : memref<64x128xf32, #tpu.memory_space<vmem>>, vector<16xf32>,
          %get3A_330 = arith.index_cast %add3A_305 : i32 to index
          %get3A_331 = arith.constant 48 : index
          %get3A_332 = tpu.vector_load %arg15[%get3A_330, %get3A_331] {strides = array<i32>} : memref<64x128xf32, #tpu.memory_space<vmem>>, vector<16xf32>,
          %mul3A_333 = vector.broadcast %squeeze3A_301 : f32 to vector<16xf32>
          %mul3A_334 = arith.mulf %get3A_332, %mul3A_333 : vector<16xf32>
          %swap3A_335 = arith.index_cast %add3A_305 : i32 to index
          %swap3A_336 = arith.constant 48 : index
          %swap3A_337 = tpu.vector_load %arg15[%swap3A_335, %swap3A_336] {strides = array<i32>} : memref<64x128xf32, #tpu.memory_space<vmem>>, vector<16xf32>,
          tpu.vector_store %arg15[%swap3A_335, %swap3A_336], %mul3A_334 {strides = array<i32>} : memref<64x128xf32, #tpu.memory_space<vmem>>, vector<16xf32>,
          %get3A_338 = arith.index_cast %add3A_305 : i32 to index
          %get3A_339 = arith.constant 64 : index
          %get3A_340 = tpu.vector_load %arg15[%get3A_338, %get3A_339] {strides = array<i32>} : memref<64x128xf32, #tpu.memory_space<vmem>>, vector<16xf32>,
          %mul3A_341 = vector.broadcast %squeeze3A_301 : f32 to vector<16xf32>
          %mul3A_342 = arith.mulf %get3A_340, %mul3A_341 : vector<16xf32>
          %swap3A_343 = arith.index_cast %add3A_305 : i32 to index
          %swap3A_344 = arith.constant 64 : index
          %swap3A_345 = tpu.vector_load %arg15[%swap3A_343, %swap3A_344] {strides = array<i32>} : memref<64x128xf32, #tpu.memory_space<vmem>>, vector<16xf32>,
          tpu.vector_store %arg15[%swap3A_343, %swap3A_344], %mul3A_342 {strides = array<i32>} : memref<64x128xf32, #tpu.memory_space<vmem>>, vector<16xf32>,
          %get3A_346 = arith.index_cast %add3A_305 : i32 to index
          %get3A_347 = arith.constant 80 : index
          %get3A_348 = tpu.vector_load %arg15[%get3A_346, %get3A_347] {strides = array<i32>} : memref<64x128xf32, #tpu.memory_space<vmem>>, vector<16xf32>,
          %mul3A_349 = vector.broadcast %squeeze3A_301 : f32 to vector<16xf32>
          %mul3A_350 = arith.mulf %get3A_348, %mul3A_349 : vector<16xf32>
          %swap3A_351 = arith.index_cast %add3A_305 : i32 to index
          %swap3A_352 = arith.constant 80 : index
          %swap3A_353 = tpu.vector_load %arg15[%swap3A_351, %swap3A_352] {strides = array<i32>} : memref<64x128xf32, #tpu.memory_space<vmem>>, vector<16xf32>,
          tpu.vector_store %arg15[%swap3A_351, %swap3A_352], %mul3A_350 {strides = array<i32>} : memref<64x128xf32, #tpu.memory_space<vmem>>, vector<16xf32>,
          %get3A_354 = arith.index_cast %add3A_305 : i32 to index
          %get3A_355 = arith.constant 96 : index
          %get3A_356 = tpu.vector_load %arg15[%get3A_354, %get3A_355] {strides = array<i32>} : memref<64x128xf32, #tpu.memory_space<vmem>>, vector<16xf32>,
          %mul3A_357 = vector.broadcast %squeeze3A_301 : f32 to vector<16xf32>
          %mul3A_358 = arith.mulf %get3A_356, %mul3A_357 : vector<16xf32>
          %swap3A_359 = arith.index_cast %add3A_305 : i32 to index
          %swap3A_360 = arith.constant 96 : index
          %swap3A_361 = tpu.vector_load %arg15[%swap3A_359, %swap3A_360] {strides = array<i32>} : memref<64x128xf32, #tpu.memory_space<vmem>>, vector<16xf32>,
          tpu.vector_store %arg15[%swap3A_359, %swap3A_360], %mul3A_358 {strides = array<i32>} : memref<64x128xf32, #tpu.memory_space<vmem>>, vector<16xf32>,
          %get3A_362 = arith.index_cast %add3A_305 : i32 to index
          %get3A_363 = arith.constant 112 : index
          %get3A_364 = tpu.vector_load %arg15[%get3A_362, %get3A_363] {strides = array<i32>} : memref<64x128xf32, #tpu.memory_space<vmem>>, vector<16xf32>,
          %mul3A_365 = vector.broadcast %squeeze3A_301 : f32 to vector<16xf32>
          %mul3A_366 = arith.mulf %get3A_364, %mul3A_365 : vector<16xf32>
          %swap3A_367 = arith.index_cast %add3A_305 : i32 to index
          %swap3A_368 = arith.constant 112 : index
          %swap3A_369 = tpu.vector_load %arg15[%swap3A_367, %swap3A_368] {strides = array<i32>} : memref<64x128xf32, #tpu.memory_space<vmem>>, vector<16xf32>,
          tpu.vector_store %arg15[%swap3A_367, %swap3A_368], %mul3A_366 {strides = array<i32>} : memref<64x128xf32, #tpu.memory_space<vmem>>, vector<16xf32>,
          %slice3A_370 = vector.extract_strided_slice %get3A_92 {offsets = [4], sizes = [1], strides = [1]} : vector<16xf32> to vector<1xf32>
          %squeeze3A_371 = vector.extract %slice3A_370[0] : f32 from vector<1xf32>
          %mul3A_372 = arith.constant 16 : i32
          %mul3A_373 = arith.muli %scan3A_89, %mul3A_372 : i32
          %add3A_374 = arith.constant 4 : i32
          %add3A_375 = arith.addi %mul3A_373, %add3A_374 : i32
          %get3A_376 = arith.index_cast %add3A_375 : i32 to index
          %get3A_377 = arith.constant 0 : index
          %get3A_378 = tpu.vector_load %arg15[%get3A_376, %get3A_377] {strides = array<i32>} : memref<64x128xf32, #tpu.memory_space<vmem>>, vector<16xf32>,
          %mul3A_379 = vector.broadcast %squeeze3A_371 : f32 to vector<16xf32>
          %mul3A_380 = arith.mulf %get3A_378, %mul3A_379 : vector<16xf32>
          %swap3A_381 = arith.index_cast %add3A_375 : i32 to index
          %swap3A_382 = arith.constant 0 : index
          %swap3A_383 = tpu.vector_load %arg15[%swap3A_381, %swap3A_382] {strides = array<i32>} : memref<64x128xf32, #tpu.memory_space<vmem>>, vector<16xf32>,
          tpu.vector_store %arg15[%swap3A_381, %swap3A_382], %mul3A_380 {strides = array<i32>} : memref<64x128xf32, #tpu.memory_space<vmem>>, vector<16xf32>,
          %get3A_384 = arith.index_cast %add3A_375 : i32 to index
          %get3A_385 = arith.constant 16 : index
          %get3A_386 = tpu.vector_load %arg15[%get3A_384, %get3A_385] {strides = array<i32>} : memref<64x128xf32, #tpu.memory_space<vmem>>, vector<16xf32>,
          %mul3A_387 = vector.broadcast %squeeze3A_371 : f32 to vector<16xf32>
          %mul3A_388 = arith.mulf %get3A_386, %mul3A_387 : vector<16xf32>
          %swap3A_389 = arith.index_cast %add3A_375 : i32 to index
          %swap3A_390 = arith.constant 16 : index
          %swap3A_391 = tpu.vector_load %arg15[%swap3A_389, %swap3A_390] {strides = array<i32>} : memref<64x128xf32, #tpu.memory_space<vmem>>, vector<16xf32>,
          tpu.vector_store %arg15[%swap3A_389, %swap3A_390], %mul3A_388 {strides = array<i32>} : memref<64x128xf32, #tpu.memory_space<vmem>>, vector<16xf32>,
          %get3A_392 = arith.index_cast %add3A_375 : i32 to index
          %get3A_393 = arith.constant 32 : index
          %get3A_394 = tpu.vector_load %arg15[%get3A_392, %get3A_393] {strides = array<i32>} : memref<64x128xf32, #tpu.memory_space<vmem>>, vector<16xf32>,
          %mul3A_395 = vector.broadcast %squeeze3A_371 : f32 to vector<16xf32>
          %mul3A_396 = arith.mulf %get3A_394, %mul3A_395 : vector<16xf32>
          %swap3A_397 = arith.index_cast %add3A_375 : i32 to index
          %swap3A_398 = arith.constant 32 : index
          %swap3A_399 = tpu.vector_load %arg15[%swap3A_397, %swap3A_398] {strides = array<i32>} : memref<64x128xf32, #tpu.memory_space<vmem>>, vector<16xf32>,
          tpu.vector_store %arg15[%swap3A_397, %swap3A_398], %mul3A_396 {strides = array<i32>} : memref<64x128xf32, #tpu.memory_space<vmem>>, vector<16xf32>,
          %get3A_400 = arith.index_cast %add3A_375 : i32 to index
          %get3A_401 = arith.constant 48 : index
          %get3A_402 = tpu.vector_load %arg15[%get3A_400, %get3A_401] {strides = array<i32>} : memref<64x128xf32, #tpu.memory_space<vmem>>, vector<16xf32>,
          %mul3A_403 = vector.broadcast %squeeze3A_371 : f32 to vector<16xf32>
          %mul3A_404 = arith.mulf %get3A_402, %mul3A_403 : vector<16xf32>
          %swap3A_405 = arith.index_cast %add3A_375 : i32 to index
          %swap3A_406 = arith.constant 48 : index
          %swap3A_407 = tpu.vector_load %arg15[%swap3A_405, %swap3A_406] {strides = array<i32>} : memref<64x128xf32, #tpu.memory_space<vmem>>, vector<16xf32>,
          tpu.vector_store %arg15[%swap3A_405, %swap3A_406], %mul3A_404 {strides = array<i32>} : memref<64x128xf32, #tpu.memory_space<vmem>>, vector<16xf32>,
          %get3A_408 = arith.index_cast %add3A_375 : i32 to index
          %get3A_409 = arith.constant 64 : index
          %get3A_410 = tpu.vector_load %arg15[%get3A_408, %get3A_409] {strides = array<i32>} : memref<64x128xf32, #tpu.memory_space<vmem>>, vector<16xf32>,
          %mul3A_411 = vector.broadcast %squeeze3A_371 : f32 to vector<16xf32>
          %mul3A_412 = arith.mulf %get3A_410, %mul3A_411 : vector<16xf32>
          %swap3A_413 = arith.index_cast %add3A_375 : i32 to index
          %swap3A_414 = arith.constant 64 : index
          %swap3A_415 = tpu.vector_load %arg15[%swap3A_413, %swap3A_414] {strides = array<i32>} : memref<64x128xf32, #tpu.memory_space<vmem>>, vector<16xf32>,
          tpu.vector_store %arg15[%swap3A_413, %swap3A_414], %mul3A_412 {strides = array<i32>} : memref<64x128xf32, #tpu.memory_space<vmem>>, vector<16xf32>,
          %get3A_416 = arith.index_cast %add3A_375 : i32 to index
          %get3A_417 = arith.constant 80 : index
          %get3A_418 = tpu.vector_load %arg15[%get3A_416, %get3A_417] {strides = array<i32>} : memref<64x128xf32, #tpu.memory_space<vmem>>, vector<16xf32>,
          %mul3A_419 = vector.broadcast %squeeze3A_371 : f32 to vector<16xf32>
          %mul3A_420 = arith.mulf %get3A_418, %mul3A_419 : vector<16xf32>
          %swap3A_421 = arith.index_cast %add3A_375 : i32 to index
          %swap3A_422 = arith.constant 80 : index
          %swap3A_423 = tpu.vector_load %arg15[%swap3A_421, %swap3A_422] {strides = array<i32>} : memref<64x128xf32, #tpu.memory_space<vmem>>, vector<16xf32>,
          tpu.vector_store %arg15[%swap3A_421, %swap3A_422], %mul3A_420 {strides = array<i32>} : memref<64x128xf32, #tpu.memory_space<vmem>>, vector<16xf32>,
          %get3A_424 = arith.index_cast %add3A_375 : i32 to index
          %get3A_425 = arith.constant 96 : index
          %get3A_426 = tpu.vector_load %arg15[%get3A_424, %get3A_425] {strides = array<i32>} : memref<64x128xf32, #tpu.memory_space<vmem>>, vector<16xf32>,
          %mul3A_427 = vector.broadcast %squeeze3A_371 : f32 to vector<16xf32>
          %mul3A_428 = arith.mulf %get3A_426, %mul3A_427 : vector<16xf32>
          %swap3A_429 = arith.index_cast %add3A_375 : i32 to index
          %swap3A_430 = arith.constant 96 : index
          %swap3A_431 = tpu.vector_load %arg15[%swap3A_429, %swap3A_430] {strides = array<i32>} : memref<64x128xf32, #tpu.memory_space<vmem>>, vector<16xf32>,
          tpu.vector_store %arg15[%swap3A_429, %swap3A_430], %mul3A_428 {strides = array<i32>} : memref<64x128xf32, #tpu.memory_space<vmem>>, vector<16xf32>,
          %get3A_432 = arith.index_cast %add3A_375 : i32 to index
          %get3A_433 = arith.constant 112 : index
          %get3A_434 = tpu.vector_load %arg15[%get3A_432, %get3A_433] {strides = array<i32>} : memref<64x128xf32, #tpu.memory_space<vmem>>, vector<16xf32>,
          %mul3A_435 = vector.broadcast %squeeze3A_371 : f32 to vector<16xf32>
          %mul3A_436 = arith.mulf %get3A_434, %mul3A_435 : vector<16xf32>
          %swap3A_437 = arith.index_cast %add3A_375 : i32 to index
          %swap3A_438 = arith.constant 112 : index
          %swap3A_439 = tpu.vector_load %arg15[%swap3A_437, %swap3A_438] {strides = array<i32>} : memref<64x128xf32, #tpu.memory_space<vmem>>, vector<16xf32>,
          tpu.vector_store %arg15[%swap3A_437, %swap3A_438], %mul3A_436 {strides = array<i32>} : memref<64x128xf32, #tpu.memory_space<vmem>>, vector<16xf32>,
          %slice3A_440 = vector.extract_strided_slice %get3A_92 {offsets = [5], sizes = [1], strides = [1]} : vector<16xf32> to vector<1xf32>
          %squeeze3A_441 = vector.extract %slice3A_440[0] : f32 from vector<1xf32>
          %mul3A_442 = arith.constant 16 : i32
          %mul3A_443 = arith.muli %scan3A_89, %mul3A_442 : i32
          %add3A_444 = arith.constant 5 : i32
          %add3A_445 = arith.addi %mul3A_443, %add3A_444 : i32
          %get3A_446 = arith.index_cast %add3A_445 : i32 to index
          %get3A_447 = arith.constant 0 : index
          %get3A_448 = tpu.vector_load %arg15[%get3A_446, %get3A_447] {strides = array<i32>} : memref<64x128xf32, #tpu.memory_space<vmem>>, vector<16xf32>,
          %mul3A_449 = vector.broadcast %squeeze3A_441 : f32 to vector<16xf32>
          %mul3A_450 = arith.mulf %get3A_448, %mul3A_449 : vector<16xf32>
          %swap3A_451 = arith.index_cast %add3A_445 : i32 to index
          %swap3A_452 = arith.constant 0 : index
          %swap3A_453 = tpu.vector_load %arg15[%swap3A_451, %swap3A_452] {strides = array<i32>} : memref<64x128xf32, #tpu.memory_space<vmem>>, vector<16xf32>,
          tpu.vector_store %arg15[%swap3A_451, %swap3A_452], %mul3A_450 {strides = array<i32>} : memref<64x128xf32, #tpu.memory_space<vmem>>, vector<16xf32>,
          %get3A_454 = arith.index_cast %add3A_445 : i32 to index
          %get3A_455 = arith.constant 16 : index
          %get3A_456 = tpu.vector_load %arg15[%get3A_454, %get3A_455] {strides = array<i32>} : memref<64x128xf32, #tpu.memory_space<vmem>>, vector<16xf32>,
          %mul3A_457 = vector.broadcast %squeeze3A_441 : f32 to vector<16xf32>
          %mul3A_458 = arith.mulf %get3A_456, %mul3A_457 : vector<16xf32>
          %swap3A_459 = arith.index_cast %add3A_445 : i32 to index
          %swap3A_460 = arith.constant 16 : index
          %swap3A_461 = tpu.vector_load %arg15[%swap3A_459, %swap3A_460] {strides = array<i32>} : memref<64x128xf32, #tpu.memory_space<vmem>>, vector<16xf32>,
          tpu.vector_store %arg15[%swap3A_459, %swap3A_460], %mul3A_458 {strides = array<i32>} : memref<64x128xf32, #tpu.memory_space<vmem>>, vector<16xf32>,
          %get3A_462 = arith.index_cast %add3A_445 : i32 to index
          %get3A_463 = arith.constant 32 : index
          %get3A_464 = tpu.vector_load %arg15[%get3A_462, %get3A_463] {strides = array<i32>} : memref<64x128xf32, #tpu.memory_space<vmem>>, vector<16xf32>,
          %mul3A_465 = vector.broadcast %squeeze3A_441 : f32 to vector<16xf32>
          %mul3A_466 = arith.mulf %get3A_464, %mul3A_465 : vector<16xf32>
          %swap3A_467 = arith.index_cast %add3A_445 : i32 to index
          %swap3A_468 = arith.constant 32 : index
          %swap3A_469 = tpu.vector_load %arg15[%swap3A_467, %swap3A_468] {strides = array<i32>} : memref<64x128xf32, #tpu.memory_space<vmem>>, vector<16xf32>,
          tpu.vector_store %arg15[%swap3A_467, %swap3A_468], %mul3A_466 {strides = array<i32>} : memref<64x128xf32, #tpu.memory_space<vmem>>, vector<16xf32>,
          %get3A_470 = arith.index_cast %add3A_445 : i32 to index
          %get3A_471 = arith.constant 48 : index
          %get3A_472 = tpu.vector_load %arg15[%get3A_470, %get3A_471] {strides = array<i32>} : memref<64x128xf32, #tpu.memory_space<vmem>>, vector<16xf32>,
          %mul3A_473 = vector.broadcast %squeeze3A_441 : f32 to vector<16xf32>
          %mul3A_474 = arith.mulf %get3A_472, %mul3A_473 : vector<16xf32>
          %swap3A_475 = arith.index_cast %add3A_445 : i32 to index
          %swap3A_476 = arith.constant 48 : index
          %swap3A_477 = tpu.vector_load %arg15[%swap3A_475, %swap3A_476] {strides = array<i32>} : memref<64x128xf32, #tpu.memory_space<vmem>>, vector<16xf32>,
          tpu.vector_store %arg15[%swap3A_475, %swap3A_476], %mul3A_474 {strides = array<i32>} : memref<64x128xf32, #tpu.memory_space<vmem>>, vector<16xf32>,
          %get3A_478 = arith.index_cast %add3A_445 : i32 to index
          %get3A_479 = arith.constant 64 : index
          %get3A_480 = tpu.vector_load %arg15[%get3A_478, %get3A_479] {strides = array<i32>} : memref<64x128xf32, #tpu.memory_space<vmem>>, vector<16xf32>,
          %mul3A_481 = vector.broadcast %squeeze3A_441 : f32 to vector<16xf32>
          %mul3A_482 = arith.mulf %get3A_480, %mul3A_481 : vector<16xf32>
          %swap3A_483 = arith.index_cast %add3A_445 : i32 to index
          %swap3A_484 = arith.constant 64 : index
          %swap3A_485 = tpu.vector_load %arg15[%swap3A_483, %swap3A_484] {strides = array<i32>} : memref<64x128xf32, #tpu.memory_space<vmem>>, vector<16xf32>,
          tpu.vector_store %arg15[%swap3A_483, %swap3A_484], %mul3A_482 {strides = array<i32>} : memref<64x128xf32, #tpu.memory_space<vmem>>, vector<16xf32>,
          %get3A_486 = arith.index_cast %add3A_445 : i32 to index
          %get3A_487 = arith.constant 80 : index
          %get3A_488 = tpu.vector_load %arg15[%get3A_486, %get3A_487] {strides = array<i32>} : memref<64x128xf32, #tpu.memory_space<vmem>>, vector<16xf32>,
          %mul3A_489 = vector.broadcast %squeeze3A_441 : f32 to vector<16xf32>
          %mul3A_490 = arith.mulf %get3A_488, %mul3A_489 : vector<16xf32>
          %swap3A_491 = arith.index_cast %add3A_445 : i32 to index
          %swap3A_492 = arith.constant 80 : index
          %swap3A_493 = tpu.vector_load %arg15[%swap3A_491, %swap3A_492] {strides = array<i32>} : memref<64x128xf32, #tpu.memory_space<vmem>>, vector<16xf32>,
          tpu.vector_store %arg15[%swap3A_491, %swap3A_492], %mul3A_490 {strides = array<i32>} : memref<64x128xf32, #tpu.memory_space<vmem>>, vector<16xf32>,
          %get3A_494 = arith.index_cast %add3A_445 : i32 to index
          %get3A_495 = arith.constant 96 : index
          %get3A_496 = tpu.vector_load %arg15[%get3A_494, %get3A_495] {strides = array<i32>} : memref<64x128xf32, #tpu.memory_space<vmem>>, vector<16xf32>,
          %mul3A_497 = vector.broadcast %squeeze3A_441 : f32 to vector<16xf32>
          %mul3A_498 = arith.mulf %get3A_496, %mul3A_497 : vector<16xf32>
          %swap3A_499 = arith.index_cast %add3A_445 : i32 to index
          %swap3A_500 = arith.constant 96 : index
          %swap3A_501 = tpu.vector_load %arg15[%swap3A_499, %swap3A_500] {strides = array<i32>} : memref<64x128xf32, #tpu.memory_space<vmem>>, vector<16xf32>,
          tpu.vector_store %arg15[%swap3A_499, %swap3A_500], %mul3A_498 {strides = array<i32>} : memref<64x128xf32, #tpu.memory_space<vmem>>, vector<16xf32>,
          %get3A_502 = arith.index_cast %add3A_445 : i32 to index
          %get3A_503 = arith.constant 112 : index
          %get3A_504 = tpu.vector_load %arg15[%get3A_502, %get3A_503] {strides = array<i32>} : memref<64x128xf32, #tpu.memory_space<vmem>>, vector<16xf32>,
          %mul3A_505 = vector.broadcast %squeeze3A_441 : f32 to vector<16xf32>
          %mul3A_506 = arith.mulf %get3A_504, %mul3A_505 : vector<16xf32>
          %swap3A_507 = arith.index_cast %add3A_445 : i32 to index
          %swap3A_508 = arith.constant 112 : index
          %swap3A_509 = tpu.vector_load %arg15[%swap3A_507, %swap3A_508] {strides = array<i32>} : memref<64x128xf32, #tpu.memory_space<vmem>>, vector<16xf32>,
          tpu.vector_store %arg15[%swap3A_507, %swap3A_508], %mul3A_506 {strides = array<i32>} : memref<64x128xf32, #tpu.memory_space<vmem>>, vector<16xf32>,
          %slice3A_510 = vector.extract_strided_slice %get3A_92 {offsets = [6], sizes = [1], strides = [1]} : vector<16xf32> to vector<1xf32>
          %squeeze3A_511 = vector.extract %slice3A_510[0] : f32 from vector<1xf32>
          %mul3A_512 = arith.constant 16 : i32
          %mul3A_513 = arith.muli %scan3A_89, %mul3A_512 : i32
          %add3A_514 = arith.constant 6 : i32
          %add3A_515 = arith.addi %mul3A_513, %add3A_514 : i32
          %get3A_516 = arith.index_cast %add3A_515 : i32 to index
          %get3A_517 = arith.constant 0 : index
          %get3A_518 = tpu.vector_load %arg15[%get3A_516, %get3A_517] {strides = array<i32>} : memref<64x128xf32, #tpu.memory_space<vmem>>, vector<16xf32>,
          %mul3A_519 = vector.broadcast %squeeze3A_511 : f32 to vector<16xf32>
          %mul3A_520 = arith.mulf %get3A_518, %mul3A_519 : vector<16xf32>
          %swap3A_521 = arith.index_cast %add3A_515 : i32 to index
          %swap3A_522 = arith.constant 0 : index
          %swap3A_523 = tpu.vector_load %arg15[%swap3A_521, %swap3A_522] {strides = array<i32>} : memref<64x128xf32, #tpu.memory_space<vmem>>, vector<16xf32>,
          tpu.vector_store %arg15[%swap3A_521, %swap3A_522], %mul3A_520 {strides = array<i32>} : memref<64x128xf32, #tpu.memory_space<vmem>>, vector<16xf32>,
          %get3A_524 = arith.index_cast %add3A_515 : i32 to index
          %get3A_525 = arith.constant 16 : index
          %get3A_526 = tpu.vector_load %arg15[%get3A_524, %get3A_525] {strides = array<i32>} : memref<64x128xf32, #tpu.memory_space<vmem>>, vector<16xf32>,
          %mul3A_527 = vector.broadcast %squeeze3A_511 : f32 to vector<16xf32>
          %mul3A_528 = arith.mulf %get3A_526, %mul3A_527 : vector<16xf32>
          %swap3A_529 = arith.index_cast %add3A_515 : i32 to index
          %swap3A_530 = arith.constant 16 : index
          %swap3A_531 = tpu.vector_load %arg15[%swap3A_529, %swap3A_530] {strides = array<i32>} : memref<64x128xf32, #tpu.memory_space<vmem>>, vector<16xf32>,
          tpu.vector_store %arg15[%swap3A_529, %swap3A_530], %mul3A_528 {strides = array<i32>} : memref<64x128xf32, #tpu.memory_space<vmem>>, vector<16xf32>,
          %get3A_532 = arith.index_cast %add3A_515 : i32 to index
          %get3A_533 = arith.constant 32 : index
          %get3A_534 = tpu.vector_load %arg15[%get3A_532, %get3A_533] {strides = array<i32>} : memref<64x128xf32, #tpu.memory_space<vmem>>, vector<16xf32>,
          %mul3A_535 = vector.broadcast %squeeze3A_511 : f32 to vector<16xf32>
          %mul3A_536 = arith.mulf %get3A_534, %mul3A_535 : vector<16xf32>
          %swap3A_537 = arith.index_cast %add3A_515 : i32 to index
          %swap3A_538 = arith.constant 32 : index
          %swap3A_539 = tpu.vector_load %arg15[%swap3A_537, %swap3A_538] {strides = array<i32>} : memref<64x128xf32, #tpu.memory_space<vmem>>, vector<16xf32>,
          tpu.vector_store %arg15[%swap3A_537, %swap3A_538], %mul3A_536 {strides = array<i32>} : memref<64x128xf32, #tpu.memory_space<vmem>>, vector<16xf32>,
          %get3A_540 = arith.index_cast %add3A_515 : i32 to index
          %get3A_541 = arith.constant 48 : index
          %get3A_542 = tpu.vector_load %arg15[%get3A_540, %get3A_541] {strides = array<i32>} : memref<64x128xf32, #tpu.memory_space<vmem>>, vector<16xf32>,
          %mul3A_543 = vector.broadcast %squeeze3A_511 : f32 to vector<16xf32>
          %mul3A_544 = arith.mulf %get3A_542, %mul3A_543 : vector<16xf32>
          %swap3A_545 = arith.index_cast %add3A_515 : i32 to index
          %swap3A_546 = arith.constant 48 : index
          %swap3A_547 = tpu.vector_load %arg15[%swap3A_545, %swap3A_546] {strides = array<i32>} : memref<64x128xf32, #tpu.memory_space<vmem>>, vector<16xf32>,
          tpu.vector_store %arg15[%swap3A_545, %swap3A_546], %mul3A_544 {strides = array<i32>} : memref<64x128xf32, #tpu.memory_space<vmem>>, vector<16xf32>,
          %get3A_548 = arith.index_cast %add3A_515 : i32 to index
          %get3A_549 = arith.constant 64 : index
          %get3A_550 = tpu.vector_load %arg15[%get3A_548, %get3A_549] {strides = array<i32>} : memref<64x128xf32, #tpu.memory_space<vmem>>, vector<16xf32>,
          %mul3A_551 = vector.broadcast %squeeze3A_511 : f32 to vector<16xf32>
          %mul3A_552 = arith.mulf %get3A_550, %mul3A_551 : vector<16xf32>
          %swap3A_553 = arith.index_cast %add3A_515 : i32 to index
          %swap3A_554 = arith.constant 64 : index
          %swap3A_555 = tpu.vector_load %arg15[%swap3A_553, %swap3A_554] {strides = array<i32>} : memref<64x128xf32, #tpu.memory_space<vmem>>, vector<16xf32>,
          tpu.vector_store %arg15[%swap3A_553, %swap3A_554], %mul3A_552 {strides = array<i32>} : memref<64x128xf32, #tpu.memory_space<vmem>>, vector<16xf32>,
          %get3A_556 = arith.index_cast %add3A_515 : i32 to index
          %get3A_557 = arith.constant 80 : index
          %get3A_558 = tpu.vector_load %arg15[%get3A_556, %get3A_557] {strides = array<i32>} : memref<64x128xf32, #tpu.memory_space<vmem>>, vector<16xf32>,
          %mul3A_559 = vector.broadcast %squeeze3A_511 : f32 to vector<16xf32>
          %mul3A_560 = arith.mulf %get3A_558, %mul3A_559 : vector<16xf32>
          %swap3A_561 = arith.index_cast %add3A_515 : i32 to index
          %swap3A_562 = arith.constant 80 : index
          %swap3A_563 = tpu.vector_load %arg15[%swap3A_561, %swap3A_562] {strides = array<i32>} : memref<64x128xf32, #tpu.memory_space<vmem>>, vector<16xf32>,
          tpu.vector_store %arg15[%swap3A_561, %swap3A_562], %mul3A_560 {strides = array<i32>} : memref<64x128xf32, #tpu.memory_space<vmem>>, vector<16xf32>,
          %get3A_564 = arith.index_cast %add3A_515 : i32 to index
          %get3A_565 = arith.constant 96 : index
          %get3A_566 = tpu.vector_load %arg15[%get3A_564, %get3A_565] {strides = array<i32>} : memref<64x128xf32, #tpu.memory_space<vmem>>, vector<16xf32>,
          %mul3A_567 = vector.broadcast %squeeze3A_511 : f32 to vector<16xf32>
          %mul3A_568 = arith.mulf %get3A_566, %mul3A_567 : vector<16xf32>
          %swap3A_569 = arith.index_cast %add3A_515 : i32 to index
          %swap3A_570 = arith.constant 96 : index
          %swap3A_571 = tpu.vector_load %arg15[%swap3A_569, %swap3A_570] {strides = array<i32>} : memref<64x128xf32, #tpu.memory_space<vmem>>, vector<16xf32>,
          tpu.vector_store %arg15[%swap3A_569, %swap3A_570], %mul3A_568 {strides = array<i32>} : memref<64x128xf32, #tpu.memory_space<vmem>>, vector<16xf32>,
          %get3A_572 = arith.index_cast %add3A_515 : i32 to index
          %get3A_573 = arith.constant 112 : index
          %get3A_574 = tpu.vector_load %arg15[%get3A_572, %get3A_573] {strides = array<i32>} : memref<64x128xf32, #tpu.memory_space<vmem>>, vector<16xf32>,
          %mul3A_575 = vector.broadcast %squeeze3A_511 : f32 to vector<16xf32>
          %mul3A_576 = arith.mulf %get3A_574, %mul3A_575 : vector<16xf32>
          %swap3A_577 = arith.index_cast %add3A_515 : i32 to index
          %swap3A_578 = arith.constant 112 : index
          %swap3A_579 = tpu.vector_load %arg15[%swap3A_577, %swap3A_578] {strides = array<i32>} : memref<64x128xf32, #tpu.memory_space<vmem>>, vector<16xf32>,
          tpu.vector_store %arg15[%swap3A_577, %swap3A_578], %mul3A_576 {strides = array<i32>} : memref<64x128xf32, #tpu.memory_space<vmem>>, vector<16xf32>,
          %slice3A_580 = vector.extract_strided_slice %get3A_92 {offsets = [7], sizes = [1], strides = [1]} : vector<16xf32> to vector<1xf32>
          %squeeze3A_581 = vector.extract %slice3A_580[0] : f32 from vector<1xf32>
          %mul3A_582 = arith.constant 16 : i32
          %mul3A_583 = arith.muli %scan3A_89, %mul3A_582 : i32
          %add3A_584 = arith.constant 7 : i32
          %add3A_585 = arith.addi %mul3A_583, %add3A_584 : i32
          %get3A_586 = arith.index_cast %add3A_585 : i32 to index
          %get3A_587 = arith.constant 0 : index
          %get3A_588 = tpu.vector_load %arg15[%get3A_586, %get3A_587] {strides = array<i32>} : memref<64x128xf32, #tpu.memory_space<vmem>>, vector<16xf32>,
          %mul3A_589 = vector.broadcast %squeeze3A_581 : f32 to vector<16xf32>
          %mul3A_590 = arith.mulf %get3A_588, %mul3A_589 : vector<16xf32>
          %swap3A_591 = arith.index_cast %add3A_585 : i32 to index
          %swap3A_592 = arith.constant 0 : index
          %swap3A_593 = tpu.vector_load %arg15[%swap3A_591, %swap3A_592] {strides = array<i32>} : memref<64x128xf32, #tpu.memory_space<vmem>>, vector<16xf32>,
          tpu.vector_store %arg15[%swap3A_591, %swap3A_592], %mul3A_590 {strides = array<i32>} : memref<64x128xf32, #tpu.memory_space<vmem>>, vector<16xf32>,
          %get3A_594 = arith.index_cast %add3A_585 : i32 to index
          %get3A_595 = arith.constant 16 : index
          %get3A_596 = tpu.vector_load %arg15[%get3A_594, %get3A_595] {strides = array<i32>} : memref<64x128xf32, #tpu.memory_space<vmem>>, vector<16xf32>,
          %mul3A_597 = vector.broadcast %squeeze3A_581 : f32 to vector<16xf32>
          %mul3A_598 = arith.mulf %get3A_596, %mul3A_597 : vector<16xf32>
          %swap3A_599 = arith.index_cast %add3A_585 : i32 to index
          %swap3A_600 = arith.constant 16 : index
          %swap3A_601 = tpu.vector_load %arg15[%swap3A_599, %swap3A_600] {strides = array<i32>} : memref<64x128xf32, #tpu.memory_space<vmem>>, vector<16xf32>,
          tpu.vector_store %arg15[%swap3A_599, %swap3A_600], %mul3A_598 {strides = array<i32>} : memref<64x128xf32, #tpu.memory_space<vmem>>, vector<16xf32>,
          %get3A_602 = arith.index_cast %add3A_585 : i32 to index
          %get3A_603 = arith.constant 32 : index
          %get3A_604 = tpu.vector_load %arg15[%get3A_602, %get3A_603] {strides = array<i32>} : memref<64x128xf32, #tpu.memory_space<vmem>>, vector<16xf32>,
          %mul3A_605 = vector.broadcast %squeeze3A_581 : f32 to vector<16xf32>
          %mul3A_606 = arith.mulf %get3A_604, %mul3A_605 : vector<16xf32>
          %swap3A_607 = arith.index_cast %add3A_585 : i32 to index
          %swap3A_608 = arith.constant 32 : index
          %swap3A_609 = tpu.vector_load %arg15[%swap3A_607, %swap3A_608] {strides = array<i32>} : memref<64x128xf32, #tpu.memory_space<vmem>>, vector<16xf32>,
          tpu.vector_store %arg15[%swap3A_607, %swap3A_608], %mul3A_606 {strides = array<i32>} : memref<64x128xf32, #tpu.memory_space<vmem>>, vector<16xf32>,
          %get3A_610 = arith.index_cast %add3A_585 : i32 to index
          %get3A_611 = arith.constant 48 : index
          %get3A_612 = tpu.vector_load %arg15[%get3A_610, %get3A_611] {strides = array<i32>} : memref<64x128xf32, #tpu.memory_space<vmem>>, vector<16xf32>,
          %mul3A_613 = vector.broadcast %squeeze3A_581 : f32 to vector<16xf32>
          %mul3A_614 = arith.mulf %get3A_612, %mul3A_613 : vector<16xf32>
          %swap3A_615 = arith.index_cast %add3A_585 : i32 to index
          %swap3A_616 = arith.constant 48 : index
          %swap3A_617 = tpu.vector_load %arg15[%swap3A_615, %swap3A_616] {strides = array<i32>} : memref<64x128xf32, #tpu.memory_space<vmem>>, vector<16xf32>,
          tpu.vector_store %arg15[%swap3A_615, %swap3A_616], %mul3A_614 {strides = array<i32>} : memref<64x128xf32, #tpu.memory_space<vmem>>, vector<16xf32>,
          %get3A_618 = arith.index_cast %add3A_585 : i32 to index
          %get3A_619 = arith.constant 64 : index
          %get3A_620 = tpu.vector_load %arg15[%get3A_618, %get3A_619] {strides = array<i32>} : memref<64x128xf32, #tpu.memory_space<vmem>>, vector<16xf32>,
          %mul3A_621 = vector.broadcast %squeeze3A_581 : f32 to vector<16xf32>
          %mul3A_622 = arith.mulf %get3A_620, %mul3A_621 : vector<16xf32>
          %swap3A_623 = arith.index_cast %add3A_585 : i32 to index
          %swap3A_624 = arith.constant 64 : index
          %swap3A_625 = tpu.vector_load %arg15[%swap3A_623, %swap3A_624] {strides = array<i32>} : memref<64x128xf32, #tpu.memory_space<vmem>>, vector<16xf32>,
          tpu.vector_store %arg15[%swap3A_623, %swap3A_624], %mul3A_622 {strides = array<i32>} : memref<64x128xf32, #tpu.memory_space<vmem>>, vector<16xf32>,
          %get3A_626 = arith.index_cast %add3A_585 : i32 to index
          %get3A_627 = arith.constant 80 : index
          %get3A_628 = tpu.vector_load %arg15[%get3A_626, %get3A_627] {strides = array<i32>} : memref<64x128xf32, #tpu.memory_space<vmem>>, vector<16xf32>,
          %mul3A_629 = vector.broadcast %squeeze3A_581 : f32 to vector<16xf32>
          %mul3A_630 = arith.mulf %get3A_628, %mul3A_629 : vector<16xf32>
          %swap3A_631 = arith.index_cast %add3A_585 : i32 to index
          %swap3A_632 = arith.constant 80 : index
          %swap3A_633 = tpu.vector_load %arg15[%swap3A_631, %swap3A_632] {strides = array<i32>} : memref<64x128xf32, #tpu.memory_space<vmem>>, vector<16xf32>,
          tpu.vector_store %arg15[%swap3A_631, %swap3A_632], %mul3A_630 {strides = array<i32>} : memref<64x128xf32, #tpu.memory_space<vmem>>, vector<16xf32>,
          %get3A_634 = arith.index_cast %add3A_585 : i32 to index
          %get3A_635 = arith.constant 96 : index
          %get3A_636 = tpu.vector_load %arg15[%get3A_634, %get3A_635] {strides = array<i32>} : memref<64x128xf32, #tpu.memory_space<vmem>>, vector<16xf32>,
          %mul3A_637 = vector.broadcast %squeeze3A_581 : f32 to vector<16xf32>
          %mul3A_638 = arith.mulf %get3A_636, %mul3A_637 : vector<16xf32>
          %swap3A_639 = arith.index_cast %add3A_585 : i32 to index
          %swap3A_640 = arith.constant 96 : index
          %swap3A_641 = tpu.vector_load %arg15[%swap3A_639, %swap3A_640] {strides = array<i32>} : memref<64x128xf32, #tpu.memory_space<vmem>>, vector<16xf32>,
          tpu.vector_store %arg15[%swap3A_639, %swap3A_640], %mul3A_638 {strides = array<i32>} : memref<64x128xf32, #tpu.memory_space<vmem>>, vector<16xf32>,
          %get3A_642 = arith.index_cast %add3A_585 : i32 to index
          %get3A_643 = arith.constant 112 : index
          %get3A_644 = tpu.vector_load %arg15[%get3A_642, %get3A_643] {strides = array<i32>} : memref<64x128xf32, #tpu.memory_space<vmem>>, vector<16xf32>,
          %mul3A_645 = vector.broadcast %squeeze3A_581 : f32 to vector<16xf32>
          %mul3A_646 = arith.mulf %get3A_644, %mul3A_645 : vector<16xf32>
          %swap3A_647 = arith.index_cast %add3A_585 : i32 to index
          %swap3A_648 = arith.constant 112 : index
          %swap3A_649 = tpu.vector_load %arg15[%swap3A_647, %swap3A_648] {strides = array<i32>} : memref<64x128xf32, #tpu.memory_space<vmem>>, vector<16xf32>,
          tpu.vector_store %arg15[%swap3A_647, %swap3A_648], %mul3A_646 {strides = array<i32>} : memref<64x128xf32, #tpu.memory_space<vmem>>, vector<16xf32>,
          %slice3A_650 = vector.extract_strided_slice %get3A_92 {offsets = [8], sizes = [1], strides = [1]} : vector<16xf32> to vector<1xf32>
          %squeeze3A_651 = vector.extract %slice3A_650[0] : f32 from vector<1xf32>
          %mul3A_652 = arith.constant 16 : i32
          %mul3A_653 = arith.muli %scan3A_89, %mul3A_652 : i32
          %add3A_654 = arith.constant 8 : i32
          %add3A_655 = arith.addi %mul3A_653, %add3A_654 : i32
          %get3A_656 = arith.index_cast %add3A_655 : i32 to index
          %get3A_657 = arith.constant 0 : index
          %get3A_658 = tpu.vector_load %arg15[%get3A_656, %get3A_657] {strides = array<i32>} : memref<64x128xf32, #tpu.memory_space<vmem>>, vector<16xf32>,
          %mul3A_659 = vector.broadcast %squeeze3A_651 : f32 to vector<16xf32>
          %mul3A_660 = arith.mulf %get3A_658, %mul3A_659 : vector<16xf32>
          %swap3A_661 = arith.index_cast %add3A_655 : i32 to index
          %swap3A_662 = arith.constant 0 : index
          %swap3A_663 = tpu.vector_load %arg15[%swap3A_661, %swap3A_662] {strides = array<i32>} : memref<64x128xf32, #tpu.memory_space<vmem>>, vector<16xf32>,
          tpu.vector_store %arg15[%swap3A_661, %swap3A_662], %mul3A_660 {strides = array<i32>} : memref<64x128xf32, #tpu.memory_space<vmem>>, vector<16xf32>,
          %get3A_664 = arith.index_cast %add3A_655 : i32 to index
          %get3A_665 = arith.constant 16 : index
          %get3A_666 = tpu.vector_load %arg15[%get3A_664, %get3A_665] {strides = array<i32>} : memref<64x128xf32, #tpu.memory_space<vmem>>, vector<16xf32>,
          %mul3A_667 = vector.broadcast %squeeze3A_651 : f32 to vector<16xf32>
          %mul3A_668 = arith.mulf %get3A_666, %mul3A_667 : vector<16xf32>
          %swap3A_669 = arith.index_cast %add3A_655 : i32 to index
          %swap3A_670 = arith.constant 16 : index
          %swap3A_671 = tpu.vector_load %arg15[%swap3A_669, %swap3A_670] {strides = array<i32>} : memref<64x128xf32, #tpu.memory_space<vmem>>, vector<16xf32>,
          tpu.vector_store %arg15[%swap3A_669, %swap3A_670], %mul3A_668 {strides = array<i32>} : memref<64x128xf32, #tpu.memory_space<vmem>>, vector<16xf32>,
          %get3A_672 = arith.index_cast %add3A_655 : i32 to index
          %get3A_673 = arith.constant 32 : index
          %get3A_674 = tpu.vector_load %arg15[%get3A_672, %get3A_673] {strides = array<i32>} : memref<64x128xf32, #tpu.memory_space<vmem>>, vector<16xf32>,
          %mul3A_675 = vector.broadcast %squeeze3A_651 : f32 to vector<16xf32>
          %mul3A_676 = arith.mulf %get3A_674, %mul3A_675 : vector<16xf32>
          %swap3A_677 = arith.index_cast %add3A_655 : i32 to index
          %swap3A_678 = arith.constant 32 : index
          %swap3A_679 = tpu.vector_load %arg15[%swap3A_677, %swap3A_678] {strides = array<i32>} : memref<64x128xf32, #tpu.memory_space<vmem>>, vector<16xf32>,
          tpu.vector_store %arg15[%swap3A_677, %swap3A_678], %mul3A_676 {strides = array<i32>} : memref<64x128xf32, #tpu.memory_space<vmem>>, vector<16xf32>,
          %get3A_680 = arith.index_cast %add3A_655 : i32 to index
          %get3A_681 = arith.constant 48 : index
          %get3A_682 = tpu.vector_load %arg15[%get3A_680, %get3A_681] {strides = array<i32>} : memref<64x128xf32, #tpu.memory_space<vmem>>, vector<16xf32>,
          %mul3A_683 = vector.broadcast %squeeze3A_651 : f32 to vector<16xf32>
          %mul3A_684 = arith.mulf %get3A_682, %mul3A_683 : vector<16xf32>
          %swap3A_685 = arith.index_cast %add3A_655 : i32 to index
          %swap3A_686 = arith.constant 48 : index
          %swap3A_687 = tpu.vector_load %arg15[%swap3A_685, %swap3A_686] {strides = array<i32>} : memref<64x128xf32, #tpu.memory_space<vmem>>, vector<16xf32>,
          tpu.vector_store %arg15[%swap3A_685, %swap3A_686], %mul3A_684 {strides = array<i32>} : memref<64x128xf32, #tpu.memory_space<vmem>>, vector<16xf32>,
          %get3A_688 = arith.index_cast %add3A_655 : i32 to index
          %get3A_689 = arith.constant 64 : index
          %get3A_690 = tpu.vector_load %arg15[%get3A_688, %get3A_689] {strides = array<i32>} : memref<64x128xf32, #tpu.memory_space<vmem>>, vector<16xf32>,
          %mul3A_691 = vector.broadcast %squeeze3A_651 : f32 to vector<16xf32>
          %mul3A_692 = arith.mulf %get3A_690, %mul3A_691 : vector<16xf32>
          %swap3A_693 = arith.index_cast %add3A_655 : i32 to index
          %swap3A_694 = arith.constant 64 : index
          %swap3A_695 = tpu.vector_load %arg15[%swap3A_693, %swap3A_694] {strides = array<i32>} : memref<64x128xf32, #tpu.memory_space<vmem>>, vector<16xf32>,
          tpu.vector_store %arg15[%swap3A_693, %swap3A_694], %mul3A_692 {strides = array<i32>} : memref<64x128xf32, #tpu.memory_space<vmem>>, vector<16xf32>,
          %get3A_696 = arith.index_cast %add3A_655 : i32 to index
          %get3A_697 = arith.constant 80 : index
          %get3A_698 = tpu.vector_load %arg15[%get3A_696, %get3A_697] {strides = array<i32>} : memref<64x128xf32, #tpu.memory_space<vmem>>, vector<16xf32>,
          %mul3A_699 = vector.broadcast %squeeze3A_651 : f32 to vector<16xf32>
          %mul3A_700 = arith.mulf %get3A_698, %mul3A_699 : vector<16xf32>
          %swap3A_701 = arith.index_cast %add3A_655 : i32 to index
          %swap3A_702 = arith.constant 80 : index
          %swap3A_703 = tpu.vector_load %arg15[%swap3A_701, %swap3A_702] {strides = array<i32>} : memref<64x128xf32, #tpu.memory_space<vmem>>, vector<16xf32>,
          tpu.vector_store %arg15[%swap3A_701, %swap3A_702], %mul3A_700 {strides = array<i32>} : memref<64x128xf32, #tpu.memory_space<vmem>>, vector<16xf32>,
          %get3A_704 = arith.index_cast %add3A_655 : i32 to index
          %get3A_705 = arith.constant 96 : index
          %get3A_706 = tpu.vector_load %arg15[%get3A_704, %get3A_705] {strides = array<i32>} : memref<64x128xf32, #tpu.memory_space<vmem>>, vector<16xf32>,
          %mul3A_707 = vector.broadcast %squeeze3A_651 : f32 to vector<16xf32>
          %mul3A_708 = arith.mulf %get3A_706, %mul3A_707 : vector<16xf32>
          %swap3A_709 = arith.index_cast %add3A_655 : i32 to index
          %swap3A_710 = arith.constant 96 : index
          %swap3A_711 = tpu.vector_load %arg15[%swap3A_709, %swap3A_710] {strides = array<i32>} : memref<64x128xf32, #tpu.memory_space<vmem>>, vector<16xf32>,
          tpu.vector_store %arg15[%swap3A_709, %swap3A_710], %mul3A_708 {strides = array<i32>} : memref<64x128xf32, #tpu.memory_space<vmem>>, vector<16xf32>,
          %get3A_712 = arith.index_cast %add3A_655 : i32 to index
          %get3A_713 = arith.constant 112 : index
          %get3A_714 = tpu.vector_load %arg15[%get3A_712, %get3A_713] {strides = array<i32>} : memref<64x128xf32, #tpu.memory_space<vmem>>, vector<16xf32>,
          %mul3A_715 = vector.broadcast %squeeze3A_651 : f32 to vector<16xf32>
          %mul3A_716 = arith.mulf %get3A_714, %mul3A_715 : vector<16xf32>
          %swap3A_717 = arith.index_cast %add3A_655 : i32 to index
          %swap3A_718 = arith.constant 112 : index
          %swap3A_719 = tpu.vector_load %arg15[%swap3A_717, %swap3A_718] {strides = array<i32>} : memref<64x128xf32, #tpu.memory_space<vmem>>, vector<16xf32>,
          tpu.vector_store %arg15[%swap3A_717, %swap3A_718], %mul3A_716 {strides = array<i32>} : memref<64x128xf32, #tpu.memory_space<vmem>>, vector<16xf32>,
          %slice3A_720 = vector.extract_strided_slice %get3A_92 {offsets = [9], sizes = [1], strides = [1]} : vector<16xf32> to vector<1xf32>
          %squeeze3A_721 = vector.extract %slice3A_720[0] : f32 from vector<1xf32>
          %mul3A_722 = arith.constant 16 : i32
          %mul3A_723 = arith.muli %scan3A_89, %mul3A_722 : i32
          %add3A_724 = arith.constant 9 : i32
          %add3A_725 = arith.addi %mul3A_723, %add3A_724 : i32
          %get3A_726 = arith.index_cast %add3A_725 : i32 to index
          %get3A_727 = arith.constant 0 : index
          %get3A_728 = tpu.vector_load %arg15[%get3A_726, %get3A_727] {strides = array<i32>} : memref<64x128xf32, #tpu.memory_space<vmem>>, vector<16xf32>,
          %mul3A_729 = vector.broadcast %squeeze3A_721 : f32 to vector<16xf32>
          %mul3A_730 = arith.mulf %get3A_728, %mul3A_729 : vector<16xf32>
          %swap3A_731 = arith.index_cast %add3A_725 : i32 to index
          %swap3A_732 = arith.constant 0 : index
          %swap3A_733 = tpu.vector_load %arg15[%swap3A_731, %swap3A_732] {strides = array<i32>} : memref<64x128xf32, #tpu.memory_space<vmem>>, vector<16xf32>,
          tpu.vector_store %arg15[%swap3A_731, %swap3A_732], %mul3A_730 {strides = array<i32>} : memref<64x128xf32, #tpu.memory_space<vmem>>, vector<16xf32>,
          %get3A_734 = arith.index_cast %add3A_725 : i32 to index
          %get3A_735 = arith.constant 16 : index
          %get3A_736 = tpu.vector_load %arg15[%get3A_734, %get3A_735] {strides = array<i32>} : memref<64x128xf32, #tpu.memory_space<vmem>>, vector<16xf32>,
          %mul3A_737 = vector.broadcast %squeeze3A_721 : f32 to vector<16xf32>
          %mul3A_738 = arith.mulf %get3A_736, %mul3A_737 : vector<16xf32>
          %swap3A_739 = arith.index_cast %add3A_725 : i32 to index
          %swap3A_740 = arith.constant 16 : index
          %swap3A_741 = tpu.vector_load %arg15[%swap3A_739, %swap3A_740] {strides = array<i32>} : memref<64x128xf32, #tpu.memory_space<vmem>>, vector<16xf32>,
          tpu.vector_store %arg15[%swap3A_739, %swap3A_740], %mul3A_738 {strides = array<i32>} : memref<64x128xf32, #tpu.memory_space<vmem>>, vector<16xf32>,
          %get3A_742 = arith.index_cast %add3A_725 : i32 to index
          %get3A_743 = arith.constant 32 : index
          %get3A_744 = tpu.vector_load %arg15[%get3A_742, %get3A_743] {strides = array<i32>} : memref<64x128xf32, #tpu.memory_space<vmem>>, vector<16xf32>,
          %mul3A_745 = vector.broadcast %squeeze3A_721 : f32 to vector<16xf32>
          %mul3A_746 = arith.mulf %get3A_744, %mul3A_745 : vector<16xf32>
          %swap3A_747 = arith.index_cast %add3A_725 : i32 to index
          %swap3A_748 = arith.constant 32 : index
          %swap3A_749 = tpu.vector_load %arg15[%swap3A_747, %swap3A_748] {strides = array<i32>} : memref<64x128xf32, #tpu.memory_space<vmem>>, vector<16xf32>,
          tpu.vector_store %arg15[%swap3A_747, %swap3A_748], %mul3A_746 {strides = array<i32>} : memref<64x128xf32, #tpu.memory_space<vmem>>, vector<16xf32>,
          %get3A_750 = arith.index_cast %add3A_725 : i32 to index
          %get3A_751 = arith.constant 48 : index
          %get3A_752 = tpu.vector_load %arg15[%get3A_750, %get3A_751] {strides = array<i32>} : memref<64x128xf32, #tpu.memory_space<vmem>>, vector<16xf32>,
          %mul3A_753 = vector.broadcast %squeeze3A_721 : f32 to vector<16xf32>
          %mul3A_754 = arith.mulf %get3A_752, %mul3A_753 : vector<16xf32>
          %swap3A_755 = arith.index_cast %add3A_725 : i32 to index
          %swap3A_756 = arith.constant 48 : index
          %swap3A_757 = tpu.vector_load %arg15[%swap3A_755, %swap3A_756] {strides = array<i32>} : memref<64x128xf32, #tpu.memory_space<vmem>>, vector<16xf32>,
          tpu.vector_store %arg15[%swap3A_755, %swap3A_756], %mul3A_754 {strides = array<i32>} : memref<64x128xf32, #tpu.memory_space<vmem>>, vector<16xf32>,
          %get3A_758 = arith.index_cast %add3A_725 : i32 to index
          %get3A_759 = arith.constant 64 : index
          %get3A_760 = tpu.vector_load %arg15[%get3A_758, %get3A_759] {strides = array<i32>} : memref<64x128xf32, #tpu.memory_space<vmem>>, vector<16xf32>,
          %mul3A_761 = vector.broadcast %squeeze3A_721 : f32 to vector<16xf32>
          %mul3A_762 = arith.mulf %get3A_760, %mul3A_761 : vector<16xf32>
          %swap3A_763 = arith.index_cast %add3A_725 : i32 to index
          %swap3A_764 = arith.constant 64 : index
          %swap3A_765 = tpu.vector_load %arg15[%swap3A_763, %swap3A_764] {strides = array<i32>} : memref<64x128xf32, #tpu.memory_space<vmem>>, vector<16xf32>,
          tpu.vector_store %arg15[%swap3A_763, %swap3A_764], %mul3A_762 {strides = array<i32>} : memref<64x128xf32, #tpu.memory_space<vmem>>, vector<16xf32>,
          %get3A_766 = arith.index_cast %add3A_725 : i32 to index
          %get3A_767 = arith.constant 80 : index
          %get3A_768 = tpu.vector_load %arg15[%get3A_766, %get3A_767] {strides = array<i32>} : memref<64x128xf32, #tpu.memory_space<vmem>>, vector<16xf32>,
          %mul3A_769 = vector.broadcast %squeeze3A_721 : f32 to vector<16xf32>
          %mul3A_770 = arith.mulf %get3A_768, %mul3A_769 : vector<16xf32>
          %swap3A_771 = arith.index_cast %add3A_725 : i32 to index
          %swap3A_772 = arith.constant 80 : index
          %swap3A_773 = tpu.vector_load %arg15[%swap3A_771, %swap3A_772] {strides = array<i32>} : memref<64x128xf32, #tpu.memory_space<vmem>>, vector<16xf32>,
          tpu.vector_store %arg15[%swap3A_771, %swap3A_772], %mul3A_770 {strides = array<i32>} : memref<64x128xf32, #tpu.memory_space<vmem>>, vector<16xf32>,
          %get3A_774 = arith.index_cast %add3A_725 : i32 to index
          %get3A_775 = arith.constant 96 : index
          %get3A_776 = tpu.vector_load %arg15[%get3A_774, %get3A_775] {strides = array<i32>} : memref<64x128xf32, #tpu.memory_space<vmem>>, vector<16xf32>,
          %mul3A_777 = vector.broadcast %squeeze3A_721 : f32 to vector<16xf32>
          %mul3A_778 = arith.mulf %get3A_776, %mul3A_777 : vector<16xf32>
          %swap3A_779 = arith.index_cast %add3A_725 : i32 to index
          %swap3A_780 = arith.constant 96 : index
          %swap3A_781 = tpu.vector_load %arg15[%swap3A_779, %swap3A_780] {strides = array<i32>} : memref<64x128xf32, #tpu.memory_space<vmem>>, vector<16xf32>,
          tpu.vector_store %arg15[%swap3A_779, %swap3A_780], %mul3A_778 {strides = array<i32>} : memref<64x128xf32, #tpu.memory_space<vmem>>, vector<16xf32>,
          %get3A_782 = arith.index_cast %add3A_725 : i32 to index
          %get3A_783 = arith.constant 112 : index
          %get3A_784 = tpu.vector_load %arg15[%get3A_782, %get3A_783] {strides = array<i32>} : memref<64x128xf32, #tpu.memory_space<vmem>>, vector<16xf32>,
          %mul3A_785 = vector.broadcast %squeeze3A_721 : f32 to vector<16xf32>
          %mul3A_786 = arith.mulf %get3A_784, %mul3A_785 : vector<16xf32>
          %swap3A_787 = arith.index_cast %add3A_725 : i32 to index
          %swap3A_788 = arith.constant 112 : index
          %swap3A_789 = tpu.vector_load %arg15[%swap3A_787, %swap3A_788] {strides = array<i32>} : memref<64x128xf32, #tpu.memory_space<vmem>>, vector<16xf32>,
          tpu.vector_store %arg15[%swap3A_787, %swap3A_788], %mul3A_786 {strides = array<i32>} : memref<64x128xf32, #tpu.memory_space<vmem>>, vector<16xf32>,
          %slice3A_790 = vector.extract_strided_slice %get3A_92 {offsets = [10], sizes = [1], strides = [1]} : vector<16xf32> to vector<1xf32>
          %squeeze3A_791 = vector.extract %slice3A_790[0] : f32 from vector<1xf32>
          %mul3A_792 = arith.constant 16 : i32
          %mul3A_793 = arith.muli %scan3A_89, %mul3A_792 : i32
          %add3A_794 = arith.constant 10 : i32
          %add3A_795 = arith.addi %mul3A_793, %add3A_794 : i32
          %get3A_796 = arith.index_cast %add3A_795 : i32 to index
          %get3A_797 = arith.constant 0 : index
          %get3A_798 = tpu.vector_load %arg15[%get3A_796, %get3A_797] {strides = array<i32>} : memref<64x128xf32, #tpu.memory_space<vmem>>, vector<16xf32>,
          %mul3A_799 = vector.broadcast %squeeze3A_791 : f32 to vector<16xf32>
          %mul3A_800 = arith.mulf %get3A_798, %mul3A_799 : vector<16xf32>
          %swap3A_801 = arith.index_cast %add3A_795 : i32 to index
          %swap3A_802 = arith.constant 0 : index
          %swap3A_803 = tpu.vector_load %arg15[%swap3A_801, %swap3A_802] {strides = array<i32>} : memref<64x128xf32, #tpu.memory_space<vmem>>, vector<16xf32>,
          tpu.vector_store %arg15[%swap3A_801, %swap3A_802], %mul3A_800 {strides = array<i32>} : memref<64x128xf32, #tpu.memory_space<vmem>>, vector<16xf32>,
          %get3A_804 = arith.index_cast %add3A_795 : i32 to index
          %get3A_805 = arith.constant 16 : index
          %get3A_806 = tpu.vector_load %arg15[%get3A_804, %get3A_805] {strides = array<i32>} : memref<64x128xf32, #tpu.memory_space<vmem>>, vector<16xf32>,
          %mul3A_807 = vector.broadcast %squeeze3A_791 : f32 to vector<16xf32>
          %mul3A_808 = arith.mulf %get3A_806, %mul3A_807 : vector<16xf32>
          %swap3A_809 = arith.index_cast %add3A_795 : i32 to index
          %swap3A_810 = arith.constant 16 : index
          %swap3A_811 = tpu.vector_load %arg15[%swap3A_809, %swap3A_810] {strides = array<i32>} : memref<64x128xf32, #tpu.memory_space<vmem>>, vector<16xf32>,
          tpu.vector_store %arg15[%swap3A_809, %swap3A_810], %mul3A_808 {strides = array<i32>} : memref<64x128xf32, #tpu.memory_space<vmem>>, vector<16xf32>,
          %get3A_812 = arith.index_cast %add3A_795 : i32 to index
          %get3A_813 = arith.constant 32 : index
          %get3A_814 = tpu.vector_load %arg15[%get3A_812, %get3A_813] {strides = array<i32>} : memref<64x128xf32, #tpu.memory_space<vmem>>, vector<16xf32>,
          %mul3A_815 = vector.broadcast %squeeze3A_791 : f32 to vector<16xf32>
          %mul3A_816 = arith.mulf %get3A_814, %mul3A_815 : vector<16xf32>
          %swap3A_817 = arith.index_cast %add3A_795 : i32 to index
          %swap3A_818 = arith.constant 32 : index
          %swap3A_819 = tpu.vector_load %arg15[%swap3A_817, %swap3A_818] {strides = array<i32>} : memref<64x128xf32, #tpu.memory_space<vmem>>, vector<16xf32>,
          tpu.vector_store %arg15[%swap3A_817, %swap3A_818], %mul3A_816 {strides = array<i32>} : memref<64x128xf32, #tpu.memory_space<vmem>>, vector<16xf32>,
          %get3A_820 = arith.index_cast %add3A_795 : i32 to index
          %get3A_821 = arith.constant 48 : index
          %get3A_822 = tpu.vector_load %arg15[%get3A_820, %get3A_821] {strides = array<i32>} : memref<64x128xf32, #tpu.memory_space<vmem>>, vector<16xf32>,
          %mul3A_823 = vector.broadcast %squeeze3A_791 : f32 to vector<16xf32>
          %mul3A_824 = arith.mulf %get3A_822, %mul3A_823 : vector<16xf32>
          %swap3A_825 = arith.index_cast %add3A_795 : i32 to index
          %swap3A_826 = arith.constant 48 : index
          %swap3A_827 = tpu.vector_load %arg15[%swap3A_825, %swap3A_826] {strides = array<i32>} : memref<64x128xf32, #tpu.memory_space<vmem>>, vector<16xf32>,
          tpu.vector_store %arg15[%swap3A_825, %swap3A_826], %mul3A_824 {strides = array<i32>} : memref<64x128xf32, #tpu.memory_space<vmem>>, vector<16xf32>,
          %get3A_828 = arith.index_cast %add3A_795 : i32 to index
          %get3A_829 = arith.constant 64 : index
          %get3A_830 = tpu.vector_load %arg15[%get3A_828, %get3A_829] {strides = array<i32>} : memref<64x128xf32, #tpu.memory_space<vmem>>, vector<16xf32>,
          %mul3A_831 = vector.broadcast %squeeze3A_791 : f32 to vector<16xf32>
          %mul3A_832 = arith.mulf %get3A_830, %mul3A_831 : vector<16xf32>
          %swap3A_833 = arith.index_cast %add3A_795 : i32 to index
          %swap3A_834 = arith.constant 64 : index
          %swap3A_835 = tpu.vector_load %arg15[%swap3A_833, %swap3A_834] {strides = array<i32>} : memref<64x128xf32, #tpu.memory_space<vmem>>, vector<16xf32>,
          tpu.vector_store %arg15[%swap3A_833, %swap3A_834], %mul3A_832 {strides = array<i32>} : memref<64x128xf32, #tpu.memory_space<vmem>>, vector<16xf32>,
          %get3A_836 = arith.index_cast %add3A_795 : i32 to index
          %get3A_837 = arith.constant 80 : index
          %get3A_838 = tpu.vector_load %arg15[%get3A_836, %get3A_837] {strides = array<i32>} : memref<64x128xf32, #tpu.memory_space<vmem>>, vector<16xf32>,
          %mul3A_839 = vector.broadcast %squeeze3A_791 : f32 to vector<16xf32>
          %mul3A_840 = arith.mulf %get3A_838, %mul3A_839 : vector<16xf32>
          %swap3A_841 = arith.index_cast %add3A_795 : i32 to index
          %swap3A_842 = arith.constant 80 : index
          %swap3A_843 = tpu.vector_load %arg15[%swap3A_841, %swap3A_842] {strides = array<i32>} : memref<64x128xf32, #tpu.memory_space<vmem>>, vector<16xf32>,
          tpu.vector_store %arg15[%swap3A_841, %swap3A_842], %mul3A_840 {strides = array<i32>} : memref<64x128xf32, #tpu.memory_space<vmem>>, vector<16xf32>,
          %get3A_844 = arith.index_cast %add3A_795 : i32 to index
          %get3A_845 = arith.constant 96 : index
          %get3A_846 = tpu.vector_load %arg15[%get3A_844, %get3A_845] {strides = array<i32>} : memref<64x128xf32, #tpu.memory_space<vmem>>, vector<16xf32>,
          %mul3A_847 = vector.broadcast %squeeze3A_791 : f32 to vector<16xf32>
          %mul3A_848 = arith.mulf %get3A_846, %mul3A_847 : vector<16xf32>
          %swap3A_849 = arith.index_cast %add3A_795 : i32 to index
          %swap3A_850 = arith.constant 96 : index
          %swap3A_851 = tpu.vector_load %arg15[%swap3A_849, %swap3A_850] {strides = array<i32>} : memref<64x128xf32, #tpu.memory_space<vmem>>, vector<16xf32>,
          tpu.vector_store %arg15[%swap3A_849, %swap3A_850], %mul3A_848 {strides = array<i32>} : memref<64x128xf32, #tpu.memory_space<vmem>>, vector<16xf32>,
          %get3A_852 = arith.index_cast %add3A_795 : i32 to index
          %get3A_853 = arith.constant 112 : index
          %get3A_854 = tpu.vector_load %arg15[%get3A_852, %get3A_853] {strides = array<i32>} : memref<64x128xf32, #tpu.memory_space<vmem>>, vector<16xf32>,
          %mul3A_855 = vector.broadcast %squeeze3A_791 : f32 to vector<16xf32>
          %mul3A_856 = arith.mulf %get3A_854, %mul3A_855 : vector<16xf32>
          %swap3A_857 = arith.index_cast %add3A_795 : i32 to index
          %swap3A_858 = arith.constant 112 : index
          %swap3A_859 = tpu.vector_load %arg15[%swap3A_857, %swap3A_858] {strides = array<i32>} : memref<64x128xf32, #tpu.memory_space<vmem>>, vector<16xf32>,
          tpu.vector_store %arg15[%swap3A_857, %swap3A_858], %mul3A_856 {strides = array<i32>} : memref<64x128xf32, #tpu.memory_space<vmem>>, vector<16xf32>,
          %slice3A_860 = vector.extract_strided_slice %get3A_92 {offsets = [11], sizes = [1], strides = [1]} : vector<16xf32> to vector<1xf32>
          %squeeze3A_861 = vector.extract %slice3A_860[0] : f32 from vector<1xf32>
          %mul3A_862 = arith.constant 16 : i32
          %mul3A_863 = arith.muli %scan3A_89, %mul3A_862 : i32
          %add3A_864 = arith.constant 11 : i32
          %add3A_865 = arith.addi %mul3A_863, %add3A_864 : i32
          %get3A_866 = arith.index_cast %add3A_865 : i32 to index
          %get3A_867 = arith.constant 0 : index
          %get3A_868 = tpu.vector_load %arg15[%get3A_866, %get3A_867] {strides = array<i32>} : memref<64x128xf32, #tpu.memory_space<vmem>>, vector<16xf32>,
          %mul3A_869 = vector.broadcast %squeeze3A_861 : f32 to vector<16xf32>
          %mul3A_870 = arith.mulf %get3A_868, %mul3A_869 : vector<16xf32>
          %swap3A_871 = arith.index_cast %add3A_865 : i32 to index
          %swap3A_872 = arith.constant 0 : index
          %swap3A_873 = tpu.vector_load %arg15[%swap3A_871, %swap3A_872] {strides = array<i32>} : memref<64x128xf32, #tpu.memory_space<vmem>>, vector<16xf32>,
          tpu.vector_store %arg15[%swap3A_871, %swap3A_872], %mul3A_870 {strides = array<i32>} : memref<64x128xf32, #tpu.memory_space<vmem>>, vector<16xf32>,
          %get3A_874 = arith.index_cast %add3A_865 : i32 to index
          %get3A_875 = arith.constant 16 : index
          %get3A_876 = tpu.vector_load %arg15[%get3A_874, %get3A_875] {strides = array<i32>} : memref<64x128xf32, #tpu.memory_space<vmem>>, vector<16xf32>,
          %mul3A_877 = vector.broadcast %squeeze3A_861 : f32 to vector<16xf32>
          %mul3A_878 = arith.mulf %get3A_876, %mul3A_877 : vector<16xf32>
          %swap3A_879 = arith.index_cast %add3A_865 : i32 to index
          %swap3A_880 = arith.constant 16 : index
          %swap3A_881 = tpu.vector_load %arg15[%swap3A_879, %swap3A_880] {strides = array<i32>} : memref<64x128xf32, #tpu.memory_space<vmem>>, vector<16xf32>,
          tpu.vector_store %arg15[%swap3A_879, %swap3A_880], %mul3A_878 {strides = array<i32>} : memref<64x128xf32, #tpu.memory_space<vmem>>, vector<16xf32>,
          %get3A_882 = arith.index_cast %add3A_865 : i32 to index
          %get3A_883 = arith.constant 32 : index
          %get3A_884 = tpu.vector_load %arg15[%get3A_882, %get3A_883] {strides = array<i32>} : memref<64x128xf32, #tpu.memory_space<vmem>>, vector<16xf32>,
          %mul3A_885 = vector.broadcast %squeeze3A_861 : f32 to vector<16xf32>
          %mul3A_886 = arith.mulf %get3A_884, %mul3A_885 : vector<16xf32>
          %swap3A_887 = arith.index_cast %add3A_865 : i32 to index
          %swap3A_888 = arith.constant 32 : index
          %swap3A_889 = tpu.vector_load %arg15[%swap3A_887, %swap3A_888] {strides = array<i32>} : memref<64x128xf32, #tpu.memory_space<vmem>>, vector<16xf32>,
          tpu.vector_store %arg15[%swap3A_887, %swap3A_888], %mul3A_886 {strides = array<i32>} : memref<64x128xf32, #tpu.memory_space<vmem>>, vector<16xf32>,
          %get3A_890 = arith.index_cast %add3A_865 : i32 to index
          %get3A_891 = arith.constant 48 : index
          %get3A_892 = tpu.vector_load %arg15[%get3A_890, %get3A_891] {strides = array<i32>} : memref<64x128xf32, #tpu.memory_space<vmem>>, vector<16xf32>,
          %mul3A_893 = vector.broadcast %squeeze3A_861 : f32 to vector<16xf32>
          %mul3A_894 = arith.mulf %get3A_892, %mul3A_893 : vector<16xf32>
          %swap3A_895 = arith.index_cast %add3A_865 : i32 to index
          %swap3A_896 = arith.constant 48 : index
          %swap3A_897 = tpu.vector_load %arg15[%swap3A_895, %swap3A_896] {strides = array<i32>} : memref<64x128xf32, #tpu.memory_space<vmem>>, vector<16xf32>,
          tpu.vector_store %arg15[%swap3A_895, %swap3A_896], %mul3A_894 {strides = array<i32>} : memref<64x128xf32, #tpu.memory_space<vmem>>, vector<16xf32>,
          %get3A_898 = arith.index_cast %add3A_865 : i32 to index
          %get3A_899 = arith.constant 64 : index
          %get3A_900 = tpu.vector_load %arg15[%get3A_898, %get3A_899] {strides = array<i32>} : memref<64x128xf32, #tpu.memory_space<vmem>>, vector<16xf32>,
          %mul3A_901 = vector.broadcast %squeeze3A_861 : f32 to vector<16xf32>
          %mul3A_902 = arith.mulf %get3A_900, %mul3A_901 : vector<16xf32>
          %swap3A_903 = arith.index_cast %add3A_865 : i32 to index
          %swap3A_904 = arith.constant 64 : index
          %swap3A_905 = tpu.vector_load %arg15[%swap3A_903, %swap3A_904] {strides = array<i32>} : memref<64x128xf32, #tpu.memory_space<vmem>>, vector<16xf32>,
          tpu.vector_store %arg15[%swap3A_903, %swap3A_904], %mul3A_902 {strides = array<i32>} : memref<64x128xf32, #tpu.memory_space<vmem>>, vector<16xf32>,
          %get3A_906 = arith.index_cast %add3A_865 : i32 to index
          %get3A_907 = arith.constant 80 : index
          %get3A_908 = tpu.vector_load %arg15[%get3A_906, %get3A_907] {strides = array<i32>} : memref<64x128xf32, #tpu.memory_space<vmem>>, vector<16xf32>,
          %mul3A_909 = vector.broadcast %squeeze3A_861 : f32 to vector<16xf32>
          %mul3A_910 = arith.mulf %get3A_908, %mul3A_909 : vector<16xf32>
          %swap3A_911 = arith.index_cast %add3A_865 : i32 to index
          %swap3A_912 = arith.constant 80 : index
          %swap3A_913 = tpu.vector_load %arg15[%swap3A_911, %swap3A_912] {strides = array<i32>} : memref<64x128xf32, #tpu.memory_space<vmem>>, vector<16xf32>,
          tpu.vector_store %arg15[%swap3A_911, %swap3A_912], %mul3A_910 {strides = array<i32>} : memref<64x128xf32, #tpu.memory_space<vmem>>, vector<16xf32>,
          %get3A_914 = arith.index_cast %add3A_865 : i32 to index
          %get3A_915 = arith.constant 96 : index
          %get3A_916 = tpu.vector_load %arg15[%get3A_914, %get3A_915] {strides = array<i32>} : memref<64x128xf32, #tpu.memory_space<vmem>>, vector<16xf32>,
          %mul3A_917 = vector.broadcast %squeeze3A_861 : f32 to vector<16xf32>
          %mul3A_918 = arith.mulf %get3A_916, %mul3A_917 : vector<16xf32>
          %swap3A_919 = arith.index_cast %add3A_865 : i32 to index
          %swap3A_920 = arith.constant 96 : index
          %swap3A_921 = tpu.vector_load %arg15[%swap3A_919, %swap3A_920] {strides = array<i32>} : memref<64x128xf32, #tpu.memory_space<vmem>>, vector<16xf32>,
          tpu.vector_store %arg15[%swap3A_919, %swap3A_920], %mul3A_918 {strides = array<i32>} : memref<64x128xf32, #tpu.memory_space<vmem>>, vector<16xf32>,
          %get3A_922 = arith.index_cast %add3A_865 : i32 to index
          %get3A_923 = arith.constant 112 : index
          %get3A_924 = tpu.vector_load %arg15[%get3A_922, %get3A_923] {strides = array<i32>} : memref<64x128xf32, #tpu.memory_space<vmem>>, vector<16xf32>,
          %mul3A_925 = vector.broadcast %squeeze3A_861 : f32 to vector<16xf32>
          %mul3A_926 = arith.mulf %get3A_924, %mul3A_925 : vector<16xf32>
          %swap3A_927 = arith.index_cast %add3A_865 : i32 to index
          %swap3A_928 = arith.constant 112 : index
          %swap3A_929 = tpu.vector_load %arg15[%swap3A_927, %swap3A_928] {strides = array<i32>} : memref<64x128xf32, #tpu.memory_space<vmem>>, vector<16xf32>,
          tpu.vector_store %arg15[%swap3A_927, %swap3A_928], %mul3A_926 {strides = array<i32>} : memref<64x128xf32, #tpu.memory_space<vmem>>, vector<16xf32>,
          %slice3A_930 = vector.extract_strided_slice %get3A_92 {offsets = [12], sizes = [1], strides = [1]} : vector<16xf32> to vector<1xf32>
          %squeeze3A_931 = vector.extract %slice3A_930[0] : f32 from vector<1xf32>
          %mul3A_932 = arith.constant 16 : i32
          %mul3A_933 = arith.muli %scan3A_89, %mul3A_932 : i32
          %add3A_934 = arith.constant 12 : i32
          %add3A_935 = arith.addi %mul3A_933, %add3A_934 : i32
          %get3A_936 = arith.index_cast %add3A_935 : i32 to index
          %get3A_937 = arith.constant 0 : index
          %get3A_938 = tpu.vector_load %arg15[%get3A_936, %get3A_937] {strides = array<i32>} : memref<64x128xf32, #tpu.memory_space<vmem>>, vector<16xf32>,
          %mul3A_939 = vector.broadcast %squeeze3A_931 : f32 to vector<16xf32>
          %mul3A_940 = arith.mulf %get3A_938, %mul3A_939 : vector<16xf32>
          %swap3A_941 = arith.index_cast %add3A_935 : i32 to index
          %swap3A_942 = arith.constant 0 : index
          %swap3A_943 = tpu.vector_load %arg15[%swap3A_941, %swap3A_942] {strides = array<i32>} : memref<64x128xf32, #tpu.memory_space<vmem>>, vector<16xf32>,
          tpu.vector_store %arg15[%swap3A_941, %swap3A_942], %mul3A_940 {strides = array<i32>} : memref<64x128xf32, #tpu.memory_space<vmem>>, vector<16xf32>,
          %get3A_944 = arith.index_cast %add3A_935 : i32 to index
          %get3A_945 = arith.constant 16 : index
          %get3A_946 = tpu.vector_load %arg15[%get3A_944, %get3A_945] {strides = array<i32>} : memref<64x128xf32, #tpu.memory_space<vmem>>, vector<16xf32>,
          %mul3A_947 = vector.broadcast %squeeze3A_931 : f32 to vector<16xf32>
          %mul3A_948 = arith.mulf %get3A_946, %mul3A_947 : vector<16xf32>
          %swap3A_949 = arith.index_cast %add3A_935 : i32 to index
          %swap3A_950 = arith.constant 16 : index
          %swap3A_951 = tpu.vector_load %arg15[%swap3A_949, %swap3A_950] {strides = array<i32>} : memref<64x128xf32, #tpu.memory_space<vmem>>, vector<16xf32>,
          tpu.vector_store %arg15[%swap3A_949, %swap3A_950], %mul3A_948 {strides = array<i32>} : memref<64x128xf32, #tpu.memory_space<vmem>>, vector<16xf32>,
          %get3A_952 = arith.index_cast %add3A_935 : i32 to index
          %get3A_953 = arith.constant 32 : index
          %get3A_954 = tpu.vector_load %arg15[%get3A_952, %get3A_953] {strides = array<i32>} : memref<64x128xf32, #tpu.memory_space<vmem>>, vector<16xf32>,
          %mul3A_955 = vector.broadcast %squeeze3A_931 : f32 to vector<16xf32>
          %mul3A_956 = arith.mulf %get3A_954, %mul3A_955 : vector<16xf32>
          %swap3A_957 = arith.index_cast %add3A_935 : i32 to index
          %swap3A_958 = arith.constant 32 : index
          %swap3A_959 = tpu.vector_load %arg15[%swap3A_957, %swap3A_958] {strides = array<i32>} : memref<64x128xf32, #tpu.memory_space<vmem>>, vector<16xf32>,
          tpu.vector_store %arg15[%swap3A_957, %swap3A_958], %mul3A_956 {strides = array<i32>} : memref<64x128xf32, #tpu.memory_space<vmem>>, vector<16xf32>,
          %get3A_960 = arith.index_cast %add3A_935 : i32 to index
          %get3A_961 = arith.constant 48 : index
          %get3A_962 = tpu.vector_load %arg15[%get3A_960, %get3A_961] {strides = array<i32>} : memref<64x128xf32, #tpu.memory_space<vmem>>, vector<16xf32>,
          %mul3A_963 = vector.broadcast %squeeze3A_931 : f32 to vector<16xf32>
          %mul3A_964 = arith.mulf %get3A_962, %mul3A_963 : vector<16xf32>
          %swap3A_965 = arith.index_cast %add3A_935 : i32 to index
          %swap3A_966 = arith.constant 48 : index
          %swap3A_967 = tpu.vector_load %arg15[%swap3A_965, %swap3A_966] {strides = array<i32>} : memref<64x128xf32, #tpu.memory_space<vmem>>, vector<16xf32>,
          tpu.vector_store %arg15[%swap3A_965, %swap3A_966], %mul3A_964 {strides = array<i32>} : memref<64x128xf32, #tpu.memory_space<vmem>>, vector<16xf32>,
          %get3A_968 = arith.index_cast %add3A_935 : i32 to index
          %get3A_969 = arith.constant 64 : index
          %get3A_970 = tpu.vector_load %arg15[%get3A_968, %get3A_969] {strides = array<i32>} : memref<64x128xf32, #tpu.memory_space<vmem>>, vector<16xf32>,
          %mul3A_971 = vector.broadcast %squeeze3A_931 : f32 to vector<16xf32>
          %mul3A_972 = arith.mulf %get3A_970, %mul3A_971 : vector<16xf32>
          %swap3A_973 = arith.index_cast %add3A_935 : i32 to index
          %swap3A_974 = arith.constant 64 : index
          %swap3A_975 = tpu.vector_load %arg15[%swap3A_973, %swap3A_974] {strides = array<i32>} : memref<64x128xf32, #tpu.memory_space<vmem>>, vector<16xf32>,
          tpu.vector_store %arg15[%swap3A_973, %swap3A_974], %mul3A_972 {strides = array<i32>} : memref<64x128xf32, #tpu.memory_space<vmem>>, vector<16xf32>,
          %get3A_976 = arith.index_cast %add3A_935 : i32 to index
          %get3A_977 = arith.constant 80 : index
          %get3A_978 = tpu.vector_load %arg15[%get3A_976, %get3A_977] {strides = array<i32>} : memref<64x128xf32, #tpu.memory_space<vmem>>, vector<16xf32>,
          %mul3A_979 = vector.broadcast %squeeze3A_931 : f32 to vector<16xf32>
          %mul3A_980 = arith.mulf %get3A_978, %mul3A_979 : vector<16xf32>
          %swap3A_981 = arith.index_cast %add3A_935 : i32 to index
          %swap3A_982 = arith.constant 80 : index
          %swap3A_983 = tpu.vector_load %arg15[%swap3A_981, %swap3A_982] {strides = array<i32>} : memref<64x128xf32, #tpu.memory_space<vmem>>, vector<16xf32>,
          tpu.vector_store %arg15[%swap3A_981, %swap3A_982], %mul3A_980 {strides = array<i32>} : memref<64x128xf32, #tpu.memory_space<vmem>>, vector<16xf32>,
          %get3A_984 = arith.index_cast %add3A_935 : i32 to index
          %get3A_985 = arith.constant 96 : index
          %get3A_986 = tpu.vector_load %arg15[%get3A_984, %get3A_985] {strides = array<i32>} : memref<64x128xf32, #tpu.memory_space<vmem>>, vector<16xf32>,
          %mul3A_987 = vector.broadcast %squeeze3A_931 : f32 to vector<16xf32>
          %mul3A_988 = arith.mulf %get3A_986, %mul3A_987 : vector<16xf32>
          %swap3A_989 = arith.index_cast %add3A_935 : i32 to index
          %swap3A_990 = arith.constant 96 : index
          %swap3A_991 = tpu.vector_load %arg15[%swap3A_989, %swap3A_990] {strides = array<i32>} : memref<64x128xf32, #tpu.memory_space<vmem>>, vector<16xf32>,
          tpu.vector_store %arg15[%swap3A_989, %swap3A_990], %mul3A_988 {strides = array<i32>} : memref<64x128xf32, #tpu.memory_space<vmem>>, vector<16xf32>,
          %get3A_992 = arith.index_cast %add3A_935 : i32 to index
          %get3A_993 = arith.constant 112 : index
          %get3A_994 = tpu.vector_load %arg15[%get3A_992, %get3A_993] {strides = array<i32>} : memref<64x128xf32, #tpu.memory_space<vmem>>, vector<16xf32>,
          %mul3A_995 = vector.broadcast %squeeze3A_931 : f32 to vector<16xf32>
          %mul3A_996 = arith.mulf %get3A_994, %mul3A_995 : vector<16xf32>
          %swap3A_997 = arith.index_cast %add3A_935 : i32 to index
          %swap3A_998 = arith.constant 112 : index
          %swap3A_999 = tpu.vector_load %arg15[%swap3A_997, %swap3A_998] {strides = array<i32>} : memref<64x128xf32, #tpu.memory_space<vmem>>, vector<16xf32>,
          tpu.vector_store %arg15[%swap3A_997, %swap3A_998], %mul3A_996 {strides = array<i32>} : memref<64x128xf32, #tpu.memory_space<vmem>>, vector<16xf32>,
          %slice3A_1000 = vector.extract_strided_slice %get3A_92 {offsets = [13], sizes = [1], strides = [1]} : vector<16xf32> to vector<1xf32>
          %squeeze3A_1001 = vector.extract %slice3A_1000[0] : f32 from vector<1xf32>
          %mul3A_1002 = arith.constant 16 : i32
          %mul3A_1003 = arith.muli %scan3A_89, %mul3A_1002 : i32
          %add3A_1004 = arith.constant 13 : i32
          %add3A_1005 = arith.addi %mul3A_1003, %add3A_1004 : i32
          %get3A_1006 = arith.index_cast %add3A_1005 : i32 to index
          %get3A_1007 = arith.constant 0 : index
          %get3A_1008 = tpu.vector_load %arg15[%get3A_1006, %get3A_1007] {strides = array<i32>} : memref<64x128xf32, #tpu.memory_space<vmem>>, vector<16xf32>,
          %mul3A_1009 = vector.broadcast %squeeze3A_1001 : f32 to vector<16xf32>
          %mul3A_1010 = arith.mulf %get3A_1008, %mul3A_1009 : vector<16xf32>
          %swap3A_1011 = arith.index_cast %add3A_1005 : i32 to index
          %swap3A_1012 = arith.constant 0 : index
          %swap3A_1013 = tpu.vector_load %arg15[%swap3A_1011, %swap3A_1012] {strides = array<i32>} : memref<64x128xf32, #tpu.memory_space<vmem>>, vector<16xf32>,
          tpu.vector_store %arg15[%swap3A_1011, %swap3A_1012], %mul3A_1010 {strides = array<i32>} : memref<64x128xf32, #tpu.memory_space<vmem>>, vector<16xf32>,
          %get3A_1014 = arith.index_cast %add3A_1005 : i32 to index
          %get3A_1015 = arith.constant 16 : index
          %get3A_1016 = tpu.vector_load %arg15[%get3A_1014, %get3A_1015] {strides = array<i32>} : memref<64x128xf32, #tpu.memory_space<vmem>>, vector<16xf32>,
          %mul3A_1017 = vector.broadcast %squeeze3A_1001 : f32 to vector<16xf32>
          %mul3A_1018 = arith.mulf %get3A_1016, %mul3A_1017 : vector<16xf32>
          %swap3A_1019 = arith.index_cast %add3A_1005 : i32 to index
          %swap3A_1020 = arith.constant 16 : index
          %swap3A_1021 = tpu.vector_load %arg15[%swap3A_1019, %swap3A_1020] {strides = array<i32>} : memref<64x128xf32, #tpu.memory_space<vmem>>, vector<16xf32>,
          tpu.vector_store %arg15[%swap3A_1019, %swap3A_1020], %mul3A_1018 {strides = array<i32>} : memref<64x128xf32, #tpu.memory_space<vmem>>, vector<16xf32>,
          %get3A_1022 = arith.index_cast %add3A_1005 : i32 to index
          %get3A_1023 = arith.constant 32 : index
          %get3A_1024 = tpu.vector_load %arg15[%get3A_1022, %get3A_1023] {strides = array<i32>} : memref<64x128xf32, #tpu.memory_space<vmem>>, vector<16xf32>,
          %mul3A_1025 = vector.broadcast %squeeze3A_1001 : f32 to vector<16xf32>
          %mul3A_1026 = arith.mulf %get3A_1024, %mul3A_1025 : vector<16xf32>
          %swap3A_1027 = arith.index_cast %add3A_1005 : i32 to index
          %swap3A_1028 = arith.constant 32 : index
          %swap3A_1029 = tpu.vector_load %arg15[%swap3A_1027, %swap3A_1028] {strides = array<i32>} : memref<64x128xf32, #tpu.memory_space<vmem>>, vector<16xf32>,
          tpu.vector_store %arg15[%swap3A_1027, %swap3A_1028], %mul3A_1026 {strides = array<i32>} : memref<64x128xf32, #tpu.memory_space<vmem>>, vector<16xf32>,
          %get3A_1030 = arith.index_cast %add3A_1005 : i32 to index
          %get3A_1031 = arith.constant 48 : index
          %get3A_1032 = tpu.vector_load %arg15[%get3A_1030, %get3A_1031] {strides = array<i32>} : memref<64x128xf32, #tpu.memory_space<vmem>>, vector<16xf32>,
          %mul3A_1033 = vector.broadcast %squeeze3A_1001 : f32 to vector<16xf32>
          %mul3A_1034 = arith.mulf %get3A_1032, %mul3A_1033 : vector<16xf32>
          %swap3A_1035 = arith.index_cast %add3A_1005 : i32 to index
          %swap3A_1036 = arith.constant 48 : index
          %swap3A_1037 = tpu.vector_load %arg15[%swap3A_1035, %swap3A_1036] {strides = array<i32>} : memref<64x128xf32, #tpu.memory_space<vmem>>, vector<16xf32>,
          tpu.vector_store %arg15[%swap3A_1035, %swap3A_1036], %mul3A_1034 {strides = array<i32>} : memref<64x128xf32, #tpu.memory_space<vmem>>, vector<16xf32>,
          %get3A_1038 = arith.index_cast %add3A_1005 : i32 to index
          %get3A_1039 = arith.constant 64 : index
          %get3A_1040 = tpu.vector_load %arg15[%get3A_1038, %get3A_1039] {strides = array<i32>} : memref<64x128xf32, #tpu.memory_space<vmem>>, vector<16xf32>,
          %mul3A_1041 = vector.broadcast %squeeze3A_1001 : f32 to vector<16xf32>
          %mul3A_1042 = arith.mulf %get3A_1040, %mul3A_1041 : vector<16xf32>
          %swap3A_1043 = arith.index_cast %add3A_1005 : i32 to index
          %swap3A_1044 = arith.constant 64 : index
          %swap3A_1045 = tpu.vector_load %arg15[%swap3A_1043, %swap3A_1044] {strides = array<i32>} : memref<64x128xf32, #tpu.memory_space<vmem>>, vector<16xf32>,
          tpu.vector_store %arg15[%swap3A_1043, %swap3A_1044], %mul3A_1042 {strides = array<i32>} : memref<64x128xf32, #tpu.memory_space<vmem>>, vector<16xf32>,
          %get3A_1046 = arith.index_cast %add3A_1005 : i32 to index
          %get3A_1047 = arith.constant 80 : index
          %get3A_1048 = tpu.vector_load %arg15[%get3A_1046, %get3A_1047] {strides = array<i32>} : memref<64x128xf32, #tpu.memory_space<vmem>>, vector<16xf32>,
          %mul3A_1049 = vector.broadcast %squeeze3A_1001 : f32 to vector<16xf32>
          %mul3A_1050 = arith.mulf %get3A_1048, %mul3A_1049 : vector<16xf32>
          %swap3A_1051 = arith.index_cast %add3A_1005 : i32 to index
          %swap3A_1052 = arith.constant 80 : index
          %swap3A_1053 = tpu.vector_load %arg15[%swap3A_1051, %swap3A_1052] {strides = array<i32>} : memref<64x128xf32, #tpu.memory_space<vmem>>, vector<16xf32>,
          tpu.vector_store %arg15[%swap3A_1051, %swap3A_1052], %mul3A_1050 {strides = array<i32>} : memref<64x128xf32, #tpu.memory_space<vmem>>, vector<16xf32>,
          %get3A_1054 = arith.index_cast %add3A_1005 : i32 to index
          %get3A_1055 = arith.constant 96 : index
          %get3A_1056 = tpu.vector_load %arg15[%get3A_1054, %get3A_1055] {strides = array<i32>} : memref<64x128xf32, #tpu.memory_space<vmem>>, vector<16xf32>,
          %mul3A_1057 = vector.broadcast %squeeze3A_1001 : f32 to vector<16xf32>
          %mul3A_1058 = arith.mulf %get3A_1056, %mul3A_1057 : vector<16xf32>
          %swap3A_1059 = arith.index_cast %add3A_1005 : i32 to index
          %swap3A_1060 = arith.constant 96 : index
          %swap3A_1061 = tpu.vector_load %arg15[%swap3A_1059, %swap3A_1060] {strides = array<i32>} : memref<64x128xf32, #tpu.memory_space<vmem>>, vector<16xf32>,
          tpu.vector_store %arg15[%swap3A_1059, %swap3A_1060], %mul3A_1058 {strides = array<i32>} : memref<64x128xf32, #tpu.memory_space<vmem>>, vector<16xf32>,
          %get3A_1062 = arith.index_cast %add3A_1005 : i32 to index
          %get3A_1063 = arith.constant 112 : index
          %get3A_1064 = tpu.vector_load %arg15[%get3A_1062, %get3A_1063] {strides = array<i32>} : memref<64x128xf32, #tpu.memory_space<vmem>>, vector<16xf32>,
          %mul3A_1065 = vector.broadcast %squeeze3A_1001 : f32 to vector<16xf32>
          %mul3A_1066 = arith.mulf %get3A_1064, %mul3A_1065 : vector<16xf32>
          %swap3A_1067 = arith.index_cast %add3A_1005 : i32 to index
          %swap3A_1068 = arith.constant 112 : index
          %swap3A_1069 = tpu.vector_load %arg15[%swap3A_1067, %swap3A_1068] {strides = array<i32>} : memref<64x128xf32, #tpu.memory_space<vmem>>, vector<16xf32>,
          tpu.vector_store %arg15[%swap3A_1067, %swap3A_1068], %mul3A_1066 {strides = array<i32>} : memref<64x128xf32, #tpu.memory_space<vmem>>, vector<16xf32>,
          %slice3A_1070 = vector.extract_strided_slice %get3A_92 {offsets = [14], sizes = [1], strides = [1]} : vector<16xf32> to vector<1xf32>
          %squeeze3A_1071 = vector.extract %slice3A_1070[0] : f32 from vector<1xf32>
          %mul3A_1072 = arith.constant 16 : i32
          %mul3A_1073 = arith.muli %scan3A_89, %mul3A_1072 : i32
          %add3A_1074 = arith.constant 14 : i32
          %add3A_1075 = arith.addi %mul3A_1073, %add3A_1074 : i32
          %get3A_1076 = arith.index_cast %add3A_1075 : i32 to index
          %get3A_1077 = arith.constant 0 : index
          %get3A_1078 = tpu.vector_load %arg15[%get3A_1076, %get3A_1077] {strides = array<i32>} : memref<64x128xf32, #tpu.memory_space<vmem>>, vector<16xf32>,
          %mul3A_1079 = vector.broadcast %squeeze3A_1071 : f32 to vector<16xf32>
          %mul3A_1080 = arith.mulf %get3A_1078, %mul3A_1079 : vector<16xf32>
          %swap3A_1081 = arith.index_cast %add3A_1075 : i32 to index
          %swap3A_1082 = arith.constant 0 : index
          %swap3A_1083 = tpu.vector_load %arg15[%swap3A_1081, %swap3A_1082] {strides = array<i32>} : memref<64x128xf32, #tpu.memory_space<vmem>>, vector<16xf32>,
          tpu.vector_store %arg15[%swap3A_1081, %swap3A_1082], %mul3A_1080 {strides = array<i32>} : memref<64x128xf32, #tpu.memory_space<vmem>>, vector<16xf32>,
          %get3A_1084 = arith.index_cast %add3A_1075 : i32 to index
          %get3A_1085 = arith.constant 16 : index
          %get3A_1086 = tpu.vector_load %arg15[%get3A_1084, %get3A_1085] {strides = array<i32>} : memref<64x128xf32, #tpu.memory_space<vmem>>, vector<16xf32>,
          %mul3A_1087 = vector.broadcast %squeeze3A_1071 : f32 to vector<16xf32>
          %mul3A_1088 = arith.mulf %get3A_1086, %mul3A_1087 : vector<16xf32>
          %swap3A_1089 = arith.index_cast %add3A_1075 : i32 to index
          %swap3A_1090 = arith.constant 16 : index
          %swap3A_1091 = tpu.vector_load %arg15[%swap3A_1089, %swap3A_1090] {strides = array<i32>} : memref<64x128xf32, #tpu.memory_space<vmem>>, vector<16xf32>,
          tpu.vector_store %arg15[%swap3A_1089, %swap3A_1090], %mul3A_1088 {strides = array<i32>} : memref<64x128xf32, #tpu.memory_space<vmem>>, vector<16xf32>,
          %get3A_1092 = arith.index_cast %add3A_1075 : i32 to index
          %get3A_1093 = arith.constant 32 : index
          %get3A_1094 = tpu.vector_load %arg15[%get3A_1092, %get3A_1093] {strides = array<i32>} : memref<64x128xf32, #tpu.memory_space<vmem>>, vector<16xf32>,
          %mul3A_1095 = vector.broadcast %squeeze3A_1071 : f32 to vector<16xf32>
          %mul3A_1096 = arith.mulf %get3A_1094, %mul3A_1095 : vector<16xf32>
          %swap3A_1097 = arith.index_cast %add3A_1075 : i32 to index
          %swap3A_1098 = arith.constant 32 : index
          %swap3A_1099 = tpu.vector_load %arg15[%swap3A_1097, %swap3A_1098] {strides = array<i32>} : memref<64x128xf32, #tpu.memory_space<vmem>>, vector<16xf32>,
          tpu.vector_store %arg15[%swap3A_1097, %swap3A_1098], %mul3A_1096 {strides = array<i32>} : memref<64x128xf32, #tpu.memory_space<vmem>>, vector<16xf32>,
          %get3A_1100 = arith.index_cast %add3A_1075 : i32 to index
          %get3A_1101 = arith.constant 48 : index
          %get3A_1102 = tpu.vector_load %arg15[%get3A_1100, %get3A_1101] {strides = array<i32>} : memref<64x128xf32, #tpu.memory_space<vmem>>, vector<16xf32>,
          %mul3A_1103 = vector.broadcast %squeeze3A_1071 : f32 to vector<16xf32>
          %mul3A_1104 = arith.mulf %get3A_1102, %mul3A_1103 : vector<16xf32>
          %swap3A_1105 = arith.index_cast %add3A_1075 : i32 to index
          %swap3A_1106 = arith.constant 48 : index
          %swap3A_1107 = tpu.vector_load %arg15[%swap3A_1105, %swap3A_1106] {strides = array<i32>} : memref<64x128xf32, #tpu.memory_space<vmem>>, vector<16xf32>,
          tpu.vector_store %arg15[%swap3A_1105, %swap3A_1106], %mul3A_1104 {strides = array<i32>} : memref<64x128xf32, #tpu.memory_space<vmem>>, vector<16xf32>,
          %get3A_1108 = arith.index_cast %add3A_1075 : i32 to index
          %get3A_1109 = arith.constant 64 : index
          %get3A_1110 = tpu.vector_load %arg15[%get3A_1108, %get3A_1109] {strides = array<i32>} : memref<64x128xf32, #tpu.memory_space<vmem>>, vector<16xf32>,
          %mul3A_1111 = vector.broadcast %squeeze3A_1071 : f32 to vector<16xf32>
          %mul3A_1112 = arith.mulf %get3A_1110, %mul3A_1111 : vector<16xf32>
          %swap3A_1113 = arith.index_cast %add3A_1075 : i32 to index
          %swap3A_1114 = arith.constant 64 : index
          %swap3A_1115 = tpu.vector_load %arg15[%swap3A_1113, %swap3A_1114] {strides = array<i32>} : memref<64x128xf32, #tpu.memory_space<vmem>>, vector<16xf32>,
          tpu.vector_store %arg15[%swap3A_1113, %swap3A_1114], %mul3A_1112 {strides = array<i32>} : memref<64x128xf32, #tpu.memory_space<vmem>>, vector<16xf32>,
          %get3A_1116 = arith.index_cast %add3A_1075 : i32 to index
          %get3A_1117 = arith.constant 80 : index
          %get3A_1118 = tpu.vector_load %arg15[%get3A_1116, %get3A_1117] {strides = array<i32>} : memref<64x128xf32, #tpu.memory_space<vmem>>, vector<16xf32>,
          %mul3A_1119 = vector.broadcast %squeeze3A_1071 : f32 to vector<16xf32>
          %mul3A_1120 = arith.mulf %get3A_1118, %mul3A_1119 : vector<16xf32>
          %swap3A_1121 = arith.index_cast %add3A_1075 : i32 to index
          %swap3A_1122 = arith.constant 80 : index
          %swap3A_1123 = tpu.vector_load %arg15[%swap3A_1121, %swap3A_1122] {strides = array<i32>} : memref<64x128xf32, #tpu.memory_space<vmem>>, vector<16xf32>,
          tpu.vector_store %arg15[%swap3A_1121, %swap3A_1122], %mul3A_1120 {strides = array<i32>} : memref<64x128xf32, #tpu.memory_space<vmem>>, vector<16xf32>,
          %get3A_1124 = arith.index_cast %add3A_1075 : i32 to index
          %get3A_1125 = arith.constant 96 : index
          %get3A_1126 = tpu.vector_load %arg15[%get3A_1124, %get3A_1125] {strides = array<i32>} : memref<64x128xf32, #tpu.memory_space<vmem>>, vector<16xf32>,
          %mul3A_1127 = vector.broadcast %squeeze3A_1071 : f32 to vector<16xf32>
          %mul3A_1128 = arith.mulf %get3A_1126, %mul3A_1127 : vector<16xf32>
          %swap3A_1129 = arith.index_cast %add3A_1075 : i32 to index
          %swap3A_1130 = arith.constant 96 : index
          %swap3A_1131 = tpu.vector_load %arg15[%swap3A_1129, %swap3A_1130] {strides = array<i32>} : memref<64x128xf32, #tpu.memory_space<vmem>>, vector<16xf32>,
          tpu.vector_store %arg15[%swap3A_1129, %swap3A_1130], %mul3A_1128 {strides = array<i32>} : memref<64x128xf32, #tpu.memory_space<vmem>>, vector<16xf32>,
          %get3A_1132 = arith.index_cast %add3A_1075 : i32 to index
          %get3A_1133 = arith.constant 112 : index
          %get3A_1134 = tpu.vector_load %arg15[%get3A_1132, %get3A_1133] {strides = array<i32>} : memref<64x128xf32, #tpu.memory_space<vmem>>, vector<16xf32>,
          %mul3A_1135 = vector.broadcast %squeeze3A_1071 : f32 to vector<16xf32>
          %mul3A_1136 = arith.mulf %get3A_1134, %mul3A_1135 : vector<16xf32>
          %swap3A_1137 = arith.index_cast %add3A_1075 : i32 to index
          %swap3A_1138 = arith.constant 112 : index
          %swap3A_1139 = tpu.vector_load %arg15[%swap3A_1137, %swap3A_1138] {strides = array<i32>} : memref<64x128xf32, #tpu.memory_space<vmem>>, vector<16xf32>,
          tpu.vector_store %arg15[%swap3A_1137, %swap3A_1138], %mul3A_1136 {strides = array<i32>} : memref<64x128xf32, #tpu.memory_space<vmem>>, vector<16xf32>,
          %slice3A_1140 = vector.extract_strided_slice %get3A_92 {offsets = [15], sizes = [1], strides = [1]} : vector<16xf32> to vector<1xf32>
          %squeeze3A_1141 = vector.extract %slice3A_1140[0] : f32 from vector<1xf32>
          %mul3A_1142 = arith.constant 16 : i32
          %mul3A_1143 = arith.muli %scan3A_89, %mul3A_1142 : i32
          %add3A_1144 = arith.constant 15 : i32
          %add3A_1145 = arith.addi %mul3A_1143, %add3A_1144 : i32
          %get3A_1146 = arith.index_cast %add3A_1145 : i32 to index
          %get3A_1147 = arith.constant 0 : index
          %get3A_1148 = tpu.vector_load %arg15[%get3A_1146, %get3A_1147] {strides = array<i32>} : memref<64x128xf32, #tpu.memory_space<vmem>>, vector<16xf32>,
          %mul3A_1149 = vector.broadcast %squeeze3A_1141 : f32 to vector<16xf32>
          %mul3A_1150 = arith.mulf %get3A_1148, %mul3A_1149 : vector<16xf32>
          %swap3A_1151 = arith.index_cast %add3A_1145 : i32 to index
          %swap3A_1152 = arith.constant 0 : index
          %swap3A_1153 = tpu.vector_load %arg15[%swap3A_1151, %swap3A_1152] {strides = array<i32>} : memref<64x128xf32, #tpu.memory_space<vmem>>, vector<16xf32>,
          tpu.vector_store %arg15[%swap3A_1151, %swap3A_1152], %mul3A_1150 {strides = array<i32>} : memref<64x128xf32, #tpu.memory_space<vmem>>, vector<16xf32>,
          %get3A_1154 = arith.index_cast %add3A_1145 : i32 to index
          %get3A_1155 = arith.constant 16 : index
          %get3A_1156 = tpu.vector_load %arg15[%get3A_1154, %get3A_1155] {strides = array<i32>} : memref<64x128xf32, #tpu.memory_space<vmem>>, vector<16xf32>,
          %mul3A_1157 = vector.broadcast %squeeze3A_1141 : f32 to vector<16xf32>
          %mul3A_1158 = arith.mulf %get3A_1156, %mul3A_1157 : vector<16xf32>
          %swap3A_1159 = arith.index_cast %add3A_1145 : i32 to index
          %swap3A_1160 = arith.constant 16 : index
          %swap3A_1161 = tpu.vector_load %arg15[%swap3A_1159, %swap3A_1160] {strides = array<i32>} : memref<64x128xf32, #tpu.memory_space<vmem>>, vector<16xf32>,
          tpu.vector_store %arg15[%swap3A_1159, %swap3A_1160], %mul3A_1158 {strides = array<i32>} : memref<64x128xf32, #tpu.memory_space<vmem>>, vector<16xf32>,
          %get3A_1162 = arith.index_cast %add3A_1145 : i32 to index
          %get3A_1163 = arith.constant 32 : index
          %get3A_1164 = tpu.vector_load %arg15[%get3A_1162, %get3A_1163] {strides = array<i32>} : memref<64x128xf32, #tpu.memory_space<vmem>>, vector<16xf32>,
          %mul3A_1165 = vector.broadcast %squeeze3A_1141 : f32 to vector<16xf32>
          %mul3A_1166 = arith.mulf %get3A_1164, %mul3A_1165 : vector<16xf32>
          %swap3A_1167 = arith.index_cast %add3A_1145 : i32 to index
          %swap3A_1168 = arith.constant 32 : index
          %swap3A_1169 = tpu.vector_load %arg15[%swap3A_1167, %swap3A_1168] {strides = array<i32>} : memref<64x128xf32, #tpu.memory_space<vmem>>, vector<16xf32>,
          tpu.vector_store %arg15[%swap3A_1167, %swap3A_1168], %mul3A_1166 {strides = array<i32>} : memref<64x128xf32, #tpu.memory_space<vmem>>, vector<16xf32>,
          %get3A_1170 = arith.index_cast %add3A_1145 : i32 to index
          %get3A_1171 = arith.constant 48 : index
          %get3A_1172 = tpu.vector_load %arg15[%get3A_1170, %get3A_1171] {strides = array<i32>} : memref<64x128xf32, #tpu.memory_space<vmem>>, vector<16xf32>,
          %mul3A_1173 = vector.broadcast %squeeze3A_1141 : f32 to vector<16xf32>
          %mul3A_1174 = arith.mulf %get3A_1172, %mul3A_1173 : vector<16xf32>
          %swap3A_1175 = arith.index_cast %add3A_1145 : i32 to index
          %swap3A_1176 = arith.constant 48 : index
          %swap3A_1177 = tpu.vector_load %arg15[%swap3A_1175, %swap3A_1176] {strides = array<i32>} : memref<64x128xf32, #tpu.memory_space<vmem>>, vector<16xf32>,
          tpu.vector_store %arg15[%swap3A_1175, %swap3A_1176], %mul3A_1174 {strides = array<i32>} : memref<64x128xf32, #tpu.memory_space<vmem>>, vector<16xf32>,
          %get3A_1178 = arith.index_cast %add3A_1145 : i32 to index
          %get3A_1179 = arith.constant 64 : index
          %get3A_1180 = tpu.vector_load %arg15[%get3A_1178, %get3A_1179] {strides = array<i32>} : memref<64x128xf32, #tpu.memory_space<vmem>>, vector<16xf32>,
          %mul3A_1181 = vector.broadcast %squeeze3A_1141 : f32 to vector<16xf32>
          %mul3A_1182 = arith.mulf %get3A_1180, %mul3A_1181 : vector<16xf32>
          %swap3A_1183 = arith.index_cast %add3A_1145 : i32 to index
          %swap3A_1184 = arith.constant 64 : index
          %swap3A_1185 = tpu.vector_load %arg15[%swap3A_1183, %swap3A_1184] {strides = array<i32>} : memref<64x128xf32, #tpu.memory_space<vmem>>, vector<16xf32>,
          tpu.vector_store %arg15[%swap3A_1183, %swap3A_1184], %mul3A_1182 {strides = array<i32>} : memref<64x128xf32, #tpu.memory_space<vmem>>, vector<16xf32>,
          %get3A_1186 = arith.index_cast %add3A_1145 : i32 to index
          %get3A_1187 = arith.constant 80 : index
          %get3A_1188 = tpu.vector_load %arg15[%get3A_1186, %get3A_1187] {strides = array<i32>} : memref<64x128xf32, #tpu.memory_space<vmem>>, vector<16xf32>,
          %mul3A_1189 = vector.broadcast %squeeze3A_1141 : f32 to vector<16xf32>
          %mul3A_1190 = arith.mulf %get3A_1188, %mul3A_1189 : vector<16xf32>
          %swap3A_1191 = arith.index_cast %add3A_1145 : i32 to index
          %swap3A_1192 = arith.constant 80 : index
          %swap3A_1193 = tpu.vector_load %arg15[%swap3A_1191, %swap3A_1192] {strides = array<i32>} : memref<64x128xf32, #tpu.memory_space<vmem>>, vector<16xf32>,
          tpu.vector_store %arg15[%swap3A_1191, %swap3A_1192], %mul3A_1190 {strides = array<i32>} : memref<64x128xf32, #tpu.memory_space<vmem>>, vector<16xf32>,
          %get3A_1194 = arith.index_cast %add3A_1145 : i32 to index
          %get3A_1195 = arith.constant 96 : index
          %get3A_1196 = tpu.vector_load %arg15[%get3A_1194, %get3A_1195] {strides = array<i32>} : memref<64x128xf32, #tpu.memory_space<vmem>>, vector<16xf32>,
          %mul3A_1197 = vector.broadcast %squeeze3A_1141 : f32 to vector<16xf32>
          %mul3A_1198 = arith.mulf %get3A_1196, %mul3A_1197 : vector<16xf32>
          %swap3A_1199 = arith.index_cast %add3A_1145 : i32 to index
          %swap3A_1200 = arith.constant 96 : index
          %swap3A_1201 = tpu.vector_load %arg15[%swap3A_1199, %swap3A_1200] {strides = array<i32>} : memref<64x128xf32, #tpu.memory_space<vmem>>, vector<16xf32>,
          tpu.vector_store %arg15[%swap3A_1199, %swap3A_1200], %mul3A_1198 {strides = array<i32>} : memref<64x128xf32, #tpu.memory_space<vmem>>, vector<16xf32>,
          %get3A_1202 = arith.index_cast %add3A_1145 : i32 to index
          %get3A_1203 = arith.constant 112 : index
          %get3A_1204 = tpu.vector_load %arg15[%get3A_1202, %get3A_1203] {strides = array<i32>} : memref<64x128xf32, #tpu.memory_space<vmem>>, vector<16xf32>,
          %mul3A_1205 = vector.broadcast %squeeze3A_1141 : f32 to vector<16xf32>
          %mul3A_1206 = arith.mulf %get3A_1204, %mul3A_1205 : vector<16xf32>
          %swap3A_1207 = arith.index_cast %add3A_1145 : i32 to index
          %swap3A_1208 = arith.constant 112 : index
          %swap3A_1209 = tpu.vector_load %arg15[%swap3A_1207, %swap3A_1208] {strides = array<i32>} : memref<64x128xf32, #tpu.memory_space<vmem>>, vector<16xf32>,
          tpu.vector_store %arg15[%swap3A_1207, %swap3A_1208], %mul3A_1206 {strides = array<i32>} : memref<64x128xf32, #tpu.memory_space<vmem>>, vector<16xf32>,
        }
        %scan3A_69 = arith.constant 4 : i32
        "tpu.region"() ({
          %run_scoped3A = tpu.sem_alloc : memref<!tpu.dma_semaphore, #tpu.memory_space<semaphore_mem>>
          %dma_start3A_89 = arith.constant 0 : i32
          %dma_start3A_90 = tpu.memref_slice %arg13[%mul3A_38, %dma_start3A_89] : memref<8x64xi32, #tpu.memory_space<vmem>> -> memref<1x64xi32, #tpu.memory_space<vmem>>
          %dma_start3A_91 = tpu.memref_squeeze %dma_start3A_90 : memref<1x64xi32, #tpu.memory_space<vmem>> -> memref<64xi32, #tpu.memory_space<vmem>>
          %dma_start3A_92 = arith.constant 0 : i32
          %dma_start3A_93 = arith.constant 0 : i32
          %dma_start3A_94 = tpu.memref_slice %arg17[%dma_start3A_92, %dma_start3A_93] : memref<10112x128xf32, #tpu.memory_space<vmem_shared>> -> memref<10112x128xf32, #tpu.memory_space<vmem_shared>>
          tpu.enqueue_indirect_dma source(%arg15 : memref<64x128xf32, #tpu.memory_space<vmem>>) target(%dma_start3A_94 : memref<10112x128xf32, #tpu.memory_space<vmem_shared>>) offsets(%dma_start3A_91 : memref<64xi32, #tpu.memory_space<vmem>>) semaphore(%run_scoped3A : memref<!tpu.dma_semaphore, #tpu.memory_space<semaphore_mem>>) {add = true}
          %dma_wait3A_95 = arith.constant 0 : i32
          %dma_wait3A_96 = tpu.memref_slice %arg13[%mul3A_38, %dma_wait3A_95] : memref<8x64xi32, #tpu.memory_space<vmem>> -> memref<1x64xi32, #tpu.memory_space<vmem>>
          %dma_wait3A_97 = tpu.memref_squeeze %dma_wait3A_96 : memref<1x64xi32, #tpu.memory_space<vmem>> -> memref<64xi32, #tpu.memory_space<vmem>>
          %dma_wait3A_98 = arith.constant 0 : i32
          %dma_wait3A_99 = arith.constant 0 : i32
          %dma_wait3A_100 = tpu.memref_slice %arg17[%dma_wait3A_98, %dma_wait3A_99] : memref<10112x128xf32, #tpu.memory_space<vmem_shared>> -> memref<10112x128xf32, #tpu.memory_space<vmem_shared>>
          tpu.wait_indirect_dma semaphore(%run_scoped3A : memref<!tpu.dma_semaphore, #tpu.memory_space<semaphore_mem>>) src(%arg15 : memref<64x128xf32, #tpu.memory_space<vmem>>) dst(%dma_wait3A_100 : memref<10112x128xf32, #tpu.memory_space<vmem_shared>>)
          tpu.yield
        }) : () -> ()
        %mul3A_70 = arith.constant 8 : i32
        %mul3A_71 = arith.muli %scan3A_26, %mul3A_70 : i32
        %add3A_72 = arith.addi %mul3A_71, %add3A_40 : i32
        %scan3A_73 = arith.constant 0 : i32
        %scan3A_74 = arith.constant 4 : i32
        %scan3A_75 = arith.addi %scan3A_73, %scan3A_74 : i32
        %scan3A_76 = arith.constant 1 : i32
        scf.for %scan3A_89 = %scan3A_73 to %scan3A_75 step %scan3A_76  : i32 {
          %mul3A_90 = arith.constant 10752 : i32
          %mul3A_91 = arith.muli %add3A, %mul3A_90 : i32
          %mul3A_92 = arith.constant 64 : i32
          %mul3A_93 = arith.muli %add3A_72, %mul3A_92 : i32
          %add3A_94 = arith.addi %mul3A_91, %mul3A_93 : i32
          %iota3A = tpu.iota {dimensions = array<i32: 0>} : vector<16xi32>
          %mul3A_95 = arith.constant 16 : i32
          %mul3A_96 = arith.muli %scan3A_89, %mul3A_95 : i32
          %get3A = arith.index_cast %add3A_40 : i32 to index
          %get3A_97 = arith.index_cast %mul3A_96 : i32 to index
          %get3A_98 = tpu.vector_load %arg12[%get3A, %get3A_97] {strides = array<i32>} : memref<8x64xi32, #tpu.memory_space<vmem>>, vector<16xi32>,
          %get3A_99 = arith.index_cast %add3A_40 : i32 to index
          %get3A_100 = arith.index_cast %mul3A_96 : i32 to index
          %get3A_101 = tpu.vector_load %arg13[%get3A_99, %get3A_100] {strides = array<i32>} : memref<8x64xi32, #tpu.memory_space<vmem>>, vector<16xi32>,
          %gather3A = tpu.vector_load_idx %arg9[%get3A_98] : memref<10000xf32, #tpu.memory_space<vmem>>[vector<16xi32>], vector<16xf32>,
          %gather3A_102 = tpu.vector_load_idx %arg10[%get3A_101] : memref<10000xf32, #tpu.memory_space<vmem>>[vector<16xi32>], vector<16xf32>,
          %add3A_103 = arith.addf %gather3A, %gather3A_102 : vector<16xf32>
          %gt3A = arith.constant 0.000000e+00 : f32
          %gt3A_104 = vector.broadcast %gt3A : f32 to vector<16xf32>
          %gt3A_105 = arith.cmpf ogt, %add3A_103, %gt3A_104 : vector<16xf32>
          %mul3A_106 = arith.constant 2.000000e-01 : f32
          %mul3A_107 = vector.broadcast %mul3A_106 : f32 to vector<16xf32>
          %mul3A_108 = arith.mulf %add3A_103, %mul3A_107 : vector<16xf32>
          %select_n3A = arith.select %gt3A_105, %add3A_103, %mul3A_108 : vector<16xi1>, vector<16xf32>
          %exp3A = math.exp %select_n3A : vector<16xf32>
          %mul3A_109 = arith.constant 16 : i32
          %mul3A_110 = arith.muli %scan3A_89, %mul3A_109 : i32
          %add3A_111 = arith.addi %add3A_94, %mul3A_110 : i32
          %add3A_112 = vector.broadcast %add3A_111 : i32 to vector<16xi32>
          %add3A_113 = arith.addi %add3A_112, %iota3A : vector<16xi32>
          %lt3A = arith.constant 330000 : i32
          %lt3A_114 = vector.broadcast %lt3A : i32 to vector<16xi32>
          %lt3A_115 = arith.cmpi slt, %add3A_113, %lt3A_114 : vector<16xi32>
          %jit3A = arith.constant 0.000000e+00 : f32
          %broadcast_in_dim3A_116 = vector.broadcast %jit3A : f32 to vector<16xf32>
          %select_n3A_117 = arith.select %lt3A_115, %exp3A, %broadcast_in_dim3A_116 : vector<16xi1>, vector<16xf32>
          %mul3A_118 = arith.constant 16 : i32
          %mul3A_119 = arith.muli %scan3A_89, %mul3A_118 : i32
          %swap3A = arith.index_cast %mul3A_119 : i32 to index
          %swap3A_120 = tpu.vector_load %arg14[%swap3A] {strides = array<i32>} : memref<64xf32, #tpu.memory_space<vmem>>, vector<16xf32>,
          tpu.vector_store %arg14[%swap3A], %select_n3A_117 {strides = array<i32>} : memref<64xf32, #tpu.memory_space<vmem>>, vector<16xf32>,
          %masked_sort3A = arith.constant dense<true> : vector<16xi1>
          %masked_sort3A_121 = arith.constant -2147483648 : i32
          %masked_sort3A_122 = vector.broadcast %masked_sort3A_121 : i32 to vector<16xi32>
          %masked_sort3A_123 = arith.xori %get3A_101, %masked_sort3A_122 : vector<16xi32>
          %masked_sort3A_124, %masked_sort3A_125, %masked_sort3A_126 = tpu.sort %masked_sort3A_123, %select_n3A_117 masked %masked_sort3A : (vector<16xi32>, vector<16xf32>, vector<16xi1>) -> (vector<16xi1>, vector<16xi32>, vector<16xf32>)
          %masked_sort3A_127 = arith.xori %masked_sort3A_125, %masked_sort3A_122 : vector<16xi32>
          %iota3A_128 = tpu.iota {dimensions = array<i32: 0>} : vector<16xi32>
          %sub3A = arith.constant 1 : i32
          %sub3A_129 = vector.broadcast %sub3A : i32 to vector<16xi32>
          %sub3A_130 = arith.subi %iota3A_128, %sub3A_129 : vector<16xi32>
          %max3A = arith.constant 0 : i32
          %max3A_131 = vector.broadcast %max3A : i32 to vector<16xi32>
          %max3A_132 = arith.maxsi %sub3A_130, %max3A_131 : vector<16xi32>
          %lt3A_133 = arith.constant 0 : i32
          %lt3A_134 = vector.broadcast %lt3A_133 : i32 to vector<16xi32>
          %lt3A_135 = arith.cmpi slt, %max3A_132, %lt3A_134 : vector<16xi32>
          %add3A_136 = arith.constant 16 : i32
          %add3A_137 = vector.broadcast %add3A_136 : i32 to vector<16xi32>
          %add3A_138 = arith.addi %max3A_132, %add3A_137 : vector<16xi32>
          %select_n3A_139 = arith.select %lt3A_135, %add3A_138, %max3A_132 : vector<16xi1>, vector<16xi32>
          %broadcast_in_dim3A_140 = vector.shape_cast %select_n3A_139 : vector<16xi32> to vector<16x1xi32>
          %gather3A_141 = vector.shape_cast %broadcast_in_dim3A_140 : vector<16x1xi32> to vector<16xi32>
          %gather3A_142 = tpu.dynamic_gather %masked_sort3A_127[%gather3A_141] in [0] : vector<16xi32>, vector<16xi32> -> vector<16xi32>
          %eq3A = arith.cmpi eq, %gather3A_142, %masked_sort3A_127 : vector<16xi32>
          %ge3A = arith.constant 1 : i32
          %ge3A_143 = vector.broadcast %ge3A : i32 to vector<16xi32>
          %ge3A_144 = arith.cmpi sge, %iota3A_128, %ge3A_143 : vector<16xi32>
          %and3A = arith.andi %eq3A, %ge3A_144 : vector<16xi1>
          %lt3A_145 = arith.constant 0 : i32
          %lt3A_146 = vector.broadcast %lt3A_145 : i32 to vector<16xi32>
          %lt3A_147 = arith.cmpi slt, %max3A_132, %lt3A_146 : vector<16xi32>
          %add3A_148 = arith.constant 16 : i32
          %add3A_149 = vector.broadcast %add3A_148 : i32 to vector<16xi32>
          %add3A_150 = arith.addi %max3A_132, %add3A_149 : vector<16xi32>
          %select_n3A_151 = arith.select %lt3A_147, %add3A_150, %max3A_132 : vector<16xi1>, vector<16xi32>
          %broadcast_in_dim3A_152 = vector.shape_cast %select_n3A_151 : vector<16xi32> to vector<16x1xi32>
          %gather3A_153 = vector.shape_cast %broadcast_in_dim3A_152 : vector<16x1xi32> to vector<16xi32>
          %gather3A_154 = tpu.dynamic_gather %masked_sort3A_126[%gather3A_153] in [0] : vector<16xf32>, vector<16xi32> -> vector<16xf32>
          %jit3A_155 = arith.constant 0.000000e+00 : f32
          %broadcast_in_dim3A_156 = vector.broadcast %jit3A_155 : f32 to vector<16xf32>
          %select_n3A_157 = arith.select %and3A, %gather3A_154, %broadcast_in_dim3A_156 : vector<16xi1>, vector<16xf32>
          %add3A_158 = arith.addf %masked_sort3A_126, %select_n3A_157 : vector<16xf32>
          %sub3A_159 = arith.constant 2 : i32
          %sub3A_160 = vector.broadcast %sub3A_159 : i32 to vector<16xi32>
          %sub3A_161 = arith.subi %iota3A_128, %sub3A_160 : vector<16xi32>
          %max3A_162 = arith.constant 0 : i32
          %max3A_163 = vector.broadcast %max3A_162 : i32 to vector<16xi32>
          %max3A_164 = arith.maxsi %sub3A_161, %max3A_163 : vector<16xi32>
          %lt3A_165 = arith.constant 0 : i32
          %lt3A_166 = vector.broadcast %lt3A_165 : i32 to vector<16xi32>
          %lt3A_167 = arith.cmpi slt, %max3A_164, %lt3A_166 : vector<16xi32>
          %add3A_168 = arith.constant 16 : i32
          %add3A_169 = vector.broadcast %add3A_168 : i32 to vector<16xi32>
          %add3A_170 = arith.addi %max3A_164, %add3A_169 : vector<16xi32>
          %select_n3A_171 = arith.select %lt3A_167, %add3A_170, %max3A_164 : vector<16xi1>, vector<16xi32>
          %broadcast_in_dim3A_172 = vector.shape_cast %select_n3A_171 : vector<16xi32> to vector<16x1xi32>
          %gather3A_173 = vector.shape_cast %broadcast_in_dim3A_172 : vector<16x1xi32> to vector<16xi32>
          %gather3A_174 = tpu.dynamic_gather %masked_sort3A_127[%gather3A_173] in [0] : vector<16xi32>, vector<16xi32> -> vector<16xi32>
          %eq3A_175 = arith.cmpi eq, %gather3A_174, %masked_sort3A_127 : vector<16xi32>
          %ge3A_176 = arith.constant 2 : i32
          %ge3A_177 = vector.broadcast %ge3A_176 : i32 to vector<16xi32>
          %ge3A_178 = arith.cmpi sge, %iota3A_128, %ge3A_177 : vector<16xi32>
          %and3A_179 = arith.andi %eq3A_175, %ge3A_178 : vector<16xi1>
          %lt3A_180 = arith.constant 0 : i32
          %lt3A_181 = vector.broadcast %lt3A_180 : i32 to vector<16xi32>
          %lt3A_182 = arith.cmpi slt, %max3A_164, %lt3A_181 : vector<16xi32>
          %add3A_183 = arith.constant 16 : i32
          %add3A_184 = vector.broadcast %add3A_183 : i32 to vector<16xi32>
          %add3A_185 = arith.addi %max3A_164, %add3A_184 : vector<16xi32>
          %select_n3A_186 = arith.select %lt3A_182, %add3A_185, %max3A_164 : vector<16xi1>, vector<16xi32>
          %broadcast_in_dim3A_187 = vector.shape_cast %select_n3A_186 : vector<16xi32> to vector<16x1xi32>
          %gather3A_188 = vector.shape_cast %broadcast_in_dim3A_187 : vector<16x1xi32> to vector<16xi32>
          %gather3A_189 = tpu.dynamic_gather %add3A_158[%gather3A_188] in [0] : vector<16xf32>, vector<16xi32> -> vector<16xf32>
          %jit3A_190 = arith.constant 0.000000e+00 : f32
          %broadcast_in_dim3A_191 = vector.broadcast %jit3A_190 : f32 to vector<16xf32>
          %select_n3A_192 = arith.select %and3A_179, %gather3A_189, %broadcast_in_dim3A_191 : vector<16xi1>, vector<16xf32>
          %add3A_193 = arith.addf %add3A_158, %select_n3A_192 : vector<16xf32>
          %sub3A_194 = arith.constant 4 : i32
          %sub3A_195 = vector.broadcast %sub3A_194 : i32 to vector<16xi32>
          %sub3A_196 = arith.subi %iota3A_128, %sub3A_195 : vector<16xi32>
          %max3A_197 = arith.constant 0 : i32
          %max3A_198 = vector.broadcast %max3A_197 : i32 to vector<16xi32>
          %max3A_199 = arith.maxsi %sub3A_196, %max3A_198 : vector<16xi32>
          %lt3A_200 = arith.constant 0 : i32
          %lt3A_201 = vector.broadcast %lt3A_200 : i32 to vector<16xi32>
          %lt3A_202 = arith.cmpi slt, %max3A_199, %lt3A_201 : vector<16xi32>
          %add3A_203 = arith.constant 16 : i32
          %add3A_204 = vector.broadcast %add3A_203 : i32 to vector<16xi32>
          %add3A_205 = arith.addi %max3A_199, %add3A_204 : vector<16xi32>
          %select_n3A_206 = arith.select %lt3A_202, %add3A_205, %max3A_199 : vector<16xi1>, vector<16xi32>
          %broadcast_in_dim3A_207 = vector.shape_cast %select_n3A_206 : vector<16xi32> to vector<16x1xi32>
          %gather3A_208 = vector.shape_cast %broadcast_in_dim3A_207 : vector<16x1xi32> to vector<16xi32>
          %gather3A_209 = tpu.dynamic_gather %masked_sort3A_127[%gather3A_208] in [0] : vector<16xi32>, vector<16xi32> -> vector<16xi32>
          %eq3A_210 = arith.cmpi eq, %gather3A_209, %masked_sort3A_127 : vector<16xi32>
          %ge3A_211 = arith.constant 4 : i32
          %ge3A_212 = vector.broadcast %ge3A_211 : i32 to vector<16xi32>
          %ge3A_213 = arith.cmpi sge, %iota3A_128, %ge3A_212 : vector<16xi32>
          %and3A_214 = arith.andi %eq3A_210, %ge3A_213 : vector<16xi1>
          %lt3A_215 = arith.constant 0 : i32
          %lt3A_216 = vector.broadcast %lt3A_215 : i32 to vector<16xi32>
          %lt3A_217 = arith.cmpi slt, %max3A_199, %lt3A_216 : vector<16xi32>
          %add3A_218 = arith.constant 16 : i32
          %add3A_219 = vector.broadcast %add3A_218 : i32 to vector<16xi32>
          %add3A_220 = arith.addi %max3A_199, %add3A_219 : vector<16xi32>
          %select_n3A_221 = arith.select %lt3A_217, %add3A_220, %max3A_199 : vector<16xi1>, vector<16xi32>
          %broadcast_in_dim3A_222 = vector.shape_cast %select_n3A_221 : vector<16xi32> to vector<16x1xi32>
          %gather3A_223 = vector.shape_cast %broadcast_in_dim3A_222 : vector<16x1xi32> to vector<16xi32>
          %gather3A_224 = tpu.dynamic_gather %add3A_193[%gather3A_223] in [0] : vector<16xf32>, vector<16xi32> -> vector<16xf32>
          %jit3A_225 = arith.constant 0.000000e+00 : f32
          %broadcast_in_dim3A_226 = vector.broadcast %jit3A_225 : f32 to vector<16xf32>
          %select_n3A_227 = arith.select %and3A_214, %gather3A_224, %broadcast_in_dim3A_226 : vector<16xi1>, vector<16xf32>
          %add3A_228 = arith.addf %add3A_193, %select_n3A_227 : vector<16xf32>
          %sub3A_229 = arith.constant 8 : i32
          %sub3A_230 = vector.broadcast %sub3A_229 : i32 to vector<16xi32>
          %sub3A_231 = arith.subi %iota3A_128, %sub3A_230 : vector<16xi32>
          %max3A_232 = arith.constant 0 : i32
          %max3A_233 = vector.broadcast %max3A_232 : i32 to vector<16xi32>
          %max3A_234 = arith.maxsi %sub3A_231, %max3A_233 : vector<16xi32>
          %lt3A_235 = arith.constant 0 : i32
          %lt3A_236 = vector.broadcast %lt3A_235 : i32 to vector<16xi32>
          %lt3A_237 = arith.cmpi slt, %max3A_234, %lt3A_236 : vector<16xi32>
          %add3A_238 = arith.constant 16 : i32
          %add3A_239 = vector.broadcast %add3A_238 : i32 to vector<16xi32>
          %add3A_240 = arith.addi %max3A_234, %add3A_239 : vector<16xi32>
          %select_n3A_241 = arith.select %lt3A_237, %add3A_240, %max3A_234 : vector<16xi1>, vector<16xi32>
          %broadcast_in_dim3A_242 = vector.shape_cast %select_n3A_241 : vector<16xi32> to vector<16x1xi32>
          %gather3A_243 = vector.shape_cast %broadcast_in_dim3A_242 : vector<16x1xi32> to vector<16xi32>
          %gather3A_244 = tpu.dynamic_gather %masked_sort3A_127[%gather3A_243] in [0] : vector<16xi32>, vector<16xi32> -> vector<16xi32>
          %eq3A_245 = arith.cmpi eq, %gather3A_244, %masked_sort3A_127 : vector<16xi32>
          %ge3A_246 = arith.constant 8 : i32
          %ge3A_247 = vector.broadcast %ge3A_246 : i32 to vector<16xi32>
          %ge3A_248 = arith.cmpi sge, %iota3A_128, %ge3A_247 : vector<16xi32>
          %and3A_249 = arith.andi %eq3A_245, %ge3A_248 : vector<16xi1>
          %lt3A_250 = arith.constant 0 : i32
          %lt3A_251 = vector.broadcast %lt3A_250 : i32 to vector<16xi32>
          %lt3A_252 = arith.cmpi slt, %max3A_234, %lt3A_251 : vector<16xi32>
          %add3A_253 = arith.constant 16 : i32
          %add3A_254 = vector.broadcast %add3A_253 : i32 to vector<16xi32>
          %add3A_255 = arith.addi %max3A_234, %add3A_254 : vector<16xi32>
          %select_n3A_256 = arith.select %lt3A_252, %add3A_255, %max3A_234 : vector<16xi1>, vector<16xi32>
          %broadcast_in_dim3A_257 = vector.shape_cast %select_n3A_256 : vector<16xi32> to vector<16x1xi32>
          %gather3A_258 = vector.shape_cast %broadcast_in_dim3A_257 : vector<16x1xi32> to vector<16xi32>
          %gather3A_259 = tpu.dynamic_gather %add3A_228[%gather3A_258] in [0] : vector<16xf32>, vector<16xi32> -> vector<16xf32>
          %jit3A_260 = arith.constant 0.000000e+00 : f32
          %broadcast_in_dim3A_261 = vector.broadcast %jit3A_260 : f32 to vector<16xf32>
          %select_n3A_262 = arith.select %and3A_249, %gather3A_259, %broadcast_in_dim3A_261 : vector<16xi1>, vector<16xf32>
          %add3A_263 = arith.addf %add3A_228, %select_n3A_262 : vector<16xf32>
          %add3A_264 = arith.constant 1 : i32
          %add3A_265 = vector.broadcast %add3A_264 : i32 to vector<16xi32>
          %add3A_266 = arith.addi %iota3A_128, %add3A_265 : vector<16xi32>
          %min3A = arith.constant 15 : i32
          %min3A_267 = vector.broadcast %min3A : i32 to vector<16xi32>
          %min3A_268 = arith.minsi %add3A_266, %min3A_267 : vector<16xi32>
          %lt3A_269 = arith.constant 0 : i32
          %lt3A_270 = vector.broadcast %lt3A_269 : i32 to vector<16xi32>
          %lt3A_271 = arith.cmpi slt, %min3A_268, %lt3A_270 : vector<16xi32>
          %add3A_272 = arith.constant 16 : i32
          %add3A_273 = vector.broadcast %add3A_272 : i32 to vector<16xi32>
          %add3A_274 = arith.addi %min3A_268, %add3A_273 : vector<16xi32>
          %select_n3A_275 = arith.select %lt3A_271, %add3A_274, %min3A_268 : vector<16xi1>, vector<16xi32>
          %broadcast_in_dim3A_276 = vector.shape_cast %select_n3A_275 : vector<16xi32> to vector<16x1xi32>
          %gather3A_277 = vector.shape_cast %broadcast_in_dim3A_276 : vector<16x1xi32> to vector<16xi32>
          %gather3A_278 = tpu.dynamic_gather %masked_sort3A_127[%gather3A_277] in [0] : vector<16xi32>, vector<16xi32> -> vector<16xi32>
          %ne3A = arith.cmpi ne, %gather3A_278, %masked_sort3A_127 : vector<16xi32>
          %eq3A_279 = arith.constant 15 : i32
          %eq3A_280 = vector.broadcast %eq3A_279 : i32 to vector<16xi32>
          %eq3A_281 = arith.cmpi eq, %iota3A_128, %eq3A_280 : vector<16xi32>
          %or3A = arith.ori %ne3A, %eq3A_281 : vector<16xi1>
          tpu.vector_store_idx %arg11[%masked_sort3A_127], %add3A_263 masked %or3A {add = true} : memref<10000xf32, #tpu.memory_space<vmem>>[vector<16xi32>], vector<16xf32>, vector<16xi1>
        }
        %scan3A_77 = arith.constant 4 : i32
        %dma_wait3A_78 = arith.constant 0 : i32
        %dma_wait3A_79 = tpu.memref_slice %arg12[%add3A_40, %dma_wait3A_78] : memref<8x64xi32, #tpu.memory_space<vmem>> -> memref<1x64xi32, #tpu.memory_space<vmem>>
        %dma_wait3A_80 = tpu.memref_squeeze %dma_wait3A_79 : memref<1x64xi32, #tpu.memory_space<vmem>> -> memref<64xi32, #tpu.memory_space<vmem>>
        %dma_wait3A_81 = arith.constant 0 : i32
        %dma_wait3A_82 = arith.constant 0 : i32
        %dma_wait3A_83 = tpu.memref_slice %arg2[%dma_wait3A_81, %dma_wait3A_82] : memref<10000x128xf32, #tpu.memory_space<hbm>> -> memref<10000x128xf32, #tpu.memory_space<hbm>>
        tpu.wait_indirect_dma semaphore(%arg19 : memref<!tpu.dma_semaphore, #tpu.memory_space<semaphore_mem>>) src(%dma_wait3A_83 : memref<10000x128xf32, #tpu.memory_space<hbm>>) dst(%arg16 : memref<64x128xf32, #tpu.memory_space<vmem>>)
        %scan3A_84 = arith.constant 0 : i32
        %scan3A_85 = arith.constant 4 : i32
        %scan3A_86 = arith.addi %scan3A_84, %scan3A_85 : i32
        %scan3A_87 = arith.constant 1 : i32
        scf.for %scan3A_89 = %scan3A_84 to %scan3A_86 step %scan3A_87  : i32 {
          %mul3A_90 = arith.constant 16 : i32
          %mul3A_91 = arith.muli %scan3A_89, %mul3A_90 : i32
          %get3A = arith.index_cast %mul3A_91 : i32 to index
          %get3A_92 = tpu.vector_load %arg14[%get3A] {strides = array<i32>} : memref<64xf32, #tpu.memory_space<vmem>>, vector<16xf32>,
          %slice3A = vector.extract_strided_slice %get3A_92 {offsets = [0], sizes = [1], strides = [1]} : vector<16xf32> to vector<1xf32>
          %squeeze3A = vector.extract %slice3A[0] : f32 from vector<1xf32>
          %mul3A_93 = arith.constant 16 : i32
          %mul3A_94 = arith.muli %scan3A_89, %mul3A_93 : i32
          %add3A_95 = arith.constant 0 : i32
          %add3A_96 = arith.addi %mul3A_94, %add3A_95 : i32
          %get3A_97 = arith.index_cast %add3A_96 : i32 to index
          %get3A_98 = arith.constant 0 : index
          %get3A_99 = tpu.vector_load %arg16[%get3A_97, %get3A_98] {strides = array<i32>} : memref<64x128xf32, #tpu.memory_space<vmem>>, vector<16xf32>,
          %mul3A_100 = vector.broadcast %squeeze3A : f32 to vector<16xf32>
          %mul3A_101 = arith.mulf %get3A_99, %mul3A_100 : vector<16xf32>
          %swap3A = arith.index_cast %add3A_96 : i32 to index
          %swap3A_102 = arith.constant 0 : index
          %swap3A_103 = tpu.vector_load %arg16[%swap3A, %swap3A_102] {strides = array<i32>} : memref<64x128xf32, #tpu.memory_space<vmem>>, vector<16xf32>,
          tpu.vector_store %arg16[%swap3A, %swap3A_102], %mul3A_101 {strides = array<i32>} : memref<64x128xf32, #tpu.memory_space<vmem>>, vector<16xf32>,
          %get3A_104 = arith.index_cast %add3A_96 : i32 to index
          %get3A_105 = arith.constant 16 : index
          %get3A_106 = tpu.vector_load %arg16[%get3A_104, %get3A_105] {strides = array<i32>} : memref<64x128xf32, #tpu.memory_space<vmem>>, vector<16xf32>,
          %mul3A_107 = vector.broadcast %squeeze3A : f32 to vector<16xf32>
          %mul3A_108 = arith.mulf %get3A_106, %mul3A_107 : vector<16xf32>
          %swap3A_109 = arith.index_cast %add3A_96 : i32 to index
          %swap3A_110 = arith.constant 16 : index
          %swap3A_111 = tpu.vector_load %arg16[%swap3A_109, %swap3A_110] {strides = array<i32>} : memref<64x128xf32, #tpu.memory_space<vmem>>, vector<16xf32>,
          tpu.vector_store %arg16[%swap3A_109, %swap3A_110], %mul3A_108 {strides = array<i32>} : memref<64x128xf32, #tpu.memory_space<vmem>>, vector<16xf32>,
          %get3A_112 = arith.index_cast %add3A_96 : i32 to index
          %get3A_113 = arith.constant 32 : index
          %get3A_114 = tpu.vector_load %arg16[%get3A_112, %get3A_113] {strides = array<i32>} : memref<64x128xf32, #tpu.memory_space<vmem>>, vector<16xf32>,
          %mul3A_115 = vector.broadcast %squeeze3A : f32 to vector<16xf32>
          %mul3A_116 = arith.mulf %get3A_114, %mul3A_115 : vector<16xf32>
          %swap3A_117 = arith.index_cast %add3A_96 : i32 to index
          %swap3A_118 = arith.constant 32 : index
          %swap3A_119 = tpu.vector_load %arg16[%swap3A_117, %swap3A_118] {strides = array<i32>} : memref<64x128xf32, #tpu.memory_space<vmem>>, vector<16xf32>,
          tpu.vector_store %arg16[%swap3A_117, %swap3A_118], %mul3A_116 {strides = array<i32>} : memref<64x128xf32, #tpu.memory_space<vmem>>, vector<16xf32>,
          %get3A_120 = arith.index_cast %add3A_96 : i32 to index
          %get3A_121 = arith.constant 48 : index
          %get3A_122 = tpu.vector_load %arg16[%get3A_120, %get3A_121] {strides = array<i32>} : memref<64x128xf32, #tpu.memory_space<vmem>>, vector<16xf32>,
          %mul3A_123 = vector.broadcast %squeeze3A : f32 to vector<16xf32>
          %mul3A_124 = arith.mulf %get3A_122, %mul3A_123 : vector<16xf32>
          %swap3A_125 = arith.index_cast %add3A_96 : i32 to index
          %swap3A_126 = arith.constant 48 : index
          %swap3A_127 = tpu.vector_load %arg16[%swap3A_125, %swap3A_126] {strides = array<i32>} : memref<64x128xf32, #tpu.memory_space<vmem>>, vector<16xf32>,
          tpu.vector_store %arg16[%swap3A_125, %swap3A_126], %mul3A_124 {strides = array<i32>} : memref<64x128xf32, #tpu.memory_space<vmem>>, vector<16xf32>,
          %get3A_128 = arith.index_cast %add3A_96 : i32 to index
          %get3A_129 = arith.constant 64 : index
          %get3A_130 = tpu.vector_load %arg16[%get3A_128, %get3A_129] {strides = array<i32>} : memref<64x128xf32, #tpu.memory_space<vmem>>, vector<16xf32>,
          %mul3A_131 = vector.broadcast %squeeze3A : f32 to vector<16xf32>
          %mul3A_132 = arith.mulf %get3A_130, %mul3A_131 : vector<16xf32>
          %swap3A_133 = arith.index_cast %add3A_96 : i32 to index
          %swap3A_134 = arith.constant 64 : index
          %swap3A_135 = tpu.vector_load %arg16[%swap3A_133, %swap3A_134] {strides = array<i32>} : memref<64x128xf32, #tpu.memory_space<vmem>>, vector<16xf32>,
          tpu.vector_store %arg16[%swap3A_133, %swap3A_134], %mul3A_132 {strides = array<i32>} : memref<64x128xf32, #tpu.memory_space<vmem>>, vector<16xf32>,
          %get3A_136 = arith.index_cast %add3A_96 : i32 to index
          %get3A_137 = arith.constant 80 : index
          %get3A_138 = tpu.vector_load %arg16[%get3A_136, %get3A_137] {strides = array<i32>} : memref<64x128xf32, #tpu.memory_space<vmem>>, vector<16xf32>,
          %mul3A_139 = vector.broadcast %squeeze3A : f32 to vector<16xf32>
          %mul3A_140 = arith.mulf %get3A_138, %mul3A_139 : vector<16xf32>
          %swap3A_141 = arith.index_cast %add3A_96 : i32 to index
          %swap3A_142 = arith.constant 80 : index
          %swap3A_143 = tpu.vector_load %arg16[%swap3A_141, %swap3A_142] {strides = array<i32>} : memref<64x128xf32, #tpu.memory_space<vmem>>, vector<16xf32>,
          tpu.vector_store %arg16[%swap3A_141, %swap3A_142], %mul3A_140 {strides = array<i32>} : memref<64x128xf32, #tpu.memory_space<vmem>>, vector<16xf32>,
          %get3A_144 = arith.index_cast %add3A_96 : i32 to index
          %get3A_145 = arith.constant 96 : index
          %get3A_146 = tpu.vector_load %arg16[%get3A_144, %get3A_145] {strides = array<i32>} : memref<64x128xf32, #tpu.memory_space<vmem>>, vector<16xf32>,
          %mul3A_147 = vector.broadcast %squeeze3A : f32 to vector<16xf32>
          %mul3A_148 = arith.mulf %get3A_146, %mul3A_147 : vector<16xf32>
          %swap3A_149 = arith.index_cast %add3A_96 : i32 to index
          %swap3A_150 = arith.constant 96 : index
          %swap3A_151 = tpu.vector_load %arg16[%swap3A_149, %swap3A_150] {strides = array<i32>} : memref<64x128xf32, #tpu.memory_space<vmem>>, vector<16xf32>,
          tpu.vector_store %arg16[%swap3A_149, %swap3A_150], %mul3A_148 {strides = array<i32>} : memref<64x128xf32, #tpu.memory_space<vmem>>, vector<16xf32>,
          %get3A_152 = arith.index_cast %add3A_96 : i32 to index
          %get3A_153 = arith.constant 112 : index
          %get3A_154 = tpu.vector_load %arg16[%get3A_152, %get3A_153] {strides = array<i32>} : memref<64x128xf32, #tpu.memory_space<vmem>>, vector<16xf32>,
          %mul3A_155 = vector.broadcast %squeeze3A : f32 to vector<16xf32>
          %mul3A_156 = arith.mulf %get3A_154, %mul3A_155 : vector<16xf32>
          %swap3A_157 = arith.index_cast %add3A_96 : i32 to index
          %swap3A_158 = arith.constant 112 : index
          %swap3A_159 = tpu.vector_load %arg16[%swap3A_157, %swap3A_158] {strides = array<i32>} : memref<64x128xf32, #tpu.memory_space<vmem>>, vector<16xf32>,
          tpu.vector_store %arg16[%swap3A_157, %swap3A_158], %mul3A_156 {strides = array<i32>} : memref<64x128xf32, #tpu.memory_space<vmem>>, vector<16xf32>,
          %slice3A_160 = vector.extract_strided_slice %get3A_92 {offsets = [1], sizes = [1], strides = [1]} : vector<16xf32> to vector<1xf32>
          %squeeze3A_161 = vector.extract %slice3A_160[0] : f32 from vector<1xf32>
          %mul3A_162 = arith.constant 16 : i32
          %mul3A_163 = arith.muli %scan3A_89, %mul3A_162 : i32
          %add3A_164 = arith.constant 1 : i32
          %add3A_165 = arith.addi %mul3A_163, %add3A_164 : i32
          %get3A_166 = arith.index_cast %add3A_165 : i32 to index
          %get3A_167 = arith.constant 0 : index
          %get3A_168 = tpu.vector_load %arg16[%get3A_166, %get3A_167] {strides = array<i32>} : memref<64x128xf32, #tpu.memory_space<vmem>>, vector<16xf32>,
          %mul3A_169 = vector.broadcast %squeeze3A_161 : f32 to vector<16xf32>
          %mul3A_170 = arith.mulf %get3A_168, %mul3A_169 : vector<16xf32>
          %swap3A_171 = arith.index_cast %add3A_165 : i32 to index
          %swap3A_172 = arith.constant 0 : index
          %swap3A_173 = tpu.vector_load %arg16[%swap3A_171, %swap3A_172] {strides = array<i32>} : memref<64x128xf32, #tpu.memory_space<vmem>>, vector<16xf32>,
          tpu.vector_store %arg16[%swap3A_171, %swap3A_172], %mul3A_170 {strides = array<i32>} : memref<64x128xf32, #tpu.memory_space<vmem>>, vector<16xf32>,
          %get3A_174 = arith.index_cast %add3A_165 : i32 to index
          %get3A_175 = arith.constant 16 : index
          %get3A_176 = tpu.vector_load %arg16[%get3A_174, %get3A_175] {strides = array<i32>} : memref<64x128xf32, #tpu.memory_space<vmem>>, vector<16xf32>,
          %mul3A_177 = vector.broadcast %squeeze3A_161 : f32 to vector<16xf32>
          %mul3A_178 = arith.mulf %get3A_176, %mul3A_177 : vector<16xf32>
          %swap3A_179 = arith.index_cast %add3A_165 : i32 to index
          %swap3A_180 = arith.constant 16 : index
          %swap3A_181 = tpu.vector_load %arg16[%swap3A_179, %swap3A_180] {strides = array<i32>} : memref<64x128xf32, #tpu.memory_space<vmem>>, vector<16xf32>,
          tpu.vector_store %arg16[%swap3A_179, %swap3A_180], %mul3A_178 {strides = array<i32>} : memref<64x128xf32, #tpu.memory_space<vmem>>, vector<16xf32>,
          %get3A_182 = arith.index_cast %add3A_165 : i32 to index
          %get3A_183 = arith.constant 32 : index
          %get3A_184 = tpu.vector_load %arg16[%get3A_182, %get3A_183] {strides = array<i32>} : memref<64x128xf32, #tpu.memory_space<vmem>>, vector<16xf32>,
          %mul3A_185 = vector.broadcast %squeeze3A_161 : f32 to vector<16xf32>
          %mul3A_186 = arith.mulf %get3A_184, %mul3A_185 : vector<16xf32>
          %swap3A_187 = arith.index_cast %add3A_165 : i32 to index
          %swap3A_188 = arith.constant 32 : index
          %swap3A_189 = tpu.vector_load %arg16[%swap3A_187, %swap3A_188] {strides = array<i32>} : memref<64x128xf32, #tpu.memory_space<vmem>>, vector<16xf32>,
          tpu.vector_store %arg16[%swap3A_187, %swap3A_188], %mul3A_186 {strides = array<i32>} : memref<64x128xf32, #tpu.memory_space<vmem>>, vector<16xf32>,
          %get3A_190 = arith.index_cast %add3A_165 : i32 to index
          %get3A_191 = arith.constant 48 : index
          %get3A_192 = tpu.vector_load %arg16[%get3A_190, %get3A_191] {strides = array<i32>} : memref<64x128xf32, #tpu.memory_space<vmem>>, vector<16xf32>,
          %mul3A_193 = vector.broadcast %squeeze3A_161 : f32 to vector<16xf32>
          %mul3A_194 = arith.mulf %get3A_192, %mul3A_193 : vector<16xf32>
          %swap3A_195 = arith.index_cast %add3A_165 : i32 to index
          %swap3A_196 = arith.constant 48 : index
          %swap3A_197 = tpu.vector_load %arg16[%swap3A_195, %swap3A_196] {strides = array<i32>} : memref<64x128xf32, #tpu.memory_space<vmem>>, vector<16xf32>,
          tpu.vector_store %arg16[%swap3A_195, %swap3A_196], %mul3A_194 {strides = array<i32>} : memref<64x128xf32, #tpu.memory_space<vmem>>, vector<16xf32>,
          %get3A_198 = arith.index_cast %add3A_165 : i32 to index
          %get3A_199 = arith.constant 64 : index
          %get3A_200 = tpu.vector_load %arg16[%get3A_198, %get3A_199] {strides = array<i32>} : memref<64x128xf32, #tpu.memory_space<vmem>>, vector<16xf32>,
          %mul3A_201 = vector.broadcast %squeeze3A_161 : f32 to vector<16xf32>
          %mul3A_202 = arith.mulf %get3A_200, %mul3A_201 : vector<16xf32>
          %swap3A_203 = arith.index_cast %add3A_165 : i32 to index
          %swap3A_204 = arith.constant 64 : index
          %swap3A_205 = tpu.vector_load %arg16[%swap3A_203, %swap3A_204] {strides = array<i32>} : memref<64x128xf32, #tpu.memory_space<vmem>>, vector<16xf32>,
          tpu.vector_store %arg16[%swap3A_203, %swap3A_204], %mul3A_202 {strides = array<i32>} : memref<64x128xf32, #tpu.memory_space<vmem>>, vector<16xf32>,
          %get3A_206 = arith.index_cast %add3A_165 : i32 to index
          %get3A_207 = arith.constant 80 : index
          %get3A_208 = tpu.vector_load %arg16[%get3A_206, %get3A_207] {strides = array<i32>} : memref<64x128xf32, #tpu.memory_space<vmem>>, vector<16xf32>,
          %mul3A_209 = vector.broadcast %squeeze3A_161 : f32 to vector<16xf32>
          %mul3A_210 = arith.mulf %get3A_208, %mul3A_209 : vector<16xf32>
          %swap3A_211 = arith.index_cast %add3A_165 : i32 to index
          %swap3A_212 = arith.constant 80 : index
          %swap3A_213 = tpu.vector_load %arg16[%swap3A_211, %swap3A_212] {strides = array<i32>} : memref<64x128xf32, #tpu.memory_space<vmem>>, vector<16xf32>,
          tpu.vector_store %arg16[%swap3A_211, %swap3A_212], %mul3A_210 {strides = array<i32>} : memref<64x128xf32, #tpu.memory_space<vmem>>, vector<16xf32>,
          %get3A_214 = arith.index_cast %add3A_165 : i32 to index
          %get3A_215 = arith.constant 96 : index
          %get3A_216 = tpu.vector_load %arg16[%get3A_214, %get3A_215] {strides = array<i32>} : memref<64x128xf32, #tpu.memory_space<vmem>>, vector<16xf32>,
          %mul3A_217 = vector.broadcast %squeeze3A_161 : f32 to vector<16xf32>
          %mul3A_218 = arith.mulf %get3A_216, %mul3A_217 : vector<16xf32>
          %swap3A_219 = arith.index_cast %add3A_165 : i32 to index
          %swap3A_220 = arith.constant 96 : index
          %swap3A_221 = tpu.vector_load %arg16[%swap3A_219, %swap3A_220] {strides = array<i32>} : memref<64x128xf32, #tpu.memory_space<vmem>>, vector<16xf32>,
          tpu.vector_store %arg16[%swap3A_219, %swap3A_220], %mul3A_218 {strides = array<i32>} : memref<64x128xf32, #tpu.memory_space<vmem>>, vector<16xf32>,
          %get3A_222 = arith.index_cast %add3A_165 : i32 to index
          %get3A_223 = arith.constant 112 : index
          %get3A_224 = tpu.vector_load %arg16[%get3A_222, %get3A_223] {strides = array<i32>} : memref<64x128xf32, #tpu.memory_space<vmem>>, vector<16xf32>,
          %mul3A_225 = vector.broadcast %squeeze3A_161 : f32 to vector<16xf32>
          %mul3A_226 = arith.mulf %get3A_224, %mul3A_225 : vector<16xf32>
          %swap3A_227 = arith.index_cast %add3A_165 : i32 to index
          %swap3A_228 = arith.constant 112 : index
          %swap3A_229 = tpu.vector_load %arg16[%swap3A_227, %swap3A_228] {strides = array<i32>} : memref<64x128xf32, #tpu.memory_space<vmem>>, vector<16xf32>,
          tpu.vector_store %arg16[%swap3A_227, %swap3A_228], %mul3A_226 {strides = array<i32>} : memref<64x128xf32, #tpu.memory_space<vmem>>, vector<16xf32>,
          %slice3A_230 = vector.extract_strided_slice %get3A_92 {offsets = [2], sizes = [1], strides = [1]} : vector<16xf32> to vector<1xf32>
          %squeeze3A_231 = vector.extract %slice3A_230[0] : f32 from vector<1xf32>
          %mul3A_232 = arith.constant 16 : i32
          %mul3A_233 = arith.muli %scan3A_89, %mul3A_232 : i32
          %add3A_234 = arith.constant 2 : i32
          %add3A_235 = arith.addi %mul3A_233, %add3A_234 : i32
          %get3A_236 = arith.index_cast %add3A_235 : i32 to index
          %get3A_237 = arith.constant 0 : index
          %get3A_238 = tpu.vector_load %arg16[%get3A_236, %get3A_237] {strides = array<i32>} : memref<64x128xf32, #tpu.memory_space<vmem>>, vector<16xf32>,
          %mul3A_239 = vector.broadcast %squeeze3A_231 : f32 to vector<16xf32>
          %mul3A_240 = arith.mulf %get3A_238, %mul3A_239 : vector<16xf32>
          %swap3A_241 = arith.index_cast %add3A_235 : i32 to index
          %swap3A_242 = arith.constant 0 : index
          %swap3A_243 = tpu.vector_load %arg16[%swap3A_241, %swap3A_242] {strides = array<i32>} : memref<64x128xf32, #tpu.memory_space<vmem>>, vector<16xf32>,
          tpu.vector_store %arg16[%swap3A_241, %swap3A_242], %mul3A_240 {strides = array<i32>} : memref<64x128xf32, #tpu.memory_space<vmem>>, vector<16xf32>,
          %get3A_244 = arith.index_cast %add3A_235 : i32 to index
          %get3A_245 = arith.constant 16 : index
          %get3A_246 = tpu.vector_load %arg16[%get3A_244, %get3A_245] {strides = array<i32>} : memref<64x128xf32, #tpu.memory_space<vmem>>, vector<16xf32>,
          %mul3A_247 = vector.broadcast %squeeze3A_231 : f32 to vector<16xf32>
          %mul3A_248 = arith.mulf %get3A_246, %mul3A_247 : vector<16xf32>
          %swap3A_249 = arith.index_cast %add3A_235 : i32 to index
          %swap3A_250 = arith.constant 16 : index
          %swap3A_251 = tpu.vector_load %arg16[%swap3A_249, %swap3A_250] {strides = array<i32>} : memref<64x128xf32, #tpu.memory_space<vmem>>, vector<16xf32>,
          tpu.vector_store %arg16[%swap3A_249, %swap3A_250], %mul3A_248 {strides = array<i32>} : memref<64x128xf32, #tpu.memory_space<vmem>>, vector<16xf32>,
          %get3A_252 = arith.index_cast %add3A_235 : i32 to index
          %get3A_253 = arith.constant 32 : index
          %get3A_254 = tpu.vector_load %arg16[%get3A_252, %get3A_253] {strides = array<i32>} : memref<64x128xf32, #tpu.memory_space<vmem>>, vector<16xf32>,
          %mul3A_255 = vector.broadcast %squeeze3A_231 : f32 to vector<16xf32>
          %mul3A_256 = arith.mulf %get3A_254, %mul3A_255 : vector<16xf32>
          %swap3A_257 = arith.index_cast %add3A_235 : i32 to index
          %swap3A_258 = arith.constant 32 : index
          %swap3A_259 = tpu.vector_load %arg16[%swap3A_257, %swap3A_258] {strides = array<i32>} : memref<64x128xf32, #tpu.memory_space<vmem>>, vector<16xf32>,
          tpu.vector_store %arg16[%swap3A_257, %swap3A_258], %mul3A_256 {strides = array<i32>} : memref<64x128xf32, #tpu.memory_space<vmem>>, vector<16xf32>,
          %get3A_260 = arith.index_cast %add3A_235 : i32 to index
          %get3A_261 = arith.constant 48 : index
          %get3A_262 = tpu.vector_load %arg16[%get3A_260, %get3A_261] {strides = array<i32>} : memref<64x128xf32, #tpu.memory_space<vmem>>, vector<16xf32>,
          %mul3A_263 = vector.broadcast %squeeze3A_231 : f32 to vector<16xf32>
          %mul3A_264 = arith.mulf %get3A_262, %mul3A_263 : vector<16xf32>
          %swap3A_265 = arith.index_cast %add3A_235 : i32 to index
          %swap3A_266 = arith.constant 48 : index
          %swap3A_267 = tpu.vector_load %arg16[%swap3A_265, %swap3A_266] {strides = array<i32>} : memref<64x128xf32, #tpu.memory_space<vmem>>, vector<16xf32>,
          tpu.vector_store %arg16[%swap3A_265, %swap3A_266], %mul3A_264 {strides = array<i32>} : memref<64x128xf32, #tpu.memory_space<vmem>>, vector<16xf32>,
          %get3A_268 = arith.index_cast %add3A_235 : i32 to index
          %get3A_269 = arith.constant 64 : index
          %get3A_270 = tpu.vector_load %arg16[%get3A_268, %get3A_269] {strides = array<i32>} : memref<64x128xf32, #tpu.memory_space<vmem>>, vector<16xf32>,
          %mul3A_271 = vector.broadcast %squeeze3A_231 : f32 to vector<16xf32>
          %mul3A_272 = arith.mulf %get3A_270, %mul3A_271 : vector<16xf32>
          %swap3A_273 = arith.index_cast %add3A_235 : i32 to index
          %swap3A_274 = arith.constant 64 : index
          %swap3A_275 = tpu.vector_load %arg16[%swap3A_273, %swap3A_274] {strides = array<i32>} : memref<64x128xf32, #tpu.memory_space<vmem>>, vector<16xf32>,
          tpu.vector_store %arg16[%swap3A_273, %swap3A_274], %mul3A_272 {strides = array<i32>} : memref<64x128xf32, #tpu.memory_space<vmem>>, vector<16xf32>,
          %get3A_276 = arith.index_cast %add3A_235 : i32 to index
          %get3A_277 = arith.constant 80 : index
          %get3A_278 = tpu.vector_load %arg16[%get3A_276, %get3A_277] {strides = array<i32>} : memref<64x128xf32, #tpu.memory_space<vmem>>, vector<16xf32>,
          %mul3A_279 = vector.broadcast %squeeze3A_231 : f32 to vector<16xf32>
          %mul3A_280 = arith.mulf %get3A_278, %mul3A_279 : vector<16xf32>
          %swap3A_281 = arith.index_cast %add3A_235 : i32 to index
          %swap3A_282 = arith.constant 80 : index
          %swap3A_283 = tpu.vector_load %arg16[%swap3A_281, %swap3A_282] {strides = array<i32>} : memref<64x128xf32, #tpu.memory_space<vmem>>, vector<16xf32>,
          tpu.vector_store %arg16[%swap3A_281, %swap3A_282], %mul3A_280 {strides = array<i32>} : memref<64x128xf32, #tpu.memory_space<vmem>>, vector<16xf32>,
          %get3A_284 = arith.index_cast %add3A_235 : i32 to index
          %get3A_285 = arith.constant 96 : index
          %get3A_286 = tpu.vector_load %arg16[%get3A_284, %get3A_285] {strides = array<i32>} : memref<64x128xf32, #tpu.memory_space<vmem>>, vector<16xf32>,
          %mul3A_287 = vector.broadcast %squeeze3A_231 : f32 to vector<16xf32>
          %mul3A_288 = arith.mulf %get3A_286, %mul3A_287 : vector<16xf32>
          %swap3A_289 = arith.index_cast %add3A_235 : i32 to index
          %swap3A_290 = arith.constant 96 : index
          %swap3A_291 = tpu.vector_load %arg16[%swap3A_289, %swap3A_290] {strides = array<i32>} : memref<64x128xf32, #tpu.memory_space<vmem>>, vector<16xf32>,
          tpu.vector_store %arg16[%swap3A_289, %swap3A_290], %mul3A_288 {strides = array<i32>} : memref<64x128xf32, #tpu.memory_space<vmem>>, vector<16xf32>,
          %get3A_292 = arith.index_cast %add3A_235 : i32 to index
          %get3A_293 = arith.constant 112 : index
          %get3A_294 = tpu.vector_load %arg16[%get3A_292, %get3A_293] {strides = array<i32>} : memref<64x128xf32, #tpu.memory_space<vmem>>, vector<16xf32>,
          %mul3A_295 = vector.broadcast %squeeze3A_231 : f32 to vector<16xf32>
          %mul3A_296 = arith.mulf %get3A_294, %mul3A_295 : vector<16xf32>
          %swap3A_297 = arith.index_cast %add3A_235 : i32 to index
          %swap3A_298 = arith.constant 112 : index
          %swap3A_299 = tpu.vector_load %arg16[%swap3A_297, %swap3A_298] {strides = array<i32>} : memref<64x128xf32, #tpu.memory_space<vmem>>, vector<16xf32>,
          tpu.vector_store %arg16[%swap3A_297, %swap3A_298], %mul3A_296 {strides = array<i32>} : memref<64x128xf32, #tpu.memory_space<vmem>>, vector<16xf32>,
          %slice3A_300 = vector.extract_strided_slice %get3A_92 {offsets = [3], sizes = [1], strides = [1]} : vector<16xf32> to vector<1xf32>
          %squeeze3A_301 = vector.extract %slice3A_300[0] : f32 from vector<1xf32>
          %mul3A_302 = arith.constant 16 : i32
          %mul3A_303 = arith.muli %scan3A_89, %mul3A_302 : i32
          %add3A_304 = arith.constant 3 : i32
          %add3A_305 = arith.addi %mul3A_303, %add3A_304 : i32
          %get3A_306 = arith.index_cast %add3A_305 : i32 to index
          %get3A_307 = arith.constant 0 : index
          %get3A_308 = tpu.vector_load %arg16[%get3A_306, %get3A_307] {strides = array<i32>} : memref<64x128xf32, #tpu.memory_space<vmem>>, vector<16xf32>,
          %mul3A_309 = vector.broadcast %squeeze3A_301 : f32 to vector<16xf32>
          %mul3A_310 = arith.mulf %get3A_308, %mul3A_309 : vector<16xf32>
          %swap3A_311 = arith.index_cast %add3A_305 : i32 to index
          %swap3A_312 = arith.constant 0 : index
          %swap3A_313 = tpu.vector_load %arg16[%swap3A_311, %swap3A_312] {strides = array<i32>} : memref<64x128xf32, #tpu.memory_space<vmem>>, vector<16xf32>,
          tpu.vector_store %arg16[%swap3A_311, %swap3A_312], %mul3A_310 {strides = array<i32>} : memref<64x128xf32, #tpu.memory_space<vmem>>, vector<16xf32>,
          %get3A_314 = arith.index_cast %add3A_305 : i32 to index
          %get3A_315 = arith.constant 16 : index
          %get3A_316 = tpu.vector_load %arg16[%get3A_314, %get3A_315] {strides = array<i32>} : memref<64x128xf32, #tpu.memory_space<vmem>>, vector<16xf32>,
          %mul3A_317 = vector.broadcast %squeeze3A_301 : f32 to vector<16xf32>
          %mul3A_318 = arith.mulf %get3A_316, %mul3A_317 : vector<16xf32>
          %swap3A_319 = arith.index_cast %add3A_305 : i32 to index
          %swap3A_320 = arith.constant 16 : index
          %swap3A_321 = tpu.vector_load %arg16[%swap3A_319, %swap3A_320] {strides = array<i32>} : memref<64x128xf32, #tpu.memory_space<vmem>>, vector<16xf32>,
          tpu.vector_store %arg16[%swap3A_319, %swap3A_320], %mul3A_318 {strides = array<i32>} : memref<64x128xf32, #tpu.memory_space<vmem>>, vector<16xf32>,
          %get3A_322 = arith.index_cast %add3A_305 : i32 to index
          %get3A_323 = arith.constant 32 : index
          %get3A_324 = tpu.vector_load %arg16[%get3A_322, %get3A_323] {strides = array<i32>} : memref<64x128xf32, #tpu.memory_space<vmem>>, vector<16xf32>,
          %mul3A_325 = vector.broadcast %squeeze3A_301 : f32 to vector<16xf32>
          %mul3A_326 = arith.mulf %get3A_324, %mul3A_325 : vector<16xf32>
          %swap3A_327 = arith.index_cast %add3A_305 : i32 to index
          %swap3A_328 = arith.constant 32 : index
          %swap3A_329 = tpu.vector_load %arg16[%swap3A_327, %swap3A_328] {strides = array<i32>} : memref<64x128xf32, #tpu.memory_space<vmem>>, vector<16xf32>,
          tpu.vector_store %arg16[%swap3A_327, %swap3A_328], %mul3A_326 {strides = array<i32>} : memref<64x128xf32, #tpu.memory_space<vmem>>, vector<16xf32>,
          %get3A_330 = arith.index_cast %add3A_305 : i32 to index
          %get3A_331 = arith.constant 48 : index
          %get3A_332 = tpu.vector_load %arg16[%get3A_330, %get3A_331] {strides = array<i32>} : memref<64x128xf32, #tpu.memory_space<vmem>>, vector<16xf32>,
          %mul3A_333 = vector.broadcast %squeeze3A_301 : f32 to vector<16xf32>
          %mul3A_334 = arith.mulf %get3A_332, %mul3A_333 : vector<16xf32>
          %swap3A_335 = arith.index_cast %add3A_305 : i32 to index
          %swap3A_336 = arith.constant 48 : index
          %swap3A_337 = tpu.vector_load %arg16[%swap3A_335, %swap3A_336] {strides = array<i32>} : memref<64x128xf32, #tpu.memory_space<vmem>>, vector<16xf32>,
          tpu.vector_store %arg16[%swap3A_335, %swap3A_336], %mul3A_334 {strides = array<i32>} : memref<64x128xf32, #tpu.memory_space<vmem>>, vector<16xf32>,
          %get3A_338 = arith.index_cast %add3A_305 : i32 to index
          %get3A_339 = arith.constant 64 : index
          %get3A_340 = tpu.vector_load %arg16[%get3A_338, %get3A_339] {strides = array<i32>} : memref<64x128xf32, #tpu.memory_space<vmem>>, vector<16xf32>,
          %mul3A_341 = vector.broadcast %squeeze3A_301 : f32 to vector<16xf32>
          %mul3A_342 = arith.mulf %get3A_340, %mul3A_341 : vector<16xf32>
          %swap3A_343 = arith.index_cast %add3A_305 : i32 to index
          %swap3A_344 = arith.constant 64 : index
          %swap3A_345 = tpu.vector_load %arg16[%swap3A_343, %swap3A_344] {strides = array<i32>} : memref<64x128xf32, #tpu.memory_space<vmem>>, vector<16xf32>,
          tpu.vector_store %arg16[%swap3A_343, %swap3A_344], %mul3A_342 {strides = array<i32>} : memref<64x128xf32, #tpu.memory_space<vmem>>, vector<16xf32>,
          %get3A_346 = arith.index_cast %add3A_305 : i32 to index
          %get3A_347 = arith.constant 80 : index
          %get3A_348 = tpu.vector_load %arg16[%get3A_346, %get3A_347] {strides = array<i32>} : memref<64x128xf32, #tpu.memory_space<vmem>>, vector<16xf32>,
          %mul3A_349 = vector.broadcast %squeeze3A_301 : f32 to vector<16xf32>
          %mul3A_350 = arith.mulf %get3A_348, %mul3A_349 : vector<16xf32>
          %swap3A_351 = arith.index_cast %add3A_305 : i32 to index
          %swap3A_352 = arith.constant 80 : index
          %swap3A_353 = tpu.vector_load %arg16[%swap3A_351, %swap3A_352] {strides = array<i32>} : memref<64x128xf32, #tpu.memory_space<vmem>>, vector<16xf32>,
          tpu.vector_store %arg16[%swap3A_351, %swap3A_352], %mul3A_350 {strides = array<i32>} : memref<64x128xf32, #tpu.memory_space<vmem>>, vector<16xf32>,
          %get3A_354 = arith.index_cast %add3A_305 : i32 to index
          %get3A_355 = arith.constant 96 : index
          %get3A_356 = tpu.vector_load %arg16[%get3A_354, %get3A_355] {strides = array<i32>} : memref<64x128xf32, #tpu.memory_space<vmem>>, vector<16xf32>,
          %mul3A_357 = vector.broadcast %squeeze3A_301 : f32 to vector<16xf32>
          %mul3A_358 = arith.mulf %get3A_356, %mul3A_357 : vector<16xf32>
          %swap3A_359 = arith.index_cast %add3A_305 : i32 to index
          %swap3A_360 = arith.constant 96 : index
          %swap3A_361 = tpu.vector_load %arg16[%swap3A_359, %swap3A_360] {strides = array<i32>} : memref<64x128xf32, #tpu.memory_space<vmem>>, vector<16xf32>,
          tpu.vector_store %arg16[%swap3A_359, %swap3A_360], %mul3A_358 {strides = array<i32>} : memref<64x128xf32, #tpu.memory_space<vmem>>, vector<16xf32>,
          %get3A_362 = arith.index_cast %add3A_305 : i32 to index
          %get3A_363 = arith.constant 112 : index
          %get3A_364 = tpu.vector_load %arg16[%get3A_362, %get3A_363] {strides = array<i32>} : memref<64x128xf32, #tpu.memory_space<vmem>>, vector<16xf32>,
          %mul3A_365 = vector.broadcast %squeeze3A_301 : f32 to vector<16xf32>
          %mul3A_366 = arith.mulf %get3A_364, %mul3A_365 : vector<16xf32>
          %swap3A_367 = arith.index_cast %add3A_305 : i32 to index
          %swap3A_368 = arith.constant 112 : index
          %swap3A_369 = tpu.vector_load %arg16[%swap3A_367, %swap3A_368] {strides = array<i32>} : memref<64x128xf32, #tpu.memory_space<vmem>>, vector<16xf32>,
          tpu.vector_store %arg16[%swap3A_367, %swap3A_368], %mul3A_366 {strides = array<i32>} : memref<64x128xf32, #tpu.memory_space<vmem>>, vector<16xf32>,
          %slice3A_370 = vector.extract_strided_slice %get3A_92 {offsets = [4], sizes = [1], strides = [1]} : vector<16xf32> to vector<1xf32>
          %squeeze3A_371 = vector.extract %slice3A_370[0] : f32 from vector<1xf32>
          %mul3A_372 = arith.constant 16 : i32
          %mul3A_373 = arith.muli %scan3A_89, %mul3A_372 : i32
          %add3A_374 = arith.constant 4 : i32
          %add3A_375 = arith.addi %mul3A_373, %add3A_374 : i32
          %get3A_376 = arith.index_cast %add3A_375 : i32 to index
          %get3A_377 = arith.constant 0 : index
          %get3A_378 = tpu.vector_load %arg16[%get3A_376, %get3A_377] {strides = array<i32>} : memref<64x128xf32, #tpu.memory_space<vmem>>, vector<16xf32>,
          %mul3A_379 = vector.broadcast %squeeze3A_371 : f32 to vector<16xf32>
          %mul3A_380 = arith.mulf %get3A_378, %mul3A_379 : vector<16xf32>
          %swap3A_381 = arith.index_cast %add3A_375 : i32 to index
          %swap3A_382 = arith.constant 0 : index
          %swap3A_383 = tpu.vector_load %arg16[%swap3A_381, %swap3A_382] {strides = array<i32>} : memref<64x128xf32, #tpu.memory_space<vmem>>, vector<16xf32>,
          tpu.vector_store %arg16[%swap3A_381, %swap3A_382], %mul3A_380 {strides = array<i32>} : memref<64x128xf32, #tpu.memory_space<vmem>>, vector<16xf32>,
          %get3A_384 = arith.index_cast %add3A_375 : i32 to index
          %get3A_385 = arith.constant 16 : index
          %get3A_386 = tpu.vector_load %arg16[%get3A_384, %get3A_385] {strides = array<i32>} : memref<64x128xf32, #tpu.memory_space<vmem>>, vector<16xf32>,
          %mul3A_387 = vector.broadcast %squeeze3A_371 : f32 to vector<16xf32>
          %mul3A_388 = arith.mulf %get3A_386, %mul3A_387 : vector<16xf32>
          %swap3A_389 = arith.index_cast %add3A_375 : i32 to index
          %swap3A_390 = arith.constant 16 : index
          %swap3A_391 = tpu.vector_load %arg16[%swap3A_389, %swap3A_390] {strides = array<i32>} : memref<64x128xf32, #tpu.memory_space<vmem>>, vector<16xf32>,
          tpu.vector_store %arg16[%swap3A_389, %swap3A_390], %mul3A_388 {strides = array<i32>} : memref<64x128xf32, #tpu.memory_space<vmem>>, vector<16xf32>,
          %get3A_392 = arith.index_cast %add3A_375 : i32 to index
          %get3A_393 = arith.constant 32 : index
          %get3A_394 = tpu.vector_load %arg16[%get3A_392, %get3A_393] {strides = array<i32>} : memref<64x128xf32, #tpu.memory_space<vmem>>, vector<16xf32>,
          %mul3A_395 = vector.broadcast %squeeze3A_371 : f32 to vector<16xf32>
          %mul3A_396 = arith.mulf %get3A_394, %mul3A_395 : vector<16xf32>
          %swap3A_397 = arith.index_cast %add3A_375 : i32 to index
          %swap3A_398 = arith.constant 32 : index
          %swap3A_399 = tpu.vector_load %arg16[%swap3A_397, %swap3A_398] {strides = array<i32>} : memref<64x128xf32, #tpu.memory_space<vmem>>, vector<16xf32>,
          tpu.vector_store %arg16[%swap3A_397, %swap3A_398], %mul3A_396 {strides = array<i32>} : memref<64x128xf32, #tpu.memory_space<vmem>>, vector<16xf32>,
          %get3A_400 = arith.index_cast %add3A_375 : i32 to index
          %get3A_401 = arith.constant 48 : index
          %get3A_402 = tpu.vector_load %arg16[%get3A_400, %get3A_401] {strides = array<i32>} : memref<64x128xf32, #tpu.memory_space<vmem>>, vector<16xf32>,
          %mul3A_403 = vector.broadcast %squeeze3A_371 : f32 to vector<16xf32>
          %mul3A_404 = arith.mulf %get3A_402, %mul3A_403 : vector<16xf32>
          %swap3A_405 = arith.index_cast %add3A_375 : i32 to index
          %swap3A_406 = arith.constant 48 : index
          %swap3A_407 = tpu.vector_load %arg16[%swap3A_405, %swap3A_406] {strides = array<i32>} : memref<64x128xf32, #tpu.memory_space<vmem>>, vector<16xf32>,
          tpu.vector_store %arg16[%swap3A_405, %swap3A_406], %mul3A_404 {strides = array<i32>} : memref<64x128xf32, #tpu.memory_space<vmem>>, vector<16xf32>,
          %get3A_408 = arith.index_cast %add3A_375 : i32 to index
          %get3A_409 = arith.constant 64 : index
          %get3A_410 = tpu.vector_load %arg16[%get3A_408, %get3A_409] {strides = array<i32>} : memref<64x128xf32, #tpu.memory_space<vmem>>, vector<16xf32>,
          %mul3A_411 = vector.broadcast %squeeze3A_371 : f32 to vector<16xf32>
          %mul3A_412 = arith.mulf %get3A_410, %mul3A_411 : vector<16xf32>
          %swap3A_413 = arith.index_cast %add3A_375 : i32 to index
          %swap3A_414 = arith.constant 64 : index
          %swap3A_415 = tpu.vector_load %arg16[%swap3A_413, %swap3A_414] {strides = array<i32>} : memref<64x128xf32, #tpu.memory_space<vmem>>, vector<16xf32>,
          tpu.vector_store %arg16[%swap3A_413, %swap3A_414], %mul3A_412 {strides = array<i32>} : memref<64x128xf32, #tpu.memory_space<vmem>>, vector<16xf32>,
          %get3A_416 = arith.index_cast %add3A_375 : i32 to index
          %get3A_417 = arith.constant 80 : index
          %get3A_418 = tpu.vector_load %arg16[%get3A_416, %get3A_417] {strides = array<i32>} : memref<64x128xf32, #tpu.memory_space<vmem>>, vector<16xf32>,
          %mul3A_419 = vector.broadcast %squeeze3A_371 : f32 to vector<16xf32>
          %mul3A_420 = arith.mulf %get3A_418, %mul3A_419 : vector<16xf32>
          %swap3A_421 = arith.index_cast %add3A_375 : i32 to index
          %swap3A_422 = arith.constant 80 : index
          %swap3A_423 = tpu.vector_load %arg16[%swap3A_421, %swap3A_422] {strides = array<i32>} : memref<64x128xf32, #tpu.memory_space<vmem>>, vector<16xf32>,
          tpu.vector_store %arg16[%swap3A_421, %swap3A_422], %mul3A_420 {strides = array<i32>} : memref<64x128xf32, #tpu.memory_space<vmem>>, vector<16xf32>,
          %get3A_424 = arith.index_cast %add3A_375 : i32 to index
          %get3A_425 = arith.constant 96 : index
          %get3A_426 = tpu.vector_load %arg16[%get3A_424, %get3A_425] {strides = array<i32>} : memref<64x128xf32, #tpu.memory_space<vmem>>, vector<16xf32>,
          %mul3A_427 = vector.broadcast %squeeze3A_371 : f32 to vector<16xf32>
          %mul3A_428 = arith.mulf %get3A_426, %mul3A_427 : vector<16xf32>
          %swap3A_429 = arith.index_cast %add3A_375 : i32 to index
          %swap3A_430 = arith.constant 96 : index
          %swap3A_431 = tpu.vector_load %arg16[%swap3A_429, %swap3A_430] {strides = array<i32>} : memref<64x128xf32, #tpu.memory_space<vmem>>, vector<16xf32>,
          tpu.vector_store %arg16[%swap3A_429, %swap3A_430], %mul3A_428 {strides = array<i32>} : memref<64x128xf32, #tpu.memory_space<vmem>>, vector<16xf32>,
          %get3A_432 = arith.index_cast %add3A_375 : i32 to index
          %get3A_433 = arith.constant 112 : index
          %get3A_434 = tpu.vector_load %arg16[%get3A_432, %get3A_433] {strides = array<i32>} : memref<64x128xf32, #tpu.memory_space<vmem>>, vector<16xf32>,
          %mul3A_435 = vector.broadcast %squeeze3A_371 : f32 to vector<16xf32>
          %mul3A_436 = arith.mulf %get3A_434, %mul3A_435 : vector<16xf32>
          %swap3A_437 = arith.index_cast %add3A_375 : i32 to index
          %swap3A_438 = arith.constant 112 : index
          %swap3A_439 = tpu.vector_load %arg16[%swap3A_437, %swap3A_438] {strides = array<i32>} : memref<64x128xf32, #tpu.memory_space<vmem>>, vector<16xf32>,
          tpu.vector_store %arg16[%swap3A_437, %swap3A_438], %mul3A_436 {strides = array<i32>} : memref<64x128xf32, #tpu.memory_space<vmem>>, vector<16xf32>,
          %slice3A_440 = vector.extract_strided_slice %get3A_92 {offsets = [5], sizes = [1], strides = [1]} : vector<16xf32> to vector<1xf32>
          %squeeze3A_441 = vector.extract %slice3A_440[0] : f32 from vector<1xf32>
          %mul3A_442 = arith.constant 16 : i32
          %mul3A_443 = arith.muli %scan3A_89, %mul3A_442 : i32
          %add3A_444 = arith.constant 5 : i32
          %add3A_445 = arith.addi %mul3A_443, %add3A_444 : i32
          %get3A_446 = arith.index_cast %add3A_445 : i32 to index
          %get3A_447 = arith.constant 0 : index
          %get3A_448 = tpu.vector_load %arg16[%get3A_446, %get3A_447] {strides = array<i32>} : memref<64x128xf32, #tpu.memory_space<vmem>>, vector<16xf32>,
          %mul3A_449 = vector.broadcast %squeeze3A_441 : f32 to vector<16xf32>
          %mul3A_450 = arith.mulf %get3A_448, %mul3A_449 : vector<16xf32>
          %swap3A_451 = arith.index_cast %add3A_445 : i32 to index
          %swap3A_452 = arith.constant 0 : index
          %swap3A_453 = tpu.vector_load %arg16[%swap3A_451, %swap3A_452] {strides = array<i32>} : memref<64x128xf32, #tpu.memory_space<vmem>>, vector<16xf32>,
          tpu.vector_store %arg16[%swap3A_451, %swap3A_452], %mul3A_450 {strides = array<i32>} : memref<64x128xf32, #tpu.memory_space<vmem>>, vector<16xf32>,
          %get3A_454 = arith.index_cast %add3A_445 : i32 to index
          %get3A_455 = arith.constant 16 : index
          %get3A_456 = tpu.vector_load %arg16[%get3A_454, %get3A_455] {strides = array<i32>} : memref<64x128xf32, #tpu.memory_space<vmem>>, vector<16xf32>,
          %mul3A_457 = vector.broadcast %squeeze3A_441 : f32 to vector<16xf32>
          %mul3A_458 = arith.mulf %get3A_456, %mul3A_457 : vector<16xf32>
          %swap3A_459 = arith.index_cast %add3A_445 : i32 to index
          %swap3A_460 = arith.constant 16 : index
          %swap3A_461 = tpu.vector_load %arg16[%swap3A_459, %swap3A_460] {strides = array<i32>} : memref<64x128xf32, #tpu.memory_space<vmem>>, vector<16xf32>,
          tpu.vector_store %arg16[%swap3A_459, %swap3A_460], %mul3A_458 {strides = array<i32>} : memref<64x128xf32, #tpu.memory_space<vmem>>, vector<16xf32>,
          %get3A_462 = arith.index_cast %add3A_445 : i32 to index
          %get3A_463 = arith.constant 32 : index
          %get3A_464 = tpu.vector_load %arg16[%get3A_462, %get3A_463] {strides = array<i32>} : memref<64x128xf32, #tpu.memory_space<vmem>>, vector<16xf32>,
          %mul3A_465 = vector.broadcast %squeeze3A_441 : f32 to vector<16xf32>
          %mul3A_466 = arith.mulf %get3A_464, %mul3A_465 : vector<16xf32>
          %swap3A_467 = arith.index_cast %add3A_445 : i32 to index
          %swap3A_468 = arith.constant 32 : index
          %swap3A_469 = tpu.vector_load %arg16[%swap3A_467, %swap3A_468] {strides = array<i32>} : memref<64x128xf32, #tpu.memory_space<vmem>>, vector<16xf32>,
          tpu.vector_store %arg16[%swap3A_467, %swap3A_468], %mul3A_466 {strides = array<i32>} : memref<64x128xf32, #tpu.memory_space<vmem>>, vector<16xf32>,
          %get3A_470 = arith.index_cast %add3A_445 : i32 to index
          %get3A_471 = arith.constant 48 : index
          %get3A_472 = tpu.vector_load %arg16[%get3A_470, %get3A_471] {strides = array<i32>} : memref<64x128xf32, #tpu.memory_space<vmem>>, vector<16xf32>,
          %mul3A_473 = vector.broadcast %squeeze3A_441 : f32 to vector<16xf32>
          %mul3A_474 = arith.mulf %get3A_472, %mul3A_473 : vector<16xf32>
          %swap3A_475 = arith.index_cast %add3A_445 : i32 to index
          %swap3A_476 = arith.constant 48 : index
          %swap3A_477 = tpu.vector_load %arg16[%swap3A_475, %swap3A_476] {strides = array<i32>} : memref<64x128xf32, #tpu.memory_space<vmem>>, vector<16xf32>,
          tpu.vector_store %arg16[%swap3A_475, %swap3A_476], %mul3A_474 {strides = array<i32>} : memref<64x128xf32, #tpu.memory_space<vmem>>, vector<16xf32>,
          %get3A_478 = arith.index_cast %add3A_445 : i32 to index
          %get3A_479 = arith.constant 64 : index
          %get3A_480 = tpu.vector_load %arg16[%get3A_478, %get3A_479] {strides = array<i32>} : memref<64x128xf32, #tpu.memory_space<vmem>>, vector<16xf32>,
          %mul3A_481 = vector.broadcast %squeeze3A_441 : f32 to vector<16xf32>
          %mul3A_482 = arith.mulf %get3A_480, %mul3A_481 : vector<16xf32>
          %swap3A_483 = arith.index_cast %add3A_445 : i32 to index
          %swap3A_484 = arith.constant 64 : index
          %swap3A_485 = tpu.vector_load %arg16[%swap3A_483, %swap3A_484] {strides = array<i32>} : memref<64x128xf32, #tpu.memory_space<vmem>>, vector<16xf32>,
          tpu.vector_store %arg16[%swap3A_483, %swap3A_484], %mul3A_482 {strides = array<i32>} : memref<64x128xf32, #tpu.memory_space<vmem>>, vector<16xf32>,
          %get3A_486 = arith.index_cast %add3A_445 : i32 to index
          %get3A_487 = arith.constant 80 : index
          %get3A_488 = tpu.vector_load %arg16[%get3A_486, %get3A_487] {strides = array<i32>} : memref<64x128xf32, #tpu.memory_space<vmem>>, vector<16xf32>,
          %mul3A_489 = vector.broadcast %squeeze3A_441 : f32 to vector<16xf32>
          %mul3A_490 = arith.mulf %get3A_488, %mul3A_489 : vector<16xf32>
          %swap3A_491 = arith.index_cast %add3A_445 : i32 to index
          %swap3A_492 = arith.constant 80 : index
          %swap3A_493 = tpu.vector_load %arg16[%swap3A_491, %swap3A_492] {strides = array<i32>} : memref<64x128xf32, #tpu.memory_space<vmem>>, vector<16xf32>,
          tpu.vector_store %arg16[%swap3A_491, %swap3A_492], %mul3A_490 {strides = array<i32>} : memref<64x128xf32, #tpu.memory_space<vmem>>, vector<16xf32>,
          %get3A_494 = arith.index_cast %add3A_445 : i32 to index
          %get3A_495 = arith.constant 96 : index
          %get3A_496 = tpu.vector_load %arg16[%get3A_494, %get3A_495] {strides = array<i32>} : memref<64x128xf32, #tpu.memory_space<vmem>>, vector<16xf32>,
          %mul3A_497 = vector.broadcast %squeeze3A_441 : f32 to vector<16xf32>
          %mul3A_498 = arith.mulf %get3A_496, %mul3A_497 : vector<16xf32>
          %swap3A_499 = arith.index_cast %add3A_445 : i32 to index
          %swap3A_500 = arith.constant 96 : index
          %swap3A_501 = tpu.vector_load %arg16[%swap3A_499, %swap3A_500] {strides = array<i32>} : memref<64x128xf32, #tpu.memory_space<vmem>>, vector<16xf32>,
          tpu.vector_store %arg16[%swap3A_499, %swap3A_500], %mul3A_498 {strides = array<i32>} : memref<64x128xf32, #tpu.memory_space<vmem>>, vector<16xf32>,
          %get3A_502 = arith.index_cast %add3A_445 : i32 to index
          %get3A_503 = arith.constant 112 : index
          %get3A_504 = tpu.vector_load %arg16[%get3A_502, %get3A_503] {strides = array<i32>} : memref<64x128xf32, #tpu.memory_space<vmem>>, vector<16xf32>,
          %mul3A_505 = vector.broadcast %squeeze3A_441 : f32 to vector<16xf32>
          %mul3A_506 = arith.mulf %get3A_504, %mul3A_505 : vector<16xf32>
          %swap3A_507 = arith.index_cast %add3A_445 : i32 to index
          %swap3A_508 = arith.constant 112 : index
          %swap3A_509 = tpu.vector_load %arg16[%swap3A_507, %swap3A_508] {strides = array<i32>} : memref<64x128xf32, #tpu.memory_space<vmem>>, vector<16xf32>,
          tpu.vector_store %arg16[%swap3A_507, %swap3A_508], %mul3A_506 {strides = array<i32>} : memref<64x128xf32, #tpu.memory_space<vmem>>, vector<16xf32>,
          %slice3A_510 = vector.extract_strided_slice %get3A_92 {offsets = [6], sizes = [1], strides = [1]} : vector<16xf32> to vector<1xf32>
          %squeeze3A_511 = vector.extract %slice3A_510[0] : f32 from vector<1xf32>
          %mul3A_512 = arith.constant 16 : i32
          %mul3A_513 = arith.muli %scan3A_89, %mul3A_512 : i32
          %add3A_514 = arith.constant 6 : i32
          %add3A_515 = arith.addi %mul3A_513, %add3A_514 : i32
          %get3A_516 = arith.index_cast %add3A_515 : i32 to index
          %get3A_517 = arith.constant 0 : index
          %get3A_518 = tpu.vector_load %arg16[%get3A_516, %get3A_517] {strides = array<i32>} : memref<64x128xf32, #tpu.memory_space<vmem>>, vector<16xf32>,
          %mul3A_519 = vector.broadcast %squeeze3A_511 : f32 to vector<16xf32>
          %mul3A_520 = arith.mulf %get3A_518, %mul3A_519 : vector<16xf32>
          %swap3A_521 = arith.index_cast %add3A_515 : i32 to index
          %swap3A_522 = arith.constant 0 : index
          %swap3A_523 = tpu.vector_load %arg16[%swap3A_521, %swap3A_522] {strides = array<i32>} : memref<64x128xf32, #tpu.memory_space<vmem>>, vector<16xf32>,
          tpu.vector_store %arg16[%swap3A_521, %swap3A_522], %mul3A_520 {strides = array<i32>} : memref<64x128xf32, #tpu.memory_space<vmem>>, vector<16xf32>,
          %get3A_524 = arith.index_cast %add3A_515 : i32 to index
          %get3A_525 = arith.constant 16 : index
          %get3A_526 = tpu.vector_load %arg16[%get3A_524, %get3A_525] {strides = array<i32>} : memref<64x128xf32, #tpu.memory_space<vmem>>, vector<16xf32>,
          %mul3A_527 = vector.broadcast %squeeze3A_511 : f32 to vector<16xf32>
          %mul3A_528 = arith.mulf %get3A_526, %mul3A_527 : vector<16xf32>
          %swap3A_529 = arith.index_cast %add3A_515 : i32 to index
          %swap3A_530 = arith.constant 16 : index
          %swap3A_531 = tpu.vector_load %arg16[%swap3A_529, %swap3A_530] {strides = array<i32>} : memref<64x128xf32, #tpu.memory_space<vmem>>, vector<16xf32>,
          tpu.vector_store %arg16[%swap3A_529, %swap3A_530], %mul3A_528 {strides = array<i32>} : memref<64x128xf32, #tpu.memory_space<vmem>>, vector<16xf32>,
          %get3A_532 = arith.index_cast %add3A_515 : i32 to index
          %get3A_533 = arith.constant 32 : index
          %get3A_534 = tpu.vector_load %arg16[%get3A_532, %get3A_533] {strides = array<i32>} : memref<64x128xf32, #tpu.memory_space<vmem>>, vector<16xf32>,
          %mul3A_535 = vector.broadcast %squeeze3A_511 : f32 to vector<16xf32>
          %mul3A_536 = arith.mulf %get3A_534, %mul3A_535 : vector<16xf32>
          %swap3A_537 = arith.index_cast %add3A_515 : i32 to index
          %swap3A_538 = arith.constant 32 : index
          %swap3A_539 = tpu.vector_load %arg16[%swap3A_537, %swap3A_538] {strides = array<i32>} : memref<64x128xf32, #tpu.memory_space<vmem>>, vector<16xf32>,
          tpu.vector_store %arg16[%swap3A_537, %swap3A_538], %mul3A_536 {strides = array<i32>} : memref<64x128xf32, #tpu.memory_space<vmem>>, vector<16xf32>,
          %get3A_540 = arith.index_cast %add3A_515 : i32 to index
          %get3A_541 = arith.constant 48 : index
          %get3A_542 = tpu.vector_load %arg16[%get3A_540, %get3A_541] {strides = array<i32>} : memref<64x128xf32, #tpu.memory_space<vmem>>, vector<16xf32>,
          %mul3A_543 = vector.broadcast %squeeze3A_511 : f32 to vector<16xf32>
          %mul3A_544 = arith.mulf %get3A_542, %mul3A_543 : vector<16xf32>
          %swap3A_545 = arith.index_cast %add3A_515 : i32 to index
          %swap3A_546 = arith.constant 48 : index
          %swap3A_547 = tpu.vector_load %arg16[%swap3A_545, %swap3A_546] {strides = array<i32>} : memref<64x128xf32, #tpu.memory_space<vmem>>, vector<16xf32>,
          tpu.vector_store %arg16[%swap3A_545, %swap3A_546], %mul3A_544 {strides = array<i32>} : memref<64x128xf32, #tpu.memory_space<vmem>>, vector<16xf32>,
          %get3A_548 = arith.index_cast %add3A_515 : i32 to index
          %get3A_549 = arith.constant 64 : index
          %get3A_550 = tpu.vector_load %arg16[%get3A_548, %get3A_549] {strides = array<i32>} : memref<64x128xf32, #tpu.memory_space<vmem>>, vector<16xf32>,
          %mul3A_551 = vector.broadcast %squeeze3A_511 : f32 to vector<16xf32>
          %mul3A_552 = arith.mulf %get3A_550, %mul3A_551 : vector<16xf32>
          %swap3A_553 = arith.index_cast %add3A_515 : i32 to index
          %swap3A_554 = arith.constant 64 : index
          %swap3A_555 = tpu.vector_load %arg16[%swap3A_553, %swap3A_554] {strides = array<i32>} : memref<64x128xf32, #tpu.memory_space<vmem>>, vector<16xf32>,
          tpu.vector_store %arg16[%swap3A_553, %swap3A_554], %mul3A_552 {strides = array<i32>} : memref<64x128xf32, #tpu.memory_space<vmem>>, vector<16xf32>,
          %get3A_556 = arith.index_cast %add3A_515 : i32 to index
          %get3A_557 = arith.constant 80 : index
          %get3A_558 = tpu.vector_load %arg16[%get3A_556, %get3A_557] {strides = array<i32>} : memref<64x128xf32, #tpu.memory_space<vmem>>, vector<16xf32>,
          %mul3A_559 = vector.broadcast %squeeze3A_511 : f32 to vector<16xf32>
          %mul3A_560 = arith.mulf %get3A_558, %mul3A_559 : vector<16xf32>
          %swap3A_561 = arith.index_cast %add3A_515 : i32 to index
          %swap3A_562 = arith.constant 80 : index
          %swap3A_563 = tpu.vector_load %arg16[%swap3A_561, %swap3A_562] {strides = array<i32>} : memref<64x128xf32, #tpu.memory_space<vmem>>, vector<16xf32>,
          tpu.vector_store %arg16[%swap3A_561, %swap3A_562], %mul3A_560 {strides = array<i32>} : memref<64x128xf32, #tpu.memory_space<vmem>>, vector<16xf32>,
          %get3A_564 = arith.index_cast %add3A_515 : i32 to index
          %get3A_565 = arith.constant 96 : index
          %get3A_566 = tpu.vector_load %arg16[%get3A_564, %get3A_565] {strides = array<i32>} : memref<64x128xf32, #tpu.memory_space<vmem>>, vector<16xf32>,
          %mul3A_567 = vector.broadcast %squeeze3A_511 : f32 to vector<16xf32>
          %mul3A_568 = arith.mulf %get3A_566, %mul3A_567 : vector<16xf32>
          %swap3A_569 = arith.index_cast %add3A_515 : i32 to index
          %swap3A_570 = arith.constant 96 : index
          %swap3A_571 = tpu.vector_load %arg16[%swap3A_569, %swap3A_570] {strides = array<i32>} : memref<64x128xf32, #tpu.memory_space<vmem>>, vector<16xf32>,
          tpu.vector_store %arg16[%swap3A_569, %swap3A_570], %mul3A_568 {strides = array<i32>} : memref<64x128xf32, #tpu.memory_space<vmem>>, vector<16xf32>,
          %get3A_572 = arith.index_cast %add3A_515 : i32 to index
          %get3A_573 = arith.constant 112 : index
          %get3A_574 = tpu.vector_load %arg16[%get3A_572, %get3A_573] {strides = array<i32>} : memref<64x128xf32, #tpu.memory_space<vmem>>, vector<16xf32>,
          %mul3A_575 = vector.broadcast %squeeze3A_511 : f32 to vector<16xf32>
          %mul3A_576 = arith.mulf %get3A_574, %mul3A_575 : vector<16xf32>
          %swap3A_577 = arith.index_cast %add3A_515 : i32 to index
          %swap3A_578 = arith.constant 112 : index
          %swap3A_579 = tpu.vector_load %arg16[%swap3A_577, %swap3A_578] {strides = array<i32>} : memref<64x128xf32, #tpu.memory_space<vmem>>, vector<16xf32>,
          tpu.vector_store %arg16[%swap3A_577, %swap3A_578], %mul3A_576 {strides = array<i32>} : memref<64x128xf32, #tpu.memory_space<vmem>>, vector<16xf32>,
          %slice3A_580 = vector.extract_strided_slice %get3A_92 {offsets = [7], sizes = [1], strides = [1]} : vector<16xf32> to vector<1xf32>
          %squeeze3A_581 = vector.extract %slice3A_580[0] : f32 from vector<1xf32>
          %mul3A_582 = arith.constant 16 : i32
          %mul3A_583 = arith.muli %scan3A_89, %mul3A_582 : i32
          %add3A_584 = arith.constant 7 : i32
          %add3A_585 = arith.addi %mul3A_583, %add3A_584 : i32
          %get3A_586 = arith.index_cast %add3A_585 : i32 to index
          %get3A_587 = arith.constant 0 : index
          %get3A_588 = tpu.vector_load %arg16[%get3A_586, %get3A_587] {strides = array<i32>} : memref<64x128xf32, #tpu.memory_space<vmem>>, vector<16xf32>,
          %mul3A_589 = vector.broadcast %squeeze3A_581 : f32 to vector<16xf32>
          %mul3A_590 = arith.mulf %get3A_588, %mul3A_589 : vector<16xf32>
          %swap3A_591 = arith.index_cast %add3A_585 : i32 to index
          %swap3A_592 = arith.constant 0 : index
          %swap3A_593 = tpu.vector_load %arg16[%swap3A_591, %swap3A_592] {strides = array<i32>} : memref<64x128xf32, #tpu.memory_space<vmem>>, vector<16xf32>,
          tpu.vector_store %arg16[%swap3A_591, %swap3A_592], %mul3A_590 {strides = array<i32>} : memref<64x128xf32, #tpu.memory_space<vmem>>, vector<16xf32>,
          %get3A_594 = arith.index_cast %add3A_585 : i32 to index
          %get3A_595 = arith.constant 16 : index
          %get3A_596 = tpu.vector_load %arg16[%get3A_594, %get3A_595] {strides = array<i32>} : memref<64x128xf32, #tpu.memory_space<vmem>>, vector<16xf32>,
          %mul3A_597 = vector.broadcast %squeeze3A_581 : f32 to vector<16xf32>
          %mul3A_598 = arith.mulf %get3A_596, %mul3A_597 : vector<16xf32>
          %swap3A_599 = arith.index_cast %add3A_585 : i32 to index
          %swap3A_600 = arith.constant 16 : index
          %swap3A_601 = tpu.vector_load %arg16[%swap3A_599, %swap3A_600] {strides = array<i32>} : memref<64x128xf32, #tpu.memory_space<vmem>>, vector<16xf32>,
          tpu.vector_store %arg16[%swap3A_599, %swap3A_600], %mul3A_598 {strides = array<i32>} : memref<64x128xf32, #tpu.memory_space<vmem>>, vector<16xf32>,
          %get3A_602 = arith.index_cast %add3A_585 : i32 to index
          %get3A_603 = arith.constant 32 : index
          %get3A_604 = tpu.vector_load %arg16[%get3A_602, %get3A_603] {strides = array<i32>} : memref<64x128xf32, #tpu.memory_space<vmem>>, vector<16xf32>,
          %mul3A_605 = vector.broadcast %squeeze3A_581 : f32 to vector<16xf32>
          %mul3A_606 = arith.mulf %get3A_604, %mul3A_605 : vector<16xf32>
          %swap3A_607 = arith.index_cast %add3A_585 : i32 to index
          %swap3A_608 = arith.constant 32 : index
          %swap3A_609 = tpu.vector_load %arg16[%swap3A_607, %swap3A_608] {strides = array<i32>} : memref<64x128xf32, #tpu.memory_space<vmem>>, vector<16xf32>,
          tpu.vector_store %arg16[%swap3A_607, %swap3A_608], %mul3A_606 {strides = array<i32>} : memref<64x128xf32, #tpu.memory_space<vmem>>, vector<16xf32>,
          %get3A_610 = arith.index_cast %add3A_585 : i32 to index
          %get3A_611 = arith.constant 48 : index
          %get3A_612 = tpu.vector_load %arg16[%get3A_610, %get3A_611] {strides = array<i32>} : memref<64x128xf32, #tpu.memory_space<vmem>>, vector<16xf32>,
          %mul3A_613 = vector.broadcast %squeeze3A_581 : f32 to vector<16xf32>
          %mul3A_614 = arith.mulf %get3A_612, %mul3A_613 : vector<16xf32>
          %swap3A_615 = arith.index_cast %add3A_585 : i32 to index
          %swap3A_616 = arith.constant 48 : index
          %swap3A_617 = tpu.vector_load %arg16[%swap3A_615, %swap3A_616] {strides = array<i32>} : memref<64x128xf32, #tpu.memory_space<vmem>>, vector<16xf32>,
          tpu.vector_store %arg16[%swap3A_615, %swap3A_616], %mul3A_614 {strides = array<i32>} : memref<64x128xf32, #tpu.memory_space<vmem>>, vector<16xf32>,
          %get3A_618 = arith.index_cast %add3A_585 : i32 to index
          %get3A_619 = arith.constant 64 : index
          %get3A_620 = tpu.vector_load %arg16[%get3A_618, %get3A_619] {strides = array<i32>} : memref<64x128xf32, #tpu.memory_space<vmem>>, vector<16xf32>,
          %mul3A_621 = vector.broadcast %squeeze3A_581 : f32 to vector<16xf32>
          %mul3A_622 = arith.mulf %get3A_620, %mul3A_621 : vector<16xf32>
          %swap3A_623 = arith.index_cast %add3A_585 : i32 to index
          %swap3A_624 = arith.constant 64 : index
          %swap3A_625 = tpu.vector_load %arg16[%swap3A_623, %swap3A_624] {strides = array<i32>} : memref<64x128xf32, #tpu.memory_space<vmem>>, vector<16xf32>,
          tpu.vector_store %arg16[%swap3A_623, %swap3A_624], %mul3A_622 {strides = array<i32>} : memref<64x128xf32, #tpu.memory_space<vmem>>, vector<16xf32>,
          %get3A_626 = arith.index_cast %add3A_585 : i32 to index
          %get3A_627 = arith.constant 80 : index
          %get3A_628 = tpu.vector_load %arg16[%get3A_626, %get3A_627] {strides = array<i32>} : memref<64x128xf32, #tpu.memory_space<vmem>>, vector<16xf32>,
          %mul3A_629 = vector.broadcast %squeeze3A_581 : f32 to vector<16xf32>
          %mul3A_630 = arith.mulf %get3A_628, %mul3A_629 : vector<16xf32>
          %swap3A_631 = arith.index_cast %add3A_585 : i32 to index
          %swap3A_632 = arith.constant 80 : index
          %swap3A_633 = tpu.vector_load %arg16[%swap3A_631, %swap3A_632] {strides = array<i32>} : memref<64x128xf32, #tpu.memory_space<vmem>>, vector<16xf32>,
          tpu.vector_store %arg16[%swap3A_631, %swap3A_632], %mul3A_630 {strides = array<i32>} : memref<64x128xf32, #tpu.memory_space<vmem>>, vector<16xf32>,
          %get3A_634 = arith.index_cast %add3A_585 : i32 to index
          %get3A_635 = arith.constant 96 : index
          %get3A_636 = tpu.vector_load %arg16[%get3A_634, %get3A_635] {strides = array<i32>} : memref<64x128xf32, #tpu.memory_space<vmem>>, vector<16xf32>,
          %mul3A_637 = vector.broadcast %squeeze3A_581 : f32 to vector<16xf32>
          %mul3A_638 = arith.mulf %get3A_636, %mul3A_637 : vector<16xf32>
          %swap3A_639 = arith.index_cast %add3A_585 : i32 to index
          %swap3A_640 = arith.constant 96 : index
          %swap3A_641 = tpu.vector_load %arg16[%swap3A_639, %swap3A_640] {strides = array<i32>} : memref<64x128xf32, #tpu.memory_space<vmem>>, vector<16xf32>,
          tpu.vector_store %arg16[%swap3A_639, %swap3A_640], %mul3A_638 {strides = array<i32>} : memref<64x128xf32, #tpu.memory_space<vmem>>, vector<16xf32>,
          %get3A_642 = arith.index_cast %add3A_585 : i32 to index
          %get3A_643 = arith.constant 112 : index
          %get3A_644 = tpu.vector_load %arg16[%get3A_642, %get3A_643] {strides = array<i32>} : memref<64x128xf32, #tpu.memory_space<vmem>>, vector<16xf32>,
          %mul3A_645 = vector.broadcast %squeeze3A_581 : f32 to vector<16xf32>
          %mul3A_646 = arith.mulf %get3A_644, %mul3A_645 : vector<16xf32>
          %swap3A_647 = arith.index_cast %add3A_585 : i32 to index
          %swap3A_648 = arith.constant 112 : index
          %swap3A_649 = tpu.vector_load %arg16[%swap3A_647, %swap3A_648] {strides = array<i32>} : memref<64x128xf32, #tpu.memory_space<vmem>>, vector<16xf32>,
          tpu.vector_store %arg16[%swap3A_647, %swap3A_648], %mul3A_646 {strides = array<i32>} : memref<64x128xf32, #tpu.memory_space<vmem>>, vector<16xf32>,
          %slice3A_650 = vector.extract_strided_slice %get3A_92 {offsets = [8], sizes = [1], strides = [1]} : vector<16xf32> to vector<1xf32>
          %squeeze3A_651 = vector.extract %slice3A_650[0] : f32 from vector<1xf32>
          %mul3A_652 = arith.constant 16 : i32
          %mul3A_653 = arith.muli %scan3A_89, %mul3A_652 : i32
          %add3A_654 = arith.constant 8 : i32
          %add3A_655 = arith.addi %mul3A_653, %add3A_654 : i32
          %get3A_656 = arith.index_cast %add3A_655 : i32 to index
          %get3A_657 = arith.constant 0 : index
          %get3A_658 = tpu.vector_load %arg16[%get3A_656, %get3A_657] {strides = array<i32>} : memref<64x128xf32, #tpu.memory_space<vmem>>, vector<16xf32>,
          %mul3A_659 = vector.broadcast %squeeze3A_651 : f32 to vector<16xf32>
          %mul3A_660 = arith.mulf %get3A_658, %mul3A_659 : vector<16xf32>
          %swap3A_661 = arith.index_cast %add3A_655 : i32 to index
          %swap3A_662 = arith.constant 0 : index
          %swap3A_663 = tpu.vector_load %arg16[%swap3A_661, %swap3A_662] {strides = array<i32>} : memref<64x128xf32, #tpu.memory_space<vmem>>, vector<16xf32>,
          tpu.vector_store %arg16[%swap3A_661, %swap3A_662], %mul3A_660 {strides = array<i32>} : memref<64x128xf32, #tpu.memory_space<vmem>>, vector<16xf32>,
          %get3A_664 = arith.index_cast %add3A_655 : i32 to index
          %get3A_665 = arith.constant 16 : index
          %get3A_666 = tpu.vector_load %arg16[%get3A_664, %get3A_665] {strides = array<i32>} : memref<64x128xf32, #tpu.memory_space<vmem>>, vector<16xf32>,
          %mul3A_667 = vector.broadcast %squeeze3A_651 : f32 to vector<16xf32>
          %mul3A_668 = arith.mulf %get3A_666, %mul3A_667 : vector<16xf32>
          %swap3A_669 = arith.index_cast %add3A_655 : i32 to index
          %swap3A_670 = arith.constant 16 : index
          %swap3A_671 = tpu.vector_load %arg16[%swap3A_669, %swap3A_670] {strides = array<i32>} : memref<64x128xf32, #tpu.memory_space<vmem>>, vector<16xf32>,
          tpu.vector_store %arg16[%swap3A_669, %swap3A_670], %mul3A_668 {strides = array<i32>} : memref<64x128xf32, #tpu.memory_space<vmem>>, vector<16xf32>,
          %get3A_672 = arith.index_cast %add3A_655 : i32 to index
          %get3A_673 = arith.constant 32 : index
          %get3A_674 = tpu.vector_load %arg16[%get3A_672, %get3A_673] {strides = array<i32>} : memref<64x128xf32, #tpu.memory_space<vmem>>, vector<16xf32>,
          %mul3A_675 = vector.broadcast %squeeze3A_651 : f32 to vector<16xf32>
          %mul3A_676 = arith.mulf %get3A_674, %mul3A_675 : vector<16xf32>
          %swap3A_677 = arith.index_cast %add3A_655 : i32 to index
          %swap3A_678 = arith.constant 32 : index
          %swap3A_679 = tpu.vector_load %arg16[%swap3A_677, %swap3A_678] {strides = array<i32>} : memref<64x128xf32, #tpu.memory_space<vmem>>, vector<16xf32>,
          tpu.vector_store %arg16[%swap3A_677, %swap3A_678], %mul3A_676 {strides = array<i32>} : memref<64x128xf32, #tpu.memory_space<vmem>>, vector<16xf32>,
          %get3A_680 = arith.index_cast %add3A_655 : i32 to index
          %get3A_681 = arith.constant 48 : index
          %get3A_682 = tpu.vector_load %arg16[%get3A_680, %get3A_681] {strides = array<i32>} : memref<64x128xf32, #tpu.memory_space<vmem>>, vector<16xf32>,
          %mul3A_683 = vector.broadcast %squeeze3A_651 : f32 to vector<16xf32>
          %mul3A_684 = arith.mulf %get3A_682, %mul3A_683 : vector<16xf32>
          %swap3A_685 = arith.index_cast %add3A_655 : i32 to index
          %swap3A_686 = arith.constant 48 : index
          %swap3A_687 = tpu.vector_load %arg16[%swap3A_685, %swap3A_686] {strides = array<i32>} : memref<64x128xf32, #tpu.memory_space<vmem>>, vector<16xf32>,
          tpu.vector_store %arg16[%swap3A_685, %swap3A_686], %mul3A_684 {strides = array<i32>} : memref<64x128xf32, #tpu.memory_space<vmem>>, vector<16xf32>,
          %get3A_688 = arith.index_cast %add3A_655 : i32 to index
          %get3A_689 = arith.constant 64 : index
          %get3A_690 = tpu.vector_load %arg16[%get3A_688, %get3A_689] {strides = array<i32>} : memref<64x128xf32, #tpu.memory_space<vmem>>, vector<16xf32>,
          %mul3A_691 = vector.broadcast %squeeze3A_651 : f32 to vector<16xf32>
          %mul3A_692 = arith.mulf %get3A_690, %mul3A_691 : vector<16xf32>
          %swap3A_693 = arith.index_cast %add3A_655 : i32 to index
          %swap3A_694 = arith.constant 64 : index
          %swap3A_695 = tpu.vector_load %arg16[%swap3A_693, %swap3A_694] {strides = array<i32>} : memref<64x128xf32, #tpu.memory_space<vmem>>, vector<16xf32>,
          tpu.vector_store %arg16[%swap3A_693, %swap3A_694], %mul3A_692 {strides = array<i32>} : memref<64x128xf32, #tpu.memory_space<vmem>>, vector<16xf32>,
          %get3A_696 = arith.index_cast %add3A_655 : i32 to index
          %get3A_697 = arith.constant 80 : index
          %get3A_698 = tpu.vector_load %arg16[%get3A_696, %get3A_697] {strides = array<i32>} : memref<64x128xf32, #tpu.memory_space<vmem>>, vector<16xf32>,
          %mul3A_699 = vector.broadcast %squeeze3A_651 : f32 to vector<16xf32>
          %mul3A_700 = arith.mulf %get3A_698, %mul3A_699 : vector<16xf32>
          %swap3A_701 = arith.index_cast %add3A_655 : i32 to index
          %swap3A_702 = arith.constant 80 : index
          %swap3A_703 = tpu.vector_load %arg16[%swap3A_701, %swap3A_702] {strides = array<i32>} : memref<64x128xf32, #tpu.memory_space<vmem>>, vector<16xf32>,
          tpu.vector_store %arg16[%swap3A_701, %swap3A_702], %mul3A_700 {strides = array<i32>} : memref<64x128xf32, #tpu.memory_space<vmem>>, vector<16xf32>,
          %get3A_704 = arith.index_cast %add3A_655 : i32 to index
          %get3A_705 = arith.constant 96 : index
          %get3A_706 = tpu.vector_load %arg16[%get3A_704, %get3A_705] {strides = array<i32>} : memref<64x128xf32, #tpu.memory_space<vmem>>, vector<16xf32>,
          %mul3A_707 = vector.broadcast %squeeze3A_651 : f32 to vector<16xf32>
          %mul3A_708 = arith.mulf %get3A_706, %mul3A_707 : vector<16xf32>
          %swap3A_709 = arith.index_cast %add3A_655 : i32 to index
          %swap3A_710 = arith.constant 96 : index
          %swap3A_711 = tpu.vector_load %arg16[%swap3A_709, %swap3A_710] {strides = array<i32>} : memref<64x128xf32, #tpu.memory_space<vmem>>, vector<16xf32>,
          tpu.vector_store %arg16[%swap3A_709, %swap3A_710], %mul3A_708 {strides = array<i32>} : memref<64x128xf32, #tpu.memory_space<vmem>>, vector<16xf32>,
          %get3A_712 = arith.index_cast %add3A_655 : i32 to index
          %get3A_713 = arith.constant 112 : index
          %get3A_714 = tpu.vector_load %arg16[%get3A_712, %get3A_713] {strides = array<i32>} : memref<64x128xf32, #tpu.memory_space<vmem>>, vector<16xf32>,
          %mul3A_715 = vector.broadcast %squeeze3A_651 : f32 to vector<16xf32>
          %mul3A_716 = arith.mulf %get3A_714, %mul3A_715 : vector<16xf32>
          %swap3A_717 = arith.index_cast %add3A_655 : i32 to index
          %swap3A_718 = arith.constant 112 : index
          %swap3A_719 = tpu.vector_load %arg16[%swap3A_717, %swap3A_718] {strides = array<i32>} : memref<64x128xf32, #tpu.memory_space<vmem>>, vector<16xf32>,
          tpu.vector_store %arg16[%swap3A_717, %swap3A_718], %mul3A_716 {strides = array<i32>} : memref<64x128xf32, #tpu.memory_space<vmem>>, vector<16xf32>,
          %slice3A_720 = vector.extract_strided_slice %get3A_92 {offsets = [9], sizes = [1], strides = [1]} : vector<16xf32> to vector<1xf32>
          %squeeze3A_721 = vector.extract %slice3A_720[0] : f32 from vector<1xf32>
          %mul3A_722 = arith.constant 16 : i32
          %mul3A_723 = arith.muli %scan3A_89, %mul3A_722 : i32
          %add3A_724 = arith.constant 9 : i32
          %add3A_725 = arith.addi %mul3A_723, %add3A_724 : i32
          %get3A_726 = arith.index_cast %add3A_725 : i32 to index
          %get3A_727 = arith.constant 0 : index
          %get3A_728 = tpu.vector_load %arg16[%get3A_726, %get3A_727] {strides = array<i32>} : memref<64x128xf32, #tpu.memory_space<vmem>>, vector<16xf32>,
          %mul3A_729 = vector.broadcast %squeeze3A_721 : f32 to vector<16xf32>
          %mul3A_730 = arith.mulf %get3A_728, %mul3A_729 : vector<16xf32>
          %swap3A_731 = arith.index_cast %add3A_725 : i32 to index
          %swap3A_732 = arith.constant 0 : index
          %swap3A_733 = tpu.vector_load %arg16[%swap3A_731, %swap3A_732] {strides = array<i32>} : memref<64x128xf32, #tpu.memory_space<vmem>>, vector<16xf32>,
          tpu.vector_store %arg16[%swap3A_731, %swap3A_732], %mul3A_730 {strides = array<i32>} : memref<64x128xf32, #tpu.memory_space<vmem>>, vector<16xf32>,
          %get3A_734 = arith.index_cast %add3A_725 : i32 to index
          %get3A_735 = arith.constant 16 : index
          %get3A_736 = tpu.vector_load %arg16[%get3A_734, %get3A_735] {strides = array<i32>} : memref<64x128xf32, #tpu.memory_space<vmem>>, vector<16xf32>,
          %mul3A_737 = vector.broadcast %squeeze3A_721 : f32 to vector<16xf32>
          %mul3A_738 = arith.mulf %get3A_736, %mul3A_737 : vector<16xf32>
          %swap3A_739 = arith.index_cast %add3A_725 : i32 to index
          %swap3A_740 = arith.constant 16 : index
          %swap3A_741 = tpu.vector_load %arg16[%swap3A_739, %swap3A_740] {strides = array<i32>} : memref<64x128xf32, #tpu.memory_space<vmem>>, vector<16xf32>,
          tpu.vector_store %arg16[%swap3A_739, %swap3A_740], %mul3A_738 {strides = array<i32>} : memref<64x128xf32, #tpu.memory_space<vmem>>, vector<16xf32>,
          %get3A_742 = arith.index_cast %add3A_725 : i32 to index
          %get3A_743 = arith.constant 32 : index
          %get3A_744 = tpu.vector_load %arg16[%get3A_742, %get3A_743] {strides = array<i32>} : memref<64x128xf32, #tpu.memory_space<vmem>>, vector<16xf32>,
          %mul3A_745 = vector.broadcast %squeeze3A_721 : f32 to vector<16xf32>
          %mul3A_746 = arith.mulf %get3A_744, %mul3A_745 : vector<16xf32>
          %swap3A_747 = arith.index_cast %add3A_725 : i32 to index
          %swap3A_748 = arith.constant 32 : index
          %swap3A_749 = tpu.vector_load %arg16[%swap3A_747, %swap3A_748] {strides = array<i32>} : memref<64x128xf32, #tpu.memory_space<vmem>>, vector<16xf32>,
          tpu.vector_store %arg16[%swap3A_747, %swap3A_748], %mul3A_746 {strides = array<i32>} : memref<64x128xf32, #tpu.memory_space<vmem>>, vector<16xf32>,
          %get3A_750 = arith.index_cast %add3A_725 : i32 to index
          %get3A_751 = arith.constant 48 : index
          %get3A_752 = tpu.vector_load %arg16[%get3A_750, %get3A_751] {strides = array<i32>} : memref<64x128xf32, #tpu.memory_space<vmem>>, vector<16xf32>,
          %mul3A_753 = vector.broadcast %squeeze3A_721 : f32 to vector<16xf32>
          %mul3A_754 = arith.mulf %get3A_752, %mul3A_753 : vector<16xf32>
          %swap3A_755 = arith.index_cast %add3A_725 : i32 to index
          %swap3A_756 = arith.constant 48 : index
          %swap3A_757 = tpu.vector_load %arg16[%swap3A_755, %swap3A_756] {strides = array<i32>} : memref<64x128xf32, #tpu.memory_space<vmem>>, vector<16xf32>,
          tpu.vector_store %arg16[%swap3A_755, %swap3A_756], %mul3A_754 {strides = array<i32>} : memref<64x128xf32, #tpu.memory_space<vmem>>, vector<16xf32>,
          %get3A_758 = arith.index_cast %add3A_725 : i32 to index
          %get3A_759 = arith.constant 64 : index
          %get3A_760 = tpu.vector_load %arg16[%get3A_758, %get3A_759] {strides = array<i32>} : memref<64x128xf32, #tpu.memory_space<vmem>>, vector<16xf32>,
          %mul3A_761 = vector.broadcast %squeeze3A_721 : f32 to vector<16xf32>
          %mul3A_762 = arith.mulf %get3A_760, %mul3A_761 : vector<16xf32>
          %swap3A_763 = arith.index_cast %add3A_725 : i32 to index
          %swap3A_764 = arith.constant 64 : index
          %swap3A_765 = tpu.vector_load %arg16[%swap3A_763, %swap3A_764] {strides = array<i32>} : memref<64x128xf32, #tpu.memory_space<vmem>>, vector<16xf32>,
          tpu.vector_store %arg16[%swap3A_763, %swap3A_764], %mul3A_762 {strides = array<i32>} : memref<64x128xf32, #tpu.memory_space<vmem>>, vector<16xf32>,
          %get3A_766 = arith.index_cast %add3A_725 : i32 to index
          %get3A_767 = arith.constant 80 : index
          %get3A_768 = tpu.vector_load %arg16[%get3A_766, %get3A_767] {strides = array<i32>} : memref<64x128xf32, #tpu.memory_space<vmem>>, vector<16xf32>,
          %mul3A_769 = vector.broadcast %squeeze3A_721 : f32 to vector<16xf32>
          %mul3A_770 = arith.mulf %get3A_768, %mul3A_769 : vector<16xf32>
          %swap3A_771 = arith.index_cast %add3A_725 : i32 to index
          %swap3A_772 = arith.constant 80 : index
          %swap3A_773 = tpu.vector_load %arg16[%swap3A_771, %swap3A_772] {strides = array<i32>} : memref<64x128xf32, #tpu.memory_space<vmem>>, vector<16xf32>,
          tpu.vector_store %arg16[%swap3A_771, %swap3A_772], %mul3A_770 {strides = array<i32>} : memref<64x128xf32, #tpu.memory_space<vmem>>, vector<16xf32>,
          %get3A_774 = arith.index_cast %add3A_725 : i32 to index
          %get3A_775 = arith.constant 96 : index
          %get3A_776 = tpu.vector_load %arg16[%get3A_774, %get3A_775] {strides = array<i32>} : memref<64x128xf32, #tpu.memory_space<vmem>>, vector<16xf32>,
          %mul3A_777 = vector.broadcast %squeeze3A_721 : f32 to vector<16xf32>
          %mul3A_778 = arith.mulf %get3A_776, %mul3A_777 : vector<16xf32>
          %swap3A_779 = arith.index_cast %add3A_725 : i32 to index
          %swap3A_780 = arith.constant 96 : index
          %swap3A_781 = tpu.vector_load %arg16[%swap3A_779, %swap3A_780] {strides = array<i32>} : memref<64x128xf32, #tpu.memory_space<vmem>>, vector<16xf32>,
          tpu.vector_store %arg16[%swap3A_779, %swap3A_780], %mul3A_778 {strides = array<i32>} : memref<64x128xf32, #tpu.memory_space<vmem>>, vector<16xf32>,
          %get3A_782 = arith.index_cast %add3A_725 : i32 to index
          %get3A_783 = arith.constant 112 : index
          %get3A_784 = tpu.vector_load %arg16[%get3A_782, %get3A_783] {strides = array<i32>} : memref<64x128xf32, #tpu.memory_space<vmem>>, vector<16xf32>,
          %mul3A_785 = vector.broadcast %squeeze3A_721 : f32 to vector<16xf32>
          %mul3A_786 = arith.mulf %get3A_784, %mul3A_785 : vector<16xf32>
          %swap3A_787 = arith.index_cast %add3A_725 : i32 to index
          %swap3A_788 = arith.constant 112 : index
          %swap3A_789 = tpu.vector_load %arg16[%swap3A_787, %swap3A_788] {strides = array<i32>} : memref<64x128xf32, #tpu.memory_space<vmem>>, vector<16xf32>,
          tpu.vector_store %arg16[%swap3A_787, %swap3A_788], %mul3A_786 {strides = array<i32>} : memref<64x128xf32, #tpu.memory_space<vmem>>, vector<16xf32>,
          %slice3A_790 = vector.extract_strided_slice %get3A_92 {offsets = [10], sizes = [1], strides = [1]} : vector<16xf32> to vector<1xf32>
          %squeeze3A_791 = vector.extract %slice3A_790[0] : f32 from vector<1xf32>
          %mul3A_792 = arith.constant 16 : i32
          %mul3A_793 = arith.muli %scan3A_89, %mul3A_792 : i32
          %add3A_794 = arith.constant 10 : i32
          %add3A_795 = arith.addi %mul3A_793, %add3A_794 : i32
          %get3A_796 = arith.index_cast %add3A_795 : i32 to index
          %get3A_797 = arith.constant 0 : index
          %get3A_798 = tpu.vector_load %arg16[%get3A_796, %get3A_797] {strides = array<i32>} : memref<64x128xf32, #tpu.memory_space<vmem>>, vector<16xf32>,
          %mul3A_799 = vector.broadcast %squeeze3A_791 : f32 to vector<16xf32>
          %mul3A_800 = arith.mulf %get3A_798, %mul3A_799 : vector<16xf32>
          %swap3A_801 = arith.index_cast %add3A_795 : i32 to index
          %swap3A_802 = arith.constant 0 : index
          %swap3A_803 = tpu.vector_load %arg16[%swap3A_801, %swap3A_802] {strides = array<i32>} : memref<64x128xf32, #tpu.memory_space<vmem>>, vector<16xf32>,
          tpu.vector_store %arg16[%swap3A_801, %swap3A_802], %mul3A_800 {strides = array<i32>} : memref<64x128xf32, #tpu.memory_space<vmem>>, vector<16xf32>,
          %get3A_804 = arith.index_cast %add3A_795 : i32 to index
          %get3A_805 = arith.constant 16 : index
          %get3A_806 = tpu.vector_load %arg16[%get3A_804, %get3A_805] {strides = array<i32>} : memref<64x128xf32, #tpu.memory_space<vmem>>, vector<16xf32>,
          %mul3A_807 = vector.broadcast %squeeze3A_791 : f32 to vector<16xf32>
          %mul3A_808 = arith.mulf %get3A_806, %mul3A_807 : vector<16xf32>
          %swap3A_809 = arith.index_cast %add3A_795 : i32 to index
          %swap3A_810 = arith.constant 16 : index
          %swap3A_811 = tpu.vector_load %arg16[%swap3A_809, %swap3A_810] {strides = array<i32>} : memref<64x128xf32, #tpu.memory_space<vmem>>, vector<16xf32>,
          tpu.vector_store %arg16[%swap3A_809, %swap3A_810], %mul3A_808 {strides = array<i32>} : memref<64x128xf32, #tpu.memory_space<vmem>>, vector<16xf32>,
          %get3A_812 = arith.index_cast %add3A_795 : i32 to index
          %get3A_813 = arith.constant 32 : index
          %get3A_814 = tpu.vector_load %arg16[%get3A_812, %get3A_813] {strides = array<i32>} : memref<64x128xf32, #tpu.memory_space<vmem>>, vector<16xf32>,
          %mul3A_815 = vector.broadcast %squeeze3A_791 : f32 to vector<16xf32>
          %mul3A_816 = arith.mulf %get3A_814, %mul3A_815 : vector<16xf32>
          %swap3A_817 = arith.index_cast %add3A_795 : i32 to index
          %swap3A_818 = arith.constant 32 : index
          %swap3A_819 = tpu.vector_load %arg16[%swap3A_817, %swap3A_818] {strides = array<i32>} : memref<64x128xf32, #tpu.memory_space<vmem>>, vector<16xf32>,
          tpu.vector_store %arg16[%swap3A_817, %swap3A_818], %mul3A_816 {strides = array<i32>} : memref<64x128xf32, #tpu.memory_space<vmem>>, vector<16xf32>,
          %get3A_820 = arith.index_cast %add3A_795 : i32 to index
          %get3A_821 = arith.constant 48 : index
          %get3A_822 = tpu.vector_load %arg16[%get3A_820, %get3A_821] {strides = array<i32>} : memref<64x128xf32, #tpu.memory_space<vmem>>, vector<16xf32>,
          %mul3A_823 = vector.broadcast %squeeze3A_791 : f32 to vector<16xf32>
          %mul3A_824 = arith.mulf %get3A_822, %mul3A_823 : vector<16xf32>
          %swap3A_825 = arith.index_cast %add3A_795 : i32 to index
          %swap3A_826 = arith.constant 48 : index
          %swap3A_827 = tpu.vector_load %arg16[%swap3A_825, %swap3A_826] {strides = array<i32>} : memref<64x128xf32, #tpu.memory_space<vmem>>, vector<16xf32>,
          tpu.vector_store %arg16[%swap3A_825, %swap3A_826], %mul3A_824 {strides = array<i32>} : memref<64x128xf32, #tpu.memory_space<vmem>>, vector<16xf32>,
          %get3A_828 = arith.index_cast %add3A_795 : i32 to index
          %get3A_829 = arith.constant 64 : index
          %get3A_830 = tpu.vector_load %arg16[%get3A_828, %get3A_829] {strides = array<i32>} : memref<64x128xf32, #tpu.memory_space<vmem>>, vector<16xf32>,
          %mul3A_831 = vector.broadcast %squeeze3A_791 : f32 to vector<16xf32>
          %mul3A_832 = arith.mulf %get3A_830, %mul3A_831 : vector<16xf32>
          %swap3A_833 = arith.index_cast %add3A_795 : i32 to index
          %swap3A_834 = arith.constant 64 : index
          %swap3A_835 = tpu.vector_load %arg16[%swap3A_833, %swap3A_834] {strides = array<i32>} : memref<64x128xf32, #tpu.memory_space<vmem>>, vector<16xf32>,
          tpu.vector_store %arg16[%swap3A_833, %swap3A_834], %mul3A_832 {strides = array<i32>} : memref<64x128xf32, #tpu.memory_space<vmem>>, vector<16xf32>,
          %get3A_836 = arith.index_cast %add3A_795 : i32 to index
          %get3A_837 = arith.constant 80 : index
          %get3A_838 = tpu.vector_load %arg16[%get3A_836, %get3A_837] {strides = array<i32>} : memref<64x128xf32, #tpu.memory_space<vmem>>, vector<16xf32>,
          %mul3A_839 = vector.broadcast %squeeze3A_791 : f32 to vector<16xf32>
          %mul3A_840 = arith.mulf %get3A_838, %mul3A_839 : vector<16xf32>
          %swap3A_841 = arith.index_cast %add3A_795 : i32 to index
          %swap3A_842 = arith.constant 80 : index
          %swap3A_843 = tpu.vector_load %arg16[%swap3A_841, %swap3A_842] {strides = array<i32>} : memref<64x128xf32, #tpu.memory_space<vmem>>, vector<16xf32>,
          tpu.vector_store %arg16[%swap3A_841, %swap3A_842], %mul3A_840 {strides = array<i32>} : memref<64x128xf32, #tpu.memory_space<vmem>>, vector<16xf32>,
          %get3A_844 = arith.index_cast %add3A_795 : i32 to index
          %get3A_845 = arith.constant 96 : index
          %get3A_846 = tpu.vector_load %arg16[%get3A_844, %get3A_845] {strides = array<i32>} : memref<64x128xf32, #tpu.memory_space<vmem>>, vector<16xf32>,
          %mul3A_847 = vector.broadcast %squeeze3A_791 : f32 to vector<16xf32>
          %mul3A_848 = arith.mulf %get3A_846, %mul3A_847 : vector<16xf32>
          %swap3A_849 = arith.index_cast %add3A_795 : i32 to index
          %swap3A_850 = arith.constant 96 : index
          %swap3A_851 = tpu.vector_load %arg16[%swap3A_849, %swap3A_850] {strides = array<i32>} : memref<64x128xf32, #tpu.memory_space<vmem>>, vector<16xf32>,
          tpu.vector_store %arg16[%swap3A_849, %swap3A_850], %mul3A_848 {strides = array<i32>} : memref<64x128xf32, #tpu.memory_space<vmem>>, vector<16xf32>,
          %get3A_852 = arith.index_cast %add3A_795 : i32 to index
          %get3A_853 = arith.constant 112 : index
          %get3A_854 = tpu.vector_load %arg16[%get3A_852, %get3A_853] {strides = array<i32>} : memref<64x128xf32, #tpu.memory_space<vmem>>, vector<16xf32>,
          %mul3A_855 = vector.broadcast %squeeze3A_791 : f32 to vector<16xf32>
          %mul3A_856 = arith.mulf %get3A_854, %mul3A_855 : vector<16xf32>
          %swap3A_857 = arith.index_cast %add3A_795 : i32 to index
          %swap3A_858 = arith.constant 112 : index
          %swap3A_859 = tpu.vector_load %arg16[%swap3A_857, %swap3A_858] {strides = array<i32>} : memref<64x128xf32, #tpu.memory_space<vmem>>, vector<16xf32>,
          tpu.vector_store %arg16[%swap3A_857, %swap3A_858], %mul3A_856 {strides = array<i32>} : memref<64x128xf32, #tpu.memory_space<vmem>>, vector<16xf32>,
          %slice3A_860 = vector.extract_strided_slice %get3A_92 {offsets = [11], sizes = [1], strides = [1]} : vector<16xf32> to vector<1xf32>
          %squeeze3A_861 = vector.extract %slice3A_860[0] : f32 from vector<1xf32>
          %mul3A_862 = arith.constant 16 : i32
          %mul3A_863 = arith.muli %scan3A_89, %mul3A_862 : i32
          %add3A_864 = arith.constant 11 : i32
          %add3A_865 = arith.addi %mul3A_863, %add3A_864 : i32
          %get3A_866 = arith.index_cast %add3A_865 : i32 to index
          %get3A_867 = arith.constant 0 : index
          %get3A_868 = tpu.vector_load %arg16[%get3A_866, %get3A_867] {strides = array<i32>} : memref<64x128xf32, #tpu.memory_space<vmem>>, vector<16xf32>,
          %mul3A_869 = vector.broadcast %squeeze3A_861 : f32 to vector<16xf32>
          %mul3A_870 = arith.mulf %get3A_868, %mul3A_869 : vector<16xf32>
          %swap3A_871 = arith.index_cast %add3A_865 : i32 to index
          %swap3A_872 = arith.constant 0 : index
          %swap3A_873 = tpu.vector_load %arg16[%swap3A_871, %swap3A_872] {strides = array<i32>} : memref<64x128xf32, #tpu.memory_space<vmem>>, vector<16xf32>,
          tpu.vector_store %arg16[%swap3A_871, %swap3A_872], %mul3A_870 {strides = array<i32>} : memref<64x128xf32, #tpu.memory_space<vmem>>, vector<16xf32>,
          %get3A_874 = arith.index_cast %add3A_865 : i32 to index
          %get3A_875 = arith.constant 16 : index
          %get3A_876 = tpu.vector_load %arg16[%get3A_874, %get3A_875] {strides = array<i32>} : memref<64x128xf32, #tpu.memory_space<vmem>>, vector<16xf32>,
          %mul3A_877 = vector.broadcast %squeeze3A_861 : f32 to vector<16xf32>
          %mul3A_878 = arith.mulf %get3A_876, %mul3A_877 : vector<16xf32>
          %swap3A_879 = arith.index_cast %add3A_865 : i32 to index
          %swap3A_880 = arith.constant 16 : index
          %swap3A_881 = tpu.vector_load %arg16[%swap3A_879, %swap3A_880] {strides = array<i32>} : memref<64x128xf32, #tpu.memory_space<vmem>>, vector<16xf32>,
          tpu.vector_store %arg16[%swap3A_879, %swap3A_880], %mul3A_878 {strides = array<i32>} : memref<64x128xf32, #tpu.memory_space<vmem>>, vector<16xf32>,
          %get3A_882 = arith.index_cast %add3A_865 : i32 to index
          %get3A_883 = arith.constant 32 : index
          %get3A_884 = tpu.vector_load %arg16[%get3A_882, %get3A_883] {strides = array<i32>} : memref<64x128xf32, #tpu.memory_space<vmem>>, vector<16xf32>,
          %mul3A_885 = vector.broadcast %squeeze3A_861 : f32 to vector<16xf32>
          %mul3A_886 = arith.mulf %get3A_884, %mul3A_885 : vector<16xf32>
          %swap3A_887 = arith.index_cast %add3A_865 : i32 to index
          %swap3A_888 = arith.constant 32 : index
          %swap3A_889 = tpu.vector_load %arg16[%swap3A_887, %swap3A_888] {strides = array<i32>} : memref<64x128xf32, #tpu.memory_space<vmem>>, vector<16xf32>,
          tpu.vector_store %arg16[%swap3A_887, %swap3A_888], %mul3A_886 {strides = array<i32>} : memref<64x128xf32, #tpu.memory_space<vmem>>, vector<16xf32>,
          %get3A_890 = arith.index_cast %add3A_865 : i32 to index
          %get3A_891 = arith.constant 48 : index
          %get3A_892 = tpu.vector_load %arg16[%get3A_890, %get3A_891] {strides = array<i32>} : memref<64x128xf32, #tpu.memory_space<vmem>>, vector<16xf32>,
          %mul3A_893 = vector.broadcast %squeeze3A_861 : f32 to vector<16xf32>
          %mul3A_894 = arith.mulf %get3A_892, %mul3A_893 : vector<16xf32>
          %swap3A_895 = arith.index_cast %add3A_865 : i32 to index
          %swap3A_896 = arith.constant 48 : index
          %swap3A_897 = tpu.vector_load %arg16[%swap3A_895, %swap3A_896] {strides = array<i32>} : memref<64x128xf32, #tpu.memory_space<vmem>>, vector<16xf32>,
          tpu.vector_store %arg16[%swap3A_895, %swap3A_896], %mul3A_894 {strides = array<i32>} : memref<64x128xf32, #tpu.memory_space<vmem>>, vector<16xf32>,
          %get3A_898 = arith.index_cast %add3A_865 : i32 to index
          %get3A_899 = arith.constant 64 : index
          %get3A_900 = tpu.vector_load %arg16[%get3A_898, %get3A_899] {strides = array<i32>} : memref<64x128xf32, #tpu.memory_space<vmem>>, vector<16xf32>,
          %mul3A_901 = vector.broadcast %squeeze3A_861 : f32 to vector<16xf32>
          %mul3A_902 = arith.mulf %get3A_900, %mul3A_901 : vector<16xf32>
          %swap3A_903 = arith.index_cast %add3A_865 : i32 to index
          %swap3A_904 = arith.constant 64 : index
          %swap3A_905 = tpu.vector_load %arg16[%swap3A_903, %swap3A_904] {strides = array<i32>} : memref<64x128xf32, #tpu.memory_space<vmem>>, vector<16xf32>,
          tpu.vector_store %arg16[%swap3A_903, %swap3A_904], %mul3A_902 {strides = array<i32>} : memref<64x128xf32, #tpu.memory_space<vmem>>, vector<16xf32>,
          %get3A_906 = arith.index_cast %add3A_865 : i32 to index
          %get3A_907 = arith.constant 80 : index
          %get3A_908 = tpu.vector_load %arg16[%get3A_906, %get3A_907] {strides = array<i32>} : memref<64x128xf32, #tpu.memory_space<vmem>>, vector<16xf32>,
          %mul3A_909 = vector.broadcast %squeeze3A_861 : f32 to vector<16xf32>
          %mul3A_910 = arith.mulf %get3A_908, %mul3A_909 : vector<16xf32>
          %swap3A_911 = arith.index_cast %add3A_865 : i32 to index
          %swap3A_912 = arith.constant 80 : index
          %swap3A_913 = tpu.vector_load %arg16[%swap3A_911, %swap3A_912] {strides = array<i32>} : memref<64x128xf32, #tpu.memory_space<vmem>>, vector<16xf32>,
          tpu.vector_store %arg16[%swap3A_911, %swap3A_912], %mul3A_910 {strides = array<i32>} : memref<64x128xf32, #tpu.memory_space<vmem>>, vector<16xf32>,
          %get3A_914 = arith.index_cast %add3A_865 : i32 to index
          %get3A_915 = arith.constant 96 : index
          %get3A_916 = tpu.vector_load %arg16[%get3A_914, %get3A_915] {strides = array<i32>} : memref<64x128xf32, #tpu.memory_space<vmem>>, vector<16xf32>,
          %mul3A_917 = vector.broadcast %squeeze3A_861 : f32 to vector<16xf32>
          %mul3A_918 = arith.mulf %get3A_916, %mul3A_917 : vector<16xf32>
          %swap3A_919 = arith.index_cast %add3A_865 : i32 to index
          %swap3A_920 = arith.constant 96 : index
          %swap3A_921 = tpu.vector_load %arg16[%swap3A_919, %swap3A_920] {strides = array<i32>} : memref<64x128xf32, #tpu.memory_space<vmem>>, vector<16xf32>,
          tpu.vector_store %arg16[%swap3A_919, %swap3A_920], %mul3A_918 {strides = array<i32>} : memref<64x128xf32, #tpu.memory_space<vmem>>, vector<16xf32>,
          %get3A_922 = arith.index_cast %add3A_865 : i32 to index
          %get3A_923 = arith.constant 112 : index
          %get3A_924 = tpu.vector_load %arg16[%get3A_922, %get3A_923] {strides = array<i32>} : memref<64x128xf32, #tpu.memory_space<vmem>>, vector<16xf32>,
          %mul3A_925 = vector.broadcast %squeeze3A_861 : f32 to vector<16xf32>
          %mul3A_926 = arith.mulf %get3A_924, %mul3A_925 : vector<16xf32>
          %swap3A_927 = arith.index_cast %add3A_865 : i32 to index
          %swap3A_928 = arith.constant 112 : index
          %swap3A_929 = tpu.vector_load %arg16[%swap3A_927, %swap3A_928] {strides = array<i32>} : memref<64x128xf32, #tpu.memory_space<vmem>>, vector<16xf32>,
          tpu.vector_store %arg16[%swap3A_927, %swap3A_928], %mul3A_926 {strides = array<i32>} : memref<64x128xf32, #tpu.memory_space<vmem>>, vector<16xf32>,
          %slice3A_930 = vector.extract_strided_slice %get3A_92 {offsets = [12], sizes = [1], strides = [1]} : vector<16xf32> to vector<1xf32>
          %squeeze3A_931 = vector.extract %slice3A_930[0] : f32 from vector<1xf32>
          %mul3A_932 = arith.constant 16 : i32
          %mul3A_933 = arith.muli %scan3A_89, %mul3A_932 : i32
          %add3A_934 = arith.constant 12 : i32
          %add3A_935 = arith.addi %mul3A_933, %add3A_934 : i32
          %get3A_936 = arith.index_cast %add3A_935 : i32 to index
          %get3A_937 = arith.constant 0 : index
          %get3A_938 = tpu.vector_load %arg16[%get3A_936, %get3A_937] {strides = array<i32>} : memref<64x128xf32, #tpu.memory_space<vmem>>, vector<16xf32>,
          %mul3A_939 = vector.broadcast %squeeze3A_931 : f32 to vector<16xf32>
          %mul3A_940 = arith.mulf %get3A_938, %mul3A_939 : vector<16xf32>
          %swap3A_941 = arith.index_cast %add3A_935 : i32 to index
          %swap3A_942 = arith.constant 0 : index
          %swap3A_943 = tpu.vector_load %arg16[%swap3A_941, %swap3A_942] {strides = array<i32>} : memref<64x128xf32, #tpu.memory_space<vmem>>, vector<16xf32>,
          tpu.vector_store %arg16[%swap3A_941, %swap3A_942], %mul3A_940 {strides = array<i32>} : memref<64x128xf32, #tpu.memory_space<vmem>>, vector<16xf32>,
          %get3A_944 = arith.index_cast %add3A_935 : i32 to index
          %get3A_945 = arith.constant 16 : index
          %get3A_946 = tpu.vector_load %arg16[%get3A_944, %get3A_945] {strides = array<i32>} : memref<64x128xf32, #tpu.memory_space<vmem>>, vector<16xf32>,
          %mul3A_947 = vector.broadcast %squeeze3A_931 : f32 to vector<16xf32>
          %mul3A_948 = arith.mulf %get3A_946, %mul3A_947 : vector<16xf32>
          %swap3A_949 = arith.index_cast %add3A_935 : i32 to index
          %swap3A_950 = arith.constant 16 : index
          %swap3A_951 = tpu.vector_load %arg16[%swap3A_949, %swap3A_950] {strides = array<i32>} : memref<64x128xf32, #tpu.memory_space<vmem>>, vector<16xf32>,
          tpu.vector_store %arg16[%swap3A_949, %swap3A_950], %mul3A_948 {strides = array<i32>} : memref<64x128xf32, #tpu.memory_space<vmem>>, vector<16xf32>,
          %get3A_952 = arith.index_cast %add3A_935 : i32 to index
          %get3A_953 = arith.constant 32 : index
          %get3A_954 = tpu.vector_load %arg16[%get3A_952, %get3A_953] {strides = array<i32>} : memref<64x128xf32, #tpu.memory_space<vmem>>, vector<16xf32>,
          %mul3A_955 = vector.broadcast %squeeze3A_931 : f32 to vector<16xf32>
          %mul3A_956 = arith.mulf %get3A_954, %mul3A_955 : vector<16xf32>
          %swap3A_957 = arith.index_cast %add3A_935 : i32 to index
          %swap3A_958 = arith.constant 32 : index
          %swap3A_959 = tpu.vector_load %arg16[%swap3A_957, %swap3A_958] {strides = array<i32>} : memref<64x128xf32, #tpu.memory_space<vmem>>, vector<16xf32>,
          tpu.vector_store %arg16[%swap3A_957, %swap3A_958], %mul3A_956 {strides = array<i32>} : memref<64x128xf32, #tpu.memory_space<vmem>>, vector<16xf32>,
          %get3A_960 = arith.index_cast %add3A_935 : i32 to index
          %get3A_961 = arith.constant 48 : index
          %get3A_962 = tpu.vector_load %arg16[%get3A_960, %get3A_961] {strides = array<i32>} : memref<64x128xf32, #tpu.memory_space<vmem>>, vector<16xf32>,
          %mul3A_963 = vector.broadcast %squeeze3A_931 : f32 to vector<16xf32>
          %mul3A_964 = arith.mulf %get3A_962, %mul3A_963 : vector<16xf32>
          %swap3A_965 = arith.index_cast %add3A_935 : i32 to index
          %swap3A_966 = arith.constant 48 : index
          %swap3A_967 = tpu.vector_load %arg16[%swap3A_965, %swap3A_966] {strides = array<i32>} : memref<64x128xf32, #tpu.memory_space<vmem>>, vector<16xf32>,
          tpu.vector_store %arg16[%swap3A_965, %swap3A_966], %mul3A_964 {strides = array<i32>} : memref<64x128xf32, #tpu.memory_space<vmem>>, vector<16xf32>,
          %get3A_968 = arith.index_cast %add3A_935 : i32 to index
          %get3A_969 = arith.constant 64 : index
          %get3A_970 = tpu.vector_load %arg16[%get3A_968, %get3A_969] {strides = array<i32>} : memref<64x128xf32, #tpu.memory_space<vmem>>, vector<16xf32>,
          %mul3A_971 = vector.broadcast %squeeze3A_931 : f32 to vector<16xf32>
          %mul3A_972 = arith.mulf %get3A_970, %mul3A_971 : vector<16xf32>
          %swap3A_973 = arith.index_cast %add3A_935 : i32 to index
          %swap3A_974 = arith.constant 64 : index
          %swap3A_975 = tpu.vector_load %arg16[%swap3A_973, %swap3A_974] {strides = array<i32>} : memref<64x128xf32, #tpu.memory_space<vmem>>, vector<16xf32>,
          tpu.vector_store %arg16[%swap3A_973, %swap3A_974], %mul3A_972 {strides = array<i32>} : memref<64x128xf32, #tpu.memory_space<vmem>>, vector<16xf32>,
          %get3A_976 = arith.index_cast %add3A_935 : i32 to index
          %get3A_977 = arith.constant 80 : index
          %get3A_978 = tpu.vector_load %arg16[%get3A_976, %get3A_977] {strides = array<i32>} : memref<64x128xf32, #tpu.memory_space<vmem>>, vector<16xf32>,
          %mul3A_979 = vector.broadcast %squeeze3A_931 : f32 to vector<16xf32>
          %mul3A_980 = arith.mulf %get3A_978, %mul3A_979 : vector<16xf32>
          %swap3A_981 = arith.index_cast %add3A_935 : i32 to index
          %swap3A_982 = arith.constant 80 : index
          %swap3A_983 = tpu.vector_load %arg16[%swap3A_981, %swap3A_982] {strides = array<i32>} : memref<64x128xf32, #tpu.memory_space<vmem>>, vector<16xf32>,
          tpu.vector_store %arg16[%swap3A_981, %swap3A_982], %mul3A_980 {strides = array<i32>} : memref<64x128xf32, #tpu.memory_space<vmem>>, vector<16xf32>,
          %get3A_984 = arith.index_cast %add3A_935 : i32 to index
          %get3A_985 = arith.constant 96 : index
          %get3A_986 = tpu.vector_load %arg16[%get3A_984, %get3A_985] {strides = array<i32>} : memref<64x128xf32, #tpu.memory_space<vmem>>, vector<16xf32>,
          %mul3A_987 = vector.broadcast %squeeze3A_931 : f32 to vector<16xf32>
          %mul3A_988 = arith.mulf %get3A_986, %mul3A_987 : vector<16xf32>
          %swap3A_989 = arith.index_cast %add3A_935 : i32 to index
          %swap3A_990 = arith.constant 96 : index
          %swap3A_991 = tpu.vector_load %arg16[%swap3A_989, %swap3A_990] {strides = array<i32>} : memref<64x128xf32, #tpu.memory_space<vmem>>, vector<16xf32>,
          tpu.vector_store %arg16[%swap3A_989, %swap3A_990], %mul3A_988 {strides = array<i32>} : memref<64x128xf32, #tpu.memory_space<vmem>>, vector<16xf32>,
          %get3A_992 = arith.index_cast %add3A_935 : i32 to index
          %get3A_993 = arith.constant 112 : index
          %get3A_994 = tpu.vector_load %arg16[%get3A_992, %get3A_993] {strides = array<i32>} : memref<64x128xf32, #tpu.memory_space<vmem>>, vector<16xf32>,
          %mul3A_995 = vector.broadcast %squeeze3A_931 : f32 to vector<16xf32>
          %mul3A_996 = arith.mulf %get3A_994, %mul3A_995 : vector<16xf32>
          %swap3A_997 = arith.index_cast %add3A_935 : i32 to index
          %swap3A_998 = arith.constant 112 : index
          %swap3A_999 = tpu.vector_load %arg16[%swap3A_997, %swap3A_998] {strides = array<i32>} : memref<64x128xf32, #tpu.memory_space<vmem>>, vector<16xf32>,
          tpu.vector_store %arg16[%swap3A_997, %swap3A_998], %mul3A_996 {strides = array<i32>} : memref<64x128xf32, #tpu.memory_space<vmem>>, vector<16xf32>,
          %slice3A_1000 = vector.extract_strided_slice %get3A_92 {offsets = [13], sizes = [1], strides = [1]} : vector<16xf32> to vector<1xf32>
          %squeeze3A_1001 = vector.extract %slice3A_1000[0] : f32 from vector<1xf32>
          %mul3A_1002 = arith.constant 16 : i32
          %mul3A_1003 = arith.muli %scan3A_89, %mul3A_1002 : i32
          %add3A_1004 = arith.constant 13 : i32
          %add3A_1005 = arith.addi %mul3A_1003, %add3A_1004 : i32
          %get3A_1006 = arith.index_cast %add3A_1005 : i32 to index
          %get3A_1007 = arith.constant 0 : index
          %get3A_1008 = tpu.vector_load %arg16[%get3A_1006, %get3A_1007] {strides = array<i32>} : memref<64x128xf32, #tpu.memory_space<vmem>>, vector<16xf32>,
          %mul3A_1009 = vector.broadcast %squeeze3A_1001 : f32 to vector<16xf32>
          %mul3A_1010 = arith.mulf %get3A_1008, %mul3A_1009 : vector<16xf32>
          %swap3A_1011 = arith.index_cast %add3A_1005 : i32 to index
          %swap3A_1012 = arith.constant 0 : index
          %swap3A_1013 = tpu.vector_load %arg16[%swap3A_1011, %swap3A_1012] {strides = array<i32>} : memref<64x128xf32, #tpu.memory_space<vmem>>, vector<16xf32>,
          tpu.vector_store %arg16[%swap3A_1011, %swap3A_1012], %mul3A_1010 {strides = array<i32>} : memref<64x128xf32, #tpu.memory_space<vmem>>, vector<16xf32>,
          %get3A_1014 = arith.index_cast %add3A_1005 : i32 to index
          %get3A_1015 = arith.constant 16 : index
          %get3A_1016 = tpu.vector_load %arg16[%get3A_1014, %get3A_1015] {strides = array<i32>} : memref<64x128xf32, #tpu.memory_space<vmem>>, vector<16xf32>,
          %mul3A_1017 = vector.broadcast %squeeze3A_1001 : f32 to vector<16xf32>
          %mul3A_1018 = arith.mulf %get3A_1016, %mul3A_1017 : vector<16xf32>
          %swap3A_1019 = arith.index_cast %add3A_1005 : i32 to index
          %swap3A_1020 = arith.constant 16 : index
          %swap3A_1021 = tpu.vector_load %arg16[%swap3A_1019, %swap3A_1020] {strides = array<i32>} : memref<64x128xf32, #tpu.memory_space<vmem>>, vector<16xf32>,
          tpu.vector_store %arg16[%swap3A_1019, %swap3A_1020], %mul3A_1018 {strides = array<i32>} : memref<64x128xf32, #tpu.memory_space<vmem>>, vector<16xf32>,
          %get3A_1022 = arith.index_cast %add3A_1005 : i32 to index
          %get3A_1023 = arith.constant 32 : index
          %get3A_1024 = tpu.vector_load %arg16[%get3A_1022, %get3A_1023] {strides = array<i32>} : memref<64x128xf32, #tpu.memory_space<vmem>>, vector<16xf32>,
          %mul3A_1025 = vector.broadcast %squeeze3A_1001 : f32 to vector<16xf32>
          %mul3A_1026 = arith.mulf %get3A_1024, %mul3A_1025 : vector<16xf32>
          %swap3A_1027 = arith.index_cast %add3A_1005 : i32 to index
          %swap3A_1028 = arith.constant 32 : index
          %swap3A_1029 = tpu.vector_load %arg16[%swap3A_1027, %swap3A_1028] {strides = array<i32>} : memref<64x128xf32, #tpu.memory_space<vmem>>, vector<16xf32>,
          tpu.vector_store %arg16[%swap3A_1027, %swap3A_1028], %mul3A_1026 {strides = array<i32>} : memref<64x128xf32, #tpu.memory_space<vmem>>, vector<16xf32>,
          %get3A_1030 = arith.index_cast %add3A_1005 : i32 to index
          %get3A_1031 = arith.constant 48 : index
          %get3A_1032 = tpu.vector_load %arg16[%get3A_1030, %get3A_1031] {strides = array<i32>} : memref<64x128xf32, #tpu.memory_space<vmem>>, vector<16xf32>,
          %mul3A_1033 = vector.broadcast %squeeze3A_1001 : f32 to vector<16xf32>
          %mul3A_1034 = arith.mulf %get3A_1032, %mul3A_1033 : vector<16xf32>
          %swap3A_1035 = arith.index_cast %add3A_1005 : i32 to index
          %swap3A_1036 = arith.constant 48 : index
          %swap3A_1037 = tpu.vector_load %arg16[%swap3A_1035, %swap3A_1036] {strides = array<i32>} : memref<64x128xf32, #tpu.memory_space<vmem>>, vector<16xf32>,
          tpu.vector_store %arg16[%swap3A_1035, %swap3A_1036], %mul3A_1034 {strides = array<i32>} : memref<64x128xf32, #tpu.memory_space<vmem>>, vector<16xf32>,
          %get3A_1038 = arith.index_cast %add3A_1005 : i32 to index
          %get3A_1039 = arith.constant 64 : index
          %get3A_1040 = tpu.vector_load %arg16[%get3A_1038, %get3A_1039] {strides = array<i32>} : memref<64x128xf32, #tpu.memory_space<vmem>>, vector<16xf32>,
          %mul3A_1041 = vector.broadcast %squeeze3A_1001 : f32 to vector<16xf32>
          %mul3A_1042 = arith.mulf %get3A_1040, %mul3A_1041 : vector<16xf32>
          %swap3A_1043 = arith.index_cast %add3A_1005 : i32 to index
          %swap3A_1044 = arith.constant 64 : index
          %swap3A_1045 = tpu.vector_load %arg16[%swap3A_1043, %swap3A_1044] {strides = array<i32>} : memref<64x128xf32, #tpu.memory_space<vmem>>, vector<16xf32>,
          tpu.vector_store %arg16[%swap3A_1043, %swap3A_1044], %mul3A_1042 {strides = array<i32>} : memref<64x128xf32, #tpu.memory_space<vmem>>, vector<16xf32>,
          %get3A_1046 = arith.index_cast %add3A_1005 : i32 to index
          %get3A_1047 = arith.constant 80 : index
          %get3A_1048 = tpu.vector_load %arg16[%get3A_1046, %get3A_1047] {strides = array<i32>} : memref<64x128xf32, #tpu.memory_space<vmem>>, vector<16xf32>,
          %mul3A_1049 = vector.broadcast %squeeze3A_1001 : f32 to vector<16xf32>
          %mul3A_1050 = arith.mulf %get3A_1048, %mul3A_1049 : vector<16xf32>
          %swap3A_1051 = arith.index_cast %add3A_1005 : i32 to index
          %swap3A_1052 = arith.constant 80 : index
          %swap3A_1053 = tpu.vector_load %arg16[%swap3A_1051, %swap3A_1052] {strides = array<i32>} : memref<64x128xf32, #tpu.memory_space<vmem>>, vector<16xf32>,
          tpu.vector_store %arg16[%swap3A_1051, %swap3A_1052], %mul3A_1050 {strides = array<i32>} : memref<64x128xf32, #tpu.memory_space<vmem>>, vector<16xf32>,
          %get3A_1054 = arith.index_cast %add3A_1005 : i32 to index
          %get3A_1055 = arith.constant 96 : index
          %get3A_1056 = tpu.vector_load %arg16[%get3A_1054, %get3A_1055] {strides = array<i32>} : memref<64x128xf32, #tpu.memory_space<vmem>>, vector<16xf32>,
          %mul3A_1057 = vector.broadcast %squeeze3A_1001 : f32 to vector<16xf32>
          %mul3A_1058 = arith.mulf %get3A_1056, %mul3A_1057 : vector<16xf32>
          %swap3A_1059 = arith.index_cast %add3A_1005 : i32 to index
          %swap3A_1060 = arith.constant 96 : index
          %swap3A_1061 = tpu.vector_load %arg16[%swap3A_1059, %swap3A_1060] {strides = array<i32>} : memref<64x128xf32, #tpu.memory_space<vmem>>, vector<16xf32>,
          tpu.vector_store %arg16[%swap3A_1059, %swap3A_1060], %mul3A_1058 {strides = array<i32>} : memref<64x128xf32, #tpu.memory_space<vmem>>, vector<16xf32>,
          %get3A_1062 = arith.index_cast %add3A_1005 : i32 to index
          %get3A_1063 = arith.constant 112 : index
          %get3A_1064 = tpu.vector_load %arg16[%get3A_1062, %get3A_1063] {strides = array<i32>} : memref<64x128xf32, #tpu.memory_space<vmem>>, vector<16xf32>,
          %mul3A_1065 = vector.broadcast %squeeze3A_1001 : f32 to vector<16xf32>
          %mul3A_1066 = arith.mulf %get3A_1064, %mul3A_1065 : vector<16xf32>
          %swap3A_1067 = arith.index_cast %add3A_1005 : i32 to index
          %swap3A_1068 = arith.constant 112 : index
          %swap3A_1069 = tpu.vector_load %arg16[%swap3A_1067, %swap3A_1068] {strides = array<i32>} : memref<64x128xf32, #tpu.memory_space<vmem>>, vector<16xf32>,
          tpu.vector_store %arg16[%swap3A_1067, %swap3A_1068], %mul3A_1066 {strides = array<i32>} : memref<64x128xf32, #tpu.memory_space<vmem>>, vector<16xf32>,
          %slice3A_1070 = vector.extract_strided_slice %get3A_92 {offsets = [14], sizes = [1], strides = [1]} : vector<16xf32> to vector<1xf32>
          %squeeze3A_1071 = vector.extract %slice3A_1070[0] : f32 from vector<1xf32>
          %mul3A_1072 = arith.constant 16 : i32
          %mul3A_1073 = arith.muli %scan3A_89, %mul3A_1072 : i32
          %add3A_1074 = arith.constant 14 : i32
          %add3A_1075 = arith.addi %mul3A_1073, %add3A_1074 : i32
          %get3A_1076 = arith.index_cast %add3A_1075 : i32 to index
          %get3A_1077 = arith.constant 0 : index
          %get3A_1078 = tpu.vector_load %arg16[%get3A_1076, %get3A_1077] {strides = array<i32>} : memref<64x128xf32, #tpu.memory_space<vmem>>, vector<16xf32>,
          %mul3A_1079 = vector.broadcast %squeeze3A_1071 : f32 to vector<16xf32>
          %mul3A_1080 = arith.mulf %get3A_1078, %mul3A_1079 : vector<16xf32>
          %swap3A_1081 = arith.index_cast %add3A_1075 : i32 to index
          %swap3A_1082 = arith.constant 0 : index
          %swap3A_1083 = tpu.vector_load %arg16[%swap3A_1081, %swap3A_1082] {strides = array<i32>} : memref<64x128xf32, #tpu.memory_space<vmem>>, vector<16xf32>,
          tpu.vector_store %arg16[%swap3A_1081, %swap3A_1082], %mul3A_1080 {strides = array<i32>} : memref<64x128xf32, #tpu.memory_space<vmem>>, vector<16xf32>,
          %get3A_1084 = arith.index_cast %add3A_1075 : i32 to index
          %get3A_1085 = arith.constant 16 : index
          %get3A_1086 = tpu.vector_load %arg16[%get3A_1084, %get3A_1085] {strides = array<i32>} : memref<64x128xf32, #tpu.memory_space<vmem>>, vector<16xf32>,
          %mul3A_1087 = vector.broadcast %squeeze3A_1071 : f32 to vector<16xf32>
          %mul3A_1088 = arith.mulf %get3A_1086, %mul3A_1087 : vector<16xf32>
          %swap3A_1089 = arith.index_cast %add3A_1075 : i32 to index
          %swap3A_1090 = arith.constant 16 : index
          %swap3A_1091 = tpu.vector_load %arg16[%swap3A_1089, %swap3A_1090] {strides = array<i32>} : memref<64x128xf32, #tpu.memory_space<vmem>>, vector<16xf32>,
          tpu.vector_store %arg16[%swap3A_1089, %swap3A_1090], %mul3A_1088 {strides = array<i32>} : memref<64x128xf32, #tpu.memory_space<vmem>>, vector<16xf32>,
          %get3A_1092 = arith.index_cast %add3A_1075 : i32 to index
          %get3A_1093 = arith.constant 32 : index
          %get3A_1094 = tpu.vector_load %arg16[%get3A_1092, %get3A_1093] {strides = array<i32>} : memref<64x128xf32, #tpu.memory_space<vmem>>, vector<16xf32>,
          %mul3A_1095 = vector.broadcast %squeeze3A_1071 : f32 to vector<16xf32>
          %mul3A_1096 = arith.mulf %get3A_1094, %mul3A_1095 : vector<16xf32>
          %swap3A_1097 = arith.index_cast %add3A_1075 : i32 to index
          %swap3A_1098 = arith.constant 32 : index
          %swap3A_1099 = tpu.vector_load %arg16[%swap3A_1097, %swap3A_1098] {strides = array<i32>} : memref<64x128xf32, #tpu.memory_space<vmem>>, vector<16xf32>,
          tpu.vector_store %arg16[%swap3A_1097, %swap3A_1098], %mul3A_1096 {strides = array<i32>} : memref<64x128xf32, #tpu.memory_space<vmem>>, vector<16xf32>,
          %get3A_1100 = arith.index_cast %add3A_1075 : i32 to index
          %get3A_1101 = arith.constant 48 : index
          %get3A_1102 = tpu.vector_load %arg16[%get3A_1100, %get3A_1101] {strides = array<i32>} : memref<64x128xf32, #tpu.memory_space<vmem>>, vector<16xf32>,
          %mul3A_1103 = vector.broadcast %squeeze3A_1071 : f32 to vector<16xf32>
          %mul3A_1104 = arith.mulf %get3A_1102, %mul3A_1103 : vector<16xf32>
          %swap3A_1105 = arith.index_cast %add3A_1075 : i32 to index
          %swap3A_1106 = arith.constant 48 : index
          %swap3A_1107 = tpu.vector_load %arg16[%swap3A_1105, %swap3A_1106] {strides = array<i32>} : memref<64x128xf32, #tpu.memory_space<vmem>>, vector<16xf32>,
          tpu.vector_store %arg16[%swap3A_1105, %swap3A_1106], %mul3A_1104 {strides = array<i32>} : memref<64x128xf32, #tpu.memory_space<vmem>>, vector<16xf32>,
          %get3A_1108 = arith.index_cast %add3A_1075 : i32 to index
          %get3A_1109 = arith.constant 64 : index
          %get3A_1110 = tpu.vector_load %arg16[%get3A_1108, %get3A_1109] {strides = array<i32>} : memref<64x128xf32, #tpu.memory_space<vmem>>, vector<16xf32>,
          %mul3A_1111 = vector.broadcast %squeeze3A_1071 : f32 to vector<16xf32>
          %mul3A_1112 = arith.mulf %get3A_1110, %mul3A_1111 : vector<16xf32>
          %swap3A_1113 = arith.index_cast %add3A_1075 : i32 to index
          %swap3A_1114 = arith.constant 64 : index
          %swap3A_1115 = tpu.vector_load %arg16[%swap3A_1113, %swap3A_1114] {strides = array<i32>} : memref<64x128xf32, #tpu.memory_space<vmem>>, vector<16xf32>,
          tpu.vector_store %arg16[%swap3A_1113, %swap3A_1114], %mul3A_1112 {strides = array<i32>} : memref<64x128xf32, #tpu.memory_space<vmem>>, vector<16xf32>,
          %get3A_1116 = arith.index_cast %add3A_1075 : i32 to index
          %get3A_1117 = arith.constant 80 : index
          %get3A_1118 = tpu.vector_load %arg16[%get3A_1116, %get3A_1117] {strides = array<i32>} : memref<64x128xf32, #tpu.memory_space<vmem>>, vector<16xf32>,
          %mul3A_1119 = vector.broadcast %squeeze3A_1071 : f32 to vector<16xf32>
          %mul3A_1120 = arith.mulf %get3A_1118, %mul3A_1119 : vector<16xf32>
          %swap3A_1121 = arith.index_cast %add3A_1075 : i32 to index
          %swap3A_1122 = arith.constant 80 : index
          %swap3A_1123 = tpu.vector_load %arg16[%swap3A_1121, %swap3A_1122] {strides = array<i32>} : memref<64x128xf32, #tpu.memory_space<vmem>>, vector<16xf32>,
          tpu.vector_store %arg16[%swap3A_1121, %swap3A_1122], %mul3A_1120 {strides = array<i32>} : memref<64x128xf32, #tpu.memory_space<vmem>>, vector<16xf32>,
          %get3A_1124 = arith.index_cast %add3A_1075 : i32 to index
          %get3A_1125 = arith.constant 96 : index
          %get3A_1126 = tpu.vector_load %arg16[%get3A_1124, %get3A_1125] {strides = array<i32>} : memref<64x128xf32, #tpu.memory_space<vmem>>, vector<16xf32>,
          %mul3A_1127 = vector.broadcast %squeeze3A_1071 : f32 to vector<16xf32>
          %mul3A_1128 = arith.mulf %get3A_1126, %mul3A_1127 : vector<16xf32>
          %swap3A_1129 = arith.index_cast %add3A_1075 : i32 to index
          %swap3A_1130 = arith.constant 96 : index
          %swap3A_1131 = tpu.vector_load %arg16[%swap3A_1129, %swap3A_1130] {strides = array<i32>} : memref<64x128xf32, #tpu.memory_space<vmem>>, vector<16xf32>,
          tpu.vector_store %arg16[%swap3A_1129, %swap3A_1130], %mul3A_1128 {strides = array<i32>} : memref<64x128xf32, #tpu.memory_space<vmem>>, vector<16xf32>,
          %get3A_1132 = arith.index_cast %add3A_1075 : i32 to index
          %get3A_1133 = arith.constant 112 : index
          %get3A_1134 = tpu.vector_load %arg16[%get3A_1132, %get3A_1133] {strides = array<i32>} : memref<64x128xf32, #tpu.memory_space<vmem>>, vector<16xf32>,
          %mul3A_1135 = vector.broadcast %squeeze3A_1071 : f32 to vector<16xf32>
          %mul3A_1136 = arith.mulf %get3A_1134, %mul3A_1135 : vector<16xf32>
          %swap3A_1137 = arith.index_cast %add3A_1075 : i32 to index
          %swap3A_1138 = arith.constant 112 : index
          %swap3A_1139 = tpu.vector_load %arg16[%swap3A_1137, %swap3A_1138] {strides = array<i32>} : memref<64x128xf32, #tpu.memory_space<vmem>>, vector<16xf32>,
          tpu.vector_store %arg16[%swap3A_1137, %swap3A_1138], %mul3A_1136 {strides = array<i32>} : memref<64x128xf32, #tpu.memory_space<vmem>>, vector<16xf32>,
          %slice3A_1140 = vector.extract_strided_slice %get3A_92 {offsets = [15], sizes = [1], strides = [1]} : vector<16xf32> to vector<1xf32>
          %squeeze3A_1141 = vector.extract %slice3A_1140[0] : f32 from vector<1xf32>
          %mul3A_1142 = arith.constant 16 : i32
          %mul3A_1143 = arith.muli %scan3A_89, %mul3A_1142 : i32
          %add3A_1144 = arith.constant 15 : i32
          %add3A_1145 = arith.addi %mul3A_1143, %add3A_1144 : i32
          %get3A_1146 = arith.index_cast %add3A_1145 : i32 to index
          %get3A_1147 = arith.constant 0 : index
          %get3A_1148 = tpu.vector_load %arg16[%get3A_1146, %get3A_1147] {strides = array<i32>} : memref<64x128xf32, #tpu.memory_space<vmem>>, vector<16xf32>,
          %mul3A_1149 = vector.broadcast %squeeze3A_1141 : f32 to vector<16xf32>
          %mul3A_1150 = arith.mulf %get3A_1148, %mul3A_1149 : vector<16xf32>
          %swap3A_1151 = arith.index_cast %add3A_1145 : i32 to index
          %swap3A_1152 = arith.constant 0 : index
          %swap3A_1153 = tpu.vector_load %arg16[%swap3A_1151, %swap3A_1152] {strides = array<i32>} : memref<64x128xf32, #tpu.memory_space<vmem>>, vector<16xf32>,
          tpu.vector_store %arg16[%swap3A_1151, %swap3A_1152], %mul3A_1150 {strides = array<i32>} : memref<64x128xf32, #tpu.memory_space<vmem>>, vector<16xf32>,
          %get3A_1154 = arith.index_cast %add3A_1145 : i32 to index
          %get3A_1155 = arith.constant 16 : index
          %get3A_1156 = tpu.vector_load %arg16[%get3A_1154, %get3A_1155] {strides = array<i32>} : memref<64x128xf32, #tpu.memory_space<vmem>>, vector<16xf32>,
          %mul3A_1157 = vector.broadcast %squeeze3A_1141 : f32 to vector<16xf32>
          %mul3A_1158 = arith.mulf %get3A_1156, %mul3A_1157 : vector<16xf32>
          %swap3A_1159 = arith.index_cast %add3A_1145 : i32 to index
          %swap3A_1160 = arith.constant 16 : index
          %swap3A_1161 = tpu.vector_load %arg16[%swap3A_1159, %swap3A_1160] {strides = array<i32>} : memref<64x128xf32, #tpu.memory_space<vmem>>, vector<16xf32>,
          tpu.vector_store %arg16[%swap3A_1159, %swap3A_1160], %mul3A_1158 {strides = array<i32>} : memref<64x128xf32, #tpu.memory_space<vmem>>, vector<16xf32>,
          %get3A_1162 = arith.index_cast %add3A_1145 : i32 to index
          %get3A_1163 = arith.constant 32 : index
          %get3A_1164 = tpu.vector_load %arg16[%get3A_1162, %get3A_1163] {strides = array<i32>} : memref<64x128xf32, #tpu.memory_space<vmem>>, vector<16xf32>,
          %mul3A_1165 = vector.broadcast %squeeze3A_1141 : f32 to vector<16xf32>
          %mul3A_1166 = arith.mulf %get3A_1164, %mul3A_1165 : vector<16xf32>
          %swap3A_1167 = arith.index_cast %add3A_1145 : i32 to index
          %swap3A_1168 = arith.constant 32 : index
          %swap3A_1169 = tpu.vector_load %arg16[%swap3A_1167, %swap3A_1168] {strides = array<i32>} : memref<64x128xf32, #tpu.memory_space<vmem>>, vector<16xf32>,
          tpu.vector_store %arg16[%swap3A_1167, %swap3A_1168], %mul3A_1166 {strides = array<i32>} : memref<64x128xf32, #tpu.memory_space<vmem>>, vector<16xf32>,
          %get3A_1170 = arith.index_cast %add3A_1145 : i32 to index
          %get3A_1171 = arith.constant 48 : index
          %get3A_1172 = tpu.vector_load %arg16[%get3A_1170, %get3A_1171] {strides = array<i32>} : memref<64x128xf32, #tpu.memory_space<vmem>>, vector<16xf32>,
          %mul3A_1173 = vector.broadcast %squeeze3A_1141 : f32 to vector<16xf32>
          %mul3A_1174 = arith.mulf %get3A_1172, %mul3A_1173 : vector<16xf32>
          %swap3A_1175 = arith.index_cast %add3A_1145 : i32 to index
          %swap3A_1176 = arith.constant 48 : index
          %swap3A_1177 = tpu.vector_load %arg16[%swap3A_1175, %swap3A_1176] {strides = array<i32>} : memref<64x128xf32, #tpu.memory_space<vmem>>, vector<16xf32>,
          tpu.vector_store %arg16[%swap3A_1175, %swap3A_1176], %mul3A_1174 {strides = array<i32>} : memref<64x128xf32, #tpu.memory_space<vmem>>, vector<16xf32>,
          %get3A_1178 = arith.index_cast %add3A_1145 : i32 to index
          %get3A_1179 = arith.constant 64 : index
          %get3A_1180 = tpu.vector_load %arg16[%get3A_1178, %get3A_1179] {strides = array<i32>} : memref<64x128xf32, #tpu.memory_space<vmem>>, vector<16xf32>,
          %mul3A_1181 = vector.broadcast %squeeze3A_1141 : f32 to vector<16xf32>
          %mul3A_1182 = arith.mulf %get3A_1180, %mul3A_1181 : vector<16xf32>
          %swap3A_1183 = arith.index_cast %add3A_1145 : i32 to index
          %swap3A_1184 = arith.constant 64 : index
          %swap3A_1185 = tpu.vector_load %arg16[%swap3A_1183, %swap3A_1184] {strides = array<i32>} : memref<64x128xf32, #tpu.memory_space<vmem>>, vector<16xf32>,
          tpu.vector_store %arg16[%swap3A_1183, %swap3A_1184], %mul3A_1182 {strides = array<i32>} : memref<64x128xf32, #tpu.memory_space<vmem>>, vector<16xf32>,
          %get3A_1186 = arith.index_cast %add3A_1145 : i32 to index
          %get3A_1187 = arith.constant 80 : index
          %get3A_1188 = tpu.vector_load %arg16[%get3A_1186, %get3A_1187] {strides = array<i32>} : memref<64x128xf32, #tpu.memory_space<vmem>>, vector<16xf32>,
          %mul3A_1189 = vector.broadcast %squeeze3A_1141 : f32 to vector<16xf32>
          %mul3A_1190 = arith.mulf %get3A_1188, %mul3A_1189 : vector<16xf32>
          %swap3A_1191 = arith.index_cast %add3A_1145 : i32 to index
          %swap3A_1192 = arith.constant 80 : index
          %swap3A_1193 = tpu.vector_load %arg16[%swap3A_1191, %swap3A_1192] {strides = array<i32>} : memref<64x128xf32, #tpu.memory_space<vmem>>, vector<16xf32>,
          tpu.vector_store %arg16[%swap3A_1191, %swap3A_1192], %mul3A_1190 {strides = array<i32>} : memref<64x128xf32, #tpu.memory_space<vmem>>, vector<16xf32>,
          %get3A_1194 = arith.index_cast %add3A_1145 : i32 to index
          %get3A_1195 = arith.constant 96 : index
          %get3A_1196 = tpu.vector_load %arg16[%get3A_1194, %get3A_1195] {strides = array<i32>} : memref<64x128xf32, #tpu.memory_space<vmem>>, vector<16xf32>,
          %mul3A_1197 = vector.broadcast %squeeze3A_1141 : f32 to vector<16xf32>
          %mul3A_1198 = arith.mulf %get3A_1196, %mul3A_1197 : vector<16xf32>
          %swap3A_1199 = arith.index_cast %add3A_1145 : i32 to index
          %swap3A_1200 = arith.constant 96 : index
          %swap3A_1201 = tpu.vector_load %arg16[%swap3A_1199, %swap3A_1200] {strides = array<i32>} : memref<64x128xf32, #tpu.memory_space<vmem>>, vector<16xf32>,
          tpu.vector_store %arg16[%swap3A_1199, %swap3A_1200], %mul3A_1198 {strides = array<i32>} : memref<64x128xf32, #tpu.memory_space<vmem>>, vector<16xf32>,
          %get3A_1202 = arith.index_cast %add3A_1145 : i32 to index
          %get3A_1203 = arith.constant 112 : index
          %get3A_1204 = tpu.vector_load %arg16[%get3A_1202, %get3A_1203] {strides = array<i32>} : memref<64x128xf32, #tpu.memory_space<vmem>>, vector<16xf32>,
          %mul3A_1205 = vector.broadcast %squeeze3A_1141 : f32 to vector<16xf32>
          %mul3A_1206 = arith.mulf %get3A_1204, %mul3A_1205 : vector<16xf32>
          %swap3A_1207 = arith.index_cast %add3A_1145 : i32 to index
          %swap3A_1208 = arith.constant 112 : index
          %swap3A_1209 = tpu.vector_load %arg16[%swap3A_1207, %swap3A_1208] {strides = array<i32>} : memref<64x128xf32, #tpu.memory_space<vmem>>, vector<16xf32>,
          tpu.vector_store %arg16[%swap3A_1207, %swap3A_1208], %mul3A_1206 {strides = array<i32>} : memref<64x128xf32, #tpu.memory_space<vmem>>, vector<16xf32>,
        }
        %scan3A_88 = arith.constant 4 : i32
        "tpu.region"() ({
          %run_scoped3A = tpu.sem_alloc : memref<!tpu.dma_semaphore, #tpu.memory_space<semaphore_mem>>
          %dma_start3A_89 = arith.constant 0 : i32
          %dma_start3A_90 = tpu.memref_slice %arg13[%add3A_40, %dma_start3A_89] : memref<8x64xi32, #tpu.memory_space<vmem>> -> memref<1x64xi32, #tpu.memory_space<vmem>>
          %dma_start3A_91 = tpu.memref_squeeze %dma_start3A_90 : memref<1x64xi32, #tpu.memory_space<vmem>> -> memref<64xi32, #tpu.memory_space<vmem>>
          %dma_start3A_92 = arith.constant 0 : i32
          %dma_start3A_93 = arith.constant 0 : i32
          %dma_start3A_94 = tpu.memref_slice %arg17[%dma_start3A_92, %dma_start3A_93] : memref<10112x128xf32, #tpu.memory_space<vmem_shared>> -> memref<10112x128xf32, #tpu.memory_space<vmem_shared>>
          tpu.enqueue_indirect_dma source(%arg16 : memref<64x128xf32, #tpu.memory_space<vmem>>) target(%dma_start3A_94 : memref<10112x128xf32, #tpu.memory_space<vmem_shared>>) offsets(%dma_start3A_91 : memref<64xi32, #tpu.memory_space<vmem>>) semaphore(%run_scoped3A : memref<!tpu.dma_semaphore, #tpu.memory_space<semaphore_mem>>) {add = true}
          %dma_wait3A_95 = arith.constant 0 : i32
          %dma_wait3A_96 = tpu.memref_slice %arg13[%add3A_40, %dma_wait3A_95] : memref<8x64xi32, #tpu.memory_space<vmem>> -> memref<1x64xi32, #tpu.memory_space<vmem>>
          %dma_wait3A_97 = tpu.memref_squeeze %dma_wait3A_96 : memref<1x64xi32, #tpu.memory_space<vmem>> -> memref<64xi32, #tpu.memory_space<vmem>>
          %dma_wait3A_98 = arith.constant 0 : i32
          %dma_wait3A_99 = arith.constant 0 : i32
          %dma_wait3A_100 = tpu.memref_slice %arg17[%dma_wait3A_98, %dma_wait3A_99] : memref<10112x128xf32, #tpu.memory_space<vmem_shared>> -> memref<10112x128xf32, #tpu.memory_space<vmem_shared>>
          tpu.wait_indirect_dma semaphore(%run_scoped3A : memref<!tpu.dma_semaphore, #tpu.memory_space<semaphore_mem>>) src(%arg16 : memref<64x128xf32, #tpu.memory_space<vmem>>) dst(%dma_wait3A_100 : memref<10112x128xf32, #tpu.memory_space<vmem_shared>>)
          tpu.yield
        }) : () -> ()
      }
      %scan3A_35 = arith.constant 4 : i32
    }
    %scan3A_24 = arith.constant 21 : i32
    "tpu.region"() ({
      %run_scoped3A = tpu.sem_alloc : memref<!tpu.dma_semaphore, #tpu.memory_space<semaphore_mem>>
      %dma_start3A = arith.constant 0 : i32
      %dma_start3A_26 = tpu.memref_slice %arg8[%add3A, %dma_start3A] : memref<32x10000xf32, #tpu.memory_space<hbm>> -> memref<1x10000xf32, #tpu.memory_space<hbm>>
      %dma_start3A_27 = tpu.memref_squeeze %dma_start3A_26 : memref<1x10000xf32, #tpu.memory_space<hbm>> -> memref<10000xf32, #tpu.memory_space<hbm>>
      %dma_start3A_28 = arith.constant 0 : i32
      %dma_start3A_29 = tpu.memref_slice %arg8[%add3A, %dma_start3A_28] : memref<32x10000xf32, #tpu.memory_space<hbm>> -> memref<1x10000xf32, #tpu.memory_space<hbm>>
      %dma_start3A_30 = tpu.memref_squeeze %dma_start3A_29 : memref<1x10000xf32, #tpu.memory_space<hbm>> -> memref<10000xf32, #tpu.memory_space<hbm>>
      tpu.enqueue_dma source(%arg11 : memref<10000xf32, #tpu.memory_space<vmem>>) target(%dma_start3A_30 : memref<10000xf32, #tpu.memory_space<hbm>>) target_semaphore(%run_scoped3A : memref<!tpu.dma_semaphore, #tpu.memory_space<semaphore_mem>>)
      %dma_wait3A = arith.constant 0 : i32
      %dma_wait3A_31 = tpu.memref_slice %arg8[%add3A, %dma_wait3A] : memref<32x10000xf32, #tpu.memory_space<hbm>> -> memref<1x10000xf32, #tpu.memory_space<hbm>>
      %dma_wait3A_32 = tpu.memref_squeeze %dma_wait3A_31 : memref<1x10000xf32, #tpu.memory_space<hbm>> -> memref<10000xf32, #tpu.memory_space<hbm>>
      %dma_wait3A_33 = arith.constant 0 : i32
      %dma_wait3A_34 = tpu.memref_slice %arg8[%add3A, %dma_wait3A_33] : memref<32x10000xf32, #tpu.memory_space<hbm>> -> memref<1x10000xf32, #tpu.memory_space<hbm>>
      %dma_wait3A_35 = tpu.memref_squeeze %dma_wait3A_34 : memref<1x10000xf32, #tpu.memory_space<hbm>> -> memref<10000xf32, #tpu.memory_space<hbm>>
      tpu.wait_dma2 semaphore(%run_scoped3A : memref<!tpu.dma_semaphore, #tpu.memory_space<semaphore_mem>>) src(%arg11 : memref<10000xf32, #tpu.memory_space<vmem>>) dst(%dma_wait3A_35 : memref<10000xf32, #tpu.memory_space<hbm>>)
      tpu.yield
    }) : () -> ()
    %barrier3A_25 = arith.constant 0 : index
    tpu.barrier barrier_id(%barrier3A_25)
    "tpu.region"() ({
      %run_scoped3A = tpu.sem_alloc : memref<!tpu.dma_semaphore, #tpu.memory_space<semaphore_mem>>
      %dma_start3A = arith.constant 0 : i32
      %dma_start3A_26 = tpu.memref_slice %arg7[%arg0, %mul3A_12, %dma_start3A] : memref<2x10112x128xf32, #tpu.memory_space<hbm>> -> memref<1x632x128xf32, #tpu.memory_space<hbm>>
      %dma_start3A_27 = tpu.memref_squeeze %dma_start3A_26 : memref<1x632x128xf32, #tpu.memory_space<hbm>> -> memref<632x128xf32, #tpu.memory_space<hbm>>
      %dma_start3A_28 = arith.constant 0 : i32
      %dma_start3A_29 = tpu.memref_slice %arg17[%mul3A_12, %dma_start3A_28] : memref<10112x128xf32, #tpu.memory_space<vmem_shared>> -> memref<632x128xf32, #tpu.memory_space<vmem_shared>>
      tpu.enqueue_dma source(%dma_start3A_29 : memref<632x128xf32, #tpu.memory_space<vmem_shared>>) target(%dma_start3A_27 : memref<632x128xf32, #tpu.memory_space<hbm>>) target_semaphore(%run_scoped3A : memref<!tpu.dma_semaphore, #tpu.memory_space<semaphore_mem>>)
      %dma_wait3A = arith.constant 0 : i32
      %dma_wait3A_30 = tpu.memref_slice %arg7[%arg0, %mul3A_12, %dma_wait3A] : memref<2x10112x128xf32, #tpu.memory_space<hbm>> -> memref<1x632x128xf32, #tpu.memory_space<hbm>>
      %dma_wait3A_31 = tpu.memref_squeeze %dma_wait3A_30 : memref<1x632x128xf32, #tpu.memory_space<hbm>> -> memref<632x128xf32, #tpu.memory_space<hbm>>
      %dma_wait3A_32 = arith.constant 0 : i32
      %dma_wait3A_33 = tpu.memref_slice %arg17[%mul3A_12, %dma_wait3A_32] : memref<10112x128xf32, #tpu.memory_space<vmem_shared>> -> memref<632x128xf32, #tpu.memory_space<vmem_shared>>
      tpu.wait_dma2 semaphore(%run_scoped3A : memref<!tpu.dma_semaphore, #tpu.memory_space<semaphore_mem>>) src(%dma_wait3A_33 : memref<632x128xf32, #tpu.memory_space<vmem_shared>>) dst(%dma_wait3A_31 : memref<632x128xf32, #tpu.memory_space<hbm>>)
      tpu.yield
    }) : () -> ()
    return
  }
}

module attributes {stable_mosaic.version = 14 : i64} {
  func.func @_tc_body(%arg0: i32, %arg1: memref<1000x128xf32, #tpu.memory_space<vmem>>, %arg2: memref<128x128xf32, #tpu.memory_space<vmem>>, %arg3: memref<128x8xf32, #tpu.memory_space<vmem>>, %arg4: memref<1000x128xf32, #tpu.memory_space<vmem>>, %arg5: memref<1000x8xf32, #tpu.memory_space<vmem>>) attributes {dimension_semantics = [#tpu.dimension_semantics<arbitrary>], iteration_bounds = array<i64: 10>, scalar_prefetch = 0 : i64, scratch_operands = 0 : i64, tpu.core_type = #tpu.core_type<tc>, window_params = [{transform_indices = @transform_0, window_bounds = array<i64: 1000, 128>}, {pipeline_mode = #tpu.pipeline_mode<synchronous>, transform_indices = @transform_1, window_bounds = array<i64: 128, 128>}, {pipeline_mode = #tpu.pipeline_mode<synchronous>, transform_indices = @transform_2, window_bounds = array<i64: 128, 8>}, {transform_indices = @transform_3, window_bounds = array<i64: 1000, 128>}, {transform_indices = @transform_4, window_bounds = array<i64: 1000, 8>}]} {
    %get3A = arith.constant 0 : index
    %get3A_0 = arith.constant 0 : index
    %get3A_1 = vector.load %arg1[%get3A, %get3A_0] : memref<1000x128xf32, #tpu.memory_space<vmem>>, vector<1000x128xf32>
    %get3A_2 = arith.constant 0 : index
    %get3A_3 = arith.constant 0 : index
    %get3A_4 = vector.load %arg2[%get3A_2, %get3A_3] : memref<128x128xf32, #tpu.memory_space<vmem>>, vector<128x128xf32>
    %dot_general3A = arith.constant dense<0.000000e+00> : vector<1000x128xf32>
    %dot_general3A_5 = tpu.matmul %get3A_1, %get3A_4, %dot_general3A {dimension_numbers = #tpu.dot_dimension_numbers<[1], [0], [0], [1], [0, 0, 1, 1], [], []>, transpose_lhs_hint = false} : vector<1000x128xf32>, vector<128x128xf32>, vector<1000x128xf32> -> vector<1000x128xf32>
    %swap3A = arith.constant 0 : index
    %swap3A_6 = arith.constant 0 : index
    %swap3A_7 = vector.load %arg4[%swap3A, %swap3A_6] : memref<1000x128xf32, #tpu.memory_space<vmem>>, vector<1000x128xf32>
    tpu.vector_store %arg4[%swap3A, %swap3A_6], %dot_general3A_5 {strides = array<i32>} : memref<1000x128xf32, #tpu.memory_space<vmem>>, vector<1000x128xf32>,
    %get3A_8 = arith.constant 0 : index
    %get3A_9 = arith.constant 0 : index
    %get3A_10 = vector.load %arg3[%get3A_8, %get3A_9] : memref<128x8xf32, #tpu.memory_space<vmem>>, vector<128x8xf32>
    %dot_general3A_11 = arith.constant dense<0.000000e+00> : vector<1000x8xf32>
    %dot_general3A_12 = tpu.matmul %dot_general3A_5, %get3A_10, %dot_general3A_11 {dimension_numbers = #tpu.dot_dimension_numbers<[1], [0], [0], [1], [0, 0, 1, 1], [], []>, transpose_lhs_hint = false} : vector<1000x128xf32>, vector<128x8xf32>, vector<1000x8xf32> -> vector<1000x8xf32>
    %swap3A_13 = arith.constant 0 : index
    %swap3A_14 = arith.constant 0 : index
    %swap3A_15 = vector.load %arg5[%swap3A_13, %swap3A_14] : memref<1000x8xf32, #tpu.memory_space<vmem>>, vector<1000x8xf32>
    tpu.vector_store %arg5[%swap3A_13, %swap3A_14], %dot_general3A_12 {strides = array<i32>} : memref<1000x8xf32, #tpu.memory_space<vmem>>, vector<1000x8xf32>,
    return
  }
  func.func @transform_0(%arg0: i32) -> (i32, i32) {
    %c0_i32 = arith.constant 0 : i32
    %c0_i32_0 = arith.constant 0 : i32
    return %arg0, %c0_i32 : i32, i32
  }
  func.func @transform_1(%arg0: i32) -> (i32, i32) {
    %c0_i32 = arith.constant 0 : i32
    %c0_i32_0 = arith.constant 0 : i32
    %c0_i32_1 = arith.constant 0 : i32
    return %c0_i32, %c0_i32_0 : i32, i32
  }
  func.func @transform_2(%arg0: i32) -> (i32, i32) {
    %c0_i32 = arith.constant 0 : i32
    %c0_i32_0 = arith.constant 0 : i32
    %c0_i32_1 = arith.constant 0 : i32
    return %c0_i32, %c0_i32_0 : i32, i32
  }
  func.func @transform_3(%arg0: i32) -> (i32, i32) {
    %c0_i32 = arith.constant 0 : i32
    %c0_i32_0 = arith.constant 0 : i32
    return %arg0, %c0_i32 : i32, i32
  }
  func.func @transform_4(%arg0: i32) -> (i32, i32) {
    %c0_i32 = arith.constant 0 : i32
    %c0_i32_0 = arith.constant 0 : i32
    return %arg0, %c0_i32 : i32, i32
  }
}

</mosaic_0001>

<sc_bundles>
// kernel: kernel.5.cloned.1.call-start
scs
__scs_entry_jumppad:
0x0: {  	(pc) =	sbr.rel $0x88, $3  }
0x1: {  	(tag) =	ssettag $0x0;
	lr =	simm.s32 $0x1  }
0x2: {  	[smem:$0x3F9B] =	sst lr;
	_ =	strace $0xD0000000  }
0x3: {  	_ = 	snop  }
0x4: {  	_ = 	snop  }
0x5: {  	_ = 	snop  }
0x6: {  	_ = 	snop  }
0x7: {  	_ = 	snop  }
__scs_overlays_trampoline_lowered:
0x8: {  	[smem:$0x3FAA] =	sst s0  }
0x9: {  	[smem:$0x3FAB] =	sst s1  }
0xa: {  	[smem:$0x3FAC] =	sst s2  }
0xb: {  	[smem:$0x3FAD] =	sst s3  }
0xc: {  	[smem:$0x3FAE] =	sst s4  }
0xd: {  	[smem:$0x3FAF] =	sst s5  }
0xe: {  	[smem:$0x3FB0] =	sst s6  }
0xf: {  	[smem:$0x3FB1] =	sst s7  }
0x10: {  	[smem:$0x3FB2] =	sst s8  }
0x11: {  	[smem:$0x3FB3] =	sst s9;
	s0 =	simm.s32 @!p0 $0x0  }
0x12: {  	s1 =	sld [smem:$0x3F99];
	s0 =	simm.s32 @p0 $0x1  }
0x13: {  	[smem:$0x3FB4] =	sst s0;
	s0 =	simm.s32 @!p1 $0x0  }
0x14: {  	s2 =	sld [smem:$0x3F98];
	s0 =	simm.s32 @p1 $0x1  }
0x15: {  	[smem:$0x3FB5] =	sst s0;
	s0 =	simm.s32 @!p2 $0x0  }
0x16: {  	s3 =	sld [smem:$0x3FDB];
	s0 =	simm.s32 @p2 $0x1  }
0x17: {  	s4 =	simm.s32 $0x1BF5;
	[smem:$0x3FB7] =	sst s0  }
0x18: {  	s0 =	sld [smem:$0x3F9A];
	_ =	swait.ge [sflag:s4], $0x0  }
0x19: {  	s7 =	sld [smem:$0x3F9B]  }
0x1a: {  	s8 =	sadd.s32 $0xFFFFE003, lr  }
0x1b: {  	s9 =	sadd.s32 $0xFFFFFEF7, lr;
	s5 =	simm.s32 $0xFFFFFFFF;
	p2 =	slt.u32 s8, $0xFFFFF086  }
0x1c: {  	p1 =	slt.u32 s9, $0xF7A;
	s5 =	simm.s32 @!p2 $0x0  }
0x1d: {  	s5 =	simm.s32 @p1 $0x1;
	p0 =	seq.s32 s7, s2  }
0x1e: {  	s7 =	smul.u32 @!p0 $0xF7A, s2;
	p2 =	seq.s32 @!p0 s5, $0x0  }
0x1f: {  	s9 =	smul.u32 $0xF7A, s1;
	s8 =	simm.s32 @!p0 $0x1BF5;
	p2 =	por !p2, p0  }
0x20: {  	[sflag:s8] =	ssyncset.s32 @!p0 $0xFFFFF086;
	s6 =	sadd.s32 @!p0 s3, s7;
	s7 =	simm.s32 @!p0 $0x108  }
0x21: {  	s3 =	sadd.s32 s3, s9;
	s6 =	sadd.s32 @!p0 $0x88, s6;
	s7 =	simm.s32 @p2 $0x1082  }
0x22: {  	[simem:s7], [sflag:s8] =	dma.local @!p0 [hbm:s6], $0xF7A  }
0x23: {  	s9 =	sor.u32 $0xD0000000, s2;
	s6 =	simm.s32 $0x108;
	_ =	swait.ge @!p0 [sflag:s8], $0x0  }
0x24: {  	s3 =	sadd.s32 $0x88, s3;
	s6 =	simm.s32 @!p1 $0x1082;
	[sflag:s4] =	ssyncset.s32 $0xFFFFF086  }
0x25: {  	[simem:s6], [sflag:s4] =	dma.local [hbm:s3], $0xF7A  }
0x26: {  	[smem:$0x3F9B] =	sst s1;
	(tag) =	ssettag s2;
	_ =	strace s9  }
0x27: {  	s1 =	sld [smem:$0x3FAB]  }
0x28: {  	s2 =	sld [smem:$0x3FAC]  }
0x29: {  	s4 =	sld [smem:$0x3FAE]  }
0x2a: {  	p0 =	seq.s32 s5, $0x0;
	s5 =	sld [smem:$0x3FAF]  }
0x2b: {  	s6 =	sld [smem:$0x3FB0]  }
0x2c: {  	s7 =	sld [smem:$0x3FB1]  }
0x2d: {  	s3 =	simm.s32 $0x108;
	s8 =	sld [smem:$0x3FB2]  }
0x2e: {  	s3 =	simm.s32 @!p0 $0x1082;
	s9 =	sld [smem:$0x3FB3]  }
0x2f: {  	lr =	sadd.s32 s0, s3;
	s0 =	sld [smem:$0x3FAA]  }
0x30: {  	s3 =	sld [smem:$0x3FAD]  }
0x31: {  	[smem:$0x3FB6] =	sst s10  }
0x32: {  	s10 =	sld [smem:$0x3FB4];
	_ =	sdelay $0x3  }
0x33: {  	p0 =	seq.s32 s10, $0x1;
	s10 =	sld [smem:$0x3FB6];
	_ =	sdelay $0x3  }
0x34: {  	[smem:$0x3FB6] =	sst s10  }
0x35: {  	s10 =	sld [smem:$0x3FB5];
	_ =	sdelay $0x3  }
0x36: {  	p1 =	seq.s32 s10, $0x1;
	s10 =	sld [smem:$0x3FB6];
	_ =	sdelay $0x3  }
0x37: {  	[smem:$0x3FB6] =	sst s10  }
0x38: {  	s10 =	sld [smem:$0x3FB7]  }
0x39: {  	_ = 	snop;
	(pc) =	sbr.ind lr, $3  }
0x3a: {  	_ = 	snop  }
0x3b: {  	_ = 	snop  }
0x3c: {  	p2 =	seq.s32 s10, $0x1;
	s10 =	sld [smem:$0x3FB6]  }
0x3d: {  	_ =	shalt  }
0x3e: {  	_ =	shalt  }
0x3f: {  	_ =	shalt  }
0x40: {  	_ =	shalt  }
0x41: {  	_ =	shalt  }
0x42: {  	_ =	shalt  }
0x43: {  	_ =	shalt  }
0x44: {  	_ =	shalt  }
0x45: {  	_ =	shalt  }
0x46: {  	_ =	shalt  }
0x47: {  	_ =	shalt  }
0x48: {  	_ =	shalt  }
0x49: {  	_ =	shalt  }
0x4a: {  	_ =	shalt  }
0x4b: {  	_ =	shalt  }
0x4c: {  	_ =	shalt  }
0x4d: {  	_ =	shalt  }
0x4e: {  	_ =	shalt  }
0x4f: {  	_ =	shalt  }
0x50: {  	_ =	shalt  }
0x51: {  	_ =	shalt  }
0x52: {  	_ =	shalt  }
0x53: {  	_ =	shalt  }
0x54: {  	_ =	shalt  }
0x55: {  	_ =	shalt  }
0x56: {  	_ =	shalt  }
0x57: {  	_ =	shalt  }
0x58: {  	_ =	shalt  }
0x59: {  	_ =	shalt  }
0x5a: {  	_ =	shalt  }
0x5b: {  	_ =	shalt  }
0x5c: {  	_ =	shalt  }
0x5d: {  	_ =	shalt  }
0x5e: {  	_ =	shalt  }
0x5f: {  	_ =	shalt  }
0x60: {  	_ =	shalt  }
0x61: {  	_ =	shalt  }
0x62: {  	_ =	shalt  }
0x63: {  	_ =	shalt  }
0x64: {  	_ =	shalt  }
0x65: {  	_ =	shalt  }
0x66: {  	_ =	shalt  }
0x67: {  	_ =	shalt  }
0x68: {  	_ =	shalt  }
0x69: {  	_ =	shalt  }
0x6a: {  	_ =	shalt  }
0x6b: {  	_ =	shalt  }
0x6c: {  	_ =	shalt  }
0x6d: {  	_ =	shalt  }
0x6e: {  	_ =	shalt  }
0x6f: {  	_ =	shalt  }
0x70: {  	_ =	shalt  }
0x71: {  	_ =	shalt  }
0x72: {  	_ =	shalt  }
0x73: {  	_ =	shalt  }
0x74: {  	_ =	shalt  }
0x75: {  	_ =	shalt  }
0x76: {  	_ =	shalt  }
0x77: {  	_ =	shalt  }
0x78: {  	_ =	shalt  }
0x79: {  	_ =	shalt  }
0x7a: {  	_ =	shalt  }
0x7b: {  	_ =	shalt  }
0x7c: {  	_ =	shalt  }
0x7d: {  	_ =	shalt  }
0x7e: {  	_ =	shalt  }
0x7f: {  	_ =	shalt  }
0x80: {  	_ =	shalt  }
0x81: {  	_ =	shalt  }
0x82: {  	_ =	shalt  }
0x83: {  	_ =	shalt  }
0x84: {  	_ =	shalt  }
0x85: {  	_ =	shalt  }
0x86: {  	_ =	shalt  }
0x87: {  	_ =	shalt  }
.Lfunc_end0:
.L_simem_size_0:
called_computation_lowered:
.L_overlay_start_0:
0x88: {  	s2 =	sld [smem:$0x3FD9]  }
0x89: {  	s3 =	sld [smem:$0x3FFE];
	_ =	sdelay $0x1  }
0x8a: {  	s1 =	srdreg.scid  }
0x8b: {  	s0 =	sand.u32 $0x1, s1  }
0x8c: {  	s14 =	sshll.u32 s0, $0xA;
	s2 =	sadd.s32 s3, s2  }
0x8d: {  	s2 =	sadd.s32 s2, s14  }
0x8e: {  	[smem:$0x3FC2] =	sst s2  }
0x8f: {  	_ = 	snop  }
0x90: {  	s2 =	sld [smem:$0x3FD0];
	_ =	sdelay $0x2  }
0x91: {  	s15 =	simm.s32 $0xA;
	s4 =	simm.s32 $0x10  }
0x92: {  	[smem:s4], [sflag:s15] =	dma.local [hbm:s2], $0x1  }
0x93: {  	_ =	swait.eq [sflag:s15], $0x1  }
0x94: {  	[sflag:s15] =	ssyncset.done $0x0  }
0x95: {  	s16 =	sld [smem:$0x10];
	[sflag:s15] =	ssyncadd.s32 $0xFFFFFFFF  }
0x96: {  	s17 =	sld [smem:$0x11];
	(tm) =	ssettm $0x1  }
0x97: {  	s18 =	sld [smem:$0x3FFB];
	_ =	sdelay $0x3  }
0x98: {  	_ =	strace s18  }
0x99: {  	s4 =	sld [smem:$0x3FFC];
	_ =	sdelay $0x3  }
0x9a: {  	_ =	strace s4  }
0x9b: {  	s4 =	sld [smem:$0x3FFD];
	_ =	sdelay $0x3  }
0x9c: {  	_ =	strace s4  }
0x9d: {  	_ =	strace $0x8FFFFFFF  }
0x9e: {  	s19 =	sld [smem:$0x3FDB];
	_ =	sdelay $0x1  }
0x9f: {  	s5 =	simm.s32 $_scs_section_size  }
0xa0: {  	s6 =	simm.s32 $_size__tile_overlayer_lowered;
	s7 =	simm.s32 $_tile_overlayer_lowered  }
0xa1: {  	s22 =	simm.s32 $0x1BFF;
	s21 =	sshll.u32 s7, $0x1;
	s4 =	sadd.s32 s5, s19  }
0xa2: {  	s8 =	simm.s32 $0x0;
	s20 =	sshll.u32 s6, $0x1;
	s6 =	sadd.s32 s21, s4  }
0xa3: {  	[timem:s8], [sflag:s22] =	dma.local [hbm:s6], s20  }
0xa4: {  	_ =	swait.ge [sflag:s22], s20  }
0xa5: {  	s5 =	ssub.s32 $0x0, s20;
	[sflag:s22] =	ssyncset.done $0x0  }
0xa6: {  	[sflag:s22] =	ssyncadd.s32 s5;
	_ =	sdelay $0x1  }
0xa7: {  	s23 =	simm.s32 $0x1B8B  }
0xa8: {  	_ =	swait.ge [sflag:s23], $0x1  }
0xa9: {  	[sflag:s23] =	ssyncset.done $0x0  }
0xaa: {  	s25 =	simm.s32 $0x1B8E;
	s24 =	sld [smem:$0x3FFE];
	[sflag:s23] =	ssyncadd.s32 $0xFFFFFFFF  }
0xab: {  	s26 =	simm.s32 $execute0_lowered;
	[smem:$0x3FD2] =	sst s25  }
0xac: {  	s6 =	sshll.u32 s26, $0x1;
	_ =	strace $0x80000046;
	[dreg:$0x1] =	wrdreg $0xFFFFFFFF  }
0xad: {  	s28 =	simm.s32 $_size_execute0_lowered;
	s4 =	sadd.s32 s4, s6;
	[dreg:$0x0] =	wrdreg $0x0  }
0xae: {  	s6 =	sshll.u32 s28, $0x1;
	[dreg:$0x2] =	wrdreg s4  }
0xaf: {  	[dreg:$0x3] =	wrdreg s6  }
0xb0: {  	[dreg:$0x4] =	wrdreg $0xC0  }
0xb1: {  	_ =	task [dreg:s8], $0x5FFFF  }
0xb2: {  	[dreg:$0x1] =	wrdreg $0xFFFFFFFF  }
0xb3: {  	[dreg:$0x0] =	wrdreg $0x60  }
0xb4: {  	[dreg:$0x2] =	wrdreg s16  }
0xb5: {  	[dreg:$0x3] =	wrdreg s24  }
0xb6: {  	[dreg:$0x4] =	wrdreg s17  }
0xb7: {  	[dreg:$0x5] =	wrdreg $0xBF000  }
0xb8: {  	[dreg:$0x6] =	wrdreg $0x9  }
0xb9: {  	_ =	task.clear_ibuf [dreg:s8], $0x7FFFF;
	_ =	strace $0x90000046  }
0xba: {  	s29 =	simm.s32 $0x9;
	_ =	strace $0x80000048  }
0xbb: {  	_ =	swait.ge [sflag:s29], $0x1  }
0xbc: {  	[sflag:s29] =	ssyncadd.s32 $0xFFFFFFFF  }
0xbd: {  	_ =	strace $0x90000048  }
0xbe: {  	_ =	sfence  }
0xbf: {  	s30 =	sld [smem:$0x0];
	_ =	sdelay $0x2  }
0xc0: {  	s31 =	sshll.u32 s1, $0xD;
	s1 =	sshrl.u32 s1, $0x2  }
0xc1: {  	s3 =	sand.u32 $0x4000, s31;
	s1 =	sadd.s32 s1, s30  }
0xc2: {  	s0 =	sor.u32 s3, s0;
	s1 =	sshll.u32 s1, $0x11  }
0xc3: {  	s0 =	sor.u32 s1, s0  }
0xc4: {  	s0 =	sadd.s32 $0x8F2B, s0  }
0xc5: {  	[sflag:s0] =	ssyncadd.remote.s32 $0x1  }
0xc6: {  	_ =	sfence.sel $0xFFFF  }
0xc7: {  	[dreg:$0x0] =	wrdreg $0xFFFFFFFF;
	(pc) =	sbr.abs _section_cstart, $3  }
0xc8: {  	[dreg:$0x1] =	wrdreg $0xFFFFFFFF  }
0xc9: {  	_ =	task.clear_ibuf [dreg:s8], $0x2FFFF;
	_ =	strace $0x9FFFFFFF  }
0xca: {  	(tm) =	ssettm $0x7FFFFFFF  }
0xcb: {  	_ =	shalt  }
tec
execute0_lowered:
.L_overlay_start_1:
0x0: {  	(tag) =	ssettag $0x1  }
0x1: {  	s1 =	rddreg [dreg:$0x0]  }
0x2: {  	s0 =	rddreg [dreg:$0x1]  }
0x3: {  	s4 =	rddreg [dreg:$0x2]  }
0x4: {  	s2 =	rddreg [dreg:$0x3]  }
0x5: {  	s3 =	simm.s32 $0x0;
	s5 =	srdreg.scid;
	s14 =	stileid.u32  }
0x6: {  	s28 =	simm.s32 $0x7F00;
	s29 =	simm.s32 $0x40;
	s30 =	simm.s32 $0x9F00  }
0x7: {  	s31 =	simm.s32 $0x4F00;
	[smem:$0x7FF] =	sst s3;
	s5 =	sand.u32 $0x1, s5  }
0x8: {  	s7 =	sadd.s32 $0x2AE00, s0;
	s9 =	smul.u32 $0x13C00, s14;
	s22 =	sadd.s32 $0x2A800, s0  }
0x9: {  	s8 =	sadd.s32 $0x15800, s0;
	s24 =	smul.u32 $0x4F000, s14;
	s26 =	sshll.u32 s14, $0x7  }
0xa: {  	s21 =	smul.u32 $0x2A00, s14;
	_ =	strace $0x80000047;
	[dreg:$0x5] =	wrdreg s7  }
0xb: {  	s6 =	smul.u32 $0x13C000, s5;
	[dreg:$0x6] =	wrdreg s22;
	s10 =	sshll.u32 s5, $0x4  }
0xc: {  	s12 =	ssub.s32 $0x2, s5;
	s23 =	sor.u32 s14, s10;
	s10 =	sshrl.u32 s24, $0x2  }
0xd: {  	v0 =	vimm.s32 $0xEDCBA987;
	s7 =	sadd.s32 $0x800, s0;
	s13 =	sshrl.u32 s12, $0x1;
	s15 =	sadd.s32 s10, s2  }
0xe: {  	v1 =	vimm.s32 $0x65432100;
	v2 =	vimm.s32 $0x54321000;
	v3 =	vimm.s32 $0xDCBA9876;
	s12 =	ssub.s32 s12, s13;
	s13 =	sadd.s32 $0x12000, s15;
	[dreg:$0x7] =	wrdreg s15  }
0xf: {  	v4 =	vimm.s32 $0xE40000;
	v5 =	vimm.s32 $0xBA987654;
	v0 =	vunpack.c.l.s4.s8 v0;
	s18 =	smul.u32 $0x2A000, s5;
	s16 =	sadd.s32 $0x2000, s15;
	[dreg:$0x8] =	wrdreg s13  }
0x10: {  	v6 =	vimm.s32 $0x7060504;
	v7 =	vimm.s32 $0xFFEDCBA9;
	v1 =	vunpack.c.l.s4.s8 v1;
	s6 =	sadd.s32 s9, s6;
	s17 =	sadd.s32 $0x4000, s15;
	[dreg:$0xb] =	wrdreg s16  }
0x11: {  	v8 =	vimm.s32 $0x87654321;
	vm0 =	vcmask $0x3F30;
	v0 =	vunpack.c.0.s8.s32 v0;
	s11 =	sshrl.u32 s23, $0x3;
	s19 =	sadd.s32 $0x6000, s15;
	[dreg:$0xc] =	wrdreg s17  }
0x12: {  	vm1 =	vcmask $0x3F08;
	v4 =	vunpack.c.l.s2.s4 v4;
	v1 =	vunpack.c.0.s8.s32 v1;
	s6 =	sshrl.u32 s6, $0x3;
	s20 =	sadd.s32 $0x8000, s15;
	[dreg:$0xd] =	wrdreg s19  }
0x13: {  	v3 =	vunpack.c.l.s4.s8 v3;
	v6 =	vunpack.c.0.s8.s32 v6;
	v0 =	vand.u32 $0xF, v0;
	s25 =	smul.u32 $0x13C00, s11;
	s22 =	smax.u32 s12, $0x1;
	[dreg:$0xe] =	wrdreg s20  }
0x14: {  	v7 =	vunpack.c.l.s4.s8 v7;
	v4 =	vunpack.c.l.s4.s8 v4;
	s11 =	sand.u32 $0x380, s26;
	s24 =	sadd.s32 $0xC000, s15;
	v0 =	vcombine.low v1, v0;
	[dreg:$0xf] =	wrdreg s22  }
0x15: {  	s26 =	sadd.s32 $0x10000, s15;
	s0 =	sadd.s32 s6, s0;
	v1 =	vunpack.c.l.s4.s8 v2;
	v2 =	vunpack.c.l.s4.s8 v5;
	v5 =	vimm.s32 $0x32100000;
	[dreg:$0x11] =	wrdreg s24  }
0x16: {  	v3 =	vunpack.c.0.s8.s32 v3;
	v4 =	vunpack.c.0.s8.s32 v4;
	[dreg:$0x13] =	wrdreg s26;
	s6 =	sor.u32 s11, s25;
	s0 =	sadd.s32 $0x2B400, s0;
	v5 =	vunpack.c.l.s4.s8 v5  }
0x17: {  	v8 =	vunpack.c.l.s4.s8 v8;
	s11 =	smul.u32 $0x5400, s23;
	s23 =	sadd.s32 $0xA000, s15;
	[dreg:$0xa] =	wrdreg s0;
	v1 =	vunpack.c.0.s8.s32 v1;
	v2 =	vunpack.c.0.s8.s32 v2  }
0x18: {  	s5 =	simm.s32 $0x0;
	v3 =	vand.u32 $0xF, v3;
	v4 =	vand.u32 $0x3, v4;
	s25 =	sadd.s32 $0xE000, s15;
	[dreg:$0x10] =	wrdreg s23;
	v5 =	vunpack.c.0.s8.s32 v5  }
0x19: {  	s6 =	sshrl.u32 s6, $0x3;
	[dreg:$0x12] =	wrdreg s25;
	s0 =	sadd.s32 s21, s18;
	v2 =	vand.u32 $0xF, v2;
	v1 =	vcombine.low v1, v3;
	v3 =	vsel vm0, v6, v4  }
0x1a: {  	s26 =	simm.s32 $0x2780;
	s4 =	sadd.s32 s4, s6;
	[dreg:$0x14] =	wrdreg s0;
	v6 =	vunpack.c.0.s8.s32 v8;
	v2 =	vcombine.low v5, v2;
	v5 =	vunpack.c.0.s8.s32 v7  }
0x1b: {  	vm2 =	vcmask $0x3F10;
	vm3 =	vcmask $0x3F20;
	vm4 =	vcmask $0x3F3C;
	s25 =	simm.s32 $0x3;
	s0 =	sor.u32 $0x40, s0;
	[dreg:$0x9] =	wrdreg s4  }
0x1c: {  	[dreg:$0x15] =	wrdreg s0;
	v4 =	vimm.f32 $0.0e+00;
	vm0 =	vcmask $0x3F04;
	s0 =	simm.s32 $0x1;
	s4 =	simm.s32 $0x2;
	v5 =	vcombine.low v6, v5  }
.LBB2_1:
0x1d: {  	s6 =	rddreg [dreg:$0x5]  }
0x1e: {  	[tilespmem:s3], [sflag:$0x3] =	stream.linear.gather [hbm4b:s6+s3], $0x2780, $0x38;
	[tilespmem:$0x1FB00] =	vst v63  }
0x1f: {  	_ =	swait.ge [sflag:s25], $0x2780  }
0x20: {  	[sflag:s25] =	ssyncset.done $0x0  }
0x21: {  	s24 =	rddreg [dreg:$0x6];
	[sflag:s25] =	ssyncadd.s32 $0xFFFFD880  }
0x22: {  	[tilespmem:s26], [sflag:$0x3] =	stream.linear.gather [hbm4b:s24+s3], $0x2780, $0x38;
	[tilespmem:$0x1FB00] =	vst v63  }
0x23: {  	_ =	swait.ge [sflag:s25], $0x2780  }
0x24: {  	[sflag:s25] =	ssyncset.done $0x0  }
0x25: {  	s6 =	simm.s32 $0x0;
	[sflag:s25] =	ssyncadd.s32 $0xFFFFD880  }
.LBB2_2:
0x26: {  	p0 =	sne.s32 s6, $0x9C00  }
.Ltmp0:
0x27: {  	_ = 	snop;
	(pc) =	sbr.rel @p0 .LBB2_2-.Ltmp0, $3  }
0x28: {  	_ =	sdelay $0x1  }
0x29: {  	s9 =	sshra.s32 s6, $0x2  }
0x2a: {  	s6 =	sadd.s32 $0x40, s6;
	[tilespmem:s9+$0x4F00] =	vst v4  }
0x2b: {  	s6 =	simm.s32 $0x0;
	s9 =	simm.s32 $0x200  }
.LBB2_4:
0x2c: {  	p0 =	sne.s32 s9, $0x7E00;
	[tilespmem:s6+$0x7F70] =	vst v4  }
0x2d: {  	[tilespmem:s6+$0x7F00] =	vst v4  }
0x2e: {  	[tilespmem:s6+$0x7F10] =	vst v4  }
.Ltmp1:
0x2f: {  	[tilespmem:s6+$0x7F20] =	vst v4;
	(pc) =	sbr.rel @p0 .LBB2_4-.Ltmp1, $4  }
0x30: {  	[tilespmem:s6+$0x7F30] =	vst v4  }
0x31: {  	[tilespmem:s6+$0x7F40] =	vst v4  }
0x32: {  	[tilespmem:s6+$0x7F50] =	vst v4  }
0x33: {  	[tilespmem:s6+$0x7F60] =	vst v4;
	s6 =	sshra.s32 s9, $0x2;
	s9 =	sadd.s32 $0x200, s9  }
0x34: {  	[tilespmem:s6+$0x7F70] =	vst v4  }
0x35: {  	[tilespmem:s6+$0x7F00] =	vst v4  }
0x36: {  	[tilespmem:s6+$0x7F10] =	vst v4  }
0x37: {  	[tilespmem:s6+$0x7F20] =	vst v4  }
0x38: {  	[tilespmem:s6+$0x7F30] =	vst v4  }
0x39: {  	[tilespmem:s6+$0x7F40] =	vst v4  }
0x3a: {  	[tilespmem:s6+$0x7F50] =	vst v4  }
0x3b: {  	[tilespmem:s6+$0x7F60] =	vst v4  }
0x3c: {  	[spmem:s15] =	stream.linear.scatter [tilespmem:s28], [sflag:$0x3], $0x2000, $0x38;
	[tilespmem:$0x1FB00] =	vst v63  }
0x3d: {  	_ =	swait.ge [sflag:s25], $0x2000  }
0x3e: {  	[sflag:s25] =	ssyncset.done $0x0  }
0x3f: {  	s16 =	rddreg [dreg:$0xb];
	[sflag:s25] =	ssyncadd.s32 $0xFFFFE000  }
0x40: {  	[spmem:s16] =	stream.linear.scatter [tilespmem:s28], [sflag:$0x3], $0x2000, $0x38;
	[tilespmem:$0x1FB00] =	vst v63  }
0x41: {  	_ =	swait.ge [sflag:s25], $0x2000  }
0x42: {  	[sflag:s25] =	ssyncset.done $0x0  }
0x43: {  	s17 =	rddreg [dreg:$0xc];
	[sflag:s25] =	ssyncadd.s32 $0xFFFFE000  }
0x44: {  	[spmem:s17] =	stream.linear.scatter [tilespmem:s28], [sflag:$0x3], $0x2000, $0x38;
	[tilespmem:$0x1FB00] =	vst v63  }
0x45: {  	_ =	swait.ge [sflag:s25], $0x2000  }
0x46: {  	[sflag:s25] =	ssyncset.done $0x0  }
0x47: {  	s18 =	rddreg [dreg:$0xd];
	[sflag:s25] =	ssyncadd.s32 $0xFFFFE000  }
0x48: {  	[spmem:s18] =	stream.linear.scatter [tilespmem:s28], [sflag:$0x3], $0x2000, $0x38;
	[tilespmem:$0x1FB00] =	vst v63  }
0x49: {  	_ =	swait.ge [sflag:s25], $0x2000  }
0x4a: {  	[sflag:s25] =	ssyncset.done $0x0  }
0x4b: {  	s19 =	rddreg [dreg:$0xe];
	[sflag:s25] =	ssyncadd.s32 $0xFFFFE000  }
0x4c: {  	[spmem:s19] =	stream.linear.scatter [tilespmem:s28], [sflag:$0x3], $0x2000, $0x38;
	[tilespmem:$0x1FB00] =	vst v63  }
0x4d: {  	_ =	swait.ge [sflag:s25], $0x2000  }
0x4e: {  	[sflag:s25] =	ssyncset.done $0x0  }
0x4f: {  	s20 =	rddreg [dreg:$0x10];
	[sflag:s25] =	ssyncadd.s32 $0xFFFFE000  }
0x50: {  	[spmem:s20] =	stream.linear.scatter [tilespmem:s28], [sflag:$0x3], $0x2000, $0x38;
	[tilespmem:$0x1FB00] =	vst v63  }
0x51: {  	_ =	swait.ge [sflag:s25], $0x2000  }
0x52: {  	[sflag:s25] =	ssyncset.done $0x0  }
0x53: {  	s21 =	rddreg [dreg:$0x11];
	[sflag:s25] =	ssyncadd.s32 $0xFFFFE000  }
0x54: {  	[spmem:s21] =	stream.linear.scatter [tilespmem:s28], [sflag:$0x3], $0x2000, $0x38;
	[tilespmem:$0x1FB00] =	vst v63  }
0x55: {  	_ =	swait.ge [sflag:s25], $0x2000  }
0x56: {  	[sflag:s25] =	ssyncset.done $0x0  }
0x57: {  	s22 =	rddreg [dreg:$0x12];
	[sflag:s25] =	ssyncadd.s32 $0xFFFFE000  }
0x58: {  	[spmem:s22] =	stream.linear.scatter [tilespmem:s28], [sflag:$0x3], $0x2000, $0x38;
	[tilespmem:$0x1FB00] =	vst v63  }
0x59: {  	_ =	swait.ge [sflag:s25], $0x2000  }
0x5a: {  	[sflag:s25] =	ssyncset.done $0x0  }
0x5b: {  	s23 =	rddreg [dreg:$0x13];
	[sflag:s25] =	ssyncadd.s32 $0xFFFFE000  }
0x5c: {  	[spmem:s23] =	stream.linear.scatter [tilespmem:s28], [sflag:$0x3], $0x2000, $0x38;
	[tilespmem:$0x1FB00] =	vst v63  }
0x5d: {  	_ =	swait.ge [sflag:s25], $0x2000  }
0x5e: {  	[sflag:s25] =	ssyncset.done $0x0  }
0x5f: {  	s24 =	rddreg [dreg:$0x8];
	[sflag:s25] =	ssyncadd.s32 $0xFFFFE000  }
0x60: {  	[spmem:s24] =	stream.linear.scatter [tilespmem:s28], [sflag:$0x3], $0x1C00, $0x38;
	[tilespmem:$0x1FB00] =	vst v63  }
0x61: {  	_ =	swait.ge [sflag:s25], $0x1C00  }
0x62: {  	[sflag:s25] =	ssyncset.done $0x0  }
0x63: {  	[sflag:s25] =	ssyncadd.s32 $0xFFFFE400  }
0x64: {  	[bflag:$0x0] =	sbarrier.arrive $0xFFFF  }
0x65: {  	s10 =	rddreg [dreg:$0x15]  }
0x66: {  	s6 =	simm.s32 $0x0;
	s13 =	simm.s32 $0x0;
	s12 =	rddreg [dreg:$0x14]  }
.LBB2_6:
0x67: {  	s9 =	sshll.u32 s13, $0xA  }
0x68: {  	s9 =	sadd.s32 s11, s9  }
0x69: {  	s9 =	sshrl.u32 s9, $0x3  }
0x6a: {  	s14 =	simm.s32 $0x7680;
	s15 =	sadd.s32 s7, s9  }
0x6b: {  	[tilespmem:s14], [sflag:$0x3] =	stream.linear.gather [hbm4b:s15+s6], $0x400, $0x38;
	[tilespmem:$0x1FB00] =	vst v63  }
0x6c: {  	_ =	swait.ge [sflag:s25], $0x400  }
0x6d: {  	[sflag:s25] =	ssyncset.done $0x0  }
0x6e: {  	s9 =	sadd.s32 s8, s9;
	s15 =	simm.s32 $0x7A80;
	[sflag:s25] =	ssyncadd.s32 $0xFFFFFC00  }
0x6f: {  	[tilespmem:s15], [sflag:$0x3] =	stream.linear.gather [hbm4b:s9+s6], $0x400, $0x38;
	[tilespmem:$0x1FB00] =	vst v63  }
0x70: {  	s16 =	simm.s32 $0x7700;
	_ =	swait.ge [sflag:s25], $0x400  }
0x71: {  	s17 =	simm.s32 $0x7B00;
	s24 =	smov.u32 s10;
	[sflag:s25] =	ssyncset.done $0x0  }
0x72: {  	s23 =	smov.u32 s12;
	s20 =	simm.s32 $0x0;
	[sflag:s25] =	ssyncadd.s32 $0xFFFFFC00  }
.LBB2_7:
0x73: {  	s22 =	sshll.u32 s20, $0x8;
	v6 =	vmov s14  }
0x74: {  	v7 =	vmov s15;
	s9 =	sadd.s32 $0x7680, s22  }
0x75: {  	[tilespmem:s28], [sflag:$0x1] =	stream.indirect.gather [hbm4b:s1+s29], $0x80, s9, s29, $0xb8;
	[tilespmem:$0x1FB00] =	vst v63  }
0x76: {  	s21 =	simm.s32 $0x0;
	s19 =	sadd.s32 $0x7700, s22  }
0x77: {  	[tilespmem:s30], [sflag:$0x2] =	stream.indirect.gather [hbm4b:s1+s29], $0x80, s19, s29, $0xb8;
	[tilespmem:$0x1FB00] =	vst v63  }
0x78: {  	v8 =	vld.idx.msk [tilespmem:v6+s21+$0x0 ss:$0x1], $0xffff  }
0x79: {  	v9 =	vld.idx.msk [tilespmem:v7+s21+$0x0 ss:$0x1], $0xffff;
	_ =	sdelay $0x6  }
0x7a: {  	v8 =	vld.idx.msk [tilespmem:v8+s3+$0x0], $0xffff  }
0x7b: {  	v10 =	vld.idx.msk [tilespmem:v9+s26+$0x0], $0xffff;
	_ =	sdelay $0x4  }
0x7c: {  	v8 =	vadd.f32 v10, v8;
	_ =	sdelay $0x1  }
0x7d: {  	v10 =	vmul.f32 $2.000000030e-01, v8  }
0x7e: {  	vm5 =	vgt.f32 v8, $0.0e+00  }
0x7f: {  	v8 =	vsel vm5, v8, v10  }
0x80: {  	v8 =	vmul.f32 $1.442695020e+00, v8;
	_ =	sdelay $0x1  }
0x81: {  	(erf) = vpow2.f32 v8;
	_ =	sdelay $0x8  }
0x82: {  	p0 =	slt.u32 s23, $0x50910;
	v8 =	vpop (erf)  }
0x83: {  	v9 =	vxor.u32 $0x80000000, v9;
	v8 =	vpsel !p0, $0x0, v8  }
0x84: {  	(xrf1) =	vsort.ascd.msk.u32 $0xffff, v9, v8;
	_ =	sdelay $0xd  }
0x85: {  	v9, v10, _ =	vpop (xrf1)  }
0x86: {  	v9 =	vxor.u32 $0x80000000, v9  }
0x87: {  	v11 =	vperm.xlane v9, v0;
	_ =	sdelay $0x1  }
0x88: {  	vm5 =	veq.s32 v11, v9;
	v11 =	vperm.xlane v10, v0  }
0x89: {  	vm5 =	vmand vm5, vm0  }
0x8a: {  	v11 =	vnsel vm5, $0x0, v11  }
0x8b: {  	v10 =	vadd.f32 v11, v10;
	v11 =	vperm.xlane v9, v1;
	_ =	sdelay $0x1  }
0x8c: {  	vm5 =	veq.s32 v11, v9;
	v11 =	vperm.xlane v10, v1  }
0x8d: {  	vm5 =	vmand vm5, vm1  }
0x8e: {  	v11 =	vnsel vm5, $0x0, v11  }
0x8f: {  	v10 =	vadd.f32 v10, v11;
	v11 =	vperm.xlane v9, v2;
	_ =	sdelay $0x1  }
0x90: {  	vm5 =	veq.s32 v11, v9;
	v11 =	vperm.xlane v10, v2  }
0x91: {  	v12 =	vperm.xlane v9, v5;
	vm5 =	vmand vm5, vm2  }
0x92: {  	v11 =	vnsel vm5, $0x0, v11  }
0x93: {  	vm5 =	vne.s32 v12, v9;
	v10 =	vadd.f32 v10, v11;
	v11 =	vperm.xlane v9, v3  }
0x94: {  	vm5 =	vmor vm5, vm4  }
0x95: {  	vm6 =	veq.s32 v11, v9;
	v11 =	vperm.xlane v10, v3  }
0x96: {  	vm6 =	vmand vm6, vm3  }
0x97: {  	v11 =	vnsel vm6, $0x0, v11  }
0x98: {  	v10 =	vadd.f32 v10, v11  }
0x99: {  	[tilespmem:s21+$0x7E80] =	vst v8  }
0x9a: {  	s18 =	simm.s32 $0x10;
	[tilespmem:v9+s31+$0x0] =	vst.idx.add.f32.msk vm5, v10  }
0x9b: {  	s9 =	simm.s32 $0x80;
	s19 =	smov.u32 s23;
	s21 =	sor.u32 $0x80, s22;
	v8 =	vld.idx.msk [tilespmem:v6+s18+$0x0 ss:$0x1], $0xffff  }
.LBB2_8:
0x9c: {  	p0 =	sne.s32 s9, $0xC0;
	v9 =	vld.idx.msk [tilespmem:v7+s18+$0x0 ss:$0x1], $0xffff;
	_ =	sdelay $0x6  }
0x9d: {  	v8 =	vld.idx.msk [tilespmem:v8+s3+$0x0], $0xffff  }
0x9e: {  	v10 =	vld.idx.msk [tilespmem:v9+s26+$0x0], $0xffff;
	_ =	sdelay $0x5  }
0x9f: {  	v8 =	vadd.f32 v10, v8;
	_ =	sdelay $0x1  }
0xa0: {  	v10 =	vmul.f32 $2.000000030e-01, v8  }
0xa1: {  	vm5 =	vgt.f32 v8, $0.0e+00  }
0xa2: {  	v8 =	vsel vm5, v8, v10  }
0xa3: {  	v8 =	vmul.f32 $1.442695020e+00, v8;
	_ =	sdelay $0x1  }
0xa4: {  	(erf) = vpow2.f32 v8;
	_ =	sdelay $0x7  }
0xa5: {  	s19 =	sadd.s32 $0x10, s19  }
0xa6: {  	p1 =	slt.u32 s19, $0x50910;
	v8 =	vpop (erf)  }
0xa7: {  	v9 =	vxor.u32 $0x80000000, v9;
	v8 =	vpsel !p1, $0x0, v8  }
0xa8: {  	(xrf1) =	vsort.ascd.msk.u32 $0xffff, v9, v8;
	_ =	sdelay $0xd  }
0xa9: {  	v9, v10, _ =	vpop (xrf1)  }
0xaa: {  	v9 =	vxor.u32 $0x80000000, v9  }
0xab: {  	v11 =	vperm.xlane v9, v0;
	_ =	sdelay $0x1  }
0xac: {  	vm5 =	veq.s32 v11, v9;
	v11 =	vperm.xlane v10, v0  }
0xad: {  	vm5 =	vmand vm5, vm0  }
0xae: {  	v11 =	vnsel vm5, $0x0, v11  }
0xaf: {  	v10 =	vadd.f32 v11, v10;
	v11 =	vperm.xlane v9, v1;
	_ =	sdelay $0x1  }
0xb0: {  	vm5 =	veq.s32 v11, v9;
	v11 =	vperm.xlane v10, v1  }
0xb1: {  	vm5 =	vmand vm5, vm1  }
0xb2: {  	v11 =	vnsel vm5, $0x0, v11  }
0xb3: {  	v10 =	vadd.f32 v10, v11;
	v11 =	vperm.xlane v9, v2;
	_ =	sdelay $0x1  }
0xb4: {  	vm5 =	veq.s32 v11, v9;
	v11 =	vperm.xlane v10, v2  }
0xb5: {  	v12 =	vperm.xlane v9, v5;
	vm5 =	vmand vm5, vm2  }
0xb6: {  	v11 =	vnsel vm5, $0x0, v11  }
0xb7: {  	vm5 =	vne.s32 v12, v9;
	v10 =	vadd.f32 v10, v11;
	v11 =	vperm.xlane v9, v3  }
0xb8: {  	vm5 =	vmor vm5, vm4  }
0xb9: {  	vm6 =	veq.s32 v11, v9;
	v11 =	vperm.xlane v10, v3  }
0xba: {  	vm6 =	vmand vm6, vm3  }
.Ltmp2:
0xbb: {  	v11 =	vnsel vm6, $0x0, v11;
	(pc) =	sbr.rel @p0 .LBB2_8-.Ltmp2, $4  }
0xbc: {  	v10 =	vadd.f32 v10, v11  }
0xbd: {  	[tilespmem:s18+$0x7E80] =	vst v8  }
0xbe: {  	s18 =	sshra.s32 s9, $0x2;
	[tilespmem:v9+s31+$0x0] =	vst.idx.add.f32.msk vm5, v10  }
0xbf: {  	s9 =	sadd.s32 $0x40, s9;
	v8 =	vld.idx.msk [tilespmem:v6+s18+$0x0 ss:$0x1], $0xffff  }
0xc0: {  	_ =	sdelay $0x3  }
0xc1: {  	v6 =	vld.idx.msk [tilespmem:v7+s18+$0x0 ss:$0x1], $0xffff;
	_ =	sdelay $0x6  }
0xc2: {  	v7 =	vld.idx.msk [tilespmem:v8+s3+$0x0], $0xffff  }
0xc3: {  	v8 =	vld.idx.msk [tilespmem:v6+s26+$0x0], $0xffff;
	_ =	sdelay $0x4  }
0xc4: {  	v7 =	vadd.f32 v8, v7;
	_ =	sdelay $0x1  }
0xc5: {  	v8 =	vmul.f32 $2.000000030e-01, v7  }
0xc6: {  	vm5 =	vgt.f32 v7, $0.0e+00  }
0xc7: {  	v7 =	vsel vm5, v7, v8  }
0xc8: {  	v7 =	vmul.f32 $1.442695020e+00, v7;
	_ =	sdelay $0x1  }
0xc9: {  	(erf) = vpow2.f32 v7;
	_ =	sdelay $0x7  }
0xca: {  	s9 =	sadd.s32 $0x10, s19  }
0xcb: {  	p0 =	slt.u32 s9, $0x50910;
	v7 =	vpop (erf)  }
0xcc: {  	v6 =	vxor.u32 $0x80000000, v6;
	v7 =	vpsel !p0, $0x0, v7  }
0xcd: {  	(xrf1) =	vsort.ascd.msk.u32 $0xffff, v6, v7;
	_ =	sdelay $0xd  }
0xce: {  	v6, v8, _ =	vpop (xrf1)  }
0xcf: {  	v6 =	vxor.u32 $0x80000000, v6  }
0xd0: {  	v9 =	vperm.xlane v6, v0;
	_ =	sdelay $0x1  }
0xd1: {  	v47 =	vperm.xlane v8, v0;
	vm5 =	veq.s32 v9, v6  }
0xd2: {  	vm5 =	vmand vm5, vm0  }
0xd3: {  	v9 =	vnsel vm5, $0x0, v47  }
0xd4: {  	v48 =	vperm.xlane v6, v1;
	v8 =	vadd.f32 v9, v8;
	_ =	sdelay $0x1  }
0xd5: {  	vm5 =	veq.s32 v48, v6;
	v49 =	vperm.xlane v8, v1  }
0xd6: {  	vm5 =	vmand vm5, vm1  }
0xd7: {  	v9 =	vnsel vm5, $0x0, v49  }
0xd8: {  	v50 =	vperm.xlane v6, v2;
	v8 =	vadd.f32 v8, v9;
	_ =	sdelay $0x1  }
0xd9: {  	vm5 =	veq.s32 v50, v6;
	v51 =	vperm.xlane v8, v2  }
0xda: {  	v10 =	vperm.xlane v6, v5;
	vm5 =	vmand vm5, vm2  }
0xdb: {  	v9 =	vnsel vm5, $0x0, v51  }
0xdc: {  	v52 =	vperm.xlane v6, v3;
	vm5 =	vne.s32 v10, v6;
	v8 =	vadd.f32 v8, v9  }
0xdd: {  	vm5 =	vmor vm5, vm4  }
0xde: {  	vm6 =	veq.s32 v52, v6;
	v53 =	vperm.xlane v8, v3  }
0xdf: {  	vm6 =	vmand vm6, vm3  }
0xe0: {  	v9 =	vnsel vm6, $0x0, v53  }
0xe1: {  	v8 =	vadd.f32 v8, v9  }
0xe2: {  	[tilespmem:s18+$0x7E80] =	vst v7  }
0xe3: {  	[tilespmem:v6+s31+$0x0] =	vst.idx.add.f32.msk vm5, v8  }
0xe4: {  	_ =	swait.ge [sflag:s0], $0x2000  }
0xe5: {  	s18 =	simm.s32 $0x0;
	[sflag:s0] =	ssyncset.done $0x0  }
0xe6: {  	s9 =	sand.u32 $0x3FFFFFF0, s18;
	[sflag:s0] =	ssyncadd.s32 $0xFFFFE000  }
0xe7: {  	s19 =	simm.s32 $0x0;
	v6 =	vld [tilespmem:s9+$0x7E80]  }
0xe8: {  	s18 =	sand.u32 $0x3FFFF800, s19  }
0xe9: {  	v8 =	vld [tilespmem:s18+$0x7F20]  }
0xea: {  	v54 =	vld [tilespmem:s18+$0x7F30]  }
0xeb: {  	v15 =	vld [tilespmem:s18+$0x7F60]  }
0xec: {  	v16 =	vld [tilespmem:s18+$0x7F70];
	v7 =	vbroadcast v6, $0x0  }
0xed: {  	v17 =	vld [tilespmem:s18+$0x7F80]  }
0xee: {  	v18 =	vld [tilespmem:s18+$0x7F90];
	v8 =	vmul.f32 v8, v7  }
0xef: {  	v19 =	vld [tilespmem:s18+$0x7FA0];
	v9 =	vmul.f32 v54, v7  }
0xf0: {  	v14 =	vld [tilespmem:s18+$0x7FB0];
	v56 =	vbroadcast v6, $0x1;
	v55 =	vmul.f32 v15, v7;
	[tilespmem:s18+$0x7F20] =	vst v8  }
0xf1: {  	v12 =	vld [tilespmem:s18+$0x7FC0];
	v16 =	vmul.f32 v16, v7;
	[tilespmem:s18+$0x7F30] =	vst v9  }
0xf2: {  	v13 =	vld [tilespmem:s18+$0x7FD0];
	v17 =	vmul.f32 v17, v56;
	[tilespmem:s18+$0x7F60] =	vst v55  }
0xf3: {  	v58 =	vld [tilespmem:s18+$0x7FF0];
	v18 =	vmul.f32 v18, v56;
	[tilespmem:s18+$0x7F70] =	vst v16  }
0xf4: {  	v59 =	vld [tilespmem:s18+$0x8000];
	v19 =	vmul.f32 v19, v56;
	[tilespmem:s18+$0x7F80] =	vst v17  }
0xf5: {  	v60 =	vld [tilespmem:s18+$0x8010];
	v14 =	vmul.f32 v14, v56;
	[tilespmem:s18+$0x7F90] =	vst v18  }
0xf6: {  	v11 =	vld [tilespmem:s18+$0x8470];
	v12 =	vmul.f32 v12, v56;
	[tilespmem:s18+$0x7FA0] =	vst v19  }
0xf7: {  	v57 =	vld [tilespmem:s18+$0x7FE0];
	v20 =	vbroadcast v6, $0x2;
	v13 =	vmul.f32 v13, v56;
	[tilespmem:s18+$0x7FB0] =	vst v14  }
0xf8: {  	v61 =	vld [tilespmem:s18+$0x8020];
	v15 =	vmul.f32 v58, v56;
	[tilespmem:s18+$0x7FC0] =	vst v12  }
0xf9: {  	v62 =	vld [tilespmem:s18+$0x8030];
	v10 =	vbroadcast v6, $0xA;
	v23 =	vmul.f32 v59, v20;
	[tilespmem:s18+$0x7FD0] =	vst v13  }
0xfa: {  	v63 =	vld [tilespmem:s18+$0x8040];
	v25 =	vmul.f32 v60, v20;
	[tilespmem:s18+$0x7FF0] =	vst v15  }
0xfb: {  	v24 =	vld [tilespmem:s18+$0x8060];
	v8 =	vmul.f32 v11, v10;
	[tilespmem:s18+$0x8000] =	vst v23  }
0xfc: {  	v26 =	vld [tilespmem:s18+$0x8070];
	v16 =	vmul.f32 v57, v56;
	[tilespmem:s18+$0x8010] =	vst v25  }
0xfd: {  	v27 =	vld [tilespmem:s18+$0x8080];
	v14 =	vmul.f32 v61, v20;
	[tilespmem:s18+$0x8470] =	vst v8  }
0xfe: {  	v22 =	vld [tilespmem:s18+$0x8050];
	v12 =	vmul.f32 v62, v20;
	[tilespmem:s18+$0x7FE0] =	vst v16  }
0xff: {  	v28 =	vld [tilespmem:s18+$0x8090];
	v13 =	vmul.f32 v63, v20;
	[tilespmem:s18+$0x8020] =	vst v14  }
0x100: {  	v29 =	vld [tilespmem:s18+$0x80A0];
	v32 =	vbroadcast v6, $0x3;
	v15 =	vmul.f32 v24, v20;
	[tilespmem:s18+$0x8030] =	vst v12  }
0x101: {  	v30 =	vld [tilespmem:s18+$0x80B0];
	v17 =	vmul.f32 v26, v20;
	[tilespmem:s18+$0x8040] =	vst v13  }
0x102: {  	v33 =	vld [tilespmem:s18+$0x80D0];
	v18 =	vmul.f32 v27, v32;
	[tilespmem:s18+$0x8060] =	vst v15  }
0x103: {  	v34 =	vld [tilespmem:s18+$0x80E0];
	v16 =	vmul.f32 v22, v20;
	[tilespmem:s18+$0x8070] =	vst v17  }
0x104: {  	v35 =	vld [tilespmem:s18+$0x80F0];
	v14 =	vmul.f32 v28, v32;
	[tilespmem:s18+$0x8080] =	vst v18  }
0x105: {  	v31 =	vld [tilespmem:s18+$0x80C0];
	v12 =	vmul.f32 v29, v32;
	[tilespmem:s18+$0x8050] =	vst v16  }
0x106: {  	v36 =	vld [tilespmem:s18+$0x8100];
	v13 =	vmul.f32 v30, v32;
	[tilespmem:s18+$0x8090] =	vst v14  }
0x107: {  	v37 =	vld [tilespmem:s18+$0x8110];
	v15 =	vmul.f32 v33, v32;
	[tilespmem:s18+$0x80A0] =	vst v12  }
0x108: {  	v38 =	vld [tilespmem:s18+$0x8120];
	v17 =	vmul.f32 v34, v32;
	[tilespmem:s18+$0x80B0] =	vst v13  }
0x109: {  	v40 =	vld [tilespmem:s18+$0x8140];
	v41 =	vbroadcast v6, $0x4;
	v18 =	vmul.f32 v35, v32;
	[tilespmem:s18+$0x80D0] =	vst v15  }
0x10a: {  	v42 =	vld [tilespmem:s18+$0x8150];
	v16 =	vmul.f32 v31, v32;
	[tilespmem:s18+$0x80E0] =	vst v17  }
0x10b: {  	v43 =	vld [tilespmem:s18+$0x8160];
	v14 =	vmul.f32 v36, v41;
	[tilespmem:s18+$0x80F0] =	vst v18  }
0x10c: {  	v39 =	vld [tilespmem:s18+$0x8130];
	v12 =	vmul.f32 v37, v41;
	[tilespmem:s18+$0x80C0] =	vst v16  }
0x10d: {  	v44 =	vld [tilespmem:s18+$0x8170];
	v13 =	vmul.f32 v38, v41;
	[tilespmem:s18+$0x8100] =	vst v14  }
0x10e: {  	v45 =	vld [tilespmem:s18+$0x8180];
	v15 =	vmul.f32 v40, v41;
	[tilespmem:s18+$0x8110] =	vst v12  }
0x10f: {  	v46 =	vld [tilespmem:s18+$0x8190];
	v17 =	vmul.f32 v42, v41;
	[tilespmem:s18+$0x8120] =	vst v13  }
0x110: {  	v48 =	vld [tilespmem:s18+$0x81B0];
	v18 =	vmul.f32 v43, v41;
	[tilespmem:s18+$0x8140] =	vst v15  }
0x111: {  	v49 =	vld [tilespmem:s18+$0x81C0];
	v50 =	vbroadcast v6, $0x5;
	v16 =	vmul.f32 v39, v41;
	[tilespmem:s18+$0x8150] =	vst v17  }
0x112: {  	v51 =	vld [tilespmem:s18+$0x81D0];
	v14 =	vmul.f32 v44, v41;
	[tilespmem:s18+$0x8160] =	vst v18  }
0x113: {  	v47 =	vld [tilespmem:s18+$0x81A0];
	v12 =	vmul.f32 v45, v50;
	[tilespmem:s18+$0x8130] =	vst v16  }
0x114: {  	v52 =	vld [tilespmem:s18+$0x81E0];
	v13 =	vmul.f32 v46, v50;
	[tilespmem:s18+$0x8170] =	vst v14  }
0x115: {  	v53 =	vld [tilespmem:s18+$0x81F0];
	v15 =	vmul.f32 v48, v50;
	[tilespmem:s18+$0x8180] =	vst v12  }
0x116: {  	v54 =	vld [tilespmem:s18+$0x8200];
	v17 =	vmul.f32 v49, v50;
	[tilespmem:s18+$0x8190] =	vst v13  }
0x117: {  	v56 =	vld [tilespmem:s18+$0x8220];
	v18 =	vmul.f32 v51, v50;
	[tilespmem:s18+$0x81B0] =	vst v15  }
0x118: {  	v57 =	vld [tilespmem:s18+$0x8230];
	v16 =	vmul.f32 v47, v50;
	[tilespmem:s18+$0x81C0] =	vst v17  }
0x119: {  	v58 =	vld [tilespmem:s18+$0x8240];
	v59 =	vbroadcast v6, $0x6;
	v14 =	vmul.f32 v52, v50;
	[tilespmem:s18+$0x81D0] =	vst v18  }
0x11a: {  	v55 =	vld [tilespmem:s18+$0x8210];
	v12 =	vmul.f32 v53, v50;
	[tilespmem:s18+$0x81A0] =	vst v16  }
0x11b: {  	v60 =	vld [tilespmem:s18+$0x8250];
	v13 =	vmul.f32 v54, v59;
	[tilespmem:s18+$0x81E0] =	vst v14  }
0x11c: {  	v61 =	vld [tilespmem:s18+$0x8260];
	v15 =	vmul.f32 v56, v59;
	[tilespmem:s18+$0x81F0] =	vst v12  }
0x11d: {  	v62 =	vld [tilespmem:s18+$0x8270];
	v17 =	vmul.f32 v57, v59;
	[tilespmem:s18+$0x8200] =	vst v13  }
0x11e: {  	v21 =	vld [tilespmem:s18+$0x8290];
	v18 =	vmul.f32 v58, v59;
	[tilespmem:s18+$0x8220] =	vst v15  }
0x11f: {  	v22 =	vld [tilespmem:s18+$0x82A0];
	v16 =	vmul.f32 v55, v59;
	[tilespmem:s18+$0x8230] =	vst v17  }
0x120: {  	v23 =	vld [tilespmem:s18+$0x82B0];
	v14 =	vmul.f32 v60, v59;
	[tilespmem:s18+$0x8240] =	vst v18  }
0x121: {  	v25 =	vbroadcast v6, $0x7;
	v51 =	vld [tilespmem:s18+$0x8440];
	v12 =	vmul.f32 v61, v59;
	[tilespmem:s18+$0x8210] =	vst v16  }
0x122: {  	v63 =	vld [tilespmem:s18+$0x8280];
	v13 =	vmul.f32 v62, v59;
	[tilespmem:s18+$0x8250] =	vst v14  }
0x123: {  	v24 =	vld [tilespmem:s18+$0x82C0];
	v15 =	vmul.f32 v21, v25;
	[tilespmem:s18+$0x8260] =	vst v12  }
0x124: {  	v26 =	vld [tilespmem:s18+$0x82D0];
	v17 =	vmul.f32 v22, v25;
	[tilespmem:s18+$0x8270] =	vst v13  }
0x125: {  	v27 =	vld [tilespmem:s18+$0x82E0];
	v18 =	vmul.f32 v23, v25;
	[tilespmem:s18+$0x8290] =	vst v15  }
0x126: {  	v29 =	vld [tilespmem:s18+$0x8300];
	v58 =	vmul.f32 v51, v10;
	[tilespmem:s18+$0x82A0] =	vst v17  }
0x127: {  	v30 =	vld [tilespmem:s18+$0x8310];
	v16 =	vmul.f32 v63, v25;
	[tilespmem:s18+$0x82B0] =	vst v18  }
0x128: {  	v31 =	vld [tilespmem:s18+$0x8320];
	v14 =	vmul.f32 v24, v25;
	[tilespmem:s18+$0x8440] =	vst v58  }
0x129: {  	v34 =	vbroadcast v6, $0x8;
	v47 =	vld [tilespmem:s18+$0x8400];
	v12 =	vmul.f32 v26, v25;
	[tilespmem:s18+$0x8280] =	vst v16  }
0x12a: {  	v52 =	vld [tilespmem:s18+$0x8450];
	v13 =	vmul.f32 v27, v25;
	[tilespmem:s18+$0x82C0] =	vst v14  }
0x12b: {  	v28 =	vld [tilespmem:s18+$0x82F0];
	v15 =	vmul.f32 v29, v34;
	[tilespmem:s18+$0x82D0] =	vst v12  }
0x12c: {  	v32 =	vld [tilespmem:s18+$0x8330];
	v17 =	vmul.f32 v30, v34;
	[tilespmem:s18+$0x82E0] =	vst v13  }
0x12d: {  	v33 =	vld [tilespmem:s18+$0x8340];
	v18 =	vmul.f32 v31, v34;
	[tilespmem:s18+$0x8300] =	vst v15  }
0x12e: {  	v35 =	vld [tilespmem:s18+$0x8350];
	v53 =	vmul.f32 v47, v10;
	[tilespmem:s18+$0x8310] =	vst v17  }
0x12f: {  	v37 =	vld [tilespmem:s18+$0x8370];
	v60 =	vmul.f32 v52, v10;
	[tilespmem:s18+$0x8320] =	vst v18  }
0x130: {  	v38 =	vld [tilespmem:s18+$0x8380];
	v16 =	vmul.f32 v28, v25;
	[tilespmem:s18+$0x8400] =	vst v53  }
0x131: {  	v39 =	vld [tilespmem:s18+$0x8390];
	v14 =	vmul.f32 v32, v34;
	[tilespmem:s18+$0x8450] =	vst v60  }
0x132: {  	v9 =	vld [tilespmem:s18+$0x8480];
	v12 =	vmul.f32 v33, v34;
	[tilespmem:s18+$0x82F0] =	vst v16  }
0x133: {  	v11 =	vld [tilespmem:s18+$0x8490];
	v43 =	vbroadcast v6, $0x9;
	v13 =	vmul.f32 v35, v34;
	[tilespmem:s18+$0x8330] =	vst v14  }
0x134: {  	v8 =	vld [tilespmem:s18+$0x86D0];
	v15 =	vmul.f32 v37, v34;
	[tilespmem:s18+$0x8340] =	vst v12  }
0x135: {  	v55 =	vld [tilespmem:s18+$0x7F00];
	v63 =	vbroadcast v6, $0xB;
	v17 =	vmul.f32 v38, v43;
	[tilespmem:s18+$0x8350] =	vst v13  }
0x136: {  	v36 =	vld [tilespmem:s18+$0x8360];
	v18 =	vmul.f32 v39, v43;
	[tilespmem:s18+$0x8370] =	vst v15  }
0x137: {  	v40 =	vld [tilespmem:s18+$0x83A0];
	v27 =	vbroadcast v6, $0xF;
	v9 =	vmul.f32 v9, v63;
	[tilespmem:s18+$0x8380] =	vst v17  }
0x138: {  	v41 =	vld [tilespmem:s18+$0x83B0];
	v11 =	vmul.f32 v11, v63;
	[tilespmem:s18+$0x8390] =	vst v18  }
0x139: {  	v42 =	vld [tilespmem:s18+$0x83C0];
	v8 =	vmul.f32 v8, v27;
	[tilespmem:s18+$0x8480] =	vst v9  }
0x13a: {  	v45 =	vld [tilespmem:s18+$0x83E0];
	v24 =	vmul.f32 v7, v55;
	[tilespmem:s18+$0x8490] =	vst v11  }
0x13b: {  	v46 =	vld [tilespmem:s18+$0x83F0];
	v16 =	vmul.f32 v36, v34;
	[tilespmem:s18+$0x86D0] =	vst v8  }
0x13c: {  	v57 =	vld [tilespmem:s18+$0x7F40];
	v14 =	vmul.f32 v40, v43;
	[tilespmem:s18+$0x7F00] =	vst v24  }
0x13d: {  	v26 =	vld [tilespmem:s18+$0x84D0];
	v12 =	vmul.f32 v41, v43;
	[tilespmem:s18+$0x8360] =	vst v16  }
0x13e: {  	v30 =	vld [tilespmem:s18+$0x8500];
	v13 =	vmul.f32 v42, v43;
	[tilespmem:s18+$0x83A0] =	vst v14  }
0x13f: {  	v29 =	vld [tilespmem:s18+$0x84F0];
	v15 =	vmul.f32 v45, v43;
	[tilespmem:s18+$0x83B0] =	vst v12  }
0x140: {  	v44 =	vld [tilespmem:s18+$0x83D0];
	v17 =	vmul.f32 v46, v43;
	[tilespmem:s18+$0x83C0] =	vst v13  }
0x141: {  	v48 =	vld [tilespmem:s18+$0x8410];
	v35 =	vbroadcast v6, $0xC;
	v8 =	vmul.f32 v57, v7;
	[tilespmem:s18+$0x83E0] =	vst v15  }
0x142: {  	v49 =	vld [tilespmem:s18+$0x8420];
	v32 =	vmul.f32 v26, v63;
	[tilespmem:s18+$0x83F0] =	vst v17  }
0x143: {  	v50 =	vld [tilespmem:s18+$0x8430];
	v20 =	vmul.f32 v30, v35;
	[tilespmem:s18+$0x7F40] =	vst v8  }
0x144: {  	v54 =	vld [tilespmem:s18+$0x8460];
	v11 =	vmul.f32 v29, v63;
	[tilespmem:s18+$0x84D0] =	vst v32  }
0x145: {  	v56 =	vld [tilespmem:s18+$0x7F10];
	v16 =	vmul.f32 v44, v43;
	[tilespmem:s18+$0x8500] =	vst v20  }
0x146: {  	v59 =	vld [tilespmem:s18+$0x7F50];
	v14 =	vmul.f32 v48, v10;
	[tilespmem:s18+$0x84F0] =	vst v11  }
0x147: {  	v28 =	vld [tilespmem:s18+$0x84E0];
	v12 =	vmul.f32 v49, v10;
	[tilespmem:s18+$0x83D0] =	vst v16  }
0x148: {  	v38 =	vld [tilespmem:s18+$0x8570];
	v13 =	vmul.f32 v50, v10;
	[tilespmem:s18+$0x8410] =	vst v14  }
0x149: {  	v61 =	vld [tilespmem:s18+$0x84A0];
	v10 =	vmul.f32 v54, v10;
	[tilespmem:s18+$0x8420] =	vst v12  }
0x14a: {  	v62 =	vld [tilespmem:s18+$0x84B0];
	v17 =	vmul.f32 v56, v7;
	[tilespmem:s18+$0x8430] =	vst v13  }
0x14b: {  	v25 =	vld [tilespmem:s18+$0x84C0];
	v7 =	vmul.f32 v59, v7;
	[tilespmem:s18+$0x8460] =	vst v10  }
0x14c: {  	v31 =	vld [tilespmem:s18+$0x8510];
	v40 =	vmul.f32 v28, v63;
	[tilespmem:s18+$0x7F10] =	vst v17  }
0x14d: {  	v33 =	vld [tilespmem:s18+$0x8530];
	v20 =	vmul.f32 v38, v35;
	[tilespmem:s18+$0x7F50] =	vst v7  }
0x14e: {  	v60 =	vld [tilespmem:s18+$0x86E0];
	v12 =	vmul.f32 v61, v63;
	[tilespmem:s18+$0x84E0] =	vst v40  }
0x14f: {  	v34 =	vld [tilespmem:s18+$0x8540];
	v13 =	vmul.f32 v62, v63;
	[tilespmem:s18+$0x8570] =	vst v20  }
0x150: {  	v41 =	vld [tilespmem:s18+$0x85A0];
	v10 =	vmul.f32 v25, v63;
	[tilespmem:s18+$0x84A0] =	vst v12  }
0x151: {  	v46 =	vld [tilespmem:s18+$0x85E0];
	v14 =	vmul.f32 v31, v35;
	[tilespmem:s18+$0x84B0] =	vst v13  }
0x152: {  	v36 =	vld [tilespmem:s18+$0x8550];
	v62 =	vmul.f32 v33, v35;
	[tilespmem:s18+$0x84C0] =	vst v10  }
0x153: {  	v44 =	vbroadcast v6, $0xD;
	v7 =	vld [tilespmem:s18+$0x8590];
	v9 =	vmul.f32 v60, v27;
	[tilespmem:s18+$0x8510] =	vst v14  }
0x154: {  	v37 =	vld [tilespmem:s18+$0x8560];
	v17 =	vmul.f32 v34, v35;
	[tilespmem:s18+$0x8530] =	vst v62  }
0x155: {  	v39 =	vld [tilespmem:s18+$0x8580];
	v16 =	vmul.f32 v41, v44;
	[tilespmem:s18+$0x86E0] =	vst v9  }
0x156: {  	v42 =	vld [tilespmem:s18+$0x85B0];
	v51 =	vmul.f32 v46, v44;
	[tilespmem:s18+$0x8540] =	vst v17  }
0x157: {  	v48 =	vld [tilespmem:s18+$0x8610];
	v13 =	vmul.f32 v36, v35;
	[tilespmem:s18+$0x85A0] =	vst v16  }
0x158: {  	v49 =	vld [tilespmem:s18+$0x8620];
	[tilespmem:s18+$0x85E0] =	vst v51;
	v7 =	vmul.f32 v7, v44  }
0x159: {  	v50 =	vld [tilespmem:s18+$0x8630];
	v10 =	vmul.f32 v37, v35;
	[tilespmem:s18+$0x8550] =	vst v13  }
0x15a: {  	v6 =	vbroadcast v6, $0xE;
	v14 =	vmul.f32 v39, v44;
	[tilespmem:s18+$0x8590] =	vst v7;
	v7 =	vld [tilespmem:s18+$0x8600]  }
0x15b: {  	v45 =	vld [tilespmem:s18+$0x85D0];
	v17 =	vmul.f32 v42, v44;
	[tilespmem:s18+$0x8560] =	vst v10  }
0x15c: {  	v47 =	vld [tilespmem:s18+$0x85F0];
	v16 =	vmul.f32 v48, v6;
	[tilespmem:s18+$0x8580] =	vst v14  }
0x15d: {  	v43 =	vld [tilespmem:s18+$0x85C0];
	v15 =	vmul.f32 v49, v6;
	[tilespmem:s18+$0x85B0] =	vst v17  }
0x15e: {  	v55 =	vld [tilespmem:s18+$0x8680];
	v11 =	vmul.f32 v50, v6;
	[tilespmem:s18+$0x8610] =	vst v16  }
0x15f: {  	v57 =	vld [tilespmem:s18+$0x86A0];
	[tilespmem:s18+$0x8620] =	vst v15;
	v7 =	vmul.f32 v7, v6  }
0x160: {  	v61 =	vld [tilespmem:s18+$0x86F0];
	v10 =	vmul.f32 v45, v44;
	[tilespmem:s18+$0x8630] =	vst v11  }
0x161: {  	v14 =	vmul.f32 v47, v44;
	[tilespmem:s18+$0x8600] =	vst v7;
	v7 =	vld [tilespmem:s18+$0x8670]  }
0x162: {  	v52 =	vld [tilespmem:s18+$0x8640];
	v13 =	vmul.f32 v43, v44;
	[tilespmem:s18+$0x85D0] =	vst v10  }
0x163: {  	v56 =	vld [tilespmem:s18+$0x8690];
	v16 =	vmul.f32 v55, v27;
	[tilespmem:s18+$0x85F0] =	vst v14  }
0x164: {  	v54 =	vld [tilespmem:s18+$0x8660];
	v11 =	vmul.f32 v57, v27;
	[tilespmem:s18+$0x85C0] =	vst v13  }
0x165: {  	v58 =	vld [tilespmem:s18+$0x86B0];
	v63 =	vmul.f32 v61, v27;
	[tilespmem:s18+$0x8680] =	vst v16  }
0x166: {  	v53 =	vld [tilespmem:s18+$0x8650];
	[tilespmem:s18+$0x86A0] =	vst v11;
	v7 =	vmul.f32 v7, v6  }
0x167: {  	v59 =	vld [tilespmem:s18+$0x86C0];
	v10 =	vmul.f32 v52, v6;
	[tilespmem:s18+$0x86F0] =	vst v63  }
0x168: {  	[tilespmem:s18+$0x8670] =	vst v7;
	v7 =	vmul.f32 v56, v27  }
0x169: {  	v8 =	vld [tilespmem:s18+$0x8520];
	v14 =	vmul.f32 v54, v6;
	[tilespmem:s18+$0x8640] =	vst v10  }
0x16a: {  	[tilespmem:s18+$0x8690] =	vst v7;
	v7 =	vmul.f32 v58, v27  }
0x16b: {  	[tilespmem:s18+$0x8660] =	vst v14;
	v6 =	vmul.f32 v53, v6  }
0x16c: {  	[tilespmem:s18+$0x86B0] =	vst v7;
	v7 =	vmul.f32 v59, v27  }
0x16d: {  	[tilespmem:s18+$0x8650] =	vst v6  }
0x16e: {  	s19 =	simm.s32 $0x1;
	[tilespmem:s18+$0x86C0] =	vst v7;
	v7 =	vmul.f32 v8, v35  }
.LBB2_10:
0x16f: {  	s9 =	sshll.u32 s19, $0x4  }
0x170: {  	p0 =	sne.s32 s19, $0x3;
	[tilespmem:s18+$0x8520] =	vst v7;
	s18 =	smov.u32 s19;
	s19 =	sadd.s32 $0x1, s19  }
0x171: {  	s9 =	sand.u32 $0x3FFFFFF0, s9  }
0x172: {  	v6 =	vld [tilespmem:s9+$0x7E80];
	s9 =	sshll.u32 s18, $0xB  }
0x173: {  	s18 =	sand.u32 $0x3FFFF800, s9  }
0x174: {  	v13 =	vld [tilespmem:s18+$0x7FC0]  }
0x175: {  	v14 =	vld [tilespmem:s18+$0x7FD0]  }
0x176: {  	v15 =	vld [tilespmem:s18+$0x7FB0]  }
0x177: {  	v7 =	vbroadcast v6, $0x0;
	v8 =	vld [tilespmem:s18+$0x7F20];
	v12 =	vbroadcast v6, $0x4  }
0x178: {  	v10 =	vld [tilespmem:s18+$0x7F30]  }
0x179: {  	v11 =	vld [tilespmem:s18+$0x8470]  }
0x17a: {  	v16 =	vld [tilespmem:s18+$0x7F60]  }
0x17b: {  	v17 =	vld [tilespmem:s18+$0x7F70]  }
0x17c: {  	v9 =	vbroadcast v6, $0xA;
	v8 =	vmul.f32 v8, v7;
	v18 =	vld [tilespmem:s18+$0x7F80]  }
0x17d: {  	v10 =	vmul.f32 v10, v7;
	v19 =	vld [tilespmem:s18+$0x7F90]  }
0x17e: {  	[tilespmem:s18+$0x7F20] =	vst v8;
	v20 =	vld [tilespmem:s18+$0x7FA0];
	v8 =	vmul.f32 v11, v9  }
0x17f: {  	[tilespmem:s18+$0x7F30] =	vst v10;
	v11 =	vmul.f32 v16, v7;
	v16 =	vbroadcast v6, $0x1;
	v10 =	vld [tilespmem:s18+$0x8480]  }
0x180: {  	v17 =	vmul.f32 v17, v7;
	[tilespmem:s18+$0x8470] =	vst v8;
	v8 =	vld [tilespmem:s18+$0x86D0]  }
0x181: {  	[tilespmem:s18+$0x7F60] =	vst v11;
	v18 =	vmul.f32 v18, v16;
	v11 =	vld [tilespmem:s18+$0x8490]  }
0x182: {  	[tilespmem:s18+$0x7F70] =	vst v17;
	v17 =	vmul.f32 v19, v16;
	v19 =	vld [tilespmem:s18+$0x7FE0]  }
0x183: {  	[tilespmem:s18+$0x7F80] =	vst v18;
	v18 =	vmul.f32 v20, v16;
	v20 =	vld [tilespmem:s18+$0x7FF0]  }
0x184: {  	v15 =	vmul.f32 v15, v16;
	[tilespmem:s18+$0x7F90] =	vst v17;
	v17 =	vld [tilespmem:s18+$0x8000]  }
0x185: {  	v13 =	vmul.f32 v13, v16;
	[tilespmem:s18+$0x7FA0] =	vst v18;
	v18 =	vld [tilespmem:s18+$0x8010]  }
0x186: {  	v14 =	vmul.f32 v14, v16;
	[tilespmem:s18+$0x7FB0] =	vst v15;
	v15 =	vld [tilespmem:s18+$0x8020]  }
0x187: {  	[tilespmem:s18+$0x7FC0] =	vst v13;
	v13 =	vmul.f32 v19, v16;
	v19 =	vbroadcast v6, $0x2;
	v21 =	vld [tilespmem:s18+$0x8030]  }
0x188: {  	[tilespmem:s18+$0x7FD0] =	vst v14;
	v14 =	vmul.f32 v20, v16;
	v16 =	vld [tilespmem:s18+$0x8040]  }
0x189: {  	[tilespmem:s18+$0x7FE0] =	vst v13;
	v13 =	vmul.f32 v17, v19;
	v17 =	vld [tilespmem:s18+$0x8050]  }
0x18a: {  	[tilespmem:s18+$0x7FF0] =	vst v14;
	v14 =	vmul.f32 v18, v19;
	v18 =	vld [tilespmem:s18+$0x8060]  }
0x18b: {  	[tilespmem:s18+$0x8000] =	vst v13;
	v13 =	vmul.f32 v15, v19;
	v15 =	vld [tilespmem:s18+$0x8070]  }
0x18c: {  	[tilespmem:s18+$0x8010] =	vst v14;
	v14 =	vmul.f32 v21, v19;
	v20 =	vld [tilespmem:s18+$0x8080]  }
0x18d: {  	[tilespmem:s18+$0x8020] =	vst v13;
	v13 =	vmul.f32 v16, v19;
	v16 =	vld [tilespmem:s18+$0x8090]  }
0x18e: {  	[tilespmem:s18+$0x8030] =	vst v14;
	v14 =	vmul.f32 v17, v19;
	v17 =	vld [tilespmem:s18+$0x80A0]  }
0x18f: {  	[tilespmem:s18+$0x8040] =	vst v13;
	v13 =	vmul.f32 v18, v19;
	v18 =	vbroadcast v6, $0x3;
	v21 =	vld [tilespmem:s18+$0x80B0]  }
0x190: {  	[tilespmem:s18+$0x8050] =	vst v14;
	v14 =	vmul.f32 v15, v19;
	v15 =	vld [tilespmem:s18+$0x80C0]  }
0x191: {  	[tilespmem:s18+$0x8060] =	vst v13;
	v13 =	vmul.f32 v20, v18;
	v19 =	vld [tilespmem:s18+$0x80D0]  }
0x192: {  	[tilespmem:s18+$0x8070] =	vst v14;
	v14 =	vmul.f32 v16, v18;
	v16 =	vld [tilespmem:s18+$0x80E0]  }
0x193: {  	[tilespmem:s18+$0x8080] =	vst v13;
	v13 =	vmul.f32 v17, v18;
	v17 =	vld [tilespmem:s18+$0x80F0]  }
0x194: {  	[tilespmem:s18+$0x8090] =	vst v14;
	v14 =	vmul.f32 v21, v18;
	v20 =	vld [tilespmem:s18+$0x8100]  }
0x195: {  	[tilespmem:s18+$0x80A0] =	vst v13;
	v13 =	vmul.f32 v15, v18;
	v15 =	vld [tilespmem:s18+$0x8110]  }
0x196: {  	[tilespmem:s18+$0x80B0] =	vst v14;
	v14 =	vmul.f32 v19, v18;
	v19 =	vld [tilespmem:s18+$0x8120]  }
0x197: {  	[tilespmem:s18+$0x80C0] =	vst v13;
	v13 =	vmul.f32 v16, v18;
	v16 =	vld [tilespmem:s18+$0x8130]  }
0x198: {  	[tilespmem:s18+$0x80D0] =	vst v14;
	v14 =	vmul.f32 v17, v18;
	v17 =	vld [tilespmem:s18+$0x8140]  }
0x199: {  	[tilespmem:s18+$0x80E0] =	vst v13;
	v13 =	vmul.f32 v20, v12;
	v18 =	vld [tilespmem:s18+$0x8150]  }
0x19a: {  	[tilespmem:s18+$0x80F0] =	vst v14;
	v14 =	vmul.f32 v15, v12;
	v15 =	vld [tilespmem:s18+$0x8160]  }
0x19b: {  	[tilespmem:s18+$0x8100] =	vst v13;
	v13 =	vmul.f32 v19, v12;
	v19 =	vld [tilespmem:s18+$0x8170]  }
0x19c: {  	[tilespmem:s18+$0x8110] =	vst v14;
	v14 =	vmul.f32 v16, v12;
	v16 =	vld [tilespmem:s18+$0x8180]  }
0x19d: {  	[tilespmem:s18+$0x8120] =	vst v13;
	v13 =	vmul.f32 v17, v12;
	v17 =	vld [tilespmem:s18+$0x8190]  }
0x19e: {  	[tilespmem:s18+$0x8130] =	vst v14;
	v14 =	vmul.f32 v18, v12;
	v18 =	vld [tilespmem:s18+$0x81A0]  }
0x19f: {  	[tilespmem:s18+$0x8140] =	vst v13;
	v13 =	vmul.f32 v15, v12;
	v15 =	vbroadcast v6, $0x5;
	v20 =	vld [tilespmem:s18+$0x81B0]  }
0x1a0: {  	[tilespmem:s18+$0x8150] =	vst v14;
	v12 =	vmul.f32 v19, v12;
	v14 =	vld [tilespmem:s18+$0x81C0]  }
0x1a1: {  	[tilespmem:s18+$0x8160] =	vst v13;
	v13 =	vmul.f32 v16, v15;
	v16 =	vld [tilespmem:s18+$0x81D0]  }
0x1a2: {  	[tilespmem:s18+$0x8170] =	vst v12;
	v12 =	vmul.f32 v17, v15;
	v17 =	vld [tilespmem:s18+$0x81E0]  }
0x1a3: {  	[tilespmem:s18+$0x8180] =	vst v13;
	v13 =	vmul.f32 v18, v15;
	v18 =	vld [tilespmem:s18+$0x81F0]  }
0x1a4: {  	[tilespmem:s18+$0x8190] =	vst v12;
	v12 =	vmul.f32 v20, v15;
	v19 =	vld [tilespmem:s18+$0x8200]  }
0x1a5: {  	[tilespmem:s18+$0x81A0] =	vst v13;
	v13 =	vmul.f32 v14, v15;
	v14 =	vld [tilespmem:s18+$0x8210]  }
0x1a6: {  	[tilespmem:s18+$0x81B0] =	vst v12;
	v12 =	vmul.f32 v16, v15;
	v16 =	vld [tilespmem:s18+$0x8220]  }
0x1a7: {  	[tilespmem:s18+$0x81C0] =	vst v13;
	v13 =	vmul.f32 v17, v15;
	v17 =	vbroadcast v6, $0x6;
	v20 =	vld [tilespmem:s18+$0x8230]  }
0x1a8: {  	[tilespmem:s18+$0x81D0] =	vst v12;
	v12 =	vmul.f32 v18, v15;
	v15 =	vld [tilespmem:s18+$0x8240]  }
0x1a9: {  	[tilespmem:s18+$0x81E0] =	vst v13;
	v13 =	vmul.f32 v19, v17;
	v18 =	vld [tilespmem:s18+$0x8250]  }
0x1aa: {  	[tilespmem:s18+$0x81F0] =	vst v12;
	v12 =	vmul.f32 v14, v17;
	v14 =	vld [tilespmem:s18+$0x8260]  }
0x1ab: {  	[tilespmem:s18+$0x8200] =	vst v13;
	v13 =	vmul.f32 v16, v17;
	v16 =	vld [tilespmem:s18+$0x8270]  }
0x1ac: {  	[tilespmem:s18+$0x8210] =	vst v12;
	v12 =	vmul.f32 v20, v17;
	v19 =	vld [tilespmem:s18+$0x8280]  }
0x1ad: {  	[tilespmem:s18+$0x8220] =	vst v13;
	v13 =	vmul.f32 v15, v17;
	v15 =	vld [tilespmem:s18+$0x8290]  }
0x1ae: {  	[tilespmem:s18+$0x8230] =	vst v12;
	v12 =	vmul.f32 v18, v17;
	v18 =	vld [tilespmem:s18+$0x82A0]  }
0x1af: {  	[tilespmem:s18+$0x8240] =	vst v13;
	v13 =	vmul.f32 v14, v17;
	v14 =	vbroadcast v6, $0x7;
	v20 =	vld [tilespmem:s18+$0x82B0]  }
0x1b0: {  	[tilespmem:s18+$0x8250] =	vst v12;
	v12 =	vmul.f32 v16, v17;
	v16 =	vld [tilespmem:s18+$0x82C0]  }
0x1b1: {  	[tilespmem:s18+$0x8260] =	vst v13;
	v13 =	vmul.f32 v19, v14;
	v17 =	vld [tilespmem:s18+$0x82D0]  }
0x1b2: {  	[tilespmem:s18+$0x8270] =	vst v12;
	v12 =	vmul.f32 v15, v14;
	v15 =	vld [tilespmem:s18+$0x82E0]  }
0x1b3: {  	[tilespmem:s18+$0x8280] =	vst v13;
	v13 =	vmul.f32 v18, v14;
	v18 =	vld [tilespmem:s18+$0x82F0]  }
0x1b4: {  	[tilespmem:s18+$0x8290] =	vst v12;
	v12 =	vmul.f32 v20, v14;
	v19 =	vld [tilespmem:s18+$0x8300]  }
0x1b5: {  	[tilespmem:s18+$0x82A0] =	vst v13;
	v13 =	vmul.f32 v16, v14;
	v16 =	vld [tilespmem:s18+$0x8310]  }
0x1b6: {  	[tilespmem:s18+$0x82B0] =	vst v12;
	v12 =	vmul.f32 v17, v14;
	v17 =	vld [tilespmem:s18+$0x8320]  }
0x1b7: {  	[tilespmem:s18+$0x82C0] =	vst v13;
	v13 =	vmul.f32 v15, v14;
	v15 =	vbroadcast v6, $0x8;
	v20 =	vld [tilespmem:s18+$0x8330]  }
0x1b8: {  	[tilespmem:s18+$0x82D0] =	vst v12;
	v12 =	vmul.f32 v18, v14;
	v14 =	vld [tilespmem:s18+$0x8340]  }
0x1b9: {  	[tilespmem:s18+$0x82E0] =	vst v13;
	v13 =	vmul.f32 v19, v15;
	v18 =	vld [tilespmem:s18+$0x8350]  }
0x1ba: {  	[tilespmem:s18+$0x82F0] =	vst v12;
	v12 =	vmul.f32 v16, v15;
	v16 =	vld [tilespmem:s18+$0x8360]  }
0x1bb: {  	[tilespmem:s18+$0x8300] =	vst v13;
	v13 =	vmul.f32 v17, v15;
	v17 =	vld [tilespmem:s18+$0x8370]  }
0x1bc: {  	[tilespmem:s18+$0x8310] =	vst v12;
	v12 =	vmul.f32 v20, v15;
	v19 =	vld [tilespmem:s18+$0x8380]  }
0x1bd: {  	[tilespmem:s18+$0x8320] =	vst v13;
	v13 =	vmul.f32 v14, v15;
	v14 =	vld [tilespmem:s18+$0x8390]  }
0x1be: {  	[tilespmem:s18+$0x8330] =	vst v12;
	v12 =	vmul.f32 v18, v15;
	v18 =	vld [tilespmem:s18+$0x83A0]  }
0x1bf: {  	[tilespmem:s18+$0x8340] =	vst v13;
	v13 =	vmul.f32 v16, v15;
	v16 =	vbroadcast v6, $0x9;
	v20 =	vld [tilespmem:s18+$0x83B0]  }
0x1c0: {  	[tilespmem:s18+$0x8350] =	vst v12;
	v12 =	vmul.f32 v17, v15;
	v15 =	vld [tilespmem:s18+$0x83C0]  }
0x1c1: {  	[tilespmem:s18+$0x8360] =	vst v13;
	v13 =	vmul.f32 v19, v16;
	v17 =	vld [tilespmem:s18+$0x83D0]  }
0x1c2: {  	[tilespmem:s18+$0x8370] =	vst v12;
	v12 =	vmul.f32 v14, v16;
	v14 =	vld [tilespmem:s18+$0x83E0]  }
0x1c3: {  	[tilespmem:s18+$0x8380] =	vst v13;
	v13 =	vmul.f32 v18, v16;
	v18 =	vld [tilespmem:s18+$0x83F0]  }
0x1c4: {  	[tilespmem:s18+$0x8390] =	vst v12;
	v12 =	vmul.f32 v20, v16;
	v19 =	vld [tilespmem:s18+$0x8400]  }
0x1c5: {  	[tilespmem:s18+$0x83A0] =	vst v13;
	v13 =	vmul.f32 v15, v16;
	v15 =	vld [tilespmem:s18+$0x8410]  }
0x1c6: {  	[tilespmem:s18+$0x83B0] =	vst v12;
	v12 =	vmul.f32 v17, v16;
	v17 =	vld [tilespmem:s18+$0x8420]  }
0x1c7: {  	[tilespmem:s18+$0x83C0] =	vst v13;
	v13 =	vmul.f32 v14, v16;
	v14 =	vld [tilespmem:s18+$0x8430]  }
0x1c8: {  	[tilespmem:s18+$0x83D0] =	vst v12;
	v12 =	vmul.f32 v18, v16;
	v16 =	vld [tilespmem:s18+$0x8440]  }
0x1c9: {  	[tilespmem:s18+$0x83E0] =	vst v13;
	v13 =	vmul.f32 v19, v9;
	v18 =	vld [tilespmem:s18+$0x8450]  }
0x1ca: {  	[tilespmem:s18+$0x83F0] =	vst v12;
	v12 =	vmul.f32 v15, v9;
	v15 =	vld [tilespmem:s18+$0x8460]  }
0x1cb: {  	v19 =	vld [tilespmem:s18+$0x7F00];
	[tilespmem:s18+$0x8400] =	vst v13;
	v13 =	vmul.f32 v17, v9  }
0x1cc: {  	v17 =	vld [tilespmem:s18+$0x7F10];
	[tilespmem:s18+$0x8410] =	vst v12;
	v12 =	vmul.f32 v14, v9  }
0x1cd: {  	v14 =	vld [tilespmem:s18+$0x7F40];
	[tilespmem:s18+$0x8420] =	vst v13;
	v13 =	vmul.f32 v16, v9  }
0x1ce: {  	v16 =	vld [tilespmem:s18+$0x7F50];
	[tilespmem:s18+$0x8430] =	vst v12;
	v12 =	vmul.f32 v18, v9  }
0x1cf: {  	[tilespmem:s18+$0x8440] =	vst v13;
	v13 =	vmul.f32 v15, v9;
	v15 =	vbroadcast v6, $0xB;
	v18 =	vld [tilespmem:s18+$0x84A0]  }
0x1d0: {  	v9 =	vbroadcast v6, $0xF;
	v19 =	vmul.f32 v7, v19;
	[tilespmem:s18+$0x8450] =	vst v12;
	v12 =	vld [tilespmem:s18+$0x84B0]  }
0x1d1: {  	v17 =	vmul.f32 v17, v7;
	[tilespmem:s18+$0x8460] =	vst v13;
	v10 =	vmul.f32 v10, v15;
	v13 =	vld [tilespmem:s18+$0x84C0]  }
0x1d2: {  	v11 =	vmul.f32 v11, v15;
	[tilespmem:s18+$0x7F00] =	vst v19;
	v14 =	vmul.f32 v14, v7;
	v19 =	vld [tilespmem:s18+$0x84D0]  }
0x1d3: {  	v8 =	vmul.f32 v8, v9;
	v16 =	vmul.f32 v16, v7;
	[tilespmem:s18+$0x8480] =	vst v10;
	v7 =	vld [tilespmem:s18+$0x84E0]  }
0x1d4: {  	[tilespmem:s18+$0x8490] =	vst v11;
	v10 =	vmul.f32 v18, v15;
	v11 =	vld [tilespmem:s18+$0x84F0]  }
0x1d5: {  	v12 =	vmul.f32 v12, v15;
	v18 =	vld [tilespmem:s18+$0x8500];
	[tilespmem:s18+$0x86D0] =	vst v8  }
0x1d6: {  	[tilespmem:s18+$0x7F10] =	vst v17;
	v8 =	vmul.f32 v13, v15;
	v13 =	vld [tilespmem:s18+$0x8510]  }
0x1d7: {  	[tilespmem:s18+$0x7F40] =	vst v14;
	v14 =	vmul.f32 v19, v15;
	v17 =	vld [tilespmem:s18+$0x8520]  }
0x1d8: {  	v19 =	vbroadcast v6, $0xC;
	[tilespmem:s18+$0x84A0] =	vst v10;
	v10 =	vmul.f32 v7, v15;
	v20 =	vld [tilespmem:s18+$0x8530]  }
0x1d9: {  	[tilespmem:s18+$0x84D0] =	vst v14;
	v11 =	vmul.f32 v11, v15;
	v14 =	vld [tilespmem:s18+$0x8540]  }
0x1da: {  	[tilespmem:s18+$0x84B0] =	vst v12;
	v7 =	vmul.f32 v18, v19;
	v12 =	vld [tilespmem:s18+$0x8550]  }
0x1db: {  	[tilespmem:s18+$0x84C0] =	vst v8;
	v8 =	vmul.f32 v13, v19;
	v13 =	vld [tilespmem:s18+$0x8560]  }
0x1dc: {  	[tilespmem:s18+$0x8500] =	vst v7;
	v7 =	vmul.f32 v17, v19;
	v15 =	vld [tilespmem:s18+$0x8570]  }
0x1dd: {  	[tilespmem:s18+$0x8510] =	vst v8;
	v8 =	vld [tilespmem:s18+$0x8580]  }
0x1de: {  	[tilespmem:s18+$0x7F50] =	vst v16;
	v14 =	vmul.f32 v14, v19;
	v16 =	vld [tilespmem:s18+$0x8590]  }
0x1df: {  	[tilespmem:s18+$0x84E0] =	vst v10;
	v10 =	vmul.f32 v12, v19;
	v12 =	vld [tilespmem:s18+$0x85A0]  }
0x1e0: {  	[tilespmem:s18+$0x8540] =	vst v14;
	v13 =	vmul.f32 v13, v19;
	v14 =	vbroadcast v6, $0xD;
	v17 =	vld [tilespmem:s18+$0x85B0]  }
0x1e1: {  	[tilespmem:s18+$0x8550] =	vst v10;
	v10 =	vmul.f32 v15, v19;
	v15 =	vld [tilespmem:s18+$0x85C0]  }
0x1e2: {  	[tilespmem:s18+$0x8560] =	vst v13;
	v8 =	vmul.f32 v8, v14;
	v13 =	vld [tilespmem:s18+$0x85D0]  }
0x1e3: {  	[tilespmem:s18+$0x8570] =	vst v10;
	v10 =	vmul.f32 v16, v14;
	v16 =	vld [tilespmem:s18+$0x85E0]  }
0x1e4: {  	[tilespmem:s18+$0x8580] =	vst v8;
	v8 =	vmul.f32 v12, v14;
	v12 =	vld [tilespmem:s18+$0x85F0]  }
0x1e5: {  	[tilespmem:s18+$0x8590] =	vst v10;
	v10 =	vmul.f32 v17, v14;
	v17 =	vld [tilespmem:s18+$0x8600]  }
0x1e6: {  	[tilespmem:s18+$0x85A0] =	vst v8;
	v8 =	vmul.f32 v15, v14;
	v15 =	vld [tilespmem:s18+$0x8610]  }
0x1e7: {  	[tilespmem:s18+$0x85B0] =	vst v10;
	v10 =	vmul.f32 v13, v14;
	v13 =	vld [tilespmem:s18+$0x8620]  }
0x1e8: {  	v6 =	vbroadcast v6, $0xE;
	[tilespmem:s18+$0x84F0] =	vst v11;
	v11 =	vmul.f32 v16, v14;
	v16 =	vld [tilespmem:s18+$0x8630]  }
0x1e9: {  	[tilespmem:s18+$0x85D0] =	vst v10;
	v10 =	vmul.f32 v12, v14;
	v12 =	vld [tilespmem:s18+$0x8640]  }
0x1ea: {  	[tilespmem:s18+$0x85E0] =	vst v11;
	v11 =	vmul.f32 v17, v6;
	v14 =	vld [tilespmem:s18+$0x8650]  }
0x1eb: {  	[tilespmem:s18+$0x85F0] =	vst v10;
	v10 =	vmul.f32 v15, v6;
	v15 =	vld [tilespmem:s18+$0x8660]  }
0x1ec: {  	[tilespmem:s18+$0x8600] =	vst v11;
	v11 =	vmul.f32 v13, v6;
	v13 =	vld [tilespmem:s18+$0x8670]  }
0x1ed: {  	[tilespmem:s18+$0x8610] =	vst v10;
	v10 =	vmul.f32 v16, v6;
	v16 =	vld [tilespmem:s18+$0x8680]  }
0x1ee: {  	[tilespmem:s18+$0x8620] =	vst v11;
	v11 =	vmul.f32 v12, v6;
	v12 =	vld [tilespmem:s18+$0x8690]  }
0x1ef: {  	[tilespmem:s18+$0x8630] =	vst v10;
	v10 =	vmul.f32 v14, v6;
	v14 =	vld [tilespmem:s18+$0x86A0]  }
0x1f0: {  	[tilespmem:s18+$0x8640] =	vst v11;
	v11 =	vmul.f32 v15, v6;
	v15 =	vld [tilespmem:s18+$0x86B0]  }
0x1f1: {  	[tilespmem:s18+$0x85C0] =	vst v8;
	v6 =	vmul.f32 v13, v6;
	v8 =	vld [tilespmem:s18+$0x86C0]  }
0x1f2: {  	[tilespmem:s18+$0x8660] =	vst v11;
	v11 =	vmul.f32 v16, v9;
	v13 =	vld [tilespmem:s18+$0x86E0]  }
0x1f3: {  	[tilespmem:s18+$0x8670] =	vst v6;
	v6 =	vmul.f32 v12, v9;
	v12 =	vld [tilespmem:s18+$0x86F0]  }
0x1f4: {  	[tilespmem:s18+$0x8680] =	vst v11;
	v11 =	vmul.f32 v14, v9  }
0x1f5: {  	[tilespmem:s18+$0x8690] =	vst v6;
	v6 =	vmul.f32 v15, v9  }
0x1f6: {  	v14 =	vmul.f32 v20, v19;
	[tilespmem:s18+$0x86A0] =	vst v11  }
0x1f7: {  	[tilespmem:s18+$0x86B0] =	vst v6;
	v6 =	vmul.f32 v8, v9  }
.Ltmp3:
0x1f8: {  	[tilespmem:s18+$0x8530] =	vst v14;
	v8 =	vmul.f32 v12, v9;
	(pc) =	sbr.rel @p0 .LBB2_10-.Ltmp3, $4  }
0x1f9: {  	[tilespmem:s18+$0x86C0] =	vst v6  }
0x1fa: {  	v6 =	vmul.f32 v13, v9;
	[tilespmem:s18+$0x86F0] =	vst v8  }
0x1fb: {  	[tilespmem:s18+$0x8650] =	vst v10  }
0x1fc: {  	[tilespmem:s18+$0x86E0] =	vst v6  }
0x1fd: {  	[tilespmem:s18+$0x8520] =	vst v7;
	s9 =	sadd.s32 $0x7A80, s22;
	v6 =	vmov s16  }
0x1fe: {  	v7 =	vmov s17;
	[spmem:s2] =	stream.indirect.scatter.add.f32 [tilespmem:s28], [sflag:$0x3], $0x80, s9, s29, $0xb8;
	[tilespmem:$0x1FB00] =	vst v63  }
0x1ff: {  	_ =	swait.ge [sflag:s25], $0x2000  }
0x200: {  	[sflag:s25] =	ssyncset.done $0x0  }
0x201: {  	s22 =	simm.s32 $0x0;
	[sflag:s25] =	ssyncadd.s32 $0xFFFFE000  }
0x202: {  	v8 =	vld.idx.msk [tilespmem:v6+s22+$0x0 ss:$0x1], $0xffff  }
0x203: {  	v9 =	vld.idx.msk [tilespmem:v7+s22+$0x0 ss:$0x1], $0xffff;
	_ =	sdelay $0x6  }
0x204: {  	v8 =	vld.idx.msk [tilespmem:v8+s3+$0x0], $0xffff  }
0x205: {  	v10 =	vld.idx.msk [tilespmem:v9+s26+$0x0], $0xffff;
	_ =	sdelay $0x4  }
0x206: {  	v8 =	vadd.f32 v10, v8;
	_ =	sdelay $0x1  }
0x207: {  	v10 =	vmul.f32 $2.000000030e-01, v8  }
0x208: {  	vm5 =	vgt.f32 v8, $0.0e+00  }
0x209: {  	v8 =	vsel vm5, v8, v10  }
0x20a: {  	v8 =	vmul.f32 $1.442695020e+00, v8;
	_ =	sdelay $0x1  }
0x20b: {  	(erf) = vpow2.f32 v8;
	_ =	sdelay $0x8  }
0x20c: {  	p0 =	slt.u32 s24, $0x50910;
	v8 =	vpop (erf)  }
0x20d: {  	v9 =	vxor.u32 $0x80000000, v9;
	v8 =	vpsel !p0, $0x0, v8  }
0x20e: {  	(xrf1) =	vsort.ascd.msk.u32 $0xffff, v9, v8;
	_ =	sdelay $0xd  }
0x20f: {  	v9, v10, _ =	vpop (xrf1)  }
0x210: {  	v9 =	vxor.u32 $0x80000000, v9  }
0x211: {  	v11 =	vperm.xlane v9, v0;
	_ =	sdelay $0x1  }
0x212: {  	vm5 =	veq.s32 v11, v9;
	v11 =	vperm.xlane v10, v0  }
0x213: {  	vm5 =	vmand vm5, vm0  }
0x214: {  	v11 =	vnsel vm5, $0x0, v11  }
0x215: {  	v10 =	vadd.f32 v11, v10;
	v11 =	vperm.xlane v9, v1;
	_ =	sdelay $0x1  }
0x216: {  	vm5 =	veq.s32 v11, v9;
	v11 =	vperm.xlane v10, v1  }
0x217: {  	vm5 =	vmand vm5, vm1  }
0x218: {  	v11 =	vnsel vm5, $0x0, v11  }
0x219: {  	v10 =	vadd.f32 v10, v11;
	v11 =	vperm.xlane v9, v2;
	_ =	sdelay $0x1  }
0x21a: {  	vm5 =	veq.s32 v11, v9;
	v11 =	vperm.xlane v10, v2  }
0x21b: {  	v12 =	vperm.xlane v9, v5;
	vm5 =	vmand vm5, vm2  }
0x21c: {  	v11 =	vnsel vm5, $0x0, v11  }
0x21d: {  	vm5 =	vne.s32 v12, v9;
	v10 =	vadd.f32 v10, v11;
	v11 =	vperm.xlane v9, v3  }
0x21e: {  	vm5 =	vmor vm5, vm4  }
0x21f: {  	vm6 =	veq.s32 v11, v9;
	v11 =	vperm.xlane v10, v3  }
0x220: {  	vm6 =	vmand vm6, vm3  }
0x221: {  	v11 =	vnsel vm6, $0x0, v11  }
0x222: {  	v10 =	vadd.f32 v10, v11  }
0x223: {  	[tilespmem:s22+$0x7E80] =	vst v8  }
0x224: {  	s18 =	simm.s32 $0x10;
	[tilespmem:v9+s31+$0x0] =	vst.idx.add.f32.msk vm5, v10  }
0x225: {  	s19 =	smov.u32 s24;
	s9 =	simm.s32 $0x80;
	v8 =	vld.idx.msk [tilespmem:v6+s18+$0x0 ss:$0x1], $0xffff  }
.LBB2_12:
0x226: {  	p0 =	sne.s32 s9, $0xC0;
	v9 =	vld.idx.msk [tilespmem:v7+s18+$0x0 ss:$0x1], $0xffff;
	_ =	sdelay $0x6  }
0x227: {  	v8 =	vld.idx.msk [tilespmem:v8+s3+$0x0], $0xffff  }
0x228: {  	v10 =	vld.idx.msk [tilespmem:v9+s26+$0x0], $0xffff;
	_ =	sdelay $0x5  }
0x229: {  	v8 =	vadd.f32 v10, v8;
	_ =	sdelay $0x1  }
0x22a: {  	v10 =	vmul.f32 $2.000000030e-01, v8  }
0x22b: {  	vm5 =	vgt.f32 v8, $0.0e+00  }
0x22c: {  	v8 =	vsel vm5, v8, v10  }
0x22d: {  	v8 =	vmul.f32 $1.442695020e+00, v8;
	_ =	sdelay $0x1  }
0x22e: {  	(erf) = vpow2.f32 v8;
	_ =	sdelay $0x7  }
0x22f: {  	s19 =	sadd.s32 $0x10, s19  }
0x230: {  	p1 =	slt.u32 s19, $0x50910;
	v8 =	vpop (erf)  }
0x231: {  	v9 =	vxor.u32 $0x80000000, v9;
	v8 =	vpsel !p1, $0x0, v8  }
0x232: {  	(xrf1) =	vsort.ascd.msk.u32 $0xffff, v9, v8;
	_ =	sdelay $0xd  }
0x233: {  	v9, v10, _ =	vpop (xrf1)  }
0x234: {  	v9 =	vxor.u32 $0x80000000, v9  }
0x235: {  	v11 =	vperm.xlane v9, v0;
	_ =	sdelay $0x1  }
0x236: {  	vm5 =	veq.s32 v11, v9;
	v11 =	vperm.xlane v10, v0  }
0x237: {  	vm5 =	vmand vm5, vm0  }
0x238: {  	v11 =	vnsel vm5, $0x0, v11  }
0x239: {  	v10 =	vadd.f32 v11, v10;
	v11 =	vperm.xlane v9, v1;
	_ =	sdelay $0x1  }
0x23a: {  	vm5 =	veq.s32 v11, v9;
	v11 =	vperm.xlane v10, v1  }
0x23b: {  	vm5 =	vmand vm5, vm1  }
0x23c: {  	v11 =	vnsel vm5, $0x0, v11  }
0x23d: {  	v10 =	vadd.f32 v10, v11;
	v11 =	vperm.xlane v9, v2;
	_ =	sdelay $0x1  }
0x23e: {  	vm5 =	veq.s32 v11, v9;
	v11 =	vperm.xlane v10, v2  }
0x23f: {  	v12 =	vperm.xlane v9, v5;
	vm5 =	vmand vm5, vm2  }
0x240: {  	v11 =	vnsel vm5, $0x0, v11  }
0x241: {  	vm5 =	vne.s32 v12, v9;
	v10 =	vadd.f32 v10, v11;
	v11 =	vperm.xlane v9, v3  }
0x242: {  	vm5 =	vmor vm5, vm4  }
0x243: {  	vm6 =	veq.s32 v11, v9;
	v11 =	vperm.xlane v10, v3  }
0x244: {  	vm6 =	vmand vm6, vm3  }
.Ltmp4:
0x245: {  	v11 =	vnsel vm6, $0x0, v11;
	(pc) =	sbr.rel @p0 .LBB2_12-.Ltmp4, $4  }
0x246: {  	v10 =	vadd.f32 v10, v11  }
0x247: {  	[tilespmem:s18+$0x7E80] =	vst v8  }
0x248: {  	s18 =	sshra.s32 s9, $0x2;
	[tilespmem:v9+s31+$0x0] =	vst.idx.add.f32.msk vm5, v10  }
0x249: {  	s9 =	sadd.s32 $0x40, s9;
	v8 =	vld.idx.msk [tilespmem:v6+s18+$0x0 ss:$0x1], $0xffff  }
0x24a: {  	_ =	sdelay $0x3  }
0x24b: {  	v6 =	vld.idx.msk [tilespmem:v7+s18+$0x0 ss:$0x1], $0xffff;
	_ =	sdelay $0x6  }
0x24c: {  	v7 =	vld.idx.msk [tilespmem:v8+s3+$0x0], $0xffff  }
0x24d: {  	v8 =	vld.idx.msk [tilespmem:v6+s26+$0x0], $0xffff;
	_ =	sdelay $0x4  }
0x24e: {  	v7 =	vadd.f32 v8, v7;
	_ =	sdelay $0x1  }
0x24f: {  	v8 =	vmul.f32 $2.000000030e-01, v7  }
0x250: {  	vm5 =	vgt.f32 v7, $0.0e+00  }
0x251: {  	v7 =	vsel vm5, v7, v8  }
0x252: {  	v7 =	vmul.f32 $1.442695020e+00, v7;
	_ =	sdelay $0x1  }
0x253: {  	(erf) = vpow2.f32 v7;
	_ =	sdelay $0x7  }
0x254: {  	s9 =	sadd.s32 $0x10, s19  }
0x255: {  	p0 =	slt.u32 s9, $0x50910;
	v7 =	vpop (erf)  }
0x256: {  	v6 =	vxor.u32 $0x80000000, v6;
	v7 =	vpsel !p0, $0x0, v7  }
0x257: {  	(xrf1) =	vsort.ascd.msk.u32 $0xffff, v6, v7;
	_ =	sdelay $0xd  }
0x258: {  	v6, v8, _ =	vpop (xrf1)  }
0x259: {  	v6 =	vxor.u32 $0x80000000, v6  }
0x25a: {  	v9 =	vperm.xlane v6, v0;
	_ =	sdelay $0x1  }
0x25b: {  	v47 =	vperm.xlane v8, v0;
	vm5 =	veq.s32 v9, v6  }
0x25c: {  	vm5 =	vmand vm5, vm0  }
0x25d: {  	v9 =	vnsel vm5, $0x0, v47  }
0x25e: {  	v48 =	vperm.xlane v6, v1;
	v8 =	vadd.f32 v9, v8;
	_ =	sdelay $0x1  }
0x25f: {  	vm5 =	veq.s32 v48, v6;
	v49 =	vperm.xlane v8, v1  }
0x260: {  	vm5 =	vmand vm5, vm1  }
0x261: {  	v9 =	vnsel vm5, $0x0, v49  }
0x262: {  	v50 =	vperm.xlane v6, v2;
	v8 =	vadd.f32 v8, v9;
	_ =	sdelay $0x1  }
0x263: {  	vm5 =	veq.s32 v50, v6;
	v51 =	vperm.xlane v8, v2  }
0x264: {  	v10 =	vperm.xlane v6, v5;
	vm5 =	vmand vm5, vm2  }
0x265: {  	v9 =	vnsel vm5, $0x0, v51  }
0x266: {  	v52 =	vperm.xlane v6, v3;
	vm5 =	vne.s32 v10, v6;
	v8 =	vadd.f32 v8, v9  }
0x267: {  	vm5 =	vmor vm5, vm4  }
0x268: {  	vm6 =	veq.s32 v52, v6;
	v53 =	vperm.xlane v8, v3  }
0x269: {  	vm6 =	vmand vm6, vm3  }
0x26a: {  	v9 =	vnsel vm6, $0x0, v53  }
0x26b: {  	v8 =	vadd.f32 v8, v9  }
0x26c: {  	[tilespmem:s18+$0x7E80] =	vst v7  }
0x26d: {  	[tilespmem:v6+s31+$0x0] =	vst.idx.add.f32.msk vm5, v8  }
0x26e: {  	_ =	swait.ge [sflag:s4], $0x2000  }
0x26f: {  	s19 =	simm.s32 $0x0;
	[sflag:s4] =	ssyncset.done $0x0  }
0x270: {  	s9 =	sand.u32 $0x3FFFFFF0, s19;
	[sflag:s4] =	ssyncadd.s32 $0xFFFFE000  }
0x271: {  	s22 =	simm.s32 $0x0;
	v6 =	vld [tilespmem:s9+$0x7E80]  }
0x272: {  	s18 =	sand.u32 $0x3FFFF800, s22  }
0x273: {  	v8 =	vld [tilespmem:s18+$0x9F20]  }
0x274: {  	v54 =	vld [tilespmem:s18+$0x9F30]  }
0x275: {  	v15 =	vld [tilespmem:s18+$0x9F60]  }
0x276: {  	v16 =	vld [tilespmem:s18+$0x9F70];
	v7 =	vbroadcast v6, $0x0  }
0x277: {  	v17 =	vld [tilespmem:s18+$0x9F80]  }
0x278: {  	v18 =	vld [tilespmem:s18+$0x9F90];
	v8 =	vmul.f32 v8, v7  }
0x279: {  	v19 =	vld [tilespmem:s18+$0x9FA0];
	v9 =	vmul.f32 v54, v7  }
0x27a: {  	v14 =	vld [tilespmem:s18+$0x9FB0];
	v56 =	vbroadcast v6, $0x1;
	v55 =	vmul.f32 v15, v7;
	[tilespmem:s18+$0x9F20] =	vst v8  }
0x27b: {  	v12 =	vld [tilespmem:s18+$0x9FC0];
	v16 =	vmul.f32 v16, v7;
	[tilespmem:s18+$0x9F30] =	vst v9  }
0x27c: {  	v13 =	vld [tilespmem:s18+$0x9FD0];
	v17 =	vmul.f32 v17, v56;
	[tilespmem:s18+$0x9F60] =	vst v55  }
0x27d: {  	v58 =	vld [tilespmem:s18+$0x9FF0];
	v18 =	vmul.f32 v18, v56;
	[tilespmem:s18+$0x9F70] =	vst v16  }
0x27e: {  	v59 =	vld [tilespmem:s18+$0xA000];
	v19 =	vmul.f32 v19, v56;
	[tilespmem:s18+$0x9F80] =	vst v17  }
0x27f: {  	v60 =	vld [tilespmem:s18+$0xA010];
	v14 =	vmul.f32 v14, v56;
	[tilespmem:s18+$0x9F90] =	vst v18  }
0x280: {  	v11 =	vld [tilespmem:s18+$0xA470];
	v12 =	vmul.f32 v12, v56;
	[tilespmem:s18+$0x9FA0] =	vst v19  }
0x281: {  	v57 =	vld [tilespmem:s18+$0x9FE0];
	v20 =	vbroadcast v6, $0x2;
	v13 =	vmul.f32 v13, v56;
	[tilespmem:s18+$0x9FB0] =	vst v14  }
0x282: {  	v61 =	vld [tilespmem:s18+$0xA020];
	v15 =	vmul.f32 v58, v56;
	[tilespmem:s18+$0x9FC0] =	vst v12  }
0x283: {  	v62 =	vld [tilespmem:s18+$0xA030];
	v10 =	vbroadcast v6, $0xA;
	v23 =	vmul.f32 v59, v20;
	[tilespmem:s18+$0x9FD0] =	vst v13  }
0x284: {  	v63 =	vld [tilespmem:s18+$0xA040];
	v25 =	vmul.f32 v60, v20;
	[tilespmem:s18+$0x9FF0] =	vst v15  }
0x285: {  	v24 =	vld [tilespmem:s18+$0xA060];
	v8 =	vmul.f32 v11, v10;
	[tilespmem:s18+$0xA000] =	vst v23  }
0x286: {  	v26 =	vld [tilespmem:s18+$0xA070];
	v16 =	vmul.f32 v57, v56;
	[tilespmem:s18+$0xA010] =	vst v25  }
0x287: {  	v27 =	vld [tilespmem:s18+$0xA080];
	v14 =	vmul.f32 v61, v20;
	[tilespmem:s18+$0xA470] =	vst v8  }
0x288: {  	v22 =	vld [tilespmem:s18+$0xA050];
	v12 =	vmul.f32 v62, v20;
	[tilespmem:s18+$0x9FE0] =	vst v16  }
0x289: {  	v28 =	vld [tilespmem:s18+$0xA090];
	v13 =	vmul.f32 v63, v20;
	[tilespmem:s18+$0xA020] =	vst v14  }
0x28a: {  	v29 =	vld [tilespmem:s18+$0xA0A0];
	v32 =	vbroadcast v6, $0x3;
	v15 =	vmul.f32 v24, v20;
	[tilespmem:s18+$0xA030] =	vst v12  }
0x28b: {  	v30 =	vld [tilespmem:s18+$0xA0B0];
	v17 =	vmul.f32 v26, v20;
	[tilespmem:s18+$0xA040] =	vst v13  }
0x28c: {  	v33 =	vld [tilespmem:s18+$0xA0D0];
	v18 =	vmul.f32 v27, v32;
	[tilespmem:s18+$0xA060] =	vst v15  }
0x28d: {  	v34 =	vld [tilespmem:s18+$0xA0E0];
	v16 =	vmul.f32 v22, v20;
	[tilespmem:s18+$0xA070] =	vst v17  }
0x28e: {  	v35 =	vld [tilespmem:s18+$0xA0F0];
	v14 =	vmul.f32 v28, v32;
	[tilespmem:s18+$0xA080] =	vst v18  }
0x28f: {  	v31 =	vld [tilespmem:s18+$0xA0C0];
	v12 =	vmul.f32 v29, v32;
	[tilespmem:s18+$0xA050] =	vst v16  }
0x290: {  	v36 =	vld [tilespmem:s18+$0xA100];
	v13 =	vmul.f32 v30, v32;
	[tilespmem:s18+$0xA090] =	vst v14  }
0x291: {  	v37 =	vld [tilespmem:s18+$0xA110];
	v15 =	vmul.f32 v33, v32;
	[tilespmem:s18+$0xA0A0] =	vst v12  }
0x292: {  	v38 =	vld [tilespmem:s18+$0xA120];
	v17 =	vmul.f32 v34, v32;
	[tilespmem:s18+$0xA0B0] =	vst v13  }
0x293: {  	v40 =	vld [tilespmem:s18+$0xA140];
	v41 =	vbroadcast v6, $0x4;
	v18 =	vmul.f32 v35, v32;
	[tilespmem:s18+$0xA0D0] =	vst v15  }
0x294: {  	v42 =	vld [tilespmem:s18+$0xA150];
	v16 =	vmul.f32 v31, v32;
	[tilespmem:s18+$0xA0E0] =	vst v17  }
0x295: {  	v43 =	vld [tilespmem:s18+$0xA160];
	v14 =	vmul.f32 v36, v41;
	[tilespmem:s18+$0xA0F0] =	vst v18  }
0x296: {  	v39 =	vld [tilespmem:s18+$0xA130];
	v12 =	vmul.f32 v37, v41;
	[tilespmem:s18+$0xA0C0] =	vst v16  }
0x297: {  	v44 =	vld [tilespmem:s18+$0xA170];
	v13 =	vmul.f32 v38, v41;
	[tilespmem:s18+$0xA100] =	vst v14  }
0x298: {  	v45 =	vld [tilespmem:s18+$0xA180];
	v15 =	vmul.f32 v40, v41;
	[tilespmem:s18+$0xA110] =	vst v12  }
0x299: {  	v46 =	vld [tilespmem:s18+$0xA190];
	v17 =	vmul.f32 v42, v41;
	[tilespmem:s18+$0xA120] =	vst v13  }
0x29a: {  	v48 =	vld [tilespmem:s18+$0xA1B0];
	v18 =	vmul.f32 v43, v41;
	[tilespmem:s18+$0xA140] =	vst v15  }
0x29b: {  	v49 =	vld [tilespmem:s18+$0xA1C0];
	v50 =	vbroadcast v6, $0x5;
	v16 =	vmul.f32 v39, v41;
	[tilespmem:s18+$0xA150] =	vst v17  }
0x29c: {  	v51 =	vld [tilespmem:s18+$0xA1D0];
	v14 =	vmul.f32 v44, v41;
	[tilespmem:s18+$0xA160] =	vst v18  }
0x29d: {  	v47 =	vld [tilespmem:s18+$0xA1A0];
	v12 =	vmul.f32 v45, v50;
	[tilespmem:s18+$0xA130] =	vst v16  }
0x29e: {  	v52 =	vld [tilespmem:s18+$0xA1E0];
	v13 =	vmul.f32 v46, v50;
	[tilespmem:s18+$0xA170] =	vst v14  }
0x29f: {  	v53 =	vld [tilespmem:s18+$0xA1F0];
	v15 =	vmul.f32 v48, v50;
	[tilespmem:s18+$0xA180] =	vst v12  }
0x2a0: {  	v54 =	vld [tilespmem:s18+$0xA200];
	v17 =	vmul.f32 v49, v50;
	[tilespmem:s18+$0xA190] =	vst v13  }
0x2a1: {  	v56 =	vld [tilespmem:s18+$0xA220];
	v18 =	vmul.f32 v51, v50;
	[tilespmem:s18+$0xA1B0] =	vst v15  }
0x2a2: {  	v57 =	vld [tilespmem:s18+$0xA230];
	v16 =	vmul.f32 v47, v50;
	[tilespmem:s18+$0xA1C0] =	vst v17  }
0x2a3: {  	v58 =	vld [tilespmem:s18+$0xA240];
	v59 =	vbroadcast v6, $0x6;
	v14 =	vmul.f32 v52, v50;
	[tilespmem:s18+$0xA1D0] =	vst v18  }
0x2a4: {  	v55 =	vld [tilespmem:s18+$0xA210];
	v12 =	vmul.f32 v53, v50;
	[tilespmem:s18+$0xA1A0] =	vst v16  }
0x2a5: {  	v60 =	vld [tilespmem:s18+$0xA250];
	v13 =	vmul.f32 v54, v59;
	[tilespmem:s18+$0xA1E0] =	vst v14  }
0x2a6: {  	v61 =	vld [tilespmem:s18+$0xA260];
	v15 =	vmul.f32 v56, v59;
	[tilespmem:s18+$0xA1F0] =	vst v12  }
0x2a7: {  	v62 =	vld [tilespmem:s18+$0xA270];
	v17 =	vmul.f32 v57, v59;
	[tilespmem:s18+$0xA200] =	vst v13  }
0x2a8: {  	v21 =	vld [tilespmem:s18+$0xA290];
	v18 =	vmul.f32 v58, v59;
	[tilespmem:s18+$0xA220] =	vst v15  }
0x2a9: {  	v22 =	vld [tilespmem:s18+$0xA2A0];
	v16 =	vmul.f32 v55, v59;
	[tilespmem:s18+$0xA230] =	vst v17  }
0x2aa: {  	v23 =	vld [tilespmem:s18+$0xA2B0];
	v14 =	vmul.f32 v60, v59;
	[tilespmem:s18+$0xA240] =	vst v18  }
0x2ab: {  	v25 =	vbroadcast v6, $0x7;
	v51 =	vld [tilespmem:s18+$0xA440];
	v12 =	vmul.f32 v61, v59;
	[tilespmem:s18+$0xA210] =	vst v16  }
0x2ac: {  	v63 =	vld [tilespmem:s18+$0xA280];
	v13 =	vmul.f32 v62, v59;
	[tilespmem:s18+$0xA250] =	vst v14  }
0x2ad: {  	v24 =	vld [tilespmem:s18+$0xA2C0];
	v15 =	vmul.f32 v21, v25;
	[tilespmem:s18+$0xA260] =	vst v12  }
0x2ae: {  	v26 =	vld [tilespmem:s18+$0xA2D0];
	v17 =	vmul.f32 v22, v25;
	[tilespmem:s18+$0xA270] =	vst v13  }
0x2af: {  	v27 =	vld [tilespmem:s18+$0xA2E0];
	v18 =	vmul.f32 v23, v25;
	[tilespmem:s18+$0xA290] =	vst v15  }
0x2b0: {  	v29 =	vld [tilespmem:s18+$0xA300];
	v58 =	vmul.f32 v51, v10;
	[tilespmem:s18+$0xA2A0] =	vst v17  }
0x2b1: {  	v30 =	vld [tilespmem:s18+$0xA310];
	v16 =	vmul.f32 v63, v25;
	[tilespmem:s18+$0xA2B0] =	vst v18  }
0x2b2: {  	v31 =	vld [tilespmem:s18+$0xA320];
	v14 =	vmul.f32 v24, v25;
	[tilespmem:s18+$0xA440] =	vst v58  }
0x2b3: {  	v34 =	vbroadcast v6, $0x8;
	v47 =	vld [tilespmem:s18+$0xA400];
	v12 =	vmul.f32 v26, v25;
	[tilespmem:s18+$0xA280] =	vst v16  }
0x2b4: {  	v52 =	vld [tilespmem:s18+$0xA450];
	v13 =	vmul.f32 v27, v25;
	[tilespmem:s18+$0xA2C0] =	vst v14  }
0x2b5: {  	v28 =	vld [tilespmem:s18+$0xA2F0];
	v15 =	vmul.f32 v29, v34;
	[tilespmem:s18+$0xA2D0] =	vst v12  }
0x2b6: {  	v32 =	vld [tilespmem:s18+$0xA330];
	v17 =	vmul.f32 v30, v34;
	[tilespmem:s18+$0xA2E0] =	vst v13  }
0x2b7: {  	v33 =	vld [tilespmem:s18+$0xA340];
	v18 =	vmul.f32 v31, v34;
	[tilespmem:s18+$0xA300] =	vst v15  }
0x2b8: {  	v35 =	vld [tilespmem:s18+$0xA350];
	v53 =	vmul.f32 v47, v10;
	[tilespmem:s18+$0xA310] =	vst v17  }
0x2b9: {  	v37 =	vld [tilespmem:s18+$0xA370];
	v60 =	vmul.f32 v52, v10;
	[tilespmem:s18+$0xA320] =	vst v18  }
0x2ba: {  	v38 =	vld [tilespmem:s18+$0xA380];
	v16 =	vmul.f32 v28, v25;
	[tilespmem:s18+$0xA400] =	vst v53  }
0x2bb: {  	v39 =	vld [tilespmem:s18+$0xA390];
	v14 =	vmul.f32 v32, v34;
	[tilespmem:s18+$0xA450] =	vst v60  }
0x2bc: {  	v9 =	vld [tilespmem:s18+$0xA480];
	v12 =	vmul.f32 v33, v34;
	[tilespmem:s18+$0xA2F0] =	vst v16  }
0x2bd: {  	v11 =	vld [tilespmem:s18+$0xA490];
	v43 =	vbroadcast v6, $0x9;
	v13 =	vmul.f32 v35, v34;
	[tilespmem:s18+$0xA330] =	vst v14  }
0x2be: {  	v8 =	vld [tilespmem:s18+$0xA6D0];
	v15 =	vmul.f32 v37, v34;
	[tilespmem:s18+$0xA340] =	vst v12  }
0x2bf: {  	v55 =	vld [tilespmem:s18+$0x9F00];
	v63 =	vbroadcast v6, $0xB;
	v17 =	vmul.f32 v38, v43;
	[tilespmem:s18+$0xA350] =	vst v13  }
0x2c0: {  	v36 =	vld [tilespmem:s18+$0xA360];
	v18 =	vmul.f32 v39, v43;
	[tilespmem:s18+$0xA370] =	vst v15  }
0x2c1: {  	v40 =	vld [tilespmem:s18+$0xA3A0];
	v27 =	vbroadcast v6, $0xF;
	v9 =	vmul.f32 v9, v63;
	[tilespmem:s18+$0xA380] =	vst v17  }
0x2c2: {  	v41 =	vld [tilespmem:s18+$0xA3B0];
	v11 =	vmul.f32 v11, v63;
	[tilespmem:s18+$0xA390] =	vst v18  }
0x2c3: {  	v42 =	vld [tilespmem:s18+$0xA3C0];
	v8 =	vmul.f32 v8, v27;
	[tilespmem:s18+$0xA480] =	vst v9  }
0x2c4: {  	v45 =	vld [tilespmem:s18+$0xA3E0];
	v24 =	vmul.f32 v7, v55;
	[tilespmem:s18+$0xA490] =	vst v11  }
0x2c5: {  	v46 =	vld [tilespmem:s18+$0xA3F0];
	v16 =	vmul.f32 v36, v34;
	[tilespmem:s18+$0xA6D0] =	vst v8  }
0x2c6: {  	v57 =	vld [tilespmem:s18+$0x9F40];
	v14 =	vmul.f32 v40, v43;
	[tilespmem:s18+$0x9F00] =	vst v24  }
0x2c7: {  	v26 =	vld [tilespmem:s18+$0xA4D0];
	v12 =	vmul.f32 v41, v43;
	[tilespmem:s18+$0xA360] =	vst v16  }
0x2c8: {  	v30 =	vld [tilespmem:s18+$0xA500];
	v13 =	vmul.f32 v42, v43;
	[tilespmem:s18+$0xA3A0] =	vst v14  }
0x2c9: {  	v29 =	vld [tilespmem:s18+$0xA4F0];
	v15 =	vmul.f32 v45, v43;
	[tilespmem:s18+$0xA3B0] =	vst v12  }
0x2ca: {  	v44 =	vld [tilespmem:s18+$0xA3D0];
	v17 =	vmul.f32 v46, v43;
	[tilespmem:s18+$0xA3C0] =	vst v13  }
0x2cb: {  	v48 =	vld [tilespmem:s18+$0xA410];
	v35 =	vbroadcast v6, $0xC;
	v8 =	vmul.f32 v57, v7;
	[tilespmem:s18+$0xA3E0] =	vst v15  }
0x2cc: {  	v49 =	vld [tilespmem:s18+$0xA420];
	v32 =	vmul.f32 v26, v63;
	[tilespmem:s18+$0xA3F0] =	vst v17  }
0x2cd: {  	v50 =	vld [tilespmem:s18+$0xA430];
	v20 =	vmul.f32 v30, v35;
	[tilespmem:s18+$0x9F40] =	vst v8  }
0x2ce: {  	v54 =	vld [tilespmem:s18+$0xA460];
	v11 =	vmul.f32 v29, v63;
	[tilespmem:s18+$0xA4D0] =	vst v32  }
0x2cf: {  	v56 =	vld [tilespmem:s18+$0x9F10];
	v16 =	vmul.f32 v44, v43;
	[tilespmem:s18+$0xA500] =	vst v20  }
0x2d0: {  	v59 =	vld [tilespmem:s18+$0x9F50];
	v14 =	vmul.f32 v48, v10;
	[tilespmem:s18+$0xA4F0] =	vst v11  }
0x2d1: {  	v28 =	vld [tilespmem:s18+$0xA4E0];
	v12 =	vmul.f32 v49, v10;
	[tilespmem:s18+$0xA3D0] =	vst v16  }
0x2d2: {  	v38 =	vld [tilespmem:s18+$0xA570];
	v13 =	vmul.f32 v50, v10;
	[tilespmem:s18+$0xA410] =	vst v14  }
0x2d3: {  	v61 =	vld [tilespmem:s18+$0xA4A0];
	v10 =	vmul.f32 v54, v10;
	[tilespmem:s18+$0xA420] =	vst v12  }
0x2d4: {  	v62 =	vld [tilespmem:s18+$0xA4B0];
	v17 =	vmul.f32 v56, v7;
	[tilespmem:s18+$0xA430] =	vst v13  }
0x2d5: {  	v25 =	vld [tilespmem:s18+$0xA4C0];
	v7 =	vmul.f32 v59, v7;
	[tilespmem:s18+$0xA460] =	vst v10  }
0x2d6: {  	v31 =	vld [tilespmem:s18+$0xA510];
	v40 =	vmul.f32 v28, v63;
	[tilespmem:s18+$0x9F10] =	vst v17  }
0x2d7: {  	v33 =	vld [tilespmem:s18+$0xA530];
	v20 =	vmul.f32 v38, v35;
	[tilespmem:s18+$0x9F50] =	vst v7  }
0x2d8: {  	v60 =	vld [tilespmem:s18+$0xA6E0];
	v12 =	vmul.f32 v61, v63;
	[tilespmem:s18+$0xA4E0] =	vst v40  }
0x2d9: {  	v34 =	vld [tilespmem:s18+$0xA540];
	v13 =	vmul.f32 v62, v63;
	[tilespmem:s18+$0xA570] =	vst v20  }
0x2da: {  	v41 =	vld [tilespmem:s18+$0xA5A0];
	v10 =	vmul.f32 v25, v63;
	[tilespmem:s18+$0xA4A0] =	vst v12  }
0x2db: {  	v46 =	vld [tilespmem:s18+$0xA5E0];
	v14 =	vmul.f32 v31, v35;
	[tilespmem:s18+$0xA4B0] =	vst v13  }
0x2dc: {  	v36 =	vld [tilespmem:s18+$0xA550];
	v62 =	vmul.f32 v33, v35;
	[tilespmem:s18+$0xA4C0] =	vst v10  }
0x2dd: {  	v44 =	vbroadcast v6, $0xD;
	v7 =	vld [tilespmem:s18+$0xA590];
	v9 =	vmul.f32 v60, v27;
	[tilespmem:s18+$0xA510] =	vst v14  }
0x2de: {  	v37 =	vld [tilespmem:s18+$0xA560];
	v17 =	vmul.f32 v34, v35;
	[tilespmem:s18+$0xA530] =	vst v62  }
0x2df: {  	v39 =	vld [tilespmem:s18+$0xA580];
	v16 =	vmul.f32 v41, v44;
	[tilespmem:s18+$0xA6E0] =	vst v9  }
0x2e0: {  	v42 =	vld [tilespmem:s18+$0xA5B0];
	v51 =	vmul.f32 v46, v44;
	[tilespmem:s18+$0xA540] =	vst v17  }
0x2e1: {  	v48 =	vld [tilespmem:s18+$0xA610];
	v13 =	vmul.f32 v36, v35;
	[tilespmem:s18+$0xA5A0] =	vst v16  }
0x2e2: {  	v49 =	vld [tilespmem:s18+$0xA620];
	[tilespmem:s18+$0xA5E0] =	vst v51;
	v7 =	vmul.f32 v7, v44  }
0x2e3: {  	v50 =	vld [tilespmem:s18+$0xA630];
	v10 =	vmul.f32 v37, v35;
	[tilespmem:s18+$0xA550] =	vst v13  }
0x2e4: {  	v6 =	vbroadcast v6, $0xE;
	v14 =	vmul.f32 v39, v44;
	[tilespmem:s18+$0xA590] =	vst v7;
	v7 =	vld [tilespmem:s18+$0xA600]  }
0x2e5: {  	v45 =	vld [tilespmem:s18+$0xA5D0];
	v17 =	vmul.f32 v42, v44;
	[tilespmem:s18+$0xA560] =	vst v10  }
0x2e6: {  	v47 =	vld [tilespmem:s18+$0xA5F0];
	v16 =	vmul.f32 v48, v6;
	[tilespmem:s18+$0xA580] =	vst v14  }
0x2e7: {  	v43 =	vld [tilespmem:s18+$0xA5C0];
	v15 =	vmul.f32 v49, v6;
	[tilespmem:s18+$0xA5B0] =	vst v17  }
0x2e8: {  	v55 =	vld [tilespmem:s18+$0xA680];
	v11 =	vmul.f32 v50, v6;
	[tilespmem:s18+$0xA610] =	vst v16  }
0x2e9: {  	v57 =	vld [tilespmem:s18+$0xA6A0];
	[tilespmem:s18+$0xA620] =	vst v15;
	v7 =	vmul.f32 v7, v6  }
0x2ea: {  	v61 =	vld [tilespmem:s18+$0xA6F0];
	v10 =	vmul.f32 v45, v44;
	[tilespmem:s18+$0xA630] =	vst v11  }
0x2eb: {  	v14 =	vmul.f32 v47, v44;
	[tilespmem:s18+$0xA600] =	vst v7;
	v7 =	vld [tilespmem:s18+$0xA670]  }
0x2ec: {  	v52 =	vld [tilespmem:s18+$0xA640];
	v13 =	vmul.f32 v43, v44;
	[tilespmem:s18+$0xA5D0] =	vst v10  }
0x2ed: {  	v56 =	vld [tilespmem:s18+$0xA690];
	v16 =	vmul.f32 v55, v27;
	[tilespmem:s18+$0xA5F0] =	vst v14  }
0x2ee: {  	v54 =	vld [tilespmem:s18+$0xA660];
	v11 =	vmul.f32 v57, v27;
	[tilespmem:s18+$0xA5C0] =	vst v13  }
0x2ef: {  	v58 =	vld [tilespmem:s18+$0xA6B0];
	v63 =	vmul.f32 v61, v27;
	[tilespmem:s18+$0xA680] =	vst v16  }
0x2f0: {  	v53 =	vld [tilespmem:s18+$0xA650];
	[tilespmem:s18+$0xA6A0] =	vst v11;
	v7 =	vmul.f32 v7, v6  }
0x2f1: {  	v59 =	vld [tilespmem:s18+$0xA6C0];
	v10 =	vmul.f32 v52, v6;
	[tilespmem:s18+$0xA6F0] =	vst v63  }
0x2f2: {  	[tilespmem:s18+$0xA670] =	vst v7;
	v7 =	vmul.f32 v56, v27  }
0x2f3: {  	v8 =	vld [tilespmem:s18+$0xA520];
	v14 =	vmul.f32 v54, v6;
	[tilespmem:s18+$0xA640] =	vst v10  }
0x2f4: {  	[tilespmem:s18+$0xA690] =	vst v7;
	v7 =	vmul.f32 v58, v27  }
0x2f5: {  	[tilespmem:s18+$0xA660] =	vst v14;
	v6 =	vmul.f32 v53, v6  }
0x2f6: {  	[tilespmem:s18+$0xA6B0] =	vst v7;
	v7 =	vmul.f32 v59, v27  }
0x2f7: {  	[tilespmem:s18+$0xA650] =	vst v6  }
0x2f8: {  	s19 =	simm.s32 $0x1;
	[tilespmem:s18+$0xA6C0] =	vst v7;
	v7 =	vmul.f32 v8, v35  }
.LBB2_14:
0x2f9: {  	s9 =	sshll.u32 s19, $0x4  }
0x2fa: {  	p0 =	sne.s32 s19, $0x3;
	[tilespmem:s18+$0xA520] =	vst v7;
	s18 =	smov.u32 s19;
	s19 =	sadd.s32 $0x1, s19  }
0x2fb: {  	s9 =	sand.u32 $0x3FFFFFF0, s9  }
0x2fc: {  	v6 =	vld [tilespmem:s9+$0x7E80];
	s9 =	sshll.u32 s18, $0xB  }
0x2fd: {  	s18 =	sand.u32 $0x3FFFF800, s9  }
0x2fe: {  	v13 =	vld [tilespmem:s18+$0x9FC0]  }
0x2ff: {  	v14 =	vld [tilespmem:s18+$0x9FD0]  }
0x300: {  	v15 =	vld [tilespmem:s18+$0x9FB0]  }
0x301: {  	v7 =	vbroadcast v6, $0x0;
	v8 =	vld [tilespmem:s18+$0x9F20];
	v12 =	vbroadcast v6, $0x4  }
0x302: {  	v10 =	vld [tilespmem:s18+$0x9F30]  }
0x303: {  	v11 =	vld [tilespmem:s18+$0xA470]  }
0x304: {  	v16 =	vld [tilespmem:s18+$0x9F60]  }
0x305: {  	v17 =	vld [tilespmem:s18+$0x9F70]  }
0x306: {  	v9 =	vbroadcast v6, $0xA;
	v8 =	vmul.f32 v8, v7;
	v18 =	vld [tilespmem:s18+$0x9F80]  }
0x307: {  	v10 =	vmul.f32 v10, v7;
	v19 =	vld [tilespmem:s18+$0x9F90]  }
0x308: {  	[tilespmem:s18+$0x9F20] =	vst v8;
	v20 =	vld [tilespmem:s18+$0x9FA0];
	v8 =	vmul.f32 v11, v9  }
0x309: {  	[tilespmem:s18+$0x9F30] =	vst v10;
	v11 =	vmul.f32 v16, v7;
	v16 =	vbroadcast v6, $0x1;
	v10 =	vld [tilespmem:s18+$0xA480]  }
0x30a: {  	v17 =	vmul.f32 v17, v7;
	[tilespmem:s18+$0xA470] =	vst v8;
	v8 =	vld [tilespmem:s18+$0xA6D0]  }
0x30b: {  	[tilespmem:s18+$0x9F60] =	vst v11;
	v18 =	vmul.f32 v18, v16;
	v11 =	vld [tilespmem:s18+$0xA490]  }
0x30c: {  	[tilespmem:s18+$0x9F70] =	vst v17;
	v17 =	vmul.f32 v19, v16;
	v19 =	vld [tilespmem:s18+$0x9FE0]  }
0x30d: {  	[tilespmem:s18+$0x9F80] =	vst v18;
	v18 =	vmul.f32 v20, v16;
	v20 =	vld [tilespmem:s18+$0x9FF0]  }
0x30e: {  	v15 =	vmul.f32 v15, v16;
	[tilespmem:s18+$0x9F90] =	vst v17;
	v17 =	vld [tilespmem:s18+$0xA000]  }
0x30f: {  	v13 =	vmul.f32 v13, v16;
	[tilespmem:s18+$0x9FA0] =	vst v18;
	v18 =	vld [tilespmem:s18+$0xA010]  }
0x310: {  	v14 =	vmul.f32 v14, v16;
	[tilespmem:s18+$0x9FB0] =	vst v15;
	v15 =	vld [tilespmem:s18+$0xA020]  }
0x311: {  	[tilespmem:s18+$0x9FC0] =	vst v13;
	v13 =	vmul.f32 v19, v16;
	v19 =	vbroadcast v6, $0x2;
	v21 =	vld [tilespmem:s18+$0xA030]  }
0x312: {  	[tilespmem:s18+$0x9FD0] =	vst v14;
	v14 =	vmul.f32 v20, v16;
	v16 =	vld [tilespmem:s18+$0xA040]  }
0x313: {  	[tilespmem:s18+$0x9FE0] =	vst v13;
	v13 =	vmul.f32 v17, v19;
	v17 =	vld [tilespmem:s18+$0xA050]  }
0x314: {  	[tilespmem:s18+$0x9FF0] =	vst v14;
	v14 =	vmul.f32 v18, v19;
	v18 =	vld [tilespmem:s18+$0xA060]  }
0x315: {  	[tilespmem:s18+$0xA000] =	vst v13;
	v13 =	vmul.f32 v15, v19;
	v15 =	vld [tilespmem:s18+$0xA070]  }
0x316: {  	[tilespmem:s18+$0xA010] =	vst v14;
	v14 =	vmul.f32 v21, v19;
	v20 =	vld [tilespmem:s18+$0xA080]  }
0x317: {  	[tilespmem:s18+$0xA020] =	vst v13;
	v13 =	vmul.f32 v16, v19;
	v16 =	vld [tilespmem:s18+$0xA090]  }
0x318: {  	[tilespmem:s18+$0xA030] =	vst v14;
	v14 =	vmul.f32 v17, v19;
	v17 =	vld [tilespmem:s18+$0xA0A0]  }
0x319: {  	[tilespmem:s18+$0xA040] =	vst v13;
	v13 =	vmul.f32 v18, v19;
	v18 =	vbroadcast v6, $0x3;
	v21 =	vld [tilespmem:s18+$0xA0B0]  }
0x31a: {  	[tilespmem:s18+$0xA050] =	vst v14;
	v14 =	vmul.f32 v15, v19;
	v15 =	vld [tilespmem:s18+$0xA0C0]  }
0x31b: {  	[tilespmem:s18+$0xA060] =	vst v13;
	v13 =	vmul.f32 v20, v18;
	v19 =	vld [tilespmem:s18+$0xA0D0]  }
0x31c: {  	[tilespmem:s18+$0xA070] =	vst v14;
	v14 =	vmul.f32 v16, v18;
	v16 =	vld [tilespmem:s18+$0xA0E0]  }
0x31d: {  	[tilespmem:s18+$0xA080] =	vst v13;
	v13 =	vmul.f32 v17, v18;
	v17 =	vld [tilespmem:s18+$0xA0F0]  }
0x31e: {  	[tilespmem:s18+$0xA090] =	vst v14;
	v14 =	vmul.f32 v21, v18;
	v20 =	vld [tilespmem:s18+$0xA100]  }
0x31f: {  	[tilespmem:s18+$0xA0A0] =	vst v13;
	v13 =	vmul.f32 v15, v18;
	v15 =	vld [tilespmem:s18+$0xA110]  }
0x320: {  	[tilespmem:s18+$0xA0B0] =	vst v14;
	v14 =	vmul.f32 v19, v18;
	v19 =	vld [tilespmem:s18+$0xA120]  }
0x321: {  	[tilespmem:s18+$0xA0C0] =	vst v13;
	v13 =	vmul.f32 v16, v18;
	v16 =	vld [tilespmem:s18+$0xA130]  }
0x322: {  	[tilespmem:s18+$0xA0D0] =	vst v14;
	v14 =	vmul.f32 v17, v18;
	v17 =	vld [tilespmem:s18+$0xA140]  }
0x323: {  	[tilespmem:s18+$0xA0E0] =	vst v13;
	v13 =	vmul.f32 v20, v12;
	v18 =	vld [tilespmem:s18+$0xA150]  }
0x324: {  	[tilespmem:s18+$0xA0F0] =	vst v14;
	v14 =	vmul.f32 v15, v12;
	v15 =	vld [tilespmem:s18+$0xA160]  }
0x325: {  	[tilespmem:s18+$0xA100] =	vst v13;
	v13 =	vmul.f32 v19, v12;
	v19 =	vld [tilespmem:s18+$0xA170]  }
0x326: {  	[tilespmem:s18+$0xA110] =	vst v14;
	v14 =	vmul.f32 v16, v12;
	v16 =	vld [tilespmem:s18+$0xA180]  }
0x327: {  	[tilespmem:s18+$0xA120] =	vst v13;
	v13 =	vmul.f32 v17, v12;
	v17 =	vld [tilespmem:s18+$0xA190]  }
0x328: {  	[tilespmem:s18+$0xA130] =	vst v14;
	v14 =	vmul.f32 v18, v12;
	v18 =	vld [tilespmem:s18+$0xA1A0]  }
0x329: {  	[tilespmem:s18+$0xA140] =	vst v13;
	v13 =	vmul.f32 v15, v12;
	v15 =	vbroadcast v6, $0x5;
	v20 =	vld [tilespmem:s18+$0xA1B0]  }
0x32a: {  	[tilespmem:s18+$0xA150] =	vst v14;
	v12 =	vmul.f32 v19, v12;
	v14 =	vld [tilespmem:s18+$0xA1C0]  }
0x32b: {  	[tilespmem:s18+$0xA160] =	vst v13;
	v13 =	vmul.f32 v16, v15;
	v16 =	vld [tilespmem:s18+$0xA1D0]  }
0x32c: {  	[tilespmem:s18+$0xA170] =	vst v12;
	v12 =	vmul.f32 v17, v15;
	v17 =	vld [tilespmem:s18+$0xA1E0]  }
0x32d: {  	[tilespmem:s18+$0xA180] =	vst v13;
	v13 =	vmul.f32 v18, v15;
	v18 =	vld [tilespmem:s18+$0xA1F0]  }
0x32e: {  	[tilespmem:s18+$0xA190] =	vst v12;
	v12 =	vmul.f32 v20, v15;
	v19 =	vld [tilespmem:s18+$0xA200]  }
0x32f: {  	[tilespmem:s18+$0xA1A0] =	vst v13;
	v13 =	vmul.f32 v14, v15;
	v14 =	vld [tilespmem:s18+$0xA210]  }
0x330: {  	[tilespmem:s18+$0xA1B0] =	vst v12;
	v12 =	vmul.f32 v16, v15;
	v16 =	vld [tilespmem:s18+$0xA220]  }
0x331: {  	[tilespmem:s18+$0xA1C0] =	vst v13;
	v13 =	vmul.f32 v17, v15;
	v17 =	vbroadcast v6, $0x6;
	v20 =	vld [tilespmem:s18+$0xA230]  }
0x332: {  	[tilespmem:s18+$0xA1D0] =	vst v12;
	v12 =	vmul.f32 v18, v15;
	v15 =	vld [tilespmem:s18+$0xA240]  }
0x333: {  	[tilespmem:s18+$0xA1E0] =	vst v13;
	v13 =	vmul.f32 v19, v17;
	v18 =	vld [tilespmem:s18+$0xA250]  }
0x334: {  	[tilespmem:s18+$0xA1F0] =	vst v12;
	v12 =	vmul.f32 v14, v17;
	v14 =	vld [tilespmem:s18+$0xA260]  }
0x335: {  	[tilespmem:s18+$0xA200] =	vst v13;
	v13 =	vmul.f32 v16, v17;
	v16 =	vld [tilespmem:s18+$0xA270]  }
0x336: {  	[tilespmem:s18+$0xA210] =	vst v12;
	v12 =	vmul.f32 v20, v17;
	v19 =	vld [tilespmem:s18+$0xA280]  }
0x337: {  	[tilespmem:s18+$0xA220] =	vst v13;
	v13 =	vmul.f32 v15, v17;
	v15 =	vld [tilespmem:s18+$0xA290]  }
0x338: {  	[tilespmem:s18+$0xA230] =	vst v12;
	v12 =	vmul.f32 v18, v17;
	v18 =	vld [tilespmem:s18+$0xA2A0]  }
0x339: {  	[tilespmem:s18+$0xA240] =	vst v13;
	v13 =	vmul.f32 v14, v17;
	v14 =	vbroadcast v6, $0x7;
	v20 =	vld [tilespmem:s18+$0xA2B0]  }
0x33a: {  	[tilespmem:s18+$0xA250] =	vst v12;
	v12 =	vmul.f32 v16, v17;
	v16 =	vld [tilespmem:s18+$0xA2C0]  }
0x33b: {  	[tilespmem:s18+$0xA260] =	vst v13;
	v13 =	vmul.f32 v19, v14;
	v17 =	vld [tilespmem:s18+$0xA2D0]  }
0x33c: {  	[tilespmem:s18+$0xA270] =	vst v12;
	v12 =	vmul.f32 v15, v14;
	v15 =	vld [tilespmem:s18+$0xA2E0]  }
0x33d: {  	[tilespmem:s18+$0xA280] =	vst v13;
	v13 =	vmul.f32 v18, v14;
	v18 =	vld [tilespmem:s18+$0xA2F0]  }
0x33e: {  	[tilespmem:s18+$0xA290] =	vst v12;
	v12 =	vmul.f32 v20, v14;
	v19 =	vld [tilespmem:s18+$0xA300]  }
0x33f: {  	[tilespmem:s18+$0xA2A0] =	vst v13;
	v13 =	vmul.f32 v16, v14;
	v16 =	vld [tilespmem:s18+$0xA310]  }
0x340: {  	[tilespmem:s18+$0xA2B0] =	vst v12;
	v12 =	vmul.f32 v17, v14;
	v17 =	vld [tilespmem:s18+$0xA320]  }
0x341: {  	[tilespmem:s18+$0xA2C0] =	vst v13;
	v13 =	vmul.f32 v15, v14;
	v15 =	vbroadcast v6, $0x8;
	v20 =	vld [tilespmem:s18+$0xA330]  }
0x342: {  	[tilespmem:s18+$0xA2D0] =	vst v12;
	v12 =	vmul.f32 v18, v14;
	v14 =	vld [tilespmem:s18+$0xA340]  }
0x343: {  	[tilespmem:s18+$0xA2E0] =	vst v13;
	v13 =	vmul.f32 v19, v15;
	v18 =	vld [tilespmem:s18+$0xA350]  }
0x344: {  	[tilespmem:s18+$0xA2F0] =	vst v12;
	v12 =	vmul.f32 v16, v15;
	v16 =	vld [tilespmem:s18+$0xA360]  }
0x345: {  	[tilespmem:s18+$0xA300] =	vst v13;
	v13 =	vmul.f32 v17, v15;
	v17 =	vld [tilespmem:s18+$0xA370]  }
0x346: {  	[tilespmem:s18+$0xA310] =	vst v12;
	v12 =	vmul.f32 v20, v15;
	v19 =	vld [tilespmem:s18+$0xA380]  }
0x347: {  	[tilespmem:s18+$0xA320] =	vst v13;
	v13 =	vmul.f32 v14, v15;
	v14 =	vld [tilespmem:s18+$0xA390]  }
0x348: {  	[tilespmem:s18+$0xA330] =	vst v12;
	v12 =	vmul.f32 v18, v15;
	v18 =	vld [tilespmem:s18+$0xA3A0]  }
0x349: {  	[tilespmem:s18+$0xA340] =	vst v13;
	v13 =	vmul.f32 v16, v15;
	v16 =	vbroadcast v6, $0x9;
	v20 =	vld [tilespmem:s18+$0xA3B0]  }
0x34a: {  	[tilespmem:s18+$0xA350] =	vst v12;
	v12 =	vmul.f32 v17, v15;
	v15 =	vld [tilespmem:s18+$0xA3C0]  }
0x34b: {  	[tilespmem:s18+$0xA360] =	vst v13;
	v13 =	vmul.f32 v19, v16;
	v17 =	vld [tilespmem:s18+$0xA3D0]  }
0x34c: {  	[tilespmem:s18+$0xA370] =	vst v12;
	v12 =	vmul.f32 v14, v16;
	v14 =	vld [tilespmem:s18+$0xA3E0]  }
0x34d: {  	[tilespmem:s18+$0xA380] =	vst v13;
	v13 =	vmul.f32 v18, v16;
	v18 =	vld [tilespmem:s18+$0xA3F0]  }
0x34e: {  	[tilespmem:s18+$0xA390] =	vst v12;
	v12 =	vmul.f32 v20, v16;
	v19 =	vld [tilespmem:s18+$0xA400]  }
0x34f: {  	[tilespmem:s18+$0xA3A0] =	vst v13;
	v13 =	vmul.f32 v15, v16;
	v15 =	vld [tilespmem:s18+$0xA410]  }
0x350: {  	[tilespmem:s18+$0xA3B0] =	vst v12;
	v12 =	vmul.f32 v17, v16;
	v17 =	vld [tilespmem:s18+$0xA420]  }
0x351: {  	[tilespmem:s18+$0xA3C0] =	vst v13;
	v13 =	vmul.f32 v14, v16;
	v14 =	vld [tilespmem:s18+$0xA430]  }
0x352: {  	[tilespmem:s18+$0xA3D0] =	vst v12;
	v12 =	vmul.f32 v18, v16;
	v16 =	vld [tilespmem:s18+$0xA440]  }
0x353: {  	[tilespmem:s18+$0xA3E0] =	vst v13;
	v13 =	vmul.f32 v19, v9;
	v18 =	vld [tilespmem:s18+$0xA450]  }
0x354: {  	[tilespmem:s18+$0xA3F0] =	vst v12;
	v12 =	vmul.f32 v15, v9;
	v15 =	vld [tilespmem:s18+$0xA460]  }
0x355: {  	v19 =	vld [tilespmem:s18+$0x9F00];
	[tilespmem:s18+$0xA400] =	vst v13;
	v13 =	vmul.f32 v17, v9  }
0x356: {  	v17 =	vld [tilespmem:s18+$0x9F10];
	[tilespmem:s18+$0xA410] =	vst v12;
	v12 =	vmul.f32 v14, v9  }
0x357: {  	v14 =	vld [tilespmem:s18+$0x9F40];
	[tilespmem:s18+$0xA420] =	vst v13;
	v13 =	vmul.f32 v16, v9  }
0x358: {  	v16 =	vld [tilespmem:s18+$0x9F50];
	[tilespmem:s18+$0xA430] =	vst v12;
	v12 =	vmul.f32 v18, v9  }
0x359: {  	[tilespmem:s18+$0xA440] =	vst v13;
	v13 =	vmul.f32 v15, v9;
	v15 =	vbroadcast v6, $0xB;
	v18 =	vld [tilespmem:s18+$0xA4A0]  }
0x35a: {  	v9 =	vbroadcast v6, $0xF;
	v19 =	vmul.f32 v7, v19;
	[tilespmem:s18+$0xA450] =	vst v12;
	v12 =	vld [tilespmem:s18+$0xA4B0]  }
0x35b: {  	v17 =	vmul.f32 v17, v7;
	[tilespmem:s18+$0xA460] =	vst v13;
	v10 =	vmul.f32 v10, v15;
	v13 =	vld [tilespmem:s18+$0xA4C0]  }
0x35c: {  	v11 =	vmul.f32 v11, v15;
	[tilespmem:s18+$0x9F00] =	vst v19;
	v14 =	vmul.f32 v14, v7;
	v19 =	vld [tilespmem:s18+$0xA4D0]  }
0x35d: {  	v8 =	vmul.f32 v8, v9;
	v16 =	vmul.f32 v16, v7;
	[tilespmem:s18+$0xA480] =	vst v10;
	v7 =	vld [tilespmem:s18+$0xA4E0]  }
0x35e: {  	[tilespmem:s18+$0xA490] =	vst v11;
	v10 =	vmul.f32 v18, v15;
	v11 =	vld [tilespmem:s18+$0xA4F0]  }
0x35f: {  	v12 =	vmul.f32 v12, v15;
	v18 =	vld [tilespmem:s18+$0xA500];
	[tilespmem:s18+$0xA6D0] =	vst v8  }
0x360: {  	[tilespmem:s18+$0x9F10] =	vst v17;
	v8 =	vmul.f32 v13, v15;
	v13 =	vld [tilespmem:s18+$0xA510]  }
0x361: {  	[tilespmem:s18+$0x9F40] =	vst v14;
	v14 =	vmul.f32 v19, v15;
	v17 =	vld [tilespmem:s18+$0xA520]  }
0x362: {  	v19 =	vbroadcast v6, $0xC;
	[tilespmem:s18+$0xA4A0] =	vst v10;
	v10 =	vmul.f32 v7, v15;
	v20 =	vld [tilespmem:s18+$0xA530]  }
0x363: {  	[tilespmem:s18+$0xA4D0] =	vst v14;
	v11 =	vmul.f32 v11, v15;
	v14 =	vld [tilespmem:s18+$0xA540]  }
0x364: {  	[tilespmem:s18+$0xA4B0] =	vst v12;
	v7 =	vmul.f32 v18, v19;
	v12 =	vld [tilespmem:s18+$0xA550]  }
0x365: {  	[tilespmem:s18+$0xA4C0] =	vst v8;
	v8 =	vmul.f32 v13, v19;
	v13 =	vld [tilespmem:s18+$0xA560]  }
0x366: {  	[tilespmem:s18+$0xA500] =	vst v7;
	v7 =	vmul.f32 v17, v19;
	v15 =	vld [tilespmem:s18+$0xA570]  }
0x367: {  	[tilespmem:s18+$0xA510] =	vst v8;
	v8 =	vld [tilespmem:s18+$0xA580]  }
0x368: {  	[tilespmem:s18+$0x9F50] =	vst v16;
	v14 =	vmul.f32 v14, v19;
	v16 =	vld [tilespmem:s18+$0xA590]  }
0x369: {  	[tilespmem:s18+$0xA4E0] =	vst v10;
	v10 =	vmul.f32 v12, v19;
	v12 =	vld [tilespmem:s18+$0xA5A0]  }
0x36a: {  	[tilespmem:s18+$0xA540] =	vst v14;
	v13 =	vmul.f32 v13, v19;
	v14 =	vbroadcast v6, $0xD;
	v17 =	vld [tilespmem:s18+$0xA5B0]  }
0x36b: {  	[tilespmem:s18+$0xA550] =	vst v10;
	v10 =	vmul.f32 v15, v19;
	v15 =	vld [tilespmem:s18+$0xA5C0]  }
0x36c: {  	[tilespmem:s18+$0xA560] =	vst v13;
	v8 =	vmul.f32 v8, v14;
	v13 =	vld [tilespmem:s18+$0xA5D0]  }
0x36d: {  	[tilespmem:s18+$0xA570] =	vst v10;
	v10 =	vmul.f32 v16, v14;
	v16 =	vld [tilespmem:s18+$0xA5E0]  }
0x36e: {  	[tilespmem:s18+$0xA580] =	vst v8;
	v8 =	vmul.f32 v12, v14;
	v12 =	vld [tilespmem:s18+$0xA5F0]  }
0x36f: {  	[tilespmem:s18+$0xA590] =	vst v10;
	v10 =	vmul.f32 v17, v14;
	v17 =	vld [tilespmem:s18+$0xA600]  }
0x370: {  	[tilespmem:s18+$0xA5A0] =	vst v8;
	v8 =	vmul.f32 v15, v14;
	v15 =	vld [tilespmem:s18+$0xA610]  }
0x371: {  	[tilespmem:s18+$0xA5B0] =	vst v10;
	v10 =	vmul.f32 v13, v14;
	v13 =	vld [tilespmem:s18+$0xA620]  }
0x372: {  	v6 =	vbroadcast v6, $0xE;
	[tilespmem:s18+$0xA4F0] =	vst v11;
	v11 =	vmul.f32 v16, v14;
	v16 =	vld [tilespmem:s18+$0xA630]  }
0x373: {  	[tilespmem:s18+$0xA5D0] =	vst v10;
	v10 =	vmul.f32 v12, v14;
	v12 =	vld [tilespmem:s18+$0xA640]  }
0x374: {  	[tilespmem:s18+$0xA5E0] =	vst v11;
	v11 =	vmul.f32 v17, v6;
	v14 =	vld [tilespmem:s18+$0xA650]  }
0x375: {  	[tilespmem:s18+$0xA5F0] =	vst v10;
	v10 =	vmul.f32 v15, v6;
	v15 =	vld [tilespmem:s18+$0xA660]  }
0x376: {  	[tilespmem:s18+$0xA600] =	vst v11;
	v11 =	vmul.f32 v13, v6;
	v13 =	vld [tilespmem:s18+$0xA670]  }
0x377: {  	[tilespmem:s18+$0xA610] =	vst v10;
	v10 =	vmul.f32 v16, v6;
	v16 =	vld [tilespmem:s18+$0xA680]  }
0x378: {  	[tilespmem:s18+$0xA620] =	vst v11;
	v11 =	vmul.f32 v12, v6;
	v12 =	vld [tilespmem:s18+$0xA690]  }
0x379: {  	[tilespmem:s18+$0xA630] =	vst v10;
	v10 =	vmul.f32 v14, v6;
	v14 =	vld [tilespmem:s18+$0xA6A0]  }
0x37a: {  	[tilespmem:s18+$0xA640] =	vst v11;
	v11 =	vmul.f32 v15, v6;
	v15 =	vld [tilespmem:s18+$0xA6B0]  }
0x37b: {  	[tilespmem:s18+$0xA5C0] =	vst v8;
	v6 =	vmul.f32 v13, v6;
	v8 =	vld [tilespmem:s18+$0xA6C0]  }
0x37c: {  	[tilespmem:s18+$0xA660] =	vst v11;
	v11 =	vmul.f32 v16, v9;
	v13 =	vld [tilespmem:s18+$0xA6E0]  }
0x37d: {  	[tilespmem:s18+$0xA670] =	vst v6;
	v6 =	vmul.f32 v12, v9;
	v12 =	vld [tilespmem:s18+$0xA6F0]  }
0x37e: {  	[tilespmem:s18+$0xA680] =	vst v11;
	v11 =	vmul.f32 v14, v9  }
0x37f: {  	[tilespmem:s18+$0xA690] =	vst v6;
	v6 =	vmul.f32 v15, v9  }
0x380: {  	v14 =	vmul.f32 v20, v19;
	[tilespmem:s18+$0xA6A0] =	vst v11  }
0x381: {  	[tilespmem:s18+$0xA6B0] =	vst v6;
	v6 =	vmul.f32 v8, v9  }
.Ltmp5:
0x382: {  	[tilespmem:s18+$0xA530] =	vst v14;
	v8 =	vmul.f32 v12, v9;
	(pc) =	sbr.rel @p0 .LBB2_14-.Ltmp5, $4  }
0x383: {  	[tilespmem:s18+$0xA6C0] =	vst v6  }
0x384: {  	v6 =	vmul.f32 v13, v9;
	[tilespmem:s18+$0xA6F0] =	vst v8  }
0x385: {  	[tilespmem:s18+$0xA650] =	vst v10  }
0x386: {  	[tilespmem:s18+$0xA6E0] =	vst v6  }
0x387: {  	s20 =	sadd.s32 $0x1, s20  }
0x388: {  	p0 =	sne.s32 s20, $0x4  }
.Ltmp6:
0x389: {  	[tilespmem:s18+$0xA520] =	vst v7;
	s9 =	sadd.s32 $0x7A80, s21;
	(pc) =	sbr.rel @p0 .LBB2_7-.Ltmp6, $4  }
0x38a: {  	[spmem:s2] =	stream.indirect.scatter.add.f32 [tilespmem:s30], [sflag:$0x3], $0x80, s9, s29, $0xb8;
	[tilespmem:$0x1FB00] =	vst v63  }
0x38b: {  	s23 =	sadd.s32 $0x80, s23;
	s14 =	sadd.s32 $0x100, s14;
	_ =	swait.ge [sflag:s25], $0x2000  }
0x38c: {  	s15 =	sadd.s32 $0x100, s15;
	s24 =	sadd.s32 $0x80, s24;
	[sflag:s25] =	ssyncset.done $0x0  }
0x38d: {  	s16 =	sadd.s32 $0x100, s16;
	s17 =	sadd.s32 $0x100, s17;
	[sflag:s25] =	ssyncadd.s32 $0xFFFFE000  }
0x38e: {  	s13 =	sadd.s32 $0x1, s13  }
0x38f: {  	p0 =	sne.s32 s13, $0x15  }
.Ltmp7:
0x390: {  	_ = 	snop;
	(pc) =	sbr.rel @p0 .LBB2_6-.Ltmp7, $2  }
0x391: {  	_ =	sdelay $0x2  }
0x392: {  	s12 =	sadd.s32 $0x200, s12;
	s10 =	sadd.s32 $0x200, s10  }
0x393: {  	s6 =	rddreg [dreg:$0x9];
	s9 =	simm.s32 $0x80;
	s10 =	simm.s32 $0x400  }
0x394: {  	[hbm4b:s6+s9] =	stream.strided.scatter [tilespmem:s31], [sflag:$0x3], $0x2780, s10, s9, $0x38;
	[tilespmem:$0x1FB00] =	vst v63  }
0x395: {  	_ =	swait.ge [sflag:s25], $0x2780  }
0x396: {  	[sflag:s25] =	ssyncset.done $0x0  }
0x397: {  	[sflag:s25] =	ssyncadd.s32 $0xFFFFD880  }
0x398: {  	s21 =	stileid.u32;
	[bflag:$0x0] =	sbarrier.arrive $0xFFFF  }
0x399: {  	s6 =	sshll.u32 s21, $0x6;
	s15 =	rddreg [dreg:$0x7]  }
0x39a: {  	s6 =	sor.u32 $0x1C03, s6;
	s23 =	rddreg [dreg:$0xa];
	s22 =	sshrl.u32 s15, $0x3  }
0x39b: {  	[hbm:s23], [sflag:s6] =	dma.local [spmem:s22], $0x2780  }
0x39c: {  	_ =	swait.ge [sflag:s25], $0x2780  }
0x39d: {  	s5 =	sadd.s32 $0x1, s5;
	s24 =	rddreg [dreg:$0xf]  }
0x39e: {  	p0 =	sne.s32 s5, s24  }
.Ltmp8:
0x39f: {  	_ = 	snop;
	(pc) =	sbr.rel @p0 .LBB2_1-.Ltmp8, $3  }
0x3a0: {  	_ =	sdelay $0x1  }
0x3a1: {  	[sflag:s25] =	ssyncset.done $0x0  }
0x3a2: {  	[sflag:s25] =	ssyncadd.s32 $0xFFFFD880  }
0x3a3: {  	_ =	sfence.sel $0x180000  }
0x3a4: {  	[bflag:$0x0] =	sbarrier.arrive $0xFFFF  }
0x3a5: {  	_ =	strace $0x90000047  }
0x3a6: {  	s0 =	stileid.u32;
	[bflag:$0x2] =	sbarrier.arrive $0xFFFF  }
0x3a7: {  	p0 =	sne.s32 s0, $0x0;
	s0 =	rddreg [dreg:$0x4]  }
0x3a8: {  	s0 =	sadd.s32 @!p0 $0x100000, s0  }
0x3a9: {  	[sflag:s0] =	ssyncadd.tile.s32 @!p0 $0x1;
	_ =	shalt  }
.Lfunc_end2:
_tile_overlayer_lowered:
.L_overlay_start_2:
0x3aa: {  	(tag) =	ssettag $0x2  }
0x3ab: {  	s0 =	rddreg [dreg:$0x0];
	s2 =	stileid.u32  }
0x3ac: {  	s1 =	rddreg [dreg:$0x1];
	p0 =	sne.s32 s2, $0x0  }
0x3ad: {  	s3 =	rddreg [dreg:$0x2];
	[bflag:$0x3] =	sbarrier.arrive $0xFFFF;
	s2 =	simm.s32 @!p0 $0x1C03  }
0x3ae: {  	[timem:s3], [sflag:s2] =	dma.local @!p0 [hbm:s0], s1  }
0x3af: {  	s0 =	simm.s32 @!p0 $0x3  }
0x3b0: {  	_ =	swait.ge @!p0 [sflag:s0], s1  }
0x3b1: {  	s1 =	ssub.s32 @!p0 $0x0, s1;
	[sflag:s0] =	ssyncset.done @!p0 $0x0  }
0x3b2: {  	[sflag:s0] =	ssyncadd.s32 @!p0 s1  }
0x3b3: {  	[bflag:$0x3] =	sbarrier.arrive $0xFFFF  }
0x3b4: {  	_ =	shalt  }

// kernel: kernel.8.cloned.1.call-start
scs
__scs_entry_jumppad:
0x0: {  	(pc) =	sbr.rel $0x88, $3  }
0x1: {  	(tag) =	ssettag $0x0;
	lr =	simm.s32 $0x1  }
0x2: {  	[smem:$0x3F9B] =	sst lr;
	_ =	strace $0xD0000000  }
0x3: {  	_ = 	snop  }
0x4: {  	_ = 	snop  }
0x5: {  	_ = 	snop  }
0x6: {  	_ = 	snop  }
0x7: {  	_ = 	snop  }
__scs_overlays_trampoline_lowered:
0x8: {  	[smem:$0x3FAA] =	sst s0  }
0x9: {  	[smem:$0x3FAB] =	sst s1  }
0xa: {  	[smem:$0x3FAC] =	sst s2  }
0xb: {  	[smem:$0x3FAD] =	sst s3  }
0xc: {  	[smem:$0x3FAE] =	sst s4  }
0xd: {  	[smem:$0x3FAF] =	sst s5  }
0xe: {  	[smem:$0x3FB0] =	sst s6  }
0xf: {  	[smem:$0x3FB1] =	sst s7  }
0x10: {  	[smem:$0x3FB2] =	sst s8  }
0x11: {  	[smem:$0x3FB3] =	sst s9;
	s0 =	simm.s32 @!p0 $0x0  }
0x12: {  	s1 =	sld [smem:$0x3F99];
	s0 =	simm.s32 @p0 $0x1  }
0x13: {  	[smem:$0x3FB4] =	sst s0;
	s0 =	simm.s32 @!p1 $0x0  }
0x14: {  	s2 =	sld [smem:$0x3F98];
	s0 =	simm.s32 @p1 $0x1  }
0x15: {  	[smem:$0x3FB5] =	sst s0;
	s0 =	simm.s32 @!p2 $0x0  }
0x16: {  	s3 =	sld [smem:$0x3FDB];
	s0 =	simm.s32 @p2 $0x1  }
0x17: {  	s4 =	simm.s32 $0x1BF5;
	[smem:$0x3FB7] =	sst s0  }
0x18: {  	s0 =	sld [smem:$0x3F9A];
	_ =	swait.ge [sflag:s4], $0x0  }
0x19: {  	s7 =	sld [smem:$0x3F9B]  }
0x1a: {  	s8 =	sadd.s32 $0xFFFFE003, lr  }
0x1b: {  	s9 =	sadd.s32 $0xFFFFFEF7, lr;
	s5 =	simm.s32 $0xFFFFFFFF;
	p2 =	slt.u32 s8, $0xFFFFF086  }
0x1c: {  	p1 =	slt.u32 s9, $0xF7A;
	s5 =	simm.s32 @!p2 $0x0  }
0x1d: {  	s5 =	simm.s32 @p1 $0x1;
	p0 =	seq.s32 s7, s2  }
0x1e: {  	s7 =	smul.u32 @!p0 $0xF7A, s2;
	p2 =	seq.s32 @!p0 s5, $0x0  }
0x1f: {  	s9 =	smul.u32 $0xF7A, s1;
	s8 =	simm.s32 @!p0 $0x1BF5;
	p2 =	por !p2, p0  }
0x20: {  	[sflag:s8] =	ssyncset.s32 @!p0 $0xFFFFF086;
	s6 =	sadd.s32 @!p0 s3, s7;
	s7 =	simm.s32 @!p0 $0x108  }
0x21: {  	s3 =	sadd.s32 s3, s9;
	s6 =	sadd.s32 @!p0 $0x88, s6;
	s7 =	simm.s32 @p2 $0x1082  }
0x22: {  	[simem:s7], [sflag:s8] =	dma.local @!p0 [hbm:s6], $0xF7A  }
0x23: {  	s9 =	sor.u32 $0xD0000000, s2;
	s6 =	simm.s32 $0x108;
	_ =	swait.ge @!p0 [sflag:s8], $0x0  }
0x24: {  	s3 =	sadd.s32 $0x88, s3;
	s6 =	simm.s32 @!p1 $0x1082;
	[sflag:s4] =	ssyncset.s32 $0xFFFFF086  }
0x25: {  	[simem:s6], [sflag:s4] =	dma.local [hbm:s3], $0xF7A  }
0x26: {  	[smem:$0x3F9B] =	sst s1;
	(tag) =	ssettag s2;
	_ =	strace s9  }
0x27: {  	s1 =	sld [smem:$0x3FAB]  }
0x28: {  	s2 =	sld [smem:$0x3FAC]  }
0x29: {  	s4 =	sld [smem:$0x3FAE]  }
0x2a: {  	p0 =	seq.s32 s5, $0x0;
	s5 =	sld [smem:$0x3FAF]  }
0x2b: {  	s6 =	sld [smem:$0x3FB0]  }
0x2c: {  	s7 =	sld [smem:$0x3FB1]  }
0x2d: {  	s3 =	simm.s32 $0x108;
	s8 =	sld [smem:$0x3FB2]  }
0x2e: {  	s3 =	simm.s32 @!p0 $0x1082;
	s9 =	sld [smem:$0x3FB3]  }
0x2f: {  	lr =	sadd.s32 s0, s3;
	s0 =	sld [smem:$0x3FAA]  }
0x30: {  	s3 =	sld [smem:$0x3FAD]  }
0x31: {  	[smem:$0x3FB6] =	sst s10  }
0x32: {  	s10 =	sld [smem:$0x3FB4];
	_ =	sdelay $0x3  }
0x33: {  	p0 =	seq.s32 s10, $0x1;
	s10 =	sld [smem:$0x3FB6];
	_ =	sdelay $0x3  }
0x34: {  	[smem:$0x3FB6] =	sst s10  }
0x35: {  	s10 =	sld [smem:$0x3FB5];
	_ =	sdelay $0x3  }
0x36: {  	p1 =	seq.s32 s10, $0x1;
	s10 =	sld [smem:$0x3FB6];
	_ =	sdelay $0x3  }
0x37: {  	[smem:$0x3FB6] =	sst s10  }
0x38: {  	s10 =	sld [smem:$0x3FB7]  }
0x39: {  	_ = 	snop;
	(pc) =	sbr.ind lr, $3  }
0x3a: {  	_ = 	snop  }
0x3b: {  	_ = 	snop  }
0x3c: {  	p2 =	seq.s32 s10, $0x1;
	s10 =	sld [smem:$0x3FB6]  }
0x3d: {  	_ =	shalt  }
0x3e: {  	_ =	shalt  }
0x3f: {  	_ =	shalt  }
0x40: {  	_ =	shalt  }
0x41: {  	_ =	shalt  }
0x42: {  	_ =	shalt  }
0x43: {  	_ =	shalt  }
0x44: {  	_ =	shalt  }
0x45: {  	_ =	shalt  }
0x46: {  	_ =	shalt  }
0x47: {  	_ =	shalt  }
0x48: {  	_ =	shalt  }
0x49: {  	_ =	shalt  }
0x4a: {  	_ =	shalt  }
0x4b: {  	_ =	shalt  }
0x4c: {  	_ =	shalt  }
0x4d: {  	_ =	shalt  }
0x4e: {  	_ =	shalt  }
0x4f: {  	_ =	shalt  }
0x50: {  	_ =	shalt  }
0x51: {  	_ =	shalt  }
0x52: {  	_ =	shalt  }
0x53: {  	_ =	shalt  }
0x54: {  	_ =	shalt  }
0x55: {  	_ =	shalt  }
0x56: {  	_ =	shalt  }
0x57: {  	_ =	shalt  }
0x58: {  	_ =	shalt  }
0x59: {  	_ =	shalt  }
0x5a: {  	_ =	shalt  }
0x5b: {  	_ =	shalt  }
0x5c: {  	_ =	shalt  }
0x5d: {  	_ =	shalt  }
0x5e: {  	_ =	shalt  }
0x5f: {  	_ =	shalt  }
0x60: {  	_ =	shalt  }
0x61: {  	_ =	shalt  }
0x62: {  	_ =	shalt  }
0x63: {  	_ =	shalt  }
0x64: {  	_ =	shalt  }
0x65: {  	_ =	shalt  }
0x66: {  	_ =	shalt  }
0x67: {  	_ =	shalt  }
0x68: {  	_ =	shalt  }
0x69: {  	_ =	shalt  }
0x6a: {  	_ =	shalt  }
0x6b: {  	_ =	shalt  }
0x6c: {  	_ =	shalt  }
0x6d: {  	_ =	shalt  }
0x6e: {  	_ =	shalt  }
0x6f: {  	_ =	shalt  }
0x70: {  	_ =	shalt  }
0x71: {  	_ =	shalt  }
0x72: {  	_ =	shalt  }
0x73: {  	_ =	shalt  }
0x74: {  	_ =	shalt  }
0x75: {  	_ =	shalt  }
0x76: {  	_ =	shalt  }
0x77: {  	_ =	shalt  }
0x78: {  	_ =	shalt  }
0x79: {  	_ =	shalt  }
0x7a: {  	_ =	shalt  }
0x7b: {  	_ =	shalt  }
0x7c: {  	_ =	shalt  }
0x7d: {  	_ =	shalt  }
0x7e: {  	_ =	shalt  }
0x7f: {  	_ =	shalt  }
0x80: {  	_ =	shalt  }
0x81: {  	_ =	shalt  }
0x82: {  	_ =	shalt  }
0x83: {  	_ =	shalt  }
0x84: {  	_ =	shalt  }
0x85: {  	_ =	shalt  }
0x86: {  	_ =	shalt  }
0x87: {  	_ =	shalt  }
.Lfunc_end0:
.L_simem_size_0:
called_computation.1_lowered:
.L_overlay_start_0:
0x88: {  	s2 =	sld [smem:$0x3FD9]  }
0x89: {  	s3 =	sld [smem:$0x3FFE];
	_ =	sdelay $0x1  }
0x8a: {  	s1 =	srdreg.scid  }
0x8b: {  	s0 =	sand.u32 $0x1, s1  }
0x8c: {  	s16 =	sshll.u32 s0, $0xA;
	s2 =	sadd.s32 s3, s2  }
0x8d: {  	s2 =	sadd.s32 s2, s16  }
0x8e: {  	[smem:$0x3FC2] =	sst s2  }
0x8f: {  	_ = 	snop  }
0x90: {  	(tm) =	ssettm $0x1  }
0x91: {  	s17 =	sld [smem:$0x3FFB];
	_ =	sdelay $0x3  }
0x92: {  	_ =	strace s17  }
0x93: {  	s2 =	sld [smem:$0x3FFC];
	_ =	sdelay $0x3  }
0x94: {  	_ =	strace s2  }
0x95: {  	s2 =	sld [smem:$0x3FFD];
	_ =	sdelay $0x3  }
0x96: {  	_ =	strace s2  }
0x97: {  	_ =	strace $0x8FFFFFFF  }
0x98: {  	s18 =	sld [smem:$0x3FDB];
	_ =	sdelay $0x1  }
0x99: {  	s19 =	simm.s32 $_scs_section_size  }
0x9a: {  	s4 =	simm.s32 $_size__tile_overlayer_lowered;
	s5 =	simm.s32 $_tile_overlayer_lowered  }
0x9b: {  	s22 =	simm.s32 $0x1BFF;
	s21 =	sshll.u32 s5, $0x1;
	s2 =	sadd.s32 s19, s18  }
0x9c: {  	s6 =	simm.s32 $0x0;
	s20 =	sshll.u32 s4, $0x1;
	s4 =	sadd.s32 s21, s2  }
0x9d: {  	[timem:s6], [sflag:s22] =	dma.local [hbm:s4], s20  }
0x9e: {  	_ =	swait.ge [sflag:s22], s20  }
0x9f: {  	s3 =	ssub.s32 $0x0, s20;
	[sflag:s22] =	ssyncset.done $0x0  }
0xa0: {  	[sflag:s22] =	ssyncadd.s32 s3;
	_ =	sdelay $0x1  }
0xa1: {  	s23 =	simm.s32 $0x1B8B  }
0xa2: {  	_ =	swait.ge [sflag:s23], $0x1  }
0xa3: {  	[sflag:s23] =	ssyncset.done $0x0  }
0xa4: {  	s25 =	simm.s32 $0x1B8E;
	s24 =	sld [smem:$0x3FFE];
	[sflag:s23] =	ssyncadd.s32 $0xFFFFFFFF  }
0xa5: {  	s26 =	simm.s32 $execute0_lowered;
	[smem:$0x3FD2] =	sst s25  }
0xa6: {  	s4 =	sshll.u32 s26, $0x1;
	_ =	strace $0x80000049;
	[dreg:$0x1] =	wrdreg $0xFFFFFFFF  }
0xa7: {  	s28 =	simm.s32 $_size_execute0_lowered;
	s2 =	sadd.s32 s2, s4;
	[dreg:$0x0] =	wrdreg $0x0  }
0xa8: {  	s4 =	sshll.u32 s28, $0x1;
	[dreg:$0x2] =	wrdreg s2  }
0xa9: {  	[dreg:$0x3] =	wrdreg s4  }
0xaa: {  	[dreg:$0x4] =	wrdreg $0xC0  }
0xab: {  	_ =	task [dreg:s6], $0x5FFFF  }
0xac: {  	[dreg:$0x1] =	wrdreg $0xFFFFFFFF  }
0xad: {  	[dreg:$0x0] =	wrdreg $0x60  }
0xae: {  	[dreg:$0x2] =	wrdreg s24  }
0xaf: {  	[dreg:$0x3] =	wrdreg $0x9  }
0xb0: {  	_ =	task.clear_ibuf [dreg:s6], $0x4FFFF;
	_ =	strace $0x90000049  }
0xb1: {  	s29 =	simm.s32 $0x9;
	_ =	strace $0x8000004B  }
0xb2: {  	_ =	swait.ge [sflag:s29], $0x1  }
0xb3: {  	[sflag:s29] =	ssyncadd.s32 $0xFFFFFFFF  }
0xb4: {  	_ =	strace $0x9000004B  }
0xb5: {  	_ =	sfence  }
0xb6: {  	s30 =	sld [smem:$0x0];
	_ =	sdelay $0x2  }
0xb7: {  	s31 =	sshll.u32 s1, $0xD;
	s1 =	sshrl.u32 s1, $0x2  }
0xb8: {  	s3 =	sand.u32 $0x4000, s31;
	s1 =	sadd.s32 s1, s30  }
0xb9: {  	s0 =	sor.u32 s3, s0;
	s1 =	sshll.u32 s1, $0x11  }
0xba: {  	s0 =	sor.u32 s1, s0  }
0xbb: {  	s0 =	sadd.s32 $0x8F2B, s0  }
0xbc: {  	[sflag:s0] =	ssyncadd.remote.s32 $0x1  }
0xbd: {  	_ =	sfence.sel $0xFFFF  }
0xbe: {  	[dreg:$0x0] =	wrdreg $0xFFFFFFFF;
	(pc) =	sbr.abs _section_cstart, $3  }
0xbf: {  	[dreg:$0x1] =	wrdreg $0xFFFFFFFF  }
0xc0: {  	_ =	task.clear_ibuf [dreg:s6], $0x2FFFF;
	_ =	strace $0x9FFFFFFF  }
0xc1: {  	(tm) =	ssettm $0x7FFFFFFF  }
tec
execute0_lowered:
.L_overlay_start_1:
0x0: {  	(tag) =	ssettag $0x1  }
0x1: {  	s6 =	rddreg [dreg:$0x0]  }
0x2: {  	s1 =	srdreg.scid;
	s0 =	rddreg [dreg:$0x1]  }
0x3: {  	s2 =	simm.s32 $0x0;
	s12 =	simm.s32 $0x2780;
	s13 =	simm.s32 $0x4F00  }
0x4: {  	s14 =	simm.s32 $0x7680;
	s15 =	simm.s32 $0xCA80;
	s3 =	sand.u32 $0x1, s1  }
0x5: {  	s16 =	simm.s32 $0x11E80;
	s1 =	stileid.u32;
	s4 =	sshll.u32 s3, $0x4  }
0x6: {  	s17 =	simm.s32 $0x0;
	[smem:$0x7FF] =	sst s2;
	s8 =	sor.u32 s1, s4  }
0x7: {  	s5 =	sadd.s32 $0x7A400, s6;
	s9 =	ssub.s32 $0x2, s3;
	s7 =	smul.u32 $0xA80, s8  }
0x8: {  	_ =	strace $0x8000004A;
	s3 =	sadd.s32 $0x2AE00, s6;
	s10 =	sshrl.u32 s9, $0x1  }
0x9: {  	s4 =	sadd.s32 $0x2A800, s6;
	s10 =	ssub.s32 s9, s10;
	s11 =	sadd.s32 s7, s6  }
0xa: {  	s8 =	smul.u32 $0x2A00, s8;
	s10 =	smax.u32 s10, $0x1;
	s6 =	sadd.s32 $0x800, s11  }
0xb: {  	s7 =	sadd.s32 $0x15800, s11;
	s9 =	sadd.s32 $0x7AA00, s11;
	s11 =	simm.s32 $0x1  }
.LBB2_1:
0xc: {  	[tilespmem:s2], [sflag:$0x1] =	stream.linear.gather [hbm4b:s3+s2], $0x2780, $0x38;
	[tilespmem:$0x17280] =	vst v63  }
0xd: {  	_ =	swait.ge [sflag:s11], $0x2780  }
0xe: {  	[sflag:s11] =	ssyncset.done $0x0  }
0xf: {  	[sflag:s11] =	ssyncadd.s32 $0xFFFFD880  }
0x10: {  	[tilespmem:s12], [sflag:$0x1] =	stream.linear.gather [hbm4b:s4+s2], $0x2780, $0x38;
	[tilespmem:$0x17280] =	vst v63  }
0x11: {  	_ =	swait.ge [sflag:s11], $0x2780  }
0x12: {  	[sflag:s11] =	ssyncset.done $0x0  }
0x13: {  	[sflag:s11] =	ssyncadd.s32 $0xFFFFD880  }
0x14: {  	[tilespmem:s13], [sflag:$0x1] =	stream.linear.gather [hbm4b:s5+s2], $0x2780, $0x38;
	[tilespmem:$0x17280] =	vst v63  }
0x15: {  	_ =	swait.ge [sflag:s11], $0x2780  }
0x16: {  	[sflag:s11] =	ssyncset.done $0x0  }
0x17: {  	[sflag:s11] =	ssyncadd.s32 $0xFFFFD880  }
0x18: {  	[tilespmem:s14], [sflag:$0x1] =	stream.linear.gather [hbm4b:s6+s2], $0x5400, $0x38;
	[tilespmem:$0x17280] =	vst v63  }
0x19: {  	_ =	swait.ge [sflag:s11], $0x5400  }
0x1a: {  	[sflag:s11] =	ssyncset.done $0x0  }
0x1b: {  	[sflag:s11] =	ssyncadd.s32 $0xFFFFAC00  }
0x1c: {  	[tilespmem:s15], [sflag:$0x1] =	stream.linear.gather [hbm4b:s7+s2], $0x5400, $0x38;
	[tilespmem:$0x17280] =	vst v63  }
0x1d: {  	_ =	swait.ge [sflag:s11], $0x5400  }
0x1e: {  	s19 =	sand.u32 $0x30, s2;
	s18 =	simm.s32 $0x0;
	[sflag:s11] =	ssyncset.done $0x0  }
0x1f: {  	s18 =	sor.u32 s19, s18;
	[sflag:s11] =	ssyncadd.s32 $0xFFFFAC00  }
0x20: {  	v0 =	vld [tilespmem:s18+$0xCA80]  }
0x21: {  	v1 =	vld [tilespmem:s18+$0x7680];
	_ =	sdelay $0x6  }
0x22: {  	v2 =	vld.idx.msk [tilespmem:v0+s12+$0x0], $0xffff  }
0x23: {  	v1 =	vld.idx.msk [tilespmem:v1+s2+$0x0], $0xffff;
	_ =	sdelay $0x4  }
0x24: {  	v1 =	vadd.f32 v2, v1  }
0x25: {  	v0 =	vld.idx.msk [tilespmem:v0+s13+$0x0], $0xffff  }
0x26: {  	v2 =	vmul.f32 $2.000000030e-01, v1  }
0x27: {  	vm0 =	vgt.f32 v1, $0.0e+00  }
0x28: {  	v1 =	vsel vm0, v1, v2  }
0x29: {  	v1 =	vmul.f32 $1.442695020e+00, v1  }
0x2a: {  	v0 =	vadd.f32 $1.000000020e-16, v0  }
0x2b: {  	(erf) = vpow2.f32 v1  }
0x2c: {  	(erf) = vrcp.f32 v0;
	_ =	sdelay $0x1  }
0x2d: {  	s20 =	simm.s32 $0x0;
	s24 =	simm.s32 $0x0;
	s21 =	simm.s32 $0x10  }
0x2e: {  	s25 =	simm.s32 $0x0;
	s22 =	simm.s32 $0x2;
	s23 =	sand.u32 $0x30, s21  }
.LBB2_2:
0x2f: {  	p0 =	sne.s32 s22, $0x29F;
	s25 =	sor.u32 s23, s25  }
0x30: {  	s26 =	sshll.u32 s20, $0x6;
	s20 =	smov.u32 s24;
	v0 =	vld [tilespmem:s25+$0xCA80]  }
0x31: {  	s24 =	sadd.s32 s8, s26;
	v1 =	vld [tilespmem:s25+$0x7680]  }
0x32: {  	s24 =	sor.u32 s19, s24;
	s19 =	smov.u32 s23  }
0x33: {  	p1 =	slt.u32 s24, $0x50910;
	v2 =	vpop (erf)  }
0x34: {  	v2 =	vpsel !p1, $0x0, v2;
	v3 =	vpop (erf)  }
0x35: {  	v2 =	vmul.f32 v2, v3;
	_ =	sdelay $0x1  }
0x36: {  	[tilespmem:s18+$0x11E80] =	vst v2;
	s18 =	smov.u32 s25  }
0x37: {  	v2 =	vld.idx.msk [tilespmem:v0+s12+$0x0], $0xffff  }
0x38: {  	v1 =	vld.idx.msk [tilespmem:v1+s2+$0x0], $0xffff;
	_ =	sdelay $0x5  }
0x39: {  	v1 =	vadd.f32 v2, v1;
	v0 =	vld.idx.msk [tilespmem:v0+s13+$0x0], $0xffff;
	_ =	sdelay $0x1  }
0x3a: {  	v2 =	vmul.f32 $2.000000030e-01, v1  }
0x3b: {  	vm0 =	vgt.f32 v1, $0.0e+00  }
0x3c: {  	v1 =	vsel vm0, v1, v2  }
0x3d: {  	v1 =	vmul.f32 $1.442695020e+00, v1  }
0x3e: {  	v0 =	vadd.f32 $1.000000020e-16, v0  }
.Ltmp0:
0x3f: {  	(erf) = vpow2.f32 v1;
	(pc) =	sbr.rel @p0 .LBB2_2-.Ltmp0, $3  }
0x40: {  	(erf) = vrcp.f32 v0;
	_ =	sdelay $0x1  }
0x41: {  	s21 =	sadd.s32 $0x10, s21;
	s24 =	sshrl.u32 s22, $0x2  }
0x42: {  	s23 =	sand.u32 $0x30, s21;
	s22 =	sadd.s32 $0x1, s22;
	s25 =	sshll.u32 s24, $0x7  }
0x43: {  	s21 =	sor.u32 s23, s25  }
0x44: {  	s20 =	sshll.u32 s20, $0x6;
	v0 =	vld [tilespmem:s21+$0xCA80]  }
0x45: {  	v1 =	vld [tilespmem:s21+$0x7680];
	s20 =	sadd.s32 s8, s20  }
0x46: {  	s19 =	sor.u32 s19, s20  }
0x47: {  	p0 =	slt.u32 s19, $0x50910;
	v2 =	vpop (erf)  }
0x48: {  	v2 =	vpsel !p0, $0x0, v2;
	v3 =	vpop (erf)  }
0x49: {  	v2 =	vmul.f32 v2, v3;
	_ =	sdelay $0x1  }
0x4a: {  	[tilespmem:s18+$0x11E80] =	vst v2  }
0x4b: {  	v2 =	vld.idx.msk [tilespmem:v0+s12+$0x0], $0xffff  }
0x4c: {  	v1 =	vld.idx.msk [tilespmem:v1+s2+$0x0], $0xffff;
	_ =	sdelay $0x4  }
0x4d: {  	v1 =	vadd.f32 v2, v1  }
0x4e: {  	v0 =	vld.idx.msk [tilespmem:v0+s13+$0x0], $0xffff  }
0x4f: {  	v2 =	vmul.f32 $2.000000030e-01, v1  }
0x50: {  	vm0 =	vgt.f32 v1, $0.0e+00  }
0x51: {  	v1 =	vsel vm0, v1, v2  }
0x52: {  	v1 =	vmul.f32 $1.442695020e+00, v1  }
0x53: {  	v0 =	vadd.f32 $1.000000020e-16, v0  }
0x54: {  	(erf) = vpow2.f32 v1  }
0x55: {  	(erf) = vrcp.f32 v0;
	_ =	sdelay $0x4  }
0x56: {  	s31 =	sshll.u32 s24, $0x6  }
0x57: {  	s18 =	sadd.s32 s8, s31  }
0x58: {  	s18 =	sor.u32 s23, s18  }
0x59: {  	p6 =	slt.u32 s18, $0x50910;
	v62 =	vpop (erf)  }
0x5a: {  	v0 =	vpsel !p6, $0x0, v62;
	v63 =	vpop (erf)  }
0x5b: {  	s17 =	sadd.s32 $0x1, s17;
	v0 =	vmul.f32 v0, v63  }
0x5c: {  	p0 =	sne.s32 s17, s10  }
.Ltmp1:
0x5d: {  	[tilespmem:s21+$0x11E80] =	vst v0;
	(pc) =	sbr.rel @p0 .LBB2_1-.Ltmp1, $4  }
0x5e: {  	[hbm4b:s9+s2] =	stream.linear.scatter [tilespmem:s16], [sflag:$0x1], $0x5400, $0x38;
	[tilespmem:$0x17280] =	vst v63  }
0x5f: {  	_ =	swait.ge [sflag:s11], $0x5400  }
0x60: {  	[sflag:s11] =	ssyncset.done $0x0  }
0x61: {  	[sflag:s11] =	ssyncadd.s32 $0xFFFFAC00  }
0x62: {  	_ =	sfence.sel $0x180000  }
0x63: {  	[bflag:$0x0] =	sbarrier.arrive $0xFFFF  }
0x64: {  	p0 =	sne.s32 s1, $0x0;
	_ =	strace $0x9000004A  }
0x65: {  	s0 =	sadd.s32 @!p0 $0x100000, s0;
	[bflag:$0x2] =	sbarrier.arrive $0xFFFF  }
0x66: {  	[sflag:s0] =	ssyncadd.tile.s32 @!p0 $0x1;
	_ =	shalt  }
.Lfunc_end2:
_tile_overlayer_lowered:
.L_overlay_start_2:
0x67: {  	(tag) =	ssettag $0x2  }
0x68: {  	s0 =	rddreg [dreg:$0x0];
	s2 =	stileid.u32  }
0x69: {  	s1 =	rddreg [dreg:$0x1];
	p0 =	sne.s32 s2, $0x0  }
0x6a: {  	s3 =	rddreg [dreg:$0x2];
	[bflag:$0x3] =	sbarrier.arrive $0xFFFF;
	s2 =	simm.s32 @!p0 $0x1C01  }
0x6b: {  	[timem:s3], [sflag:s2] =	dma.local @!p0 [hbm:s0], s1  }
0x6c: {  	s0 =	simm.s32 @!p0 $0x1  }
0x6d: {  	_ =	swait.ge @!p0 [sflag:s0], s1  }
0x6e: {  	s1 =	ssub.s32 @!p0 $0x0, s1;
	[sflag:s0] =	ssyncset.done @!p0 $0x0  }
0x6f: {  	[sflag:s0] =	ssyncadd.s32 @!p0 s1  }
0x70: {  	[bflag:$0x3] =	sbarrier.arrive $0xFFFF  }
0x71: {  	_ =	shalt  }

</sc_bundles>
